<compile_context>
chip_gen: v7x
topology: tpu7x:2x2x1
jax: 0.10.2.dev20260603
libtpu: 0.0.44.dev20260713+nightly
codegen_flags: <defaults>
</compile_context>

<pallas_src>
import functools

import jax
import jax.numpy as jnp
from jax import lax
from jax.experimental import pallas as pl
from jax.experimental.pallas import tpu as pltpu
from jax.experimental.pallas import tpu_sc as plsc

_E = 64
_K = 8
_D = 1024
_DFF = 256
_T = 2048
_PAIRS = _T * _K
_B = 256
_NB = _PAIRS // _B + _E
_NPS = _NB * _B
_NC = 2
_NS = 16
_NW = _NC * _NS
_PPW = _PAIRS // _NW
_G = 64
_TPW = _T // _NW
_RB = 256


def _lane_cumsum_incl(a):
    n = a.shape[-1]
    sh = 1
    while sh < n:
        z = jnp.zeros_like(a[..., :sh])
        a = a + jnp.concatenate([z, a[..., :-sh]], axis=-1)
        sh *= 2
    return a


def _routing_body(logits_ref, bias_ref, pos8_ref, w16_ref, bemeta_ref):
    logits = logits_ref[...]
    scores = jax.nn.sigmoid(logits)
    choice = scores + bias_ref[...]

    cur = choice
    sel = jnp.zeros_like(choice)
    for _ in range(_K):
        m = jnp.max(cur, axis=1, keepdims=True)
        eq = (cur == m).astype(jnp.float32)
        ex = _lane_cumsum_incl(eq) - eq
        first = eq * (ex == 0.0).astype(jnp.float32)
        sel = sel + first
        cur = jnp.where(first > 0.0, -1e30, cur)

    w = scores * sel
    w = w / jnp.sum(w, axis=1, keepdims=True)

    ii = lax.broadcasted_iota(jnp.int32, (256, 256), 0)
    jj = lax.broadcasted_iota(jnp.int32, (256, 256), 1)
    ltri = (jj < ii).astype(jnp.bfloat16)
    acc = jnp.zeros((1, _E), jnp.float32)
    ranks = []
    for c in range(_T // 256):
        sc = sel[c * 256:(c + 1) * 256]
        r = lax.dot_general(ltri, sc.astype(jnp.bfloat16),
                            (((1,), (0,)), ((), ())),
                            preferred_element_type=jnp.float32)
        ranks.append(r + acc)
        acc = acc + jnp.sum(sc, axis=0, keepdims=True)
    rank = jnp.concatenate(ranks, axis=0)

    counts = acc
    padded = jnp.floor((counts + float(_B - 1)) / float(_B)) * float(_B)
    pcum = _lane_cumsum_incl(padded)
    pstart = pcum - padded
    pos = pstart + rank

    kidx = _lane_cumsum_incl(sel) - 1.0
    lane128 = lax.broadcasted_iota(jnp.int32, (1, 128 * _K), 1)
    pos8_cols = []
    w128 = jnp.zeros((_T, 128 * _K), jnp.float32)
    for k in range(_K):
        mk = sel * (kidx == float(k)).astype(jnp.float32)
        pos8_cols.append(jnp.sum(mk * pos, axis=1, keepdims=True))
        w8c = jnp.sum(mk * w, axis=1, keepdims=True)
        w128 = w128 + w8c * (lane128 == 128 * k).astype(jnp.float32)
    pos8_ref[...] = jnp.concatenate(pos8_cols, axis=1).astype(jnp.int32)
    w16_ref[...] = w128

    slot = lax.broadcasted_iota(jnp.int32, (1, 256), 1)
    starts = (slot * _B).astype(jnp.float32)
    pcum_col = jnp.transpose(pcum)
    be = jnp.sum((pcum_col <= starts).astype(jnp.float32), axis=0,
                 keepdims=True)
    be = jnp.minimum(be, float(_E - 1))
    nb = pcum[:, _E - 1:_E] / float(_B)
    bemeta = jnp.where(slot < _NB, be, nb)
    bemeta_ref[...] = bemeta.astype(jnp.int32)


def _mlp_body(be_ref, nb_ref, xs_ref, wgu_ref, wd_ref, y_ref):
    b = pl.program_id(0)

    @pl.when(b < nb_ref[0])
    def _():
        xi = xs_ref[...]
        xlo = lax.bitcast_convert_type(xi << 16, jnp.float32)
        xhi = lax.bitcast_convert_type(xi & jnp.int32(-65536), jnp.float32)
        wgu = wgu_ref[0]
        gu = lax.dot_general(xlo.astype(jnp.bfloat16), wgu[:, :_D // 2],
                             (((1,), (1,)), ((), ())),
                             preferred_element_type=jnp.float32)
        gu = gu + lax.dot_general(xhi.astype(jnp.bfloat16), wgu[:, _D // 2:],
                                  (((1,), (1,)), ((), ())),
                                  preferred_element_type=jnp.float32)
        h = (jax.nn.silu(gu[:, :_DFF]) * gu[:, _DFF:]).astype(jnp.bfloat16)
        wd = wd_ref[0]
        ylo = lax.dot_general(h, wd[:_D // 2], (((1,), (1,)), ((), ())),
                              preferred_element_type=jnp.float32)
        yhi = lax.dot_general(h, wd[_D // 2:], (((1,), (1,)), ((), ())),
                              preferred_element_type=jnp.float32)
        lo16 = lax.shift_right_logical(
            lax.bitcast_convert_type(
                ylo.astype(jnp.bfloat16).astype(jnp.float32), jnp.int32), 16)
        hi16 = lax.bitcast_convert_type(
            yhi.astype(jnp.bfloat16).astype(jnp.float32),
            jnp.int32) & jnp.int32(-65536)
        y_ref[...] = lo16 | hi16


def _shared_body(x_ref, sgu_ref, sdn_ref, o_ref):
    gu = lax.dot_general(x_ref[...], sgu_ref[...], (((1,), (1,)), ((), ())),
                         preferred_element_type=jnp.float32)
    nsh = sgu_ref.shape[0] // 2
    h = (jax.nn.silu(gu[:, :nsh]) * gu[:, nsh:]).astype(jnp.bfloat16)
    o_ref[...] = lax.dot_general(h, sdn_ref[...], (((1,), (1,)), ((), ())),
                                 preferred_element_type=jnp.float32)


def _dispatch_body(x_hbm, tok_hbm, pos_hbm, xs_hbm,
                   tok_v0, pos_v0, rows_v0,
                   tok_v1, pos_v1, rows_v1,
                   semg0, semg1, sems0, sems1):
    c = lax.axis_index("c")
    s = lax.axis_index("s")
    base = (c * _NS + s) * _PPW
    bufs = [(tok_v0, pos_v0, rows_v0, semg0, sems0),
            (tok_v1, pos_v1, rows_v1, semg1, sems1)]
    n = _PPW // _G
    gh = {}
    sh = {}

    def start(i):
        tok_v, pos_v, rows_v, semg, _ = bufs[i % 2]
        h = sh.pop(i - 2, None)
        if h is not None:
            h.wait()
        off = base + i * _G
        pltpu.sync_copy(tok_hbm.at[pl.ds(off, _G)], tok_v)
        pltpu.sync_copy(pos_hbm.at[pl.ds(off, _G)], pos_v)
        gh[i] = pltpu.async_copy(x_hbm.at[tok_v], rows_v, semg)

    start(0)
    for i in range(n):
        if i + 1 < n:
            start(i + 1)
        _, pos_v, rows_v, _, sems = bufs[i % 2]
        gh.pop(i).wait()
        sh[i] = pltpu.async_copy(rows_v, xs_hbm.at[pos_v], sems)
    for h in sh.values():
        h.wait()


def _unsort_body(y_hbm, pos_hbm, yp_hbm, pos_v0, rows_v0, pos_v1, rows_v1,
                 semg0, semg1, sems0, sems1):
    c = lax.axis_index("c")
    s = lax.axis_index("s")
    base = (c * _NS + s) * _PPW
    bufs = [(pos_v0, rows_v0, semg0, sems0), (pos_v1, rows_v1, semg1, sems1)]
    n = _PPW // _G
    gh = {}
    sh = {}

    def start(i):
        pos_v, rows_v, semg, _ = bufs[i % 2]
        h = sh.pop(i - 2, None)
        if h is not None:
            h.wait()
        off = base + i * _G
        pltpu.sync_copy(pos_hbm.at[pl.ds(off, _G)], pos_v)
        gh[i] = pltpu.async_copy(y_hbm.at[pos_v], rows_v, semg)

    start(0)
    for i in range(n):
        if i + 1 < n:
            start(i + 1)
        _, rows_v, _, sems = bufs[i % 2]
        gh.pop(i).wait()
        off = base + i * _G
        sh[i] = pltpu.async_copy(rows_v, yp_hbm.at[pl.ds(off, _G)], sems)
    for h in sh.values():
        h.wait()


def _reduce_body(yp_ref, wp_ref, sh_ref, o_ref):
    yi = yp_ref[...]
    wc = wp_ref[:, 0:1]
    lo = lax.bitcast_convert_type(yi << 16, jnp.float32) * wc
    hi = lax.bitcast_convert_type(yi & jnp.int32(-65536), jnp.float32) * wc
    lo = jnp.sum(lo.reshape(_RB, _K, _D // 2), axis=1)
    hi = jnp.sum(hi.reshape(_RB, _K, _D // 2), axis=1)
    o_ref[...] = jnp.concatenate([lo, hi], axis=1) + sh_ref[...]


def _run_dispatch(x3, tok, pos_flat):
    mesh = plsc.VectorSubcoreMesh(core_axis_name="c", subcore_axis_name="s")
    f = functools.partial(
        pl.kernel, mesh=mesh,
        out_type=jax.ShapeDtypeStruct((_NPS, _D // 2), jnp.int32),
        scratch_types=[pltpu.VMEM((_G,), jnp.int32),
                       pltpu.VMEM((_G,), jnp.int32),
                       pltpu.VMEM((_G, _D // 2), jnp.int32),
                       pltpu.VMEM((_G,), jnp.int32),
                       pltpu.VMEM((_G,), jnp.int32),
                       pltpu.VMEM((_G, _D // 2), jnp.int32),
                       pltpu.SemaphoreType.DMA,
                       pltpu.SemaphoreType.DMA,
                       pltpu.SemaphoreType.DMA,
                       pltpu.SemaphoreType.DMA],
    )(_dispatch_body)
    return f(x3, tok, pos_flat)


def _run_combine(y_sorted, pos_flat, w16r, shared_out):
    mesh = plsc.VectorSubcoreMesh(core_axis_name="c", subcore_axis_name="s")
    f = functools.partial(
        pl.kernel, mesh=mesh,
        out_type=jax.ShapeDtypeStruct((_PAIRS, _D // 2), jnp.int32),
        scratch_types=[pltpu.VMEM((_G,), jnp.int32),
                       pltpu.VMEM((_G, _D // 2), jnp.int32),
                       pltpu.VMEM((_G,), jnp.int32),
                       pltpu.VMEM((_G, _D // 2), jnp.int32),
                       pltpu.SemaphoreType.DMA,
                       pltpu.SemaphoreType.DMA,
                       pltpu.SemaphoreType.DMA,
                       pltpu.SemaphoreType.DMA],
    )(_unsort_body)
    y_pairs = f(y_sorted, pos_flat)
    return pl.pallas_call(
        _reduce_body,
        grid=(_T // _RB,),
        in_specs=[
            pl.BlockSpec((_RB * _K, _D // 2), lambda t: (t, 0)),
            pl.BlockSpec((_RB * _K, 128), lambda t: (t, 0)),
            pl.BlockSpec((_RB, _D), lambda t: (t, 0)),
        ],
        out_specs=pl.BlockSpec((_RB, _D), lambda t: (t, 0)),
        out_shape=jax.ShapeDtypeStruct((_T, _D), jnp.float32),
    )(y_pairs, w16r, shared_out)


def kernel(hidden_states, gate_w, expert_bias, w_gate_up, w_down,
           shared_gate_up, shared_down):
    x32 = hidden_states.astype(jnp.float32)
    logits = x32 @ gate_w.astype(jnp.float32).T

    pos8, w16, bemeta = pl.pallas_call(
        _routing_body,
        in_specs=[
            pl.BlockSpec((_T, _E), lambda: (0, 0)),
            pl.BlockSpec((1, _E), lambda: (0, 0)),
        ],
        out_specs=(
            pl.BlockSpec((_T, _K), lambda: (0, 0)),
            pl.BlockSpec((_T, 128 * _K), lambda: (0, 0)),
            pl.BlockSpec((1, 256), lambda: (0, 0)),
        ),
        out_shape=(
            jax.ShapeDtypeStruct((_T, _K), jnp.int32),
            jax.ShapeDtypeStruct((_T, 128 * _K), jnp.float32),
            jax.ShapeDtypeStruct((1, 256), jnp.int32),
        ),
    )(logits, expert_bias.reshape(1, _E).astype(jnp.float32))

    pos_flat = pos8.reshape(_PAIRS)
    w16r = w16.reshape(_PAIRS, 128)
    tok = (jnp.arange(_PAIRS, dtype=jnp.int32) // _K).astype(jnp.int32)
    block_expert = bemeta.reshape(256)[:_NB]
    nblocks = bemeta.reshape(256)[_NB:_NB + 1]

    xb16 = hidden_states.astype(jnp.bfloat16)
    lo16 = lax.shift_right_logical(
        lax.bitcast_convert_type(
            xb16[:, :_D // 2].astype(jnp.float32), jnp.int32), 16)
    hi16 = lax.bitcast_convert_type(
        xb16[:, _D // 2:].astype(jnp.float32), jnp.int32) & jnp.int32(-65536)
    xi = lo16 | hi16
    x_sorted = _run_dispatch(xi, tok, pos_flat)

    xb = hidden_states.astype(jnp.bfloat16)
    shared_out = pl.pallas_call(
        _shared_body,
        in_specs=[
            pl.BlockSpec((_T, _D), lambda: (0, 0)),
            pl.BlockSpec(shared_gate_up.shape, lambda: (0, 0)),
            pl.BlockSpec(shared_down.shape, lambda: (0, 0)),
        ],
        out_specs=pl.BlockSpec((_T, _D), lambda: (0, 0)),
        out_shape=jax.ShapeDtypeStruct((_T, _D), jnp.float32),
    )(xb, shared_gate_up.astype(jnp.bfloat16),
      shared_down.astype(jnp.bfloat16))

    grid_spec = pltpu.PrefetchScalarGridSpec(
        num_scalar_prefetch=2,
        grid=(_NB,),
        in_specs=[
            pl.BlockSpec((_B, _D // 2), lambda b, be, nb: (b, 0)),
            pl.BlockSpec((1, 2 * _DFF, _D), lambda b, be, nb: (be[b], 0, 0)),
            pl.BlockSpec((1, _D, _DFF), lambda b, be, nb: (be[b], 0, 0)),
        ],
        out_specs=pl.BlockSpec((_B, _D // 2), lambda b, be, nb: (b, 0)),
    )
    y_sorted = pl.pallas_call(
        _mlp_body,
        grid_spec=grid_spec,
        out_shape=jax.ShapeDtypeStruct((_NPS, _D // 2), jnp.int32),
        compiler_params=pltpu.CompilerParams(
            dimension_semantics=("arbitrary",)),
    )(block_expert, nblocks, x_sorted,
      w_gate_up.astype(jnp.bfloat16), w_down.astype(jnp.bfloat16))

    return _run_combine(y_sorted, pos_flat, w16r, shared_out)

# --- scband reference (transcript-rebuilt; emitter-appended) ---
"""Pipeline reference for scband-sarvam-mo-esparse-moe-block-73847667687620 (READ-ONLY COPY).

The authoritative reference and input builder live on the scoring server;
editing this copy changes nothing except your own understanding.
"""

import jax, jax.numpy as jnp
import numpy as np

E = 64
TOP_K = 8
D = 1024
DFF = 256
NSH = 2
ROUTED_SCALE = 1.0
T = 2048


def setup_inputs(seed: int = 0) -> dict:
    key = jax.random.key(seed)
    ks = jax.random.split(key, 7)
    return {
        "hidden_states": jax.random.normal(ks[0], (T, D), dtype=jnp.float32),
        "gate_w": jax.random.normal(ks[1], (E, D), dtype=jnp.float32) * 0.02,
        "expert_bias": jnp.zeros((E,), dtype=jnp.float32),
        "w_gate_up": jax.random.normal(ks[2], (E, 2 * DFF, D), dtype=jnp.float32) * 0.02,
        "w_down": jax.random.normal(ks[3], (E, D, DFF), dtype=jnp.float32) * 0.02,
        "shared_gate_up": jax.random.normal(ks[4], (2 * DFF * NSH, D), dtype=jnp.float32) * 0.02,
        "shared_down": jax.random.normal(ks[5], (D, DFF * NSH), dtype=jnp.float32) * 0.02,
    }


def _moe_forward(x, gate_w, w_gate_up, w_down, shared_gate_up, shared_down,
                 topk_ids):
    # Router logits in fp32 (matches F.linear(hidden.float(), gate.weight.float()))
    logits = x.astype(jnp.float32) @ gate_w.astype(jnp.float32).T
    scores = jax.nn.sigmoid(logits)
    # topk weights = original sigmoid scores gathered at (bias-corrected) topk ids
    topk_w = jnp.take_along_axis(scores, topk_ids, axis=1)
    topk_w = topk_w / jnp.sum(topk_w, axis=-1, keepdims=True)  # renormalize

    num_experts = w_gate_up.shape[0]
    expert_idx = jnp.arange(num_experts, dtype=topk_ids.dtype)

    def body(out, inp):
        wgu, wd, e = inp
        gu = x @ wgu.T                                 # [T, 2*DFF]
        g, u = jnp.split(gu, 2, axis=-1)
        h = jax.nn.silu(g) * u                         # SiluAndMul
        ye = h @ wd.T                                  # [T, D]
        sel = (topk_ids == e).astype(topk_w.dtype)     # [T, K] one-hot over k
        we = jnp.sum(topk_w * sel, axis=-1)            # [T]
        out = out + ye * we[:, None]                   # masked combine
        return out, None

    out = jnp.zeros_like(x)
    out, _ = jax.lax.scan(body, out, (w_gate_up, w_down, expert_idx))
    out = out * ROUTED_SCALE                           # apply_routed_scaling_factor_on_output

    # shared experts (not scaled)
    gu = x @ shared_gate_up.T
    g, u = jnp.split(gu, 2, axis=-1)
    sh = (jax.nn.silu(g) * u) @ shared_down.T
    return out + sh


def reference(hidden_states, gate_w, expert_bias, w_gate_up, w_down,
              shared_gate_up, shared_down):
    logits = hidden_states.astype(jnp.float32) @ gate_w.astype(jnp.float32).T
    scores = jax.nn.sigmoid(logits)
    choice = scores + expert_bias[None, :]  # correction bias only affects selection
    _, topk_ids = jax.lax.top_k(choice, TOP_K)
    return _moe_forward(hidden_states, gate_w, w_gate_up, w_down,
                        shared_gate_up, shared_down, topk_ids)

if __name__ == "__main__":
    import jax
    _d = setup_inputs()
    print(jax.jit(kernel)(*tuple(_d.values())))

</pallas_src>

<mosaic_0001>
#map = affine_map<(d0, d1) -> (0, 0)>
#map1 = affine_map<(d0, d1) -> (0)>
module attributes {stable_mosaic.version = 14 : i64} {
  func.func @_unsort_body(%arg0: i32, %arg1: i32, %arg2: memref<32768x512xi32, #tpu.memory_space<hbm>>, %arg3: memref<16384xi32, #tpu.memory_space<hbm>>, %arg4: memref<16384x512xi32, #tpu.memory_space<hbm>>, %arg5: memref<64xi32, #tpu.memory_space<vmem>>, %arg6: memref<64x512xi32, #tpu.memory_space<vmem>>, %arg7: memref<64xi32, #tpu.memory_space<vmem>>, %arg8: memref<64x512xi32, #tpu.memory_space<vmem>>, %arg9: memref<!tpu.dma_semaphore, #tpu.memory_space<semaphore_mem>>, %arg10: memref<!tpu.dma_semaphore, #tpu.memory_space<semaphore_mem>>, %arg11: memref<!tpu.dma_semaphore, #tpu.memory_space<semaphore_mem>>, %arg12: memref<!tpu.dma_semaphore, #tpu.memory_space<semaphore_mem>>) attributes {dimension_semantics = [#tpu.dimension_semantics<core_parallel>, #tpu.dimension_semantics<subcore_parallel>], iteration_bounds = array<i64: 2, 16>, scalar_prefetch = 0 : i64, scratch_operands = 8 : i64, tpu.core_type = #tpu.core_type<sc_vector_subcore>, window_params = [{transform_indices = #map}, {transform_indices = #map1}, {transform_indices = #map}]} {
    %mul3A = arith.constant 16 : i32
    %mul3A_0 = arith.muli %arg0, %mul3A : i32
    %add3A = arith.addi %mul3A_0, %arg1 : i32
    %mul3A_1 = arith.constant 512 : i32
    %mul3A_2 = arith.muli %add3A, %mul3A_1 : i32
    %add3A_3 = arith.constant 0 : i32
    %add3A_4 = arith.addi %mul3A_2, %add3A_3 : i32
    "tpu.region"() ({
      %run_scoped3A = tpu.sem_alloc : memref<!tpu.dma_semaphore, #tpu.memory_space<semaphore_mem>>
      %dma_start3A_145 = tpu.memref_slice %arg3[%add3A_4] : memref<16384xi32, #tpu.memory_space<hbm>> -> memref<64xi32, #tpu.memory_space<hbm>>
      %dma_start3A_146 = tpu.memref_slice %arg3[%add3A_4] : memref<16384xi32, #tpu.memory_space<hbm>> -> memref<64xi32, #tpu.memory_space<hbm>>
      tpu.enqueue_dma source(%dma_start3A_146 : memref<64xi32, #tpu.memory_space<hbm>>) target(%arg5 : memref<64xi32, #tpu.memory_space<vmem>>) target_semaphore(%run_scoped3A : memref<!tpu.dma_semaphore, #tpu.memory_space<semaphore_mem>>)
      %dma_wait3A_147 = tpu.memref_slice %arg3[%add3A_4] : memref<16384xi32, #tpu.memory_space<hbm>> -> memref<64xi32, #tpu.memory_space<hbm>>
      %dma_wait3A_148 = tpu.memref_slice %arg3[%add3A_4] : memref<16384xi32, #tpu.memory_space<hbm>> -> memref<64xi32, #tpu.memory_space<hbm>>
      tpu.wait_dma2 semaphore(%run_scoped3A : memref<!tpu.dma_semaphore, #tpu.memory_space<semaphore_mem>>) src(%dma_wait3A_148 : memref<64xi32, #tpu.memory_space<hbm>>) dst(%arg5 : memref<64xi32, #tpu.memory_space<vmem>>)
      tpu.yield
    }) : () -> ()
    %dma_start3A = arith.constant 0 : i32
    %dma_start3A_5 = arith.constant 0 : i32
    %dma_start3A_6 = tpu.memref_slice %arg2[%dma_start3A, %dma_start3A_5] : memref<32768x512xi32, #tpu.memory_space<hbm>> -> memref<32768x512xi32, #tpu.memory_space<hbm>>
    tpu.enqueue_indirect_dma source(%dma_start3A_6 : memref<32768x512xi32, #tpu.memory_space<hbm>>) target(%arg6 : memref<64x512xi32, #tpu.memory_space<vmem>>) offsets(%arg5 : memref<64xi32, #tpu.memory_space<vmem>>) semaphore(%arg9 : memref<!tpu.dma_semaphore, #tpu.memory_space<semaphore_mem>>)
    %add3A_7 = arith.constant 64 : i32
    %add3A_8 = arith.addi %mul3A_2, %add3A_7 : i32
    "tpu.region"() ({
      %run_scoped3A = tpu.sem_alloc : memref<!tpu.dma_semaphore, #tpu.memory_space<semaphore_mem>>
      %dma_start3A_145 = tpu.memref_slice %arg3[%add3A_8] : memref<16384xi32, #tpu.memory_space<hbm>> -> memref<64xi32, #tpu.memory_space<hbm>>
      %dma_start3A_146 = tpu.memref_slice %arg3[%add3A_8] : memref<16384xi32, #tpu.memory_space<hbm>> -> memref<64xi32, #tpu.memory_space<hbm>>
      tpu.enqueue_dma source(%dma_start3A_146 : memref<64xi32, #tpu.memory_space<hbm>>) target(%arg7 : memref<64xi32, #tpu.memory_space<vmem>>) target_semaphore(%run_scoped3A : memref<!tpu.dma_semaphore, #tpu.memory_space<semaphore_mem>>)
      %dma_wait3A_147 = tpu.memref_slice %arg3[%add3A_8] : memref<16384xi32, #tpu.memory_space<hbm>> -> memref<64xi32, #tpu.memory_space<hbm>>
      %dma_wait3A_148 = tpu.memref_slice %arg3[%add3A_8] : memref<16384xi32, #tpu.memory_space<hbm>> -> memref<64xi32, #tpu.memory_space<hbm>>
      tpu.wait_dma2 semaphore(%run_scoped3A : memref<!tpu.dma_semaphore, #tpu.memory_space<semaphore_mem>>) src(%dma_wait3A_148 : memref<64xi32, #tpu.memory_space<hbm>>) dst(%arg7 : memref<64xi32, #tpu.memory_space<vmem>>)
      tpu.yield
    }) : () -> ()
    %dma_start3A_9 = arith.constant 0 : i32
    %dma_start3A_10 = arith.constant 0 : i32
    %dma_start3A_11 = tpu.memref_slice %arg2[%dma_start3A_9, %dma_start3A_10] : memref<32768x512xi32, #tpu.memory_space<hbm>> -> memref<32768x512xi32, #tpu.memory_space<hbm>>
    tpu.enqueue_indirect_dma source(%dma_start3A_11 : memref<32768x512xi32, #tpu.memory_space<hbm>>) target(%arg8 : memref<64x512xi32, #tpu.memory_space<vmem>>) offsets(%arg7 : memref<64xi32, #tpu.memory_space<vmem>>) semaphore(%arg10 : memref<!tpu.dma_semaphore, #tpu.memory_space<semaphore_mem>>)
    %dma_wait3A = arith.constant 0 : i32
    %dma_wait3A_12 = arith.constant 0 : i32
    %dma_wait3A_13 = tpu.memref_slice %arg2[%dma_wait3A, %dma_wait3A_12] : memref<32768x512xi32, #tpu.memory_space<hbm>> -> memref<32768x512xi32, #tpu.memory_space<hbm>>
    tpu.wait_indirect_dma semaphore(%arg9 : memref<!tpu.dma_semaphore, #tpu.memory_space<semaphore_mem>>) src(%dma_wait3A_13 : memref<32768x512xi32, #tpu.memory_space<hbm>>) dst(%arg6 : memref<64x512xi32, #tpu.memory_space<vmem>>)
    %add3A_14 = arith.constant 0 : i32
    %add3A_15 = arith.addi %mul3A_2, %add3A_14 : i32
    %dma_start3A_16 = arith.constant 0 : i32
    %dma_start3A_17 = tpu.memref_slice %arg4[%add3A_15, %dma_start3A_16] : memref<16384x512xi32, #tpu.memory_space<hbm>> -> memref<64x512xi32, #tpu.memory_space<hbm>>
    %dma_start3A_18 = arith.constant 0 : i32
    %dma_start3A_19 = tpu.memref_slice %arg4[%add3A_15, %dma_start3A_18] : memref<16384x512xi32, #tpu.memory_space<hbm>> -> memref<64x512xi32, #tpu.memory_space<hbm>>
    tpu.enqueue_dma source(%arg6 : memref<64x512xi32, #tpu.memory_space<vmem>>) target(%dma_start3A_19 : memref<64x512xi32, #tpu.memory_space<hbm>>) target_semaphore(%arg11 : memref<!tpu.dma_semaphore, #tpu.memory_space<semaphore_mem>>)
    %dma_wait3A_20 = arith.constant 0 : i32
    %dma_wait3A_21 = tpu.memref_slice %arg4[%add3A_15, %dma_wait3A_20] : memref<16384x512xi32, #tpu.memory_space<hbm>> -> memref<64x512xi32, #tpu.memory_space<hbm>>
    %dma_wait3A_22 = arith.constant 0 : i32
    %dma_wait3A_23 = tpu.memref_slice %arg4[%add3A_15, %dma_wait3A_22] : memref<16384x512xi32, #tpu.memory_space<hbm>> -> memref<64x512xi32, #tpu.memory_space<hbm>>
    tpu.wait_dma2 semaphore(%arg11 : memref<!tpu.dma_semaphore, #tpu.memory_space<semaphore_mem>>) src(%arg6 : memref<64x512xi32, #tpu.memory_space<vmem>>) dst(%dma_wait3A_23 : memref<64x512xi32, #tpu.memory_space<hbm>>)
    %add3A_24 = arith.constant 128 : i32
    %add3A_25 = arith.addi %mul3A_2, %add3A_24 : i32
    "tpu.region"() ({
      %run_scoped3A = tpu.sem_alloc : memref<!tpu.dma_semaphore, #tpu.memory_space<semaphore_mem>>
      %dma_start3A_145 = tpu.memref_slice %arg3[%add3A_25] : memref<16384xi32, #tpu.memory_space<hbm>> -> memref<64xi32, #tpu.memory_space<hbm>>
      %dma_start3A_146 = tpu.memref_slice %arg3[%add3A_25] : memref<16384xi32, #tpu.memory_space<hbm>> -> memref<64xi32, #tpu.memory_space<hbm>>
      tpu.enqueue_dma source(%dma_start3A_146 : memref<64xi32, #tpu.memory_space<hbm>>) target(%arg5 : memref<64xi32, #tpu.memory_space<vmem>>) target_semaphore(%run_scoped3A : memref<!tpu.dma_semaphore, #tpu.memory_space<semaphore_mem>>)
      %dma_wait3A_147 = tpu.memref_slice %arg3[%add3A_25] : memref<16384xi32, #tpu.memory_space<hbm>> -> memref<64xi32, #tpu.memory_space<hbm>>
      %dma_wait3A_148 = tpu.memref_slice %arg3[%add3A_25] : memref<16384xi32, #tpu.memory_space<hbm>> -> memref<64xi32, #tpu.memory_space<hbm>>
      tpu.wait_dma2 semaphore(%run_scoped3A : memref<!tpu.dma_semaphore, #tpu.memory_space<semaphore_mem>>) src(%dma_wait3A_148 : memref<64xi32, #tpu.memory_space<hbm>>) dst(%arg5 : memref<64xi32, #tpu.memory_space<vmem>>)
      tpu.yield
    }) : () -> ()
    %dma_start3A_26 = arith.constant 0 : i32
    %dma_start3A_27 = arith.constant 0 : i32
    %dma_start3A_28 = tpu.memref_slice %arg2[%dma_start3A_26, %dma_start3A_27] : memref<32768x512xi32, #tpu.memory_space<hbm>> -> memref<32768x512xi32, #tpu.memory_space<hbm>>
    tpu.enqueue_indirect_dma source(%dma_start3A_28 : memref<32768x512xi32, #tpu.memory_space<hbm>>) target(%arg6 : memref<64x512xi32, #tpu.memory_space<vmem>>) offsets(%arg5 : memref<64xi32, #tpu.memory_space<vmem>>) semaphore(%arg9 : memref<!tpu.dma_semaphore, #tpu.memory_space<semaphore_mem>>)
    %dma_wait3A_29 = arith.constant 0 : i32
    %dma_wait3A_30 = arith.constant 0 : i32
    %dma_wait3A_31 = tpu.memref_slice %arg2[%dma_wait3A_29, %dma_wait3A_30] : memref<32768x512xi32, #tpu.memory_space<hbm>> -> memref<32768x512xi32, #tpu.memory_space<hbm>>
    tpu.wait_indirect_dma semaphore(%arg10 : memref<!tpu.dma_semaphore, #tpu.memory_space<semaphore_mem>>) src(%dma_wait3A_31 : memref<32768x512xi32, #tpu.memory_space<hbm>>) dst(%arg8 : memref<64x512xi32, #tpu.memory_space<vmem>>)
    %add3A_32 = arith.constant 64 : i32
    %add3A_33 = arith.addi %mul3A_2, %add3A_32 : i32
    %dma_start3A_34 = arith.constant 0 : i32
    %dma_start3A_35 = tpu.memref_slice %arg4[%add3A_33, %dma_start3A_34] : memref<16384x512xi32, #tpu.memory_space<hbm>> -> memref<64x512xi32, #tpu.memory_space<hbm>>
    %dma_start3A_36 = arith.constant 0 : i32
    %dma_start3A_37 = tpu.memref_slice %arg4[%add3A_33, %dma_start3A_36] : memref<16384x512xi32, #tpu.memory_space<hbm>> -> memref<64x512xi32, #tpu.memory_space<hbm>>
    tpu.enqueue_dma source(%arg8 : memref<64x512xi32, #tpu.memory_space<vmem>>) target(%dma_start3A_37 : memref<64x512xi32, #tpu.memory_space<hbm>>) target_semaphore(%arg12 : memref<!tpu.dma_semaphore, #tpu.memory_space<semaphore_mem>>)
    %dma_wait3A_38 = arith.constant 0 : i32
    %dma_wait3A_39 = tpu.memref_slice %arg4[%add3A_33, %dma_wait3A_38] : memref<16384x512xi32, #tpu.memory_space<hbm>> -> memref<64x512xi32, #tpu.memory_space<hbm>>
    %dma_wait3A_40 = arith.constant 0 : i32
    %dma_wait3A_41 = tpu.memref_slice %arg4[%add3A_33, %dma_wait3A_40] : memref<16384x512xi32, #tpu.memory_space<hbm>> -> memref<64x512xi32, #tpu.memory_space<hbm>>
    tpu.wait_dma2 semaphore(%arg12 : memref<!tpu.dma_semaphore, #tpu.memory_space<semaphore_mem>>) src(%arg8 : memref<64x512xi32, #tpu.memory_space<vmem>>) dst(%dma_wait3A_41 : memref<64x512xi32, #tpu.memory_space<hbm>>)
    %add3A_42 = arith.constant 192 : i32
    %add3A_43 = arith.addi %mul3A_2, %add3A_42 : i32
    "tpu.region"() ({
      %run_scoped3A = tpu.sem_alloc : memref<!tpu.dma_semaphore, #tpu.memory_space<semaphore_mem>>
      %dma_start3A_145 = tpu.memref_slice %arg3[%add3A_43] : memref<16384xi32, #tpu.memory_space<hbm>> -> memref<64xi32, #tpu.memory_space<hbm>>
      %dma_start3A_146 = tpu.memref_slice %arg3[%add3A_43] : memref<16384xi32, #tpu.memory_space<hbm>> -> memref<64xi32, #tpu.memory_space<hbm>>
      tpu.enqueue_dma source(%dma_start3A_146 : memref<64xi32, #tpu.memory_space<hbm>>) target(%arg7 : memref<64xi32, #tpu.memory_space<vmem>>) target_semaphore(%run_scoped3A : memref<!tpu.dma_semaphore, #tpu.memory_space<semaphore_mem>>)
      %dma_wait3A_147 = tpu.memref_slice %arg3[%add3A_43] : memref<16384xi32, #tpu.memory_space<hbm>> -> memref<64xi32, #tpu.memory_space<hbm>>
      %dma_wait3A_148 = tpu.memref_slice %arg3[%add3A_43] : memref<16384xi32, #tpu.memory_space<hbm>> -> memref<64xi32, #tpu.memory_space<hbm>>
      tpu.wait_dma2 semaphore(%run_scoped3A : memref<!tpu.dma_semaphore, #tpu.memory_space<semaphore_mem>>) src(%dma_wait3A_148 : memref<64xi32, #tpu.memory_space<hbm>>) dst(%arg7 : memref<64xi32, #tpu.memory_space<vmem>>)
      tpu.yield
    }) : () -> ()
    %dma_start3A_44 = arith.constant 0 : i32
    %dma_start3A_45 = arith.constant 0 : i32
    %dma_start3A_46 = tpu.memref_slice %arg2[%dma_start3A_44, %dma_start3A_45] : memref<32768x512xi32, #tpu.memory_space<hbm>> -> memref<32768x512xi32, #tpu.memory_space<hbm>>
    tpu.enqueue_indirect_dma source(%dma_start3A_46 : memref<32768x512xi32, #tpu.memory_space<hbm>>) target(%arg8 : memref<64x512xi32, #tpu.memory_space<vmem>>) offsets(%arg7 : memref<64xi32, #tpu.memory_space<vmem>>) semaphore(%arg10 : memref<!tpu.dma_semaphore, #tpu.memory_space<semaphore_mem>>)
    %dma_wait3A_47 = arith.constant 0 : i32
    %dma_wait3A_48 = arith.constant 0 : i32
    %dma_wait3A_49 = tpu.memref_slice %arg2[%dma_wait3A_47, %dma_wait3A_48] : memref<32768x512xi32, #tpu.memory_space<hbm>> -> memref<32768x512xi32, #tpu.memory_space<hbm>>
    tpu.wait_indirect_dma semaphore(%arg9 : memref<!tpu.dma_semaphore, #tpu.memory_space<semaphore_mem>>) src(%dma_wait3A_49 : memref<32768x512xi32, #tpu.memory_space<hbm>>) dst(%arg6 : memref<64x512xi32, #tpu.memory_space<vmem>>)
    %add3A_50 = arith.constant 128 : i32
    %add3A_51 = arith.addi %mul3A_2, %add3A_50 : i32
    %dma_start3A_52 = arith.constant 0 : i32
    %dma_start3A_53 = tpu.memref_slice %arg4[%add3A_51, %dma_start3A_52] : memref<16384x512xi32, #tpu.memory_space<hbm>> -> memref<64x512xi32, #tpu.memory_space<hbm>>
    %dma_start3A_54 = arith.constant 0 : i32
    %dma_start3A_55 = tpu.memref_slice %arg4[%add3A_51, %dma_start3A_54] : memref<16384x512xi32, #tpu.memory_space<hbm>> -> memref<64x512xi32, #tpu.memory_space<hbm>>
    tpu.enqueue_dma source(%arg6 : memref<64x512xi32, #tpu.memory_space<vmem>>) target(%dma_start3A_55 : memref<64x512xi32, #tpu.memory_space<hbm>>) target_semaphore(%arg11 : memref<!tpu.dma_semaphore, #tpu.memory_space<semaphore_mem>>)
    %dma_wait3A_56 = arith.constant 0 : i32
    %dma_wait3A_57 = tpu.memref_slice %arg4[%add3A_51, %dma_wait3A_56] : memref<16384x512xi32, #tpu.memory_space<hbm>> -> memref<64x512xi32, #tpu.memory_space<hbm>>
    %dma_wait3A_58 = arith.constant 0 : i32
    %dma_wait3A_59 = tpu.memref_slice %arg4[%add3A_51, %dma_wait3A_58] : memref<16384x512xi32, #tpu.memory_space<hbm>> -> memref<64x512xi32, #tpu.memory_space<hbm>>
    tpu.wait_dma2 semaphore(%arg11 : memref<!tpu.dma_semaphore, #tpu.memory_space<semaphore_mem>>) src(%arg6 : memref<64x512xi32, #tpu.memory_space<vmem>>) dst(%dma_wait3A_59 : memref<64x512xi32, #tpu.memory_space<hbm>>)
    %add3A_60 = arith.constant 256 : i32
    %add3A_61 = arith.addi %mul3A_2, %add3A_60 : i32
    "tpu.region"() ({
      %run_scoped3A = tpu.sem_alloc : memref<!tpu.dma_semaphore, #tpu.memory_space<semaphore_mem>>
      %dma_start3A_145 = tpu.memref_slice %arg3[%add3A_61] : memref<16384xi32, #tpu.memory_space<hbm>> -> memref<64xi32, #tpu.memory_space<hbm>>
      %dma_start3A_146 = tpu.memref_slice %arg3[%add3A_61] : memref<16384xi32, #tpu.memory_space<hbm>> -> memref<64xi32, #tpu.memory_space<hbm>>
      tpu.enqueue_dma source(%dma_start3A_146 : memref<64xi32, #tpu.memory_space<hbm>>) target(%arg5 : memref<64xi32, #tpu.memory_space<vmem>>) target_semaphore(%run_scoped3A : memref<!tpu.dma_semaphore, #tpu.memory_space<semaphore_mem>>)
      %dma_wait3A_147 = tpu.memref_slice %arg3[%add3A_61] : memref<16384xi32, #tpu.memory_space<hbm>> -> memref<64xi32, #tpu.memory_space<hbm>>
      %dma_wait3A_148 = tpu.memref_slice %arg3[%add3A_61] : memref<16384xi32, #tpu.memory_space<hbm>> -> memref<64xi32, #tpu.memory_space<hbm>>
      tpu.wait_dma2 semaphore(%run_scoped3A : memref<!tpu.dma_semaphore, #tpu.memory_space<semaphore_mem>>) src(%dma_wait3A_148 : memref<64xi32, #tpu.memory_space<hbm>>) dst(%arg5 : memref<64xi32, #tpu.memory_space<vmem>>)
      tpu.yield
    }) : () -> ()
    %dma_start3A_62 = arith.constant 0 : i32
    %dma_start3A_63 = arith.constant 0 : i32
    %dma_start3A_64 = tpu.memref_slice %arg2[%dma_start3A_62, %dma_start3A_63] : memref<32768x512xi32, #tpu.memory_space<hbm>> -> memref<32768x512xi32, #tpu.memory_space<hbm>>
    tpu.enqueue_indirect_dma source(%dma_start3A_64 : memref<32768x512xi32, #tpu.memory_space<hbm>>) target(%arg6 : memref<64x512xi32, #tpu.memory_space<vmem>>) offsets(%arg5 : memref<64xi32, #tpu.memory_space<vmem>>) semaphore(%arg9 : memref<!tpu.dma_semaphore, #tpu.memory_space<semaphore_mem>>)
    %dma_wait3A_65 = arith.constant 0 : i32
    %dma_wait3A_66 = arith.constant 0 : i32
    %dma_wait3A_67 = tpu.memref_slice %arg2[%dma_wait3A_65, %dma_wait3A_66] : memref<32768x512xi32, #tpu.memory_space<hbm>> -> memref<32768x512xi32, #tpu.memory_space<hbm>>
    tpu.wait_indirect_dma semaphore(%arg10 : memref<!tpu.dma_semaphore, #tpu.memory_space<semaphore_mem>>) src(%dma_wait3A_67 : memref<32768x512xi32, #tpu.memory_space<hbm>>) dst(%arg8 : memref<64x512xi32, #tpu.memory_space<vmem>>)
    %add3A_68 = arith.constant 192 : i32
    %add3A_69 = arith.addi %mul3A_2, %add3A_68 : i32
    %dma_start3A_70 = arith.constant 0 : i32
    %dma_start3A_71 = tpu.memref_slice %arg4[%add3A_69, %dma_start3A_70] : memref<16384x512xi32, #tpu.memory_space<hbm>> -> memref<64x512xi32, #tpu.memory_space<hbm>>
    %dma_start3A_72 = arith.constant 0 : i32
    %dma_start3A_73 = tpu.memref_slice %arg4[%add3A_69, %dma_start3A_72] : memref<16384x512xi32, #tpu.memory_space<hbm>> -> memref<64x512xi32, #tpu.memory_space<hbm>>
    tpu.enqueue_dma source(%arg8 : memref<64x512xi32, #tpu.memory_space<vmem>>) target(%dma_start3A_73 : memref<64x512xi32, #tpu.memory_space<hbm>>) target_semaphore(%arg12 : memref<!tpu.dma_semaphore, #tpu.memory_space<semaphore_mem>>)
    %dma_wait3A_74 = arith.constant 0 : i32
    %dma_wait3A_75 = tpu.memref_slice %arg4[%add3A_69, %dma_wait3A_74] : memref<16384x512xi32, #tpu.memory_space<hbm>> -> memref<64x512xi32, #tpu.memory_space<hbm>>
    %dma_wait3A_76 = arith.constant 0 : i32
    %dma_wait3A_77 = tpu.memref_slice %arg4[%add3A_69, %dma_wait3A_76] : memref<16384x512xi32, #tpu.memory_space<hbm>> -> memref<64x512xi32, #tpu.memory_space<hbm>>
    tpu.wait_dma2 semaphore(%arg12 : memref<!tpu.dma_semaphore, #tpu.memory_space<semaphore_mem>>) src(%arg8 : memref<64x512xi32, #tpu.memory_space<vmem>>) dst(%dma_wait3A_77 : memref<64x512xi32, #tpu.memory_space<hbm>>)
    %add3A_78 = arith.constant 320 : i32
    %add3A_79 = arith.addi %mul3A_2, %add3A_78 : i32
    "tpu.region"() ({
      %run_scoped3A = tpu.sem_alloc : memref<!tpu.dma_semaphore, #tpu.memory_space<semaphore_mem>>
      %dma_start3A_145 = tpu.memref_slice %arg3[%add3A_79] : memref<16384xi32, #tpu.memory_space<hbm>> -> memref<64xi32, #tpu.memory_space<hbm>>
      %dma_start3A_146 = tpu.memref_slice %arg3[%add3A_79] : memref<16384xi32, #tpu.memory_space<hbm>> -> memref<64xi32, #tpu.memory_space<hbm>>
      tpu.enqueue_dma source(%dma_start3A_146 : memref<64xi32, #tpu.memory_space<hbm>>) target(%arg7 : memref<64xi32, #tpu.memory_space<vmem>>) target_semaphore(%run_scoped3A : memref<!tpu.dma_semaphore, #tpu.memory_space<semaphore_mem>>)
      %dma_wait3A_147 = tpu.memref_slice %arg3[%add3A_79] : memref<16384xi32, #tpu.memory_space<hbm>> -> memref<64xi32, #tpu.memory_space<hbm>>
      %dma_wait3A_148 = tpu.memref_slice %arg3[%add3A_79] : memref<16384xi32, #tpu.memory_space<hbm>> -> memref<64xi32, #tpu.memory_space<hbm>>
      tpu.wait_dma2 semaphore(%run_scoped3A : memref<!tpu.dma_semaphore, #tpu.memory_space<semaphore_mem>>) src(%dma_wait3A_148 : memref<64xi32, #tpu.memory_space<hbm>>) dst(%arg7 : memref<64xi32, #tpu.memory_space<vmem>>)
      tpu.yield
    }) : () -> ()
    %dma_start3A_80 = arith.constant 0 : i32
    %dma_start3A_81 = arith.constant 0 : i32
    %dma_start3A_82 = tpu.memref_slice %arg2[%dma_start3A_80, %dma_start3A_81] : memref<32768x512xi32, #tpu.memory_space<hbm>> -> memref<32768x512xi32, #tpu.memory_space<hbm>>
    tpu.enqueue_indirect_dma source(%dma_start3A_82 : memref<32768x512xi32, #tpu.memory_space<hbm>>) target(%arg8 : memref<64x512xi32, #tpu.memory_space<vmem>>) offsets(%arg7 : memref<64xi32, #tpu.memory_space<vmem>>) semaphore(%arg10 : memref<!tpu.dma_semaphore, #tpu.memory_space<semaphore_mem>>)
    %dma_wait3A_83 = arith.constant 0 : i32
    %dma_wait3A_84 = arith.constant 0 : i32
    %dma_wait3A_85 = tpu.memref_slice %arg2[%dma_wait3A_83, %dma_wait3A_84] : memref<32768x512xi32, #tpu.memory_space<hbm>> -> memref<32768x512xi32, #tpu.memory_space<hbm>>
    tpu.wait_indirect_dma semaphore(%arg9 : memref<!tpu.dma_semaphore, #tpu.memory_space<semaphore_mem>>) src(%dma_wait3A_85 : memref<32768x512xi32, #tpu.memory_space<hbm>>) dst(%arg6 : memref<64x512xi32, #tpu.memory_space<vmem>>)
    %add3A_86 = arith.constant 256 : i32
    %add3A_87 = arith.addi %mul3A_2, %add3A_86 : i32
    %dma_start3A_88 = arith.constant 0 : i32
    %dma_start3A_89 = tpu.memref_slice %arg4[%add3A_87, %dma_start3A_88] : memref<16384x512xi32, #tpu.memory_space<hbm>> -> memref<64x512xi32, #tpu.memory_space<hbm>>
    %dma_start3A_90 = arith.constant 0 : i32
    %dma_start3A_91 = tpu.memref_slice %arg4[%add3A_87, %dma_start3A_90] : memref<16384x512xi32, #tpu.memory_space<hbm>> -> memref<64x512xi32, #tpu.memory_space<hbm>>
    tpu.enqueue_dma source(%arg6 : memref<64x512xi32, #tpu.memory_space<vmem>>) target(%dma_start3A_91 : memref<64x512xi32, #tpu.memory_space<hbm>>) target_semaphore(%arg11 : memref<!tpu.dma_semaphore, #tpu.memory_space<semaphore_mem>>)
    %dma_wait3A_92 = arith.constant 0 : i32
    %dma_wait3A_93 = tpu.memref_slice %arg4[%add3A_87, %dma_wait3A_92] : memref<16384x512xi32, #tpu.memory_space<hbm>> -> memref<64x512xi32, #tpu.memory_space<hbm>>
    %dma_wait3A_94 = arith.constant 0 : i32
    %dma_wait3A_95 = tpu.memref_slice %arg4[%add3A_87, %dma_wait3A_94] : memref<16384x512xi32, #tpu.memory_space<hbm>> -> memref<64x512xi32, #tpu.memory_space<hbm>>
    tpu.wait_dma2 semaphore(%arg11 : memref<!tpu.dma_semaphore, #tpu.memory_space<semaphore_mem>>) src(%arg6 : memref<64x512xi32, #tpu.memory_space<vmem>>) dst(%dma_wait3A_95 : memref<64x512xi32, #tpu.memory_space<hbm>>)
    %add3A_96 = arith.constant 384 : i32
    %add3A_97 = arith.addi %mul3A_2, %add3A_96 : i32
    "tpu.region"() ({
      %run_scoped3A = tpu.sem_alloc : memref<!tpu.dma_semaphore, #tpu.memory_space<semaphore_mem>>
      %dma_start3A_145 = tpu.memref_slice %arg3[%add3A_97] : memref<16384xi32, #tpu.memory_space<hbm>> -> memref<64xi32, #tpu.memory_space<hbm>>
      %dma_start3A_146 = tpu.memref_slice %arg3[%add3A_97] : memref<16384xi32, #tpu.memory_space<hbm>> -> memref<64xi32, #tpu.memory_space<hbm>>
      tpu.enqueue_dma source(%dma_start3A_146 : memref<64xi32, #tpu.memory_space<hbm>>) target(%arg5 : memref<64xi32, #tpu.memory_space<vmem>>) target_semaphore(%run_scoped3A : memref<!tpu.dma_semaphore, #tpu.memory_space<semaphore_mem>>)
      %dma_wait3A_147 = tpu.memref_slice %arg3[%add3A_97] : memref<16384xi32, #tpu.memory_space<hbm>> -> memref<64xi32, #tpu.memory_space<hbm>>
      %dma_wait3A_148 = tpu.memref_slice %arg3[%add3A_97] : memref<16384xi32, #tpu.memory_space<hbm>> -> memref<64xi32, #tpu.memory_space<hbm>>
      tpu.wait_dma2 semaphore(%run_scoped3A : memref<!tpu.dma_semaphore, #tpu.memory_space<semaphore_mem>>) src(%dma_wait3A_148 : memref<64xi32, #tpu.memory_space<hbm>>) dst(%arg5 : memref<64xi32, #tpu.memory_space<vmem>>)
      tpu.yield
    }) : () -> ()
    %dma_start3A_98 = arith.constant 0 : i32
    %dma_start3A_99 = arith.constant 0 : i32
    %dma_start3A_100 = tpu.memref_slice %arg2[%dma_start3A_98, %dma_start3A_99] : memref<32768x512xi32, #tpu.memory_space<hbm>> -> memref<32768x512xi32, #tpu.memory_space<hbm>>
    tpu.enqueue_indirect_dma source(%dma_start3A_100 : memref<32768x512xi32, #tpu.memory_space<hbm>>) target(%arg6 : memref<64x512xi32, #tpu.memory_space<vmem>>) offsets(%arg5 : memref<64xi32, #tpu.memory_space<vmem>>) semaphore(%arg9 : memref<!tpu.dma_semaphore, #tpu.memory_space<semaphore_mem>>)
    %dma_wait3A_101 = arith.constant 0 : i32
    %dma_wait3A_102 = arith.constant 0 : i32
    %dma_wait3A_103 = tpu.memref_slice %arg2[%dma_wait3A_101, %dma_wait3A_102] : memref<32768x512xi32, #tpu.memory_space<hbm>> -> memref<32768x512xi32, #tpu.memory_space<hbm>>
    tpu.wait_indirect_dma semaphore(%arg10 : memref<!tpu.dma_semaphore, #tpu.memory_space<semaphore_mem>>) src(%dma_wait3A_103 : memref<32768x512xi32, #tpu.memory_space<hbm>>) dst(%arg8 : memref<64x512xi32, #tpu.memory_space<vmem>>)
    %add3A_104 = arith.constant 320 : i32
    %add3A_105 = arith.addi %mul3A_2, %add3A_104 : i32
    %dma_start3A_106 = arith.constant 0 : i32
    %dma_start3A_107 = tpu.memref_slice %arg4[%add3A_105, %dma_start3A_106] : memref<16384x512xi32, #tpu.memory_space<hbm>> -> memref<64x512xi32, #tpu.memory_space<hbm>>
    %dma_start3A_108 = arith.constant 0 : i32
    %dma_start3A_109 = tpu.memref_slice %arg4[%add3A_105, %dma_start3A_108] : memref<16384x512xi32, #tpu.memory_space<hbm>> -> memref<64x512xi32, #tpu.memory_space<hbm>>
    tpu.enqueue_dma source(%arg8 : memref<64x512xi32, #tpu.memory_space<vmem>>) target(%dma_start3A_109 : memref<64x512xi32, #tpu.memory_space<hbm>>) target_semaphore(%arg12 : memref<!tpu.dma_semaphore, #tpu.memory_space<semaphore_mem>>)
    %dma_wait3A_110 = arith.constant 0 : i32
    %dma_wait3A_111 = tpu.memref_slice %arg4[%add3A_105, %dma_wait3A_110] : memref<16384x512xi32, #tpu.memory_space<hbm>> -> memref<64x512xi32, #tpu.memory_space<hbm>>
    %dma_wait3A_112 = arith.constant 0 : i32
    %dma_wait3A_113 = tpu.memref_slice %arg4[%add3A_105, %dma_wait3A_112] : memref<16384x512xi32, #tpu.memory_space<hbm>> -> memref<64x512xi32, #tpu.memory_space<hbm>>
    tpu.wait_dma2 semaphore(%arg12 : memref<!tpu.dma_semaphore, #tpu.memory_space<semaphore_mem>>) src(%arg8 : memref<64x512xi32, #tpu.memory_space<vmem>>) dst(%dma_wait3A_113 : memref<64x512xi32, #tpu.memory_space<hbm>>)
    %add3A_114 = arith.constant 448 : i32
    %add3A_115 = arith.addi %mul3A_2, %add3A_114 : i32
    "tpu.region"() ({
      %run_scoped3A = tpu.sem_alloc : memref<!tpu.dma_semaphore, #tpu.memory_space<semaphore_mem>>
      %dma_start3A_145 = tpu.memref_slice %arg3[%add3A_115] : memref<16384xi32, #tpu.memory_space<hbm>> -> memref<64xi32, #tpu.memory_space<hbm>>
      %dma_start3A_146 = tpu.memref_slice %arg3[%add3A_115] : memref<16384xi32, #tpu.memory_space<hbm>> -> memref<64xi32, #tpu.memory_space<hbm>>
      tpu.enqueue_dma source(%dma_start3A_146 : memref<64xi32, #tpu.memory_space<hbm>>) target(%arg7 : memref<64xi32, #tpu.memory_space<vmem>>) target_semaphore(%run_scoped3A : memref<!tpu.dma_semaphore, #tpu.memory_space<semaphore_mem>>)
      %dma_wait3A_147 = tpu.memref_slice %arg3[%add3A_115] : memref<16384xi32, #tpu.memory_space<hbm>> -> memref<64xi32, #tpu.memory_space<hbm>>
      %dma_wait3A_148 = tpu.memref_slice %arg3[%add3A_115] : memref<16384xi32, #tpu.memory_space<hbm>> -> memref<64xi32, #tpu.memory_space<hbm>>
      tpu.wait_dma2 semaphore(%run_scoped3A : memref<!tpu.dma_semaphore, #tpu.memory_space<semaphore_mem>>) src(%dma_wait3A_148 : memref<64xi32, #tpu.memory_space<hbm>>) dst(%arg7 : memref<64xi32, #tpu.memory_space<vmem>>)
      tpu.yield
    }) : () -> ()
    %dma_start3A_116 = arith.constant 0 : i32
    %dma_start3A_117 = arith.constant 0 : i32
    %dma_start3A_118 = tpu.memref_slice %arg2[%dma_start3A_116, %dma_start3A_117] : memref<32768x512xi32, #tpu.memory_space<hbm>> -> memref<32768x512xi32, #tpu.memory_space<hbm>>
    tpu.enqueue_indirect_dma source(%dma_start3A_118 : memref<32768x512xi32, #tpu.memory_space<hbm>>) target(%arg8 : memref<64x512xi32, #tpu.memory_space<vmem>>) offsets(%arg7 : memref<64xi32, #tpu.memory_space<vmem>>) semaphore(%arg10 : memref<!tpu.dma_semaphore, #tpu.memory_space<semaphore_mem>>)
    %dma_wait3A_119 = arith.constant 0 : i32
    %dma_wait3A_120 = arith.constant 0 : i32
    %dma_wait3A_121 = tpu.memref_slice %arg2[%dma_wait3A_119, %dma_wait3A_120] : memref<32768x512xi32, #tpu.memory_space<hbm>> -> memref<32768x512xi32, #tpu.memory_space<hbm>>
    tpu.wait_indirect_dma semaphore(%arg9 : memref<!tpu.dma_semaphore, #tpu.memory_space<semaphore_mem>>) src(%dma_wait3A_121 : memref<32768x512xi32, #tpu.memory_space<hbm>>) dst(%arg6 : memref<64x512xi32, #tpu.memory_space<vmem>>)
    %add3A_122 = arith.constant 384 : i32
    %add3A_123 = arith.addi %mul3A_2, %add3A_122 : i32
    %dma_start3A_124 = arith.constant 0 : i32
    %dma_start3A_125 = tpu.memref_slice %arg4[%add3A_123, %dma_start3A_124] : memref<16384x512xi32, #tpu.memory_space<hbm>> -> memref<64x512xi32, #tpu.memory_space<hbm>>
    %dma_start3A_126 = arith.constant 0 : i32
    %dma_start3A_127 = tpu.memref_slice %arg4[%add3A_123, %dma_start3A_126] : memref<16384x512xi32, #tpu.memory_space<hbm>> -> memref<64x512xi32, #tpu.memory_space<hbm>>
    tpu.enqueue_dma source(%arg6 : memref<64x512xi32, #tpu.memory_space<vmem>>) target(%dma_start3A_127 : memref<64x512xi32, #tpu.memory_space<hbm>>) target_semaphore(%arg11 : memref<!tpu.dma_semaphore, #tpu.memory_space<semaphore_mem>>)
    %dma_wait3A_128 = arith.constant 0 : i32
    %dma_wait3A_129 = arith.constant 0 : i32
    %dma_wait3A_130 = tpu.memref_slice %arg2[%dma_wait3A_128, %dma_wait3A_129] : memref<32768x512xi32, #tpu.memory_space<hbm>> -> memref<32768x512xi32, #tpu.memory_space<hbm>>
    tpu.wait_indirect_dma semaphore(%arg10 : memref<!tpu.dma_semaphore, #tpu.memory_space<semaphore_mem>>) src(%dma_wait3A_130 : memref<32768x512xi32, #tpu.memory_space<hbm>>) dst(%arg8 : memref<64x512xi32, #tpu.memory_space<vmem>>)
    %add3A_131 = arith.constant 448 : i32
    %add3A_132 = arith.addi %mul3A_2, %add3A_131 : i32
    %dma_start3A_133 = arith.constant 0 : i32
    %dma_start3A_134 = tpu.memref_slice %arg4[%add3A_132, %dma_start3A_133] : memref<16384x512xi32, #tpu.memory_space<hbm>> -> memref<64x512xi32, #tpu.memory_space<hbm>>
    %dma_start3A_135 = arith.constant 0 : i32
    %dma_start3A_136 = tpu.memref_slice %arg4[%add3A_132, %dma_start3A_135] : memref<16384x512xi32, #tpu.memory_space<hbm>> -> memref<64x512xi32, #tpu.memory_space<hbm>>
    tpu.enqueue_dma source(%arg8 : memref<64x512xi32, #tpu.memory_space<vmem>>) target(%dma_start3A_136 : memref<64x512xi32, #tpu.memory_space<hbm>>) target_semaphore(%arg12 : memref<!tpu.dma_semaphore, #tpu.memory_space<semaphore_mem>>)
    %dma_wait3A_137 = arith.constant 0 : i32
    %dma_wait3A_138 = tpu.memref_slice %arg4[%add3A_123, %dma_wait3A_137] : memref<16384x512xi32, #tpu.memory_space<hbm>> -> memref<64x512xi32, #tpu.memory_space<hbm>>
    %dma_wait3A_139 = arith.constant 0 : i32
    %dma_wait3A_140 = tpu.memref_slice %arg4[%add3A_123, %dma_wait3A_139] : memref<16384x512xi32, #tpu.memory_space<hbm>> -> memref<64x512xi32, #tpu.memory_space<hbm>>
    tpu.wait_dma2 semaphore(%arg11 : memref<!tpu.dma_semaphore, #tpu.memory_space<semaphore_mem>>) src(%arg6 : memref<64x512xi32, #tpu.memory_space<vmem>>) dst(%dma_wait3A_140 : memref<64x512xi32, #tpu.memory_space<hbm>>)
    %dma_wait3A_141 = arith.constant 0 : i32
    %dma_wait3A_142 = tpu.memref_slice %arg4[%add3A_132, %dma_wait3A_141] : memref<16384x512xi32, #tpu.memory_space<hbm>> -> memref<64x512xi32, #tpu.memory_space<hbm>>
    %dma_wait3A_143 = arith.constant 0 : i32
    %dma_wait3A_144 = tpu.memref_slice %arg4[%add3A_132, %dma_wait3A_143] : memref<16384x512xi32, #tpu.memory_space<hbm>> -> memref<64x512xi32, #tpu.memory_space<hbm>>
    tpu.wait_dma2 semaphore(%arg12 : memref<!tpu.dma_semaphore, #tpu.memory_space<semaphore_mem>>) src(%arg8 : memref<64x512xi32, #tpu.memory_space<vmem>>) dst(%dma_wait3A_144 : memref<64x512xi32, #tpu.memory_space<hbm>>)
    return
  }
}

#map = affine_map<(d0, d1) -> (0, 0)>
#map1 = affine_map<(d0, d1) -> (0)>
module attributes {stable_mosaic.version = 14 : i64} {
  func.func @_dispatch_body(%arg0: i32, %arg1: i32, %arg2: memref<2048x512xi32, #tpu.memory_space<hbm>>, %arg3: memref<16384xi32, #tpu.memory_space<hbm>>, %arg4: memref<16384xi32, #tpu.memory_space<hbm>>, %arg5: memref<32768x512xi32, #tpu.memory_space<hbm>>, %arg6: memref<64xi32, #tpu.memory_space<vmem>>, %arg7: memref<64xi32, #tpu.memory_space<vmem>>, %arg8: memref<64x512xi32, #tpu.memory_space<vmem>>, %arg9: memref<64xi32, #tpu.memory_space<vmem>>, %arg10: memref<64xi32, #tpu.memory_space<vmem>>, %arg11: memref<64x512xi32, #tpu.memory_space<vmem>>, %arg12: memref<!tpu.dma_semaphore, #tpu.memory_space<semaphore_mem>>, %arg13: memref<!tpu.dma_semaphore, #tpu.memory_space<semaphore_mem>>, %arg14: memref<!tpu.dma_semaphore, #tpu.memory_space<semaphore_mem>>, %arg15: memref<!tpu.dma_semaphore, #tpu.memory_space<semaphore_mem>>) attributes {dimension_semantics = [#tpu.dimension_semantics<core_parallel>, #tpu.dimension_semantics<subcore_parallel>], iteration_bounds = array<i64: 2, 16>, scalar_prefetch = 0 : i64, scratch_operands = 10 : i64, tpu.core_type = #tpu.core_type<sc_vector_subcore>, window_params = [{transform_indices = #map}, {transform_indices = #map1}, {transform_indices = #map1}, {transform_indices = #map}]} {
    %mul3A = arith.constant 16 : i32
    %mul3A_0 = arith.muli %arg0, %mul3A : i32
    %add3A = arith.addi %mul3A_0, %arg1 : i32
    %mul3A_1 = arith.constant 512 : i32
    %mul3A_2 = arith.muli %add3A, %mul3A_1 : i32
    %add3A_3 = arith.constant 0 : i32
    %add3A_4 = arith.addi %mul3A_2, %add3A_3 : i32
    "tpu.region"() ({
      %run_scoped3A = tpu.sem_alloc : memref<!tpu.dma_semaphore, #tpu.memory_space<semaphore_mem>>
      %dma_start3A_113 = tpu.memref_slice %arg3[%add3A_4] : memref<16384xi32, #tpu.memory_space<hbm>> -> memref<64xi32, #tpu.memory_space<hbm>>
      %dma_start3A_114 = tpu.memref_slice %arg3[%add3A_4] : memref<16384xi32, #tpu.memory_space<hbm>> -> memref<64xi32, #tpu.memory_space<hbm>>
      tpu.enqueue_dma source(%dma_start3A_114 : memref<64xi32, #tpu.memory_space<hbm>>) target(%arg6 : memref<64xi32, #tpu.memory_space<vmem>>) target_semaphore(%run_scoped3A : memref<!tpu.dma_semaphore, #tpu.memory_space<semaphore_mem>>)
      %dma_wait3A_115 = tpu.memref_slice %arg3[%add3A_4] : memref<16384xi32, #tpu.memory_space<hbm>> -> memref<64xi32, #tpu.memory_space<hbm>>
      %dma_wait3A_116 = tpu.memref_slice %arg3[%add3A_4] : memref<16384xi32, #tpu.memory_space<hbm>> -> memref<64xi32, #tpu.memory_space<hbm>>
      tpu.wait_dma2 semaphore(%run_scoped3A : memref<!tpu.dma_semaphore, #tpu.memory_space<semaphore_mem>>) src(%dma_wait3A_116 : memref<64xi32, #tpu.memory_space<hbm>>) dst(%arg6 : memref<64xi32, #tpu.memory_space<vmem>>)
      tpu.yield
    }) : () -> ()
    "tpu.region"() ({
      %run_scoped3A = tpu.sem_alloc : memref<!tpu.dma_semaphore, #tpu.memory_space<semaphore_mem>>
      %dma_start3A_113 = tpu.memref_slice %arg4[%add3A_4] : memref<16384xi32, #tpu.memory_space<hbm>> -> memref<64xi32, #tpu.memory_space<hbm>>
      %dma_start3A_114 = tpu.memref_slice %arg4[%add3A_4] : memref<16384xi32, #tpu.memory_space<hbm>> -> memref<64xi32, #tpu.memory_space<hbm>>
      tpu.enqueue_dma source(%dma_start3A_114 : memref<64xi32, #tpu.memory_space<hbm>>) target(%arg7 : memref<64xi32, #tpu.memory_space<vmem>>) target_semaphore(%run_scoped3A : memref<!tpu.dma_semaphore, #tpu.memory_space<semaphore_mem>>)
      %dma_wait3A_115 = tpu.memref_slice %arg4[%add3A_4] : memref<16384xi32, #tpu.memory_space<hbm>> -> memref<64xi32, #tpu.memory_space<hbm>>
      %dma_wait3A_116 = tpu.memref_slice %arg4[%add3A_4] : memref<16384xi32, #tpu.memory_space<hbm>> -> memref<64xi32, #tpu.memory_space<hbm>>
      tpu.wait_dma2 semaphore(%run_scoped3A : memref<!tpu.dma_semaphore, #tpu.memory_space<semaphore_mem>>) src(%dma_wait3A_116 : memref<64xi32, #tpu.memory_space<hbm>>) dst(%arg7 : memref<64xi32, #tpu.memory_space<vmem>>)
      tpu.yield
    }) : () -> ()
    %dma_start3A = arith.constant 0 : i32
    %dma_start3A_5 = arith.constant 0 : i32
    %dma_start3A_6 = tpu.memref_slice %arg2[%dma_start3A, %dma_start3A_5] : memref<2048x512xi32, #tpu.memory_space<hbm>> -> memref<2048x512xi32, #tpu.memory_space<hbm>>
    tpu.enqueue_indirect_dma source(%dma_start3A_6 : memref<2048x512xi32, #tpu.memory_space<hbm>>) target(%arg8 : memref<64x512xi32, #tpu.memory_space<vmem>>) offsets(%arg6 : memref<64xi32, #tpu.memory_space<vmem>>) semaphore(%arg12 : memref<!tpu.dma_semaphore, #tpu.memory_space<semaphore_mem>>)
    %add3A_7 = arith.constant 64 : i32
    %add3A_8 = arith.addi %mul3A_2, %add3A_7 : i32
    "tpu.region"() ({
      %run_scoped3A = tpu.sem_alloc : memref<!tpu.dma_semaphore, #tpu.memory_space<semaphore_mem>>
      %dma_start3A_113 = tpu.memref_slice %arg3[%add3A_8] : memref<16384xi32, #tpu.memory_space<hbm>> -> memref<64xi32, #tpu.memory_space<hbm>>
      %dma_start3A_114 = tpu.memref_slice %arg3[%add3A_8] : memref<16384xi32, #tpu.memory_space<hbm>> -> memref<64xi32, #tpu.memory_space<hbm>>
      tpu.enqueue_dma source(%dma_start3A_114 : memref<64xi32, #tpu.memory_space<hbm>>) target(%arg9 : memref<64xi32, #tpu.memory_space<vmem>>) target_semaphore(%run_scoped3A : memref<!tpu.dma_semaphore, #tpu.memory_space<semaphore_mem>>)
      %dma_wait3A_115 = tpu.memref_slice %arg3[%add3A_8] : memref<16384xi32, #tpu.memory_space<hbm>> -> memref<64xi32, #tpu.memory_space<hbm>>
      %dma_wait3A_116 = tpu.memref_slice %arg3[%add3A_8] : memref<16384xi32, #tpu.memory_space<hbm>> -> memref<64xi32, #tpu.memory_space<hbm>>
      tpu.wait_dma2 semaphore(%run_scoped3A : memref<!tpu.dma_semaphore, #tpu.memory_space<semaphore_mem>>) src(%dma_wait3A_116 : memref<64xi32, #tpu.memory_space<hbm>>) dst(%arg9 : memref<64xi32, #tpu.memory_space<vmem>>)
      tpu.yield
    }) : () -> ()
    "tpu.region"() ({
      %run_scoped3A = tpu.sem_alloc : memref<!tpu.dma_semaphore, #tpu.memory_space<semaphore_mem>>
      %dma_start3A_113 = tpu.memref_slice %arg4[%add3A_8] : memref<16384xi32, #tpu.memory_space<hbm>> -> memref<64xi32, #tpu.memory_space<hbm>>
      %dma_start3A_114 = tpu.memref_slice %arg4[%add3A_8] : memref<16384xi32, #tpu.memory_space<hbm>> -> memref<64xi32, #tpu.memory_space<hbm>>
      tpu.enqueue_dma source(%dma_start3A_114 : memref<64xi32, #tpu.memory_space<hbm>>) target(%arg10 : memref<64xi32, #tpu.memory_space<vmem>>) target_semaphore(%run_scoped3A : memref<!tpu.dma_semaphore, #tpu.memory_space<semaphore_mem>>)
      %dma_wait3A_115 = tpu.memref_slice %arg4[%add3A_8] : memref<16384xi32, #tpu.memory_space<hbm>> -> memref<64xi32, #tpu.memory_space<hbm>>
      %dma_wait3A_116 = tpu.memref_slice %arg4[%add3A_8] : memref<16384xi32, #tpu.memory_space<hbm>> -> memref<64xi32, #tpu.memory_space<hbm>>
      tpu.wait_dma2 semaphore(%run_scoped3A : memref<!tpu.dma_semaphore, #tpu.memory_space<semaphore_mem>>) src(%dma_wait3A_116 : memref<64xi32, #tpu.memory_space<hbm>>) dst(%arg10 : memref<64xi32, #tpu.memory_space<vmem>>)
      tpu.yield
    }) : () -> ()
    %dma_start3A_9 = arith.constant 0 : i32
    %dma_start3A_10 = arith.constant 0 : i32
    %dma_start3A_11 = tpu.memref_slice %arg2[%dma_start3A_9, %dma_start3A_10] : memref<2048x512xi32, #tpu.memory_space<hbm>> -> memref<2048x512xi32, #tpu.memory_space<hbm>>
    tpu.enqueue_indirect_dma source(%dma_start3A_11 : memref<2048x512xi32, #tpu.memory_space<hbm>>) target(%arg11 : memref<64x512xi32, #tpu.memory_space<vmem>>) offsets(%arg9 : memref<64xi32, #tpu.memory_space<vmem>>) semaphore(%arg13 : memref<!tpu.dma_semaphore, #tpu.memory_space<semaphore_mem>>)
    %dma_wait3A = arith.constant 0 : i32
    %dma_wait3A_12 = arith.constant 0 : i32
    %dma_wait3A_13 = tpu.memref_slice %arg2[%dma_wait3A, %dma_wait3A_12] : memref<2048x512xi32, #tpu.memory_space<hbm>> -> memref<2048x512xi32, #tpu.memory_space<hbm>>
    tpu.wait_indirect_dma semaphore(%arg12 : memref<!tpu.dma_semaphore, #tpu.memory_space<semaphore_mem>>) src(%dma_wait3A_13 : memref<2048x512xi32, #tpu.memory_space<hbm>>) dst(%arg8 : memref<64x512xi32, #tpu.memory_space<vmem>>)
    %dma_start3A_14 = arith.constant 0 : i32
    %dma_start3A_15 = arith.constant 0 : i32
    %dma_start3A_16 = tpu.memref_slice %arg5[%dma_start3A_14, %dma_start3A_15] : memref<32768x512xi32, #tpu.memory_space<hbm>> -> memref<32768x512xi32, #tpu.memory_space<hbm>>
    tpu.enqueue_indirect_dma source(%arg8 : memref<64x512xi32, #tpu.memory_space<vmem>>) target(%dma_start3A_16 : memref<32768x512xi32, #tpu.memory_space<hbm>>) offsets(%arg7 : memref<64xi32, #tpu.memory_space<vmem>>) semaphore(%arg14 : memref<!tpu.dma_semaphore, #tpu.memory_space<semaphore_mem>>)
    %dma_wait3A_17 = arith.constant 0 : i32
    %dma_wait3A_18 = arith.constant 0 : i32
    %dma_wait3A_19 = tpu.memref_slice %arg5[%dma_wait3A_17, %dma_wait3A_18] : memref<32768x512xi32, #tpu.memory_space<hbm>> -> memref<32768x512xi32, #tpu.memory_space<hbm>>
    tpu.wait_indirect_dma semaphore(%arg14 : memref<!tpu.dma_semaphore, #tpu.memory_space<semaphore_mem>>) src(%arg8 : memref<64x512xi32, #tpu.memory_space<vmem>>) dst(%dma_wait3A_19 : memref<32768x512xi32, #tpu.memory_space<hbm>>)
    %add3A_20 = arith.constant 128 : i32
    %add3A_21 = arith.addi %mul3A_2, %add3A_20 : i32
    "tpu.region"() ({
      %run_scoped3A = tpu.sem_alloc : memref<!tpu.dma_semaphore, #tpu.memory_space<semaphore_mem>>
      %dma_start3A_113 = tpu.memref_slice %arg3[%add3A_21] : memref<16384xi32, #tpu.memory_space<hbm>> -> memref<64xi32, #tpu.memory_space<hbm>>
      %dma_start3A_114 = tpu.memref_slice %arg3[%add3A_21] : memref<16384xi32, #tpu.memory_space<hbm>> -> memref<64xi32, #tpu.memory_space<hbm>>
      tpu.enqueue_dma source(%dma_start3A_114 : memref<64xi32, #tpu.memory_space<hbm>>) target(%arg6 : memref<64xi32, #tpu.memory_space<vmem>>) target_semaphore(%run_scoped3A : memref<!tpu.dma_semaphore, #tpu.memory_space<semaphore_mem>>)
      %dma_wait3A_115 = tpu.memref_slice %arg3[%add3A_21] : memref<16384xi32, #tpu.memory_space<hbm>> -> memref<64xi32, #tpu.memory_space<hbm>>
      %dma_wait3A_116 = tpu.memref_slice %arg3[%add3A_21] : memref<16384xi32, #tpu.memory_space<hbm>> -> memref<64xi32, #tpu.memory_space<hbm>>
      tpu.wait_dma2 semaphore(%run_scoped3A : memref<!tpu.dma_semaphore, #tpu.memory_space<semaphore_mem>>) src(%dma_wait3A_116 : memref<64xi32, #tpu.memory_space<hbm>>) dst(%arg6 : memref<64xi32, #tpu.memory_space<vmem>>)
      tpu.yield
    }) : () -> ()
    "tpu.region"() ({
      %run_scoped3A = tpu.sem_alloc : memref<!tpu.dma_semaphore, #tpu.memory_space<semaphore_mem>>
      %dma_start3A_113 = tpu.memref_slice %arg4[%add3A_21] : memref<16384xi32, #tpu.memory_space<hbm>> -> memref<64xi32, #tpu.memory_space<hbm>>
      %dma_start3A_114 = tpu.memref_slice %arg4[%add3A_21] : memref<16384xi32, #tpu.memory_space<hbm>> -> memref<64xi32, #tpu.memory_space<hbm>>
      tpu.enqueue_dma source(%dma_start3A_114 : memref<64xi32, #tpu.memory_space<hbm>>) target(%arg7 : memref<64xi32, #tpu.memory_space<vmem>>) target_semaphore(%run_scoped3A : memref<!tpu.dma_semaphore, #tpu.memory_space<semaphore_mem>>)
      %dma_wait3A_115 = tpu.memref_slice %arg4[%add3A_21] : memref<16384xi32, #tpu.memory_space<hbm>> -> memref<64xi32, #tpu.memory_space<hbm>>
      %dma_wait3A_116 = tpu.memref_slice %arg4[%add3A_21] : memref<16384xi32, #tpu.memory_space<hbm>> -> memref<64xi32, #tpu.memory_space<hbm>>
      tpu.wait_dma2 semaphore(%run_scoped3A : memref<!tpu.dma_semaphore, #tpu.memory_space<semaphore_mem>>) src(%dma_wait3A_116 : memref<64xi32, #tpu.memory_space<hbm>>) dst(%arg7 : memref<64xi32, #tpu.memory_space<vmem>>)
      tpu.yield
    }) : () -> ()
    %dma_start3A_22 = arith.constant 0 : i32
    %dma_start3A_23 = arith.constant 0 : i32
    %dma_start3A_24 = tpu.memref_slice %arg2[%dma_start3A_22, %dma_start3A_23] : memref<2048x512xi32, #tpu.memory_space<hbm>> -> memref<2048x512xi32, #tpu.memory_space<hbm>>
    tpu.enqueue_indirect_dma source(%dma_start3A_24 : memref<2048x512xi32, #tpu.memory_space<hbm>>) target(%arg8 : memref<64x512xi32, #tpu.memory_space<vmem>>) offsets(%arg6 : memref<64xi32, #tpu.memory_space<vmem>>) semaphore(%arg12 : memref<!tpu.dma_semaphore, #tpu.memory_space<semaphore_mem>>)
    %dma_wait3A_25 = arith.constant 0 : i32
    %dma_wait3A_26 = arith.constant 0 : i32
    %dma_wait3A_27 = tpu.memref_slice %arg2[%dma_wait3A_25, %dma_wait3A_26] : memref<2048x512xi32, #tpu.memory_space<hbm>> -> memref<2048x512xi32, #tpu.memory_space<hbm>>
    tpu.wait_indirect_dma semaphore(%arg13 : memref<!tpu.dma_semaphore, #tpu.memory_space<semaphore_mem>>) src(%dma_wait3A_27 : memref<2048x512xi32, #tpu.memory_space<hbm>>) dst(%arg11 : memref<64x512xi32, #tpu.memory_space<vmem>>)
    %dma_start3A_28 = arith.constant 0 : i32
    %dma_start3A_29 = arith.constant 0 : i32
    %dma_start3A_30 = tpu.memref_slice %arg5[%dma_start3A_28, %dma_start3A_29] : memref<32768x512xi32, #tpu.memory_space<hbm>> -> memref<32768x512xi32, #tpu.memory_space<hbm>>
    tpu.enqueue_indirect_dma source(%arg11 : memref<64x512xi32, #tpu.memory_space<vmem>>) target(%dma_start3A_30 : memref<32768x512xi32, #tpu.memory_space<hbm>>) offsets(%arg10 : memref<64xi32, #tpu.memory_space<vmem>>) semaphore(%arg15 : memref<!tpu.dma_semaphore, #tpu.memory_space<semaphore_mem>>)
    %dma_wait3A_31 = arith.constant 0 : i32
    %dma_wait3A_32 = arith.constant 0 : i32
    %dma_wait3A_33 = tpu.memref_slice %arg5[%dma_wait3A_31, %dma_wait3A_32] : memref<32768x512xi32, #tpu.memory_space<hbm>> -> memref<32768x512xi32, #tpu.memory_space<hbm>>
    tpu.wait_indirect_dma semaphore(%arg15 : memref<!tpu.dma_semaphore, #tpu.memory_space<semaphore_mem>>) src(%arg11 : memref<64x512xi32, #tpu.memory_space<vmem>>) dst(%dma_wait3A_33 : memref<32768x512xi32, #tpu.memory_space<hbm>>)
    %add3A_34 = arith.constant 192 : i32
    %add3A_35 = arith.addi %mul3A_2, %add3A_34 : i32
    "tpu.region"() ({
      %run_scoped3A = tpu.sem_alloc : memref<!tpu.dma_semaphore, #tpu.memory_space<semaphore_mem>>
      %dma_start3A_113 = tpu.memref_slice %arg3[%add3A_35] : memref<16384xi32, #tpu.memory_space<hbm>> -> memref<64xi32, #tpu.memory_space<hbm>>
      %dma_start3A_114 = tpu.memref_slice %arg3[%add3A_35] : memref<16384xi32, #tpu.memory_space<hbm>> -> memref<64xi32, #tpu.memory_space<hbm>>
      tpu.enqueue_dma source(%dma_start3A_114 : memref<64xi32, #tpu.memory_space<hbm>>) target(%arg9 : memref<64xi32, #tpu.memory_space<vmem>>) target_semaphore(%run_scoped3A : memref<!tpu.dma_semaphore, #tpu.memory_space<semaphore_mem>>)
      %dma_wait3A_115 = tpu.memref_slice %arg3[%add3A_35] : memref<16384xi32, #tpu.memory_space<hbm>> -> memref<64xi32, #tpu.memory_space<hbm>>
      %dma_wait3A_116 = tpu.memref_slice %arg3[%add3A_35] : memref<16384xi32, #tpu.memory_space<hbm>> -> memref<64xi32, #tpu.memory_space<hbm>>
      tpu.wait_dma2 semaphore(%run_scoped3A : memref<!tpu.dma_semaphore, #tpu.memory_space<semaphore_mem>>) src(%dma_wait3A_116 : memref<64xi32, #tpu.memory_space<hbm>>) dst(%arg9 : memref<64xi32, #tpu.memory_space<vmem>>)
      tpu.yield
    }) : () -> ()
    "tpu.region"() ({
      %run_scoped3A = tpu.sem_alloc : memref<!tpu.dma_semaphore, #tpu.memory_space<semaphore_mem>>
      %dma_start3A_113 = tpu.memref_slice %arg4[%add3A_35] : memref<16384xi32, #tpu.memory_space<hbm>> -> memref<64xi32, #tpu.memory_space<hbm>>
      %dma_start3A_114 = tpu.memref_slice %arg4[%add3A_35] : memref<16384xi32, #tpu.memory_space<hbm>> -> memref<64xi32, #tpu.memory_space<hbm>>
      tpu.enqueue_dma source(%dma_start3A_114 : memref<64xi32, #tpu.memory_space<hbm>>) target(%arg10 : memref<64xi32, #tpu.memory_space<vmem>>) target_semaphore(%run_scoped3A : memref<!tpu.dma_semaphore, #tpu.memory_space<semaphore_mem>>)
      %dma_wait3A_115 = tpu.memref_slice %arg4[%add3A_35] : memref<16384xi32, #tpu.memory_space<hbm>> -> memref<64xi32, #tpu.memory_space<hbm>>
      %dma_wait3A_116 = tpu.memref_slice %arg4[%add3A_35] : memref<16384xi32, #tpu.memory_space<hbm>> -> memref<64xi32, #tpu.memory_space<hbm>>
      tpu.wait_dma2 semaphore(%run_scoped3A : memref<!tpu.dma_semaphore, #tpu.memory_space<semaphore_mem>>) src(%dma_wait3A_116 : memref<64xi32, #tpu.memory_space<hbm>>) dst(%arg10 : memref<64xi32, #tpu.memory_space<vmem>>)
      tpu.yield
    }) : () -> ()
    %dma_start3A_36 = arith.constant 0 : i32
    %dma_start3A_37 = arith.constant 0 : i32
    %dma_start3A_38 = tpu.memref_slice %arg2[%dma_start3A_36, %dma_start3A_37] : memref<2048x512xi32, #tpu.memory_space<hbm>> -> memref<2048x512xi32, #tpu.memory_space<hbm>>
    tpu.enqueue_indirect_dma source(%dma_start3A_38 : memref<2048x512xi32, #tpu.memory_space<hbm>>) target(%arg11 : memref<64x512xi32, #tpu.memory_space<vmem>>) offsets(%arg9 : memref<64xi32, #tpu.memory_space<vmem>>) semaphore(%arg13 : memref<!tpu.dma_semaphore, #tpu.memory_space<semaphore_mem>>)
    %dma_wait3A_39 = arith.constant 0 : i32
    %dma_wait3A_40 = arith.constant 0 : i32
    %dma_wait3A_41 = tpu.memref_slice %arg2[%dma_wait3A_39, %dma_wait3A_40] : memref<2048x512xi32, #tpu.memory_space<hbm>> -> memref<2048x512xi32, #tpu.memory_space<hbm>>
    tpu.wait_indirect_dma semaphore(%arg12 : memref<!tpu.dma_semaphore, #tpu.memory_space<semaphore_mem>>) src(%dma_wait3A_41 : memref<2048x512xi32, #tpu.memory_space<hbm>>) dst(%arg8 : memref<64x512xi32, #tpu.memory_space<vmem>>)
    %dma_start3A_42 = arith.constant 0 : i32
    %dma_start3A_43 = arith.constant 0 : i32
    %dma_start3A_44 = tpu.memref_slice %arg5[%dma_start3A_42, %dma_start3A_43] : memref<32768x512xi32, #tpu.memory_space<hbm>> -> memref<32768x512xi32, #tpu.memory_space<hbm>>
    tpu.enqueue_indirect_dma source(%arg8 : memref<64x512xi32, #tpu.memory_space<vmem>>) target(%dma_start3A_44 : memref<32768x512xi32, #tpu.memory_space<hbm>>) offsets(%arg7 : memref<64xi32, #tpu.memory_space<vmem>>) semaphore(%arg14 : memref<!tpu.dma_semaphore, #tpu.memory_space<semaphore_mem>>)
    %dma_wait3A_45 = arith.constant 0 : i32
    %dma_wait3A_46 = arith.constant 0 : i32
    %dma_wait3A_47 = tpu.memref_slice %arg5[%dma_wait3A_45, %dma_wait3A_46] : memref<32768x512xi32, #tpu.memory_space<hbm>> -> memref<32768x512xi32, #tpu.memory_space<hbm>>
    tpu.wait_indirect_dma semaphore(%arg14 : memref<!tpu.dma_semaphore, #tpu.memory_space<semaphore_mem>>) src(%arg8 : memref<64x512xi32, #tpu.memory_space<vmem>>) dst(%dma_wait3A_47 : memref<32768x512xi32, #tpu.memory_space<hbm>>)
    %add3A_48 = arith.constant 256 : i32
    %add3A_49 = arith.addi %mul3A_2, %add3A_48 : i32
    "tpu.region"() ({
      %run_scoped3A = tpu.sem_alloc : memref<!tpu.dma_semaphore, #tpu.memory_space<semaphore_mem>>
      %dma_start3A_113 = tpu.memref_slice %arg3[%add3A_49] : memref<16384xi32, #tpu.memory_space<hbm>> -> memref<64xi32, #tpu.memory_space<hbm>>
      %dma_start3A_114 = tpu.memref_slice %arg3[%add3A_49] : memref<16384xi32, #tpu.memory_space<hbm>> -> memref<64xi32, #tpu.memory_space<hbm>>
      tpu.enqueue_dma source(%dma_start3A_114 : memref<64xi32, #tpu.memory_space<hbm>>) target(%arg6 : memref<64xi32, #tpu.memory_space<vmem>>) target_semaphore(%run_scoped3A : memref<!tpu.dma_semaphore, #tpu.memory_space<semaphore_mem>>)
      %dma_wait3A_115 = tpu.memref_slice %arg3[%add3A_49] : memref<16384xi32, #tpu.memory_space<hbm>> -> memref<64xi32, #tpu.memory_space<hbm>>
      %dma_wait3A_116 = tpu.memref_slice %arg3[%add3A_49] : memref<16384xi32, #tpu.memory_space<hbm>> -> memref<64xi32, #tpu.memory_space<hbm>>
      tpu.wait_dma2 semaphore(%run_scoped3A : memref<!tpu.dma_semaphore, #tpu.memory_space<semaphore_mem>>) src(%dma_wait3A_116 : memref<64xi32, #tpu.memory_space<hbm>>) dst(%arg6 : memref<64xi32, #tpu.memory_space<vmem>>)
      tpu.yield
    }) : () -> ()
    "tpu.region"() ({
      %run_scoped3A = tpu.sem_alloc : memref<!tpu.dma_semaphore, #tpu.memory_space<semaphore_mem>>
      %dma_start3A_113 = tpu.memref_slice %arg4[%add3A_49] : memref<16384xi32, #tpu.memory_space<hbm>> -> memref<64xi32, #tpu.memory_space<hbm>>
      %dma_start3A_114 = tpu.memref_slice %arg4[%add3A_49] : memref<16384xi32, #tpu.memory_space<hbm>> -> memref<64xi32, #tpu.memory_space<hbm>>
      tpu.enqueue_dma source(%dma_start3A_114 : memref<64xi32, #tpu.memory_space<hbm>>) target(%arg7 : memref<64xi32, #tpu.memory_space<vmem>>) target_semaphore(%run_scoped3A : memref<!tpu.dma_semaphore, #tpu.memory_space<semaphore_mem>>)
      %dma_wait3A_115 = tpu.memref_slice %arg4[%add3A_49] : memref<16384xi32, #tpu.memory_space<hbm>> -> memref<64xi32, #tpu.memory_space<hbm>>
      %dma_wait3A_116 = tpu.memref_slice %arg4[%add3A_49] : memref<16384xi32, #tpu.memory_space<hbm>> -> memref<64xi32, #tpu.memory_space<hbm>>
      tpu.wait_dma2 semaphore(%run_scoped3A : memref<!tpu.dma_semaphore, #tpu.memory_space<semaphore_mem>>) src(%dma_wait3A_116 : memref<64xi32, #tpu.memory_space<hbm>>) dst(%arg7 : memref<64xi32, #tpu.memory_space<vmem>>)
      tpu.yield
    }) : () -> ()
    %dma_start3A_50 = arith.constant 0 : i32
    %dma_start3A_51 = arith.constant 0 : i32
    %dma_start3A_52 = tpu.memref_slice %arg2[%dma_start3A_50, %dma_start3A_51] : memref<2048x512xi32, #tpu.memory_space<hbm>> -> memref<2048x512xi32, #tpu.memory_space<hbm>>
    tpu.enqueue_indirect_dma source(%dma_start3A_52 : memref<2048x512xi32, #tpu.memory_space<hbm>>) target(%arg8 : memref<64x512xi32, #tpu.memory_space<vmem>>) offsets(%arg6 : memref<64xi32, #tpu.memory_space<vmem>>) semaphore(%arg12 : memref<!tpu.dma_semaphore, #tpu.memory_space<semaphore_mem>>)
    %dma_wait3A_53 = arith.constant 0 : i32
    %dma_wait3A_54 = arith.constant 0 : i32
    %dma_wait3A_55 = tpu.memref_slice %arg2[%dma_wait3A_53, %dma_wait3A_54] : memref<2048x512xi32, #tpu.memory_space<hbm>> -> memref<2048x512xi32, #tpu.memory_space<hbm>>
    tpu.wait_indirect_dma semaphore(%arg13 : memref<!tpu.dma_semaphore, #tpu.memory_space<semaphore_mem>>) src(%dma_wait3A_55 : memref<2048x512xi32, #tpu.memory_space<hbm>>) dst(%arg11 : memref<64x512xi32, #tpu.memory_space<vmem>>)
    %dma_start3A_56 = arith.constant 0 : i32
    %dma_start3A_57 = arith.constant 0 : i32
    %dma_start3A_58 = tpu.memref_slice %arg5[%dma_start3A_56, %dma_start3A_57] : memref<32768x512xi32, #tpu.memory_space<hbm>> -> memref<32768x512xi32, #tpu.memory_space<hbm>>
    tpu.enqueue_indirect_dma source(%arg11 : memref<64x512xi32, #tpu.memory_space<vmem>>) target(%dma_start3A_58 : memref<32768x512xi32, #tpu.memory_space<hbm>>) offsets(%arg10 : memref<64xi32, #tpu.memory_space<vmem>>) semaphore(%arg15 : memref<!tpu.dma_semaphore, #tpu.memory_space<semaphore_mem>>)
    %dma_wait3A_59 = arith.constant 0 : i32
    %dma_wait3A_60 = arith.constant 0 : i32
    %dma_wait3A_61 = tpu.memref_slice %arg5[%dma_wait3A_59, %dma_wait3A_60] : memref<32768x512xi32, #tpu.memory_space<hbm>> -> memref<32768x512xi32, #tpu.memory_space<hbm>>
    tpu.wait_indirect_dma semaphore(%arg15 : memref<!tpu.dma_semaphore, #tpu.memory_space<semaphore_mem>>) src(%arg11 : memref<64x512xi32, #tpu.memory_space<vmem>>) dst(%dma_wait3A_61 : memref<32768x512xi32, #tpu.memory_space<hbm>>)
    %add3A_62 = arith.constant 320 : i32
    %add3A_63 = arith.addi %mul3A_2, %add3A_62 : i32
    "tpu.region"() ({
      %run_scoped3A = tpu.sem_alloc : memref<!tpu.dma_semaphore, #tpu.memory_space<semaphore_mem>>
      %dma_start3A_113 = tpu.memref_slice %arg3[%add3A_63] : memref<16384xi32, #tpu.memory_space<hbm>> -> memref<64xi32, #tpu.memory_space<hbm>>
      %dma_start3A_114 = tpu.memref_slice %arg3[%add3A_63] : memref<16384xi32, #tpu.memory_space<hbm>> -> memref<64xi32, #tpu.memory_space<hbm>>
      tpu.enqueue_dma source(%dma_start3A_114 : memref<64xi32, #tpu.memory_space<hbm>>) target(%arg9 : memref<64xi32, #tpu.memory_space<vmem>>) target_semaphore(%run_scoped3A : memref<!tpu.dma_semaphore, #tpu.memory_space<semaphore_mem>>)
      %dma_wait3A_115 = tpu.memref_slice %arg3[%add3A_63] : memref<16384xi32, #tpu.memory_space<hbm>> -> memref<64xi32, #tpu.memory_space<hbm>>
      %dma_wait3A_116 = tpu.memref_slice %arg3[%add3A_63] : memref<16384xi32, #tpu.memory_space<hbm>> -> memref<64xi32, #tpu.memory_space<hbm>>
      tpu.wait_dma2 semaphore(%run_scoped3A : memref<!tpu.dma_semaphore, #tpu.memory_space<semaphore_mem>>) src(%dma_wait3A_116 : memref<64xi32, #tpu.memory_space<hbm>>) dst(%arg9 : memref<64xi32, #tpu.memory_space<vmem>>)
      tpu.yield
    }) : () -> ()
    "tpu.region"() ({
      %run_scoped3A = tpu.sem_alloc : memref<!tpu.dma_semaphore, #tpu.memory_space<semaphore_mem>>
      %dma_start3A_113 = tpu.memref_slice %arg4[%add3A_63] : memref<16384xi32, #tpu.memory_space<hbm>> -> memref<64xi32, #tpu.memory_space<hbm>>
      %dma_start3A_114 = tpu.memref_slice %arg4[%add3A_63] : memref<16384xi32, #tpu.memory_space<hbm>> -> memref<64xi32, #tpu.memory_space<hbm>>
      tpu.enqueue_dma source(%dma_start3A_114 : memref<64xi32, #tpu.memory_space<hbm>>) target(%arg10 : memref<64xi32, #tpu.memory_space<vmem>>) target_semaphore(%run_scoped3A : memref<!tpu.dma_semaphore, #tpu.memory_space<semaphore_mem>>)
      %dma_wait3A_115 = tpu.memref_slice %arg4[%add3A_63] : memref<16384xi32, #tpu.memory_space<hbm>> -> memref<64xi32, #tpu.memory_space<hbm>>
      %dma_wait3A_116 = tpu.memref_slice %arg4[%add3A_63] : memref<16384xi32, #tpu.memory_space<hbm>> -> memref<64xi32, #tpu.memory_space<hbm>>
      tpu.wait_dma2 semaphore(%run_scoped3A : memref<!tpu.dma_semaphore, #tpu.memory_space<semaphore_mem>>) src(%dma_wait3A_116 : memref<64xi32, #tpu.memory_space<hbm>>) dst(%arg10 : memref<64xi32, #tpu.memory_space<vmem>>)
      tpu.yield
    }) : () -> ()
    %dma_start3A_64 = arith.constant 0 : i32
    %dma_start3A_65 = arith.constant 0 : i32
    %dma_start3A_66 = tpu.memref_slice %arg2[%dma_start3A_64, %dma_start3A_65] : memref<2048x512xi32, #tpu.memory_space<hbm>> -> memref<2048x512xi32, #tpu.memory_space<hbm>>
    tpu.enqueue_indirect_dma source(%dma_start3A_66 : memref<2048x512xi32, #tpu.memory_space<hbm>>) target(%arg11 : memref<64x512xi32, #tpu.memory_space<vmem>>) offsets(%arg9 : memref<64xi32, #tpu.memory_space<vmem>>) semaphore(%arg13 : memref<!tpu.dma_semaphore, #tpu.memory_space<semaphore_mem>>)
    %dma_wait3A_67 = arith.constant 0 : i32
    %dma_wait3A_68 = arith.constant 0 : i32
    %dma_wait3A_69 = tpu.memref_slice %arg2[%dma_wait3A_67, %dma_wait3A_68] : memref<2048x512xi32, #tpu.memory_space<hbm>> -> memref<2048x512xi32, #tpu.memory_space<hbm>>
    tpu.wait_indirect_dma semaphore(%arg12 : memref<!tpu.dma_semaphore, #tpu.memory_space<semaphore_mem>>) src(%dma_wait3A_69 : memref<2048x512xi32, #tpu.memory_space<hbm>>) dst(%arg8 : memref<64x512xi32, #tpu.memory_space<vmem>>)
    %dma_start3A_70 = arith.constant 0 : i32
    %dma_start3A_71 = arith.constant 0 : i32
    %dma_start3A_72 = tpu.memref_slice %arg5[%dma_start3A_70, %dma_start3A_71] : memref<32768x512xi32, #tpu.memory_space<hbm>> -> memref<32768x512xi32, #tpu.memory_space<hbm>>
    tpu.enqueue_indirect_dma source(%arg8 : memref<64x512xi32, #tpu.memory_space<vmem>>) target(%dma_start3A_72 : memref<32768x512xi32, #tpu.memory_space<hbm>>) offsets(%arg7 : memref<64xi32, #tpu.memory_space<vmem>>) semaphore(%arg14 : memref<!tpu.dma_semaphore, #tpu.memory_space<semaphore_mem>>)
    %dma_wait3A_73 = arith.constant 0 : i32
    %dma_wait3A_74 = arith.constant 0 : i32
    %dma_wait3A_75 = tpu.memref_slice %arg5[%dma_wait3A_73, %dma_wait3A_74] : memref<32768x512xi32, #tpu.memory_space<hbm>> -> memref<32768x512xi32, #tpu.memory_space<hbm>>
    tpu.wait_indirect_dma semaphore(%arg14 : memref<!tpu.dma_semaphore, #tpu.memory_space<semaphore_mem>>) src(%arg8 : memref<64x512xi32, #tpu.memory_space<vmem>>) dst(%dma_wait3A_75 : memref<32768x512xi32, #tpu.memory_space<hbm>>)
    %add3A_76 = arith.constant 384 : i32
    %add3A_77 = arith.addi %mul3A_2, %add3A_76 : i32
    "tpu.region"() ({
      %run_scoped3A = tpu.sem_alloc : memref<!tpu.dma_semaphore, #tpu.memory_space<semaphore_mem>>
      %dma_start3A_113 = tpu.memref_slice %arg3[%add3A_77] : memref<16384xi32, #tpu.memory_space<hbm>> -> memref<64xi32, #tpu.memory_space<hbm>>
      %dma_start3A_114 = tpu.memref_slice %arg3[%add3A_77] : memref<16384xi32, #tpu.memory_space<hbm>> -> memref<64xi32, #tpu.memory_space<hbm>>
      tpu.enqueue_dma source(%dma_start3A_114 : memref<64xi32, #tpu.memory_space<hbm>>) target(%arg6 : memref<64xi32, #tpu.memory_space<vmem>>) target_semaphore(%run_scoped3A : memref<!tpu.dma_semaphore, #tpu.memory_space<semaphore_mem>>)
      %dma_wait3A_115 = tpu.memref_slice %arg3[%add3A_77] : memref<16384xi32, #tpu.memory_space<hbm>> -> memref<64xi32, #tpu.memory_space<hbm>>
      %dma_wait3A_116 = tpu.memref_slice %arg3[%add3A_77] : memref<16384xi32, #tpu.memory_space<hbm>> -> memref<64xi32, #tpu.memory_space<hbm>>
      tpu.wait_dma2 semaphore(%run_scoped3A : memref<!tpu.dma_semaphore, #tpu.memory_space<semaphore_mem>>) src(%dma_wait3A_116 : memref<64xi32, #tpu.memory_space<hbm>>) dst(%arg6 : memref<64xi32, #tpu.memory_space<vmem>>)
      tpu.yield
    }) : () -> ()
    "tpu.region"() ({
      %run_scoped3A = tpu.sem_alloc : memref<!tpu.dma_semaphore, #tpu.memory_space<semaphore_mem>>
      %dma_start3A_113 = tpu.memref_slice %arg4[%add3A_77] : memref<16384xi32, #tpu.memory_space<hbm>> -> memref<64xi32, #tpu.memory_space<hbm>>
      %dma_start3A_114 = tpu.memref_slice %arg4[%add3A_77] : memref<16384xi32, #tpu.memory_space<hbm>> -> memref<64xi32, #tpu.memory_space<hbm>>
      tpu.enqueue_dma source(%dma_start3A_114 : memref<64xi32, #tpu.memory_space<hbm>>) target(%arg7 : memref<64xi32, #tpu.memory_space<vmem>>) target_semaphore(%run_scoped3A : memref<!tpu.dma_semaphore, #tpu.memory_space<semaphore_mem>>)
      %dma_wait3A_115 = tpu.memref_slice %arg4[%add3A_77] : memref<16384xi32, #tpu.memory_space<hbm>> -> memref<64xi32, #tpu.memory_space<hbm>>
      %dma_wait3A_116 = tpu.memref_slice %arg4[%add3A_77] : memref<16384xi32, #tpu.memory_space<hbm>> -> memref<64xi32, #tpu.memory_space<hbm>>
      tpu.wait_dma2 semaphore(%run_scoped3A : memref<!tpu.dma_semaphore, #tpu.memory_space<semaphore_mem>>) src(%dma_wait3A_116 : memref<64xi32, #tpu.memory_space<hbm>>) dst(%arg7 : memref<64xi32, #tpu.memory_space<vmem>>)
      tpu.yield
    }) : () -> ()
    %dma_start3A_78 = arith.constant 0 : i32
    %dma_start3A_79 = arith.constant 0 : i32
    %dma_start3A_80 = tpu.memref_slice %arg2[%dma_start3A_78, %dma_start3A_79] : memref<2048x512xi32, #tpu.memory_space<hbm>> -> memref<2048x512xi32, #tpu.memory_space<hbm>>
    tpu.enqueue_indirect_dma source(%dma_start3A_80 : memref<2048x512xi32, #tpu.memory_space<hbm>>) target(%arg8 : memref<64x512xi32, #tpu.memory_space<vmem>>) offsets(%arg6 : memref<64xi32, #tpu.memory_space<vmem>>) semaphore(%arg12 : memref<!tpu.dma_semaphore, #tpu.memory_space<semaphore_mem>>)
    %dma_wait3A_81 = arith.constant 0 : i32
    %dma_wait3A_82 = arith.constant 0 : i32
    %dma_wait3A_83 = tpu.memref_slice %arg2[%dma_wait3A_81, %dma_wait3A_82] : memref<2048x512xi32, #tpu.memory_space<hbm>> -> memref<2048x512xi32, #tpu.memory_space<hbm>>
    tpu.wait_indirect_dma semaphore(%arg13 : memref<!tpu.dma_semaphore, #tpu.memory_space<semaphore_mem>>) src(%dma_wait3A_83 : memref<2048x512xi32, #tpu.memory_space<hbm>>) dst(%arg11 : memref<64x512xi32, #tpu.memory_space<vmem>>)
    %dma_start3A_84 = arith.constant 0 : i32
    %dma_start3A_85 = arith.constant 0 : i32
    %dma_start3A_86 = tpu.memref_slice %arg5[%dma_start3A_84, %dma_start3A_85] : memref<32768x512xi32, #tpu.memory_space<hbm>> -> memref<32768x512xi32, #tpu.memory_space<hbm>>
    tpu.enqueue_indirect_dma source(%arg11 : memref<64x512xi32, #tpu.memory_space<vmem>>) target(%dma_start3A_86 : memref<32768x512xi32, #tpu.memory_space<hbm>>) offsets(%arg10 : memref<64xi32, #tpu.memory_space<vmem>>) semaphore(%arg15 : memref<!tpu.dma_semaphore, #tpu.memory_space<semaphore_mem>>)
    %dma_wait3A_87 = arith.constant 0 : i32
    %dma_wait3A_88 = arith.constant 0 : i32
    %dma_wait3A_89 = tpu.memref_slice %arg5[%dma_wait3A_87, %dma_wait3A_88] : memref<32768x512xi32, #tpu.memory_space<hbm>> -> memref<32768x512xi32, #tpu.memory_space<hbm>>
    tpu.wait_indirect_dma semaphore(%arg15 : memref<!tpu.dma_semaphore, #tpu.memory_space<semaphore_mem>>) src(%arg11 : memref<64x512xi32, #tpu.memory_space<vmem>>) dst(%dma_wait3A_89 : memref<32768x512xi32, #tpu.memory_space<hbm>>)
    %add3A_90 = arith.constant 448 : i32
    %add3A_91 = arith.addi %mul3A_2, %add3A_90 : i32
    "tpu.region"() ({
      %run_scoped3A = tpu.sem_alloc : memref<!tpu.dma_semaphore, #tpu.memory_space<semaphore_mem>>
      %dma_start3A_113 = tpu.memref_slice %arg3[%add3A_91] : memref<16384xi32, #tpu.memory_space<hbm>> -> memref<64xi32, #tpu.memory_space<hbm>>
      %dma_start3A_114 = tpu.memref_slice %arg3[%add3A_91] : memref<16384xi32, #tpu.memory_space<hbm>> -> memref<64xi32, #tpu.memory_space<hbm>>
      tpu.enqueue_dma source(%dma_start3A_114 : memref<64xi32, #tpu.memory_space<hbm>>) target(%arg9 : memref<64xi32, #tpu.memory_space<vmem>>) target_semaphore(%run_scoped3A : memref<!tpu.dma_semaphore, #tpu.memory_space<semaphore_mem>>)
      %dma_wait3A_115 = tpu.memref_slice %arg3[%add3A_91] : memref<16384xi32, #tpu.memory_space<hbm>> -> memref<64xi32, #tpu.memory_space<hbm>>
      %dma_wait3A_116 = tpu.memref_slice %arg3[%add3A_91] : memref<16384xi32, #tpu.memory_space<hbm>> -> memref<64xi32, #tpu.memory_space<hbm>>
      tpu.wait_dma2 semaphore(%run_scoped3A : memref<!tpu.dma_semaphore, #tpu.memory_space<semaphore_mem>>) src(%dma_wait3A_116 : memref<64xi32, #tpu.memory_space<hbm>>) dst(%arg9 : memref<64xi32, #tpu.memory_space<vmem>>)
      tpu.yield
    }) : () -> ()
    "tpu.region"() ({
      %run_scoped3A = tpu.sem_alloc : memref<!tpu.dma_semaphore, #tpu.memory_space<semaphore_mem>>
      %dma_start3A_113 = tpu.memref_slice %arg4[%add3A_91] : memref<16384xi32, #tpu.memory_space<hbm>> -> memref<64xi32, #tpu.memory_space<hbm>>
      %dma_start3A_114 = tpu.memref_slice %arg4[%add3A_91] : memref<16384xi32, #tpu.memory_space<hbm>> -> memref<64xi32, #tpu.memory_space<hbm>>
      tpu.enqueue_dma source(%dma_start3A_114 : memref<64xi32, #tpu.memory_space<hbm>>) target(%arg10 : memref<64xi32, #tpu.memory_space<vmem>>) target_semaphore(%run_scoped3A : memref<!tpu.dma_semaphore, #tpu.memory_space<semaphore_mem>>)
      %dma_wait3A_115 = tpu.memref_slice %arg4[%add3A_91] : memref<16384xi32, #tpu.memory_space<hbm>> -> memref<64xi32, #tpu.memory_space<hbm>>
      %dma_wait3A_116 = tpu.memref_slice %arg4[%add3A_91] : memref<16384xi32, #tpu.memory_space<hbm>> -> memref<64xi32, #tpu.memory_space<hbm>>
      tpu.wait_dma2 semaphore(%run_scoped3A : memref<!tpu.dma_semaphore, #tpu.memory_space<semaphore_mem>>) src(%dma_wait3A_116 : memref<64xi32, #tpu.memory_space<hbm>>) dst(%arg10 : memref<64xi32, #tpu.memory_space<vmem>>)
      tpu.yield
    }) : () -> ()
    %dma_start3A_92 = arith.constant 0 : i32
    %dma_start3A_93 = arith.constant 0 : i32
    %dma_start3A_94 = tpu.memref_slice %arg2[%dma_start3A_92, %dma_start3A_93] : memref<2048x512xi32, #tpu.memory_space<hbm>> -> memref<2048x512xi32, #tpu.memory_space<hbm>>
    tpu.enqueue_indirect_dma source(%dma_start3A_94 : memref<2048x512xi32, #tpu.memory_space<hbm>>) target(%arg11 : memref<64x512xi32, #tpu.memory_space<vmem>>) offsets(%arg9 : memref<64xi32, #tpu.memory_space<vmem>>) semaphore(%arg13 : memref<!tpu.dma_semaphore, #tpu.memory_space<semaphore_mem>>)
    %dma_wait3A_95 = arith.constant 0 : i32
    %dma_wait3A_96 = arith.constant 0 : i32
    %dma_wait3A_97 = tpu.memref_slice %arg2[%dma_wait3A_95, %dma_wait3A_96] : memref<2048x512xi32, #tpu.memory_space<hbm>> -> memref<2048x512xi32, #tpu.memory_space<hbm>>
    tpu.wait_indirect_dma semaphore(%arg12 : memref<!tpu.dma_semaphore, #tpu.memory_space<semaphore_mem>>) src(%dma_wait3A_97 : memref<2048x512xi32, #tpu.memory_space<hbm>>) dst(%arg8 : memref<64x512xi32, #tpu.memory_space<vmem>>)
    %dma_start3A_98 = arith.constant 0 : i32
    %dma_start3A_99 = arith.constant 0 : i32
    %dma_start3A_100 = tpu.memref_slice %arg5[%dma_start3A_98, %dma_start3A_99] : memref<32768x512xi32, #tpu.memory_space<hbm>> -> memref<32768x512xi32, #tpu.memory_space<hbm>>
    tpu.enqueue_indirect_dma source(%arg8 : memref<64x512xi32, #tpu.memory_space<vmem>>) target(%dma_start3A_100 : memref<32768x512xi32, #tpu.memory_space<hbm>>) offsets(%arg7 : memref<64xi32, #tpu.memory_space<vmem>>) semaphore(%arg14 : memref<!tpu.dma_semaphore, #tpu.memory_space<semaphore_mem>>)
    %dma_wait3A_101 = arith.constant 0 : i32
    %dma_wait3A_102 = arith.constant 0 : i32
    %dma_wait3A_103 = tpu.memref_slice %arg2[%dma_wait3A_101, %dma_wait3A_102] : memref<2048x512xi32, #tpu.memory_space<hbm>> -> memref<2048x512xi32, #tpu.memory_space<hbm>>
    tpu.wait_indirect_dma semaphore(%arg13 : memref<!tpu.dma_semaphore, #tpu.memory_space<semaphore_mem>>) src(%dma_wait3A_103 : memref<2048x512xi32, #tpu.memory_space<hbm>>) dst(%arg11 : memref<64x512xi32, #tpu.memory_space<vmem>>)
    %dma_start3A_104 = arith.constant 0 : i32
    %dma_start3A_105 = arith.constant 0 : i32
    %dma_start3A_106 = tpu.memref_slice %arg5[%dma_start3A_104, %dma_start3A_105] : memref<32768x512xi32, #tpu.memory_space<hbm>> -> memref<32768x512xi32, #tpu.memory_space<hbm>>
    tpu.enqueue_indirect_dma source(%arg11 : memref<64x512xi32, #tpu.memory_space<vmem>>) target(%dma_start3A_106 : memref<32768x512xi32, #tpu.memory_space<hbm>>) offsets(%arg10 : memref<64xi32, #tpu.memory_space<vmem>>) semaphore(%arg15 : memref<!tpu.dma_semaphore, #tpu.memory_space<semaphore_mem>>)
    %dma_wait3A_107 = arith.constant 0 : i32
    %dma_wait3A_108 = arith.constant 0 : i32
    %dma_wait3A_109 = tpu.memref_slice %arg5[%dma_wait3A_107, %dma_wait3A_108] : memref<32768x512xi32, #tpu.memory_space<hbm>> -> memref<32768x512xi32, #tpu.memory_space<hbm>>
    tpu.wait_indirect_dma semaphore(%arg14 : memref<!tpu.dma_semaphore, #tpu.memory_space<semaphore_mem>>) src(%arg8 : memref<64x512xi32, #tpu.memory_space<vmem>>) dst(%dma_wait3A_109 : memref<32768x512xi32, #tpu.memory_space<hbm>>)
    %dma_wait3A_110 = arith.constant 0 : i32
    %dma_wait3A_111 = arith.constant 0 : i32
    %dma_wait3A_112 = tpu.memref_slice %arg5[%dma_wait3A_110, %dma_wait3A_111] : memref<32768x512xi32, #tpu.memory_space<hbm>> -> memref<32768x512xi32, #tpu.memory_space<hbm>>
    tpu.wait_indirect_dma semaphore(%arg15 : memref<!tpu.dma_semaphore, #tpu.memory_space<semaphore_mem>>) src(%arg11 : memref<64x512xi32, #tpu.memory_space<vmem>>) dst(%dma_wait3A_112 : memref<32768x512xi32, #tpu.memory_space<hbm>>)
    return
  }
}

module attributes {stable_mosaic.version = 14 : i64} {
  func.func @_routing_body(%arg0: memref<2048x64xf32, #tpu.memory_space<vmem>>, %arg1: memref<1x64xf32, #tpu.memory_space<vmem>>, %arg2: memref<2048x8xi32, #tpu.memory_space<vmem>>, %arg3: memref<2048x1024xf32, #tpu.memory_space<vmem>>, %arg4: memref<1x256xi32, #tpu.memory_space<vmem>>) attributes {dimension_semantics = [], scalar_prefetch = 0 : i64, scratch_operands = 0 : i64, tpu.core_type = #tpu.core_type<tc>} {
    %get3A = arith.constant 0 : index
    %get3A_0 = arith.constant 0 : index
    %get3A_1 = vector.load %arg0[%get3A, %get3A_0] : memref<2048x64xf32, #tpu.memory_space<vmem>>, vector<2048x64xf32>
    %logistic3A = arith.negf %get3A_1 : vector<2048x64xf32>
    %logistic3A_2 = math.exp %logistic3A : vector<2048x64xf32>
    %logistic3A_3 = arith.constant 1.000000e+00 : f32
    %logistic3A_4 = vector.broadcast %logistic3A_3 : f32 to vector<2048x64xf32>
    %logistic3A_5 = arith.addf %logistic3A_4, %logistic3A_2 : vector<2048x64xf32>
    %logistic3A_6 = arith.divf %logistic3A_4, %logistic3A_5 : vector<2048x64xf32>
    %get3A_7 = arith.constant 0 : index
    %get3A_8 = arith.constant 0 : index
    %get3A_9 = vector.load %arg1[%get3A_7, %get3A_8] : memref<1x64xf32, #tpu.memory_space<vmem>>, vector<1x64xf32>
    %add3A = vector.broadcast %get3A_9 : vector<1x64xf32> to vector<2048x64xf32>
    %add3A_10 = arith.addf %logistic3A_6, %add3A : vector<2048x64xf32>
    %broadcast_in_dim3A = arith.constant 0.000000e+00 : f32
    %broadcast_in_dim3A_11 = vector.broadcast %broadcast_in_dim3A : f32 to vector<2048x64xf32>
    %reduce_max3A = arith.constant dense<0xFF800000> : vector<2048xf32>
    %reduce_max3A_12 = vector.multi_reduction <maximumf>, %add3A_10, %reduce_max3A [1] : vector<2048x64xf32> to vector<2048xf32>
    %broadcast_in_dim3A_13 = vector.shape_cast %reduce_max3A_12 : vector<2048xf32> to vector<2048x1xf32>
    %eq3A = vector.broadcast %broadcast_in_dim3A_13 : vector<2048x1xf32> to vector<2048x64xf32>
    %eq3A_14 = arith.cmpf oeq, %add3A_10, %eq3A : vector<2048x64xf32>
    %convert_element_type3A = arith.extui %eq3A_14 : vector<2048x64xi1> to vector<2048x64xi32>
    %convert_element_type3A_15 = arith.sitofp %convert_element_type3A : vector<2048x64xi32> to vector<2048x64xf32>
    %broadcast_in_dim3A_16 = arith.constant 0.000000e+00 : f32
    %broadcast_in_dim3A_17 = vector.broadcast %broadcast_in_dim3A_16 : f32 to vector<2048x1xf32>
    %slice3A = vector.extract_strided_slice %convert_element_type3A_15 {offsets = [0, 0], sizes = [2048, 63], strides = [1, 1]} : vector<2048x64xf32> to vector<2048x63xf32>
    %concatenate3A = tpu.concatenate %broadcast_in_dim3A_17, %slice3A in 1 : vector<2048x1xf32>, vector<2048x63xf32> -> vector<2048x64xf32>
    %add3A_18 = arith.addf %convert_element_type3A_15, %concatenate3A : vector<2048x64xf32>
    %broadcast_in_dim3A_19 = arith.constant 0.000000e+00 : f32
    %broadcast_in_dim3A_20 = vector.broadcast %broadcast_in_dim3A_19 : f32 to vector<2048x2xf32>
    %slice3A_21 = vector.extract_strided_slice %add3A_18 {offsets = [0, 0], sizes = [2048, 62], strides = [1, 1]} : vector<2048x64xf32> to vector<2048x62xf32>
    %concatenate3A_22 = tpu.concatenate %broadcast_in_dim3A_20, %slice3A_21 in 1 : vector<2048x2xf32>, vector<2048x62xf32> -> vector<2048x64xf32>
    %add3A_23 = arith.addf %add3A_18, %concatenate3A_22 : vector<2048x64xf32>
    %broadcast_in_dim3A_24 = arith.constant 0.000000e+00 : f32
    %broadcast_in_dim3A_25 = vector.broadcast %broadcast_in_dim3A_24 : f32 to vector<2048x4xf32>
    %slice3A_26 = vector.extract_strided_slice %add3A_23 {offsets = [0, 0], sizes = [2048, 60], strides = [1, 1]} : vector<2048x64xf32> to vector<2048x60xf32>
    %concatenate3A_27 = tpu.concatenate %broadcast_in_dim3A_25, %slice3A_26 in 1 : vector<2048x4xf32>, vector<2048x60xf32> -> vector<2048x64xf32>
    %add3A_28 = arith.addf %add3A_23, %concatenate3A_27 : vector<2048x64xf32>
    %broadcast_in_dim3A_29 = arith.constant 0.000000e+00 : f32
    %broadcast_in_dim3A_30 = vector.broadcast %broadcast_in_dim3A_29 : f32 to vector<2048x8xf32>
    %slice3A_31 = vector.extract_strided_slice %add3A_28 {offsets = [0, 0], sizes = [2048, 56], strides = [1, 1]} : vector<2048x64xf32> to vector<2048x56xf32>
    %concatenate3A_32 = tpu.concatenate %broadcast_in_dim3A_30, %slice3A_31 in 1 : vector<2048x8xf32>, vector<2048x56xf32> -> vector<2048x64xf32>
    %add3A_33 = arith.addf %add3A_28, %concatenate3A_32 : vector<2048x64xf32>
    %broadcast_in_dim3A_34 = arith.constant 0.000000e+00 : f32
    %broadcast_in_dim3A_35 = vector.broadcast %broadcast_in_dim3A_34 : f32 to vector<2048x16xf32>
    %slice3A_36 = vector.extract_strided_slice %add3A_33 {offsets = [0, 0], sizes = [2048, 48], strides = [1, 1]} : vector<2048x64xf32> to vector<2048x48xf32>
    %concatenate3A_37 = tpu.concatenate %broadcast_in_dim3A_35, %slice3A_36 in 1 : vector<2048x16xf32>, vector<2048x48xf32> -> vector<2048x64xf32>
    %add3A_38 = arith.addf %add3A_33, %concatenate3A_37 : vector<2048x64xf32>
    %broadcast_in_dim3A_39 = arith.constant 0.000000e+00 : f32
    %broadcast_in_dim3A_40 = vector.broadcast %broadcast_in_dim3A_39 : f32 to vector<2048x32xf32>
    %slice3A_41 = vector.extract_strided_slice %add3A_38 {offsets = [0, 0], sizes = [2048, 32], strides = [1, 1]} : vector<2048x64xf32> to vector<2048x32xf32>
    %concatenate3A_42 = tpu.concatenate %broadcast_in_dim3A_40, %slice3A_41 in 1 : vector<2048x32xf32>, vector<2048x32xf32> -> vector<2048x64xf32>
    %add3A_43 = arith.addf %add3A_38, %concatenate3A_42 : vector<2048x64xf32>
    %sub3A = arith.subf %add3A_43, %convert_element_type3A_15 : vector<2048x64xf32>
    %eq3A_44 = arith.constant 0.000000e+00 : f32
    %eq3A_45 = vector.broadcast %eq3A_44 : f32 to vector<2048x64xf32>
    %eq3A_46 = arith.cmpf oeq, %sub3A, %eq3A_45 : vector<2048x64xf32>
    %convert_element_type3A_47 = arith.extui %eq3A_46 : vector<2048x64xi1> to vector<2048x64xi32>
    %convert_element_type3A_48 = arith.sitofp %convert_element_type3A_47 : vector<2048x64xi32> to vector<2048x64xf32>
    %mul3A = arith.mulf %convert_element_type3A_15, %convert_element_type3A_48 : vector<2048x64xf32>
    %add3A_49 = arith.addf %broadcast_in_dim3A_11, %mul3A : vector<2048x64xf32>
    %gt3A = arith.constant 0.000000e+00 : f32
    %gt3A_50 = vector.broadcast %gt3A : f32 to vector<2048x64xf32>
    %gt3A_51 = arith.cmpf ogt, %mul3A, %gt3A_50 : vector<2048x64xf32>
    %jit3A = arith.constant -1.000000e+30 : f32
    %broadcast_in_dim3A_52 = vector.broadcast %jit3A : f32 to vector<2048x64xf32>
    %select_n3A = arith.select %gt3A_51, %broadcast_in_dim3A_52, %add3A_10 : vector<2048x64xi1>, vector<2048x64xf32>
    %reduce_max3A_53 = arith.constant dense<0xFF800000> : vector<2048xf32>
    %reduce_max3A_54 = vector.multi_reduction <maximumf>, %select_n3A, %reduce_max3A_53 [1] : vector<2048x64xf32> to vector<2048xf32>
    %broadcast_in_dim3A_55 = vector.shape_cast %reduce_max3A_54 : vector<2048xf32> to vector<2048x1xf32>
    %eq3A_56 = vector.broadcast %broadcast_in_dim3A_55 : vector<2048x1xf32> to vector<2048x64xf32>
    %eq3A_57 = arith.cmpf oeq, %select_n3A, %eq3A_56 : vector<2048x64xf32>
    %convert_element_type3A_58 = arith.extui %eq3A_57 : vector<2048x64xi1> to vector<2048x64xi32>
    %convert_element_type3A_59 = arith.sitofp %convert_element_type3A_58 : vector<2048x64xi32> to vector<2048x64xf32>
    %broadcast_in_dim3A_60 = arith.constant 0.000000e+00 : f32
    %broadcast_in_dim3A_61 = vector.broadcast %broadcast_in_dim3A_60 : f32 to vector<2048x1xf32>
    %slice3A_62 = vector.extract_strided_slice %convert_element_type3A_59 {offsets = [0, 0], sizes = [2048, 63], strides = [1, 1]} : vector<2048x64xf32> to vector<2048x63xf32>
    %concatenate3A_63 = tpu.concatenate %broadcast_in_dim3A_61, %slice3A_62 in 1 : vector<2048x1xf32>, vector<2048x63xf32> -> vector<2048x64xf32>
    %add3A_64 = arith.addf %convert_element_type3A_59, %concatenate3A_63 : vector<2048x64xf32>
    %broadcast_in_dim3A_65 = arith.constant 0.000000e+00 : f32
    %broadcast_in_dim3A_66 = vector.broadcast %broadcast_in_dim3A_65 : f32 to vector<2048x2xf32>
    %slice3A_67 = vector.extract_strided_slice %add3A_64 {offsets = [0, 0], sizes = [2048, 62], strides = [1, 1]} : vector<2048x64xf32> to vector<2048x62xf32>
    %concatenate3A_68 = tpu.concatenate %broadcast_in_dim3A_66, %slice3A_67 in 1 : vector<2048x2xf32>, vector<2048x62xf32> -> vector<2048x64xf32>
    %add3A_69 = arith.addf %add3A_64, %concatenate3A_68 : vector<2048x64xf32>
    %broadcast_in_dim3A_70 = arith.constant 0.000000e+00 : f32
    %broadcast_in_dim3A_71 = vector.broadcast %broadcast_in_dim3A_70 : f32 to vector<2048x4xf32>
    %slice3A_72 = vector.extract_strided_slice %add3A_69 {offsets = [0, 0], sizes = [2048, 60], strides = [1, 1]} : vector<2048x64xf32> to vector<2048x60xf32>
    %concatenate3A_73 = tpu.concatenate %broadcast_in_dim3A_71, %slice3A_72 in 1 : vector<2048x4xf32>, vector<2048x60xf32> -> vector<2048x64xf32>
    %add3A_74 = arith.addf %add3A_69, %concatenate3A_73 : vector<2048x64xf32>
    %broadcast_in_dim3A_75 = arith.constant 0.000000e+00 : f32
    %broadcast_in_dim3A_76 = vector.broadcast %broadcast_in_dim3A_75 : f32 to vector<2048x8xf32>
    %slice3A_77 = vector.extract_strided_slice %add3A_74 {offsets = [0, 0], sizes = [2048, 56], strides = [1, 1]} : vector<2048x64xf32> to vector<2048x56xf32>
    %concatenate3A_78 = tpu.concatenate %broadcast_in_dim3A_76, %slice3A_77 in 1 : vector<2048x8xf32>, vector<2048x56xf32> -> vector<2048x64xf32>
    %add3A_79 = arith.addf %add3A_74, %concatenate3A_78 : vector<2048x64xf32>
    %broadcast_in_dim3A_80 = arith.constant 0.000000e+00 : f32
    %broadcast_in_dim3A_81 = vector.broadcast %broadcast_in_dim3A_80 : f32 to vector<2048x16xf32>
    %slice3A_82 = vector.extract_strided_slice %add3A_79 {offsets = [0, 0], sizes = [2048, 48], strides = [1, 1]} : vector<2048x64xf32> to vector<2048x48xf32>
    %concatenate3A_83 = tpu.concatenate %broadcast_in_dim3A_81, %slice3A_82 in 1 : vector<2048x16xf32>, vector<2048x48xf32> -> vector<2048x64xf32>
    %add3A_84 = arith.addf %add3A_79, %concatenate3A_83 : vector<2048x64xf32>
    %broadcast_in_dim3A_85 = arith.constant 0.000000e+00 : f32
    %broadcast_in_dim3A_86 = vector.broadcast %broadcast_in_dim3A_85 : f32 to vector<2048x32xf32>
    %slice3A_87 = vector.extract_strided_slice %add3A_84 {offsets = [0, 0], sizes = [2048, 32], strides = [1, 1]} : vector<2048x64xf32> to vector<2048x32xf32>
    %concatenate3A_88 = tpu.concatenate %broadcast_in_dim3A_86, %slice3A_87 in 1 : vector<2048x32xf32>, vector<2048x32xf32> -> vector<2048x64xf32>
    %add3A_89 = arith.addf %add3A_84, %concatenate3A_88 : vector<2048x64xf32>
    %sub3A_90 = arith.subf %add3A_89, %convert_element_type3A_59 : vector<2048x64xf32>
    %eq3A_91 = arith.constant 0.000000e+00 : f32
    %eq3A_92 = vector.broadcast %eq3A_91 : f32 to vector<2048x64xf32>
    %eq3A_93 = arith.cmpf oeq, %sub3A_90, %eq3A_92 : vector<2048x64xf32>
    %convert_element_type3A_94 = arith.extui %eq3A_93 : vector<2048x64xi1> to vector<2048x64xi32>
    %convert_element_type3A_95 = arith.sitofp %convert_element_type3A_94 : vector<2048x64xi32> to vector<2048x64xf32>
    %mul3A_96 = arith.mulf %convert_element_type3A_59, %convert_element_type3A_95 : vector<2048x64xf32>
    %add3A_97 = arith.addf %add3A_49, %mul3A_96 : vector<2048x64xf32>
    %gt3A_98 = arith.constant 0.000000e+00 : f32
    %gt3A_99 = vector.broadcast %gt3A_98 : f32 to vector<2048x64xf32>
    %gt3A_100 = arith.cmpf ogt, %mul3A_96, %gt3A_99 : vector<2048x64xf32>
    %jit3A_101 = arith.constant -1.000000e+30 : f32
    %broadcast_in_dim3A_102 = vector.broadcast %jit3A_101 : f32 to vector<2048x64xf32>
    %select_n3A_103 = arith.select %gt3A_100, %broadcast_in_dim3A_102, %select_n3A : vector<2048x64xi1>, vector<2048x64xf32>
    %reduce_max3A_104 = arith.constant dense<0xFF800000> : vector<2048xf32>
    %reduce_max3A_105 = vector.multi_reduction <maximumf>, %select_n3A_103, %reduce_max3A_104 [1] : vector<2048x64xf32> to vector<2048xf32>
    %broadcast_in_dim3A_106 = vector.shape_cast %reduce_max3A_105 : vector<2048xf32> to vector<2048x1xf32>
    %eq3A_107 = vector.broadcast %broadcast_in_dim3A_106 : vector<2048x1xf32> to vector<2048x64xf32>
    %eq3A_108 = arith.cmpf oeq, %select_n3A_103, %eq3A_107 : vector<2048x64xf32>
    %convert_element_type3A_109 = arith.extui %eq3A_108 : vector<2048x64xi1> to vector<2048x64xi32>
    %convert_element_type3A_110 = arith.sitofp %convert_element_type3A_109 : vector<2048x64xi32> to vector<2048x64xf32>
    %broadcast_in_dim3A_111 = arith.constant 0.000000e+00 : f32
    %broadcast_in_dim3A_112 = vector.broadcast %broadcast_in_dim3A_111 : f32 to vector<2048x1xf32>
    %slice3A_113 = vector.extract_strided_slice %convert_element_type3A_110 {offsets = [0, 0], sizes = [2048, 63], strides = [1, 1]} : vector<2048x64xf32> to vector<2048x63xf32>
    %concatenate3A_114 = tpu.concatenate %broadcast_in_dim3A_112, %slice3A_113 in 1 : vector<2048x1xf32>, vector<2048x63xf32> -> vector<2048x64xf32>
    %add3A_115 = arith.addf %convert_element_type3A_110, %concatenate3A_114 : vector<2048x64xf32>
    %broadcast_in_dim3A_116 = arith.constant 0.000000e+00 : f32
    %broadcast_in_dim3A_117 = vector.broadcast %broadcast_in_dim3A_116 : f32 to vector<2048x2xf32>
    %slice3A_118 = vector.extract_strided_slice %add3A_115 {offsets = [0, 0], sizes = [2048, 62], strides = [1, 1]} : vector<2048x64xf32> to vector<2048x62xf32>
    %concatenate3A_119 = tpu.concatenate %broadcast_in_dim3A_117, %slice3A_118 in 1 : vector<2048x2xf32>, vector<2048x62xf32> -> vector<2048x64xf32>
    %add3A_120 = arith.addf %add3A_115, %concatenate3A_119 : vector<2048x64xf32>
    %broadcast_in_dim3A_121 = arith.constant 0.000000e+00 : f32
    %broadcast_in_dim3A_122 = vector.broadcast %broadcast_in_dim3A_121 : f32 to vector<2048x4xf32>
    %slice3A_123 = vector.extract_strided_slice %add3A_120 {offsets = [0, 0], sizes = [2048, 60], strides = [1, 1]} : vector<2048x64xf32> to vector<2048x60xf32>
    %concatenate3A_124 = tpu.concatenate %broadcast_in_dim3A_122, %slice3A_123 in 1 : vector<2048x4xf32>, vector<2048x60xf32> -> vector<2048x64xf32>
    %add3A_125 = arith.addf %add3A_120, %concatenate3A_124 : vector<2048x64xf32>
    %broadcast_in_dim3A_126 = arith.constant 0.000000e+00 : f32
    %broadcast_in_dim3A_127 = vector.broadcast %broadcast_in_dim3A_126 : f32 to vector<2048x8xf32>
    %slice3A_128 = vector.extract_strided_slice %add3A_125 {offsets = [0, 0], sizes = [2048, 56], strides = [1, 1]} : vector<2048x64xf32> to vector<2048x56xf32>
    %concatenate3A_129 = tpu.concatenate %broadcast_in_dim3A_127, %slice3A_128 in 1 : vector<2048x8xf32>, vector<2048x56xf32> -> vector<2048x64xf32>
    %add3A_130 = arith.addf %add3A_125, %concatenate3A_129 : vector<2048x64xf32>
    %broadcast_in_dim3A_131 = arith.constant 0.000000e+00 : f32
    %broadcast_in_dim3A_132 = vector.broadcast %broadcast_in_dim3A_131 : f32 to vector<2048x16xf32>
    %slice3A_133 = vector.extract_strided_slice %add3A_130 {offsets = [0, 0], sizes = [2048, 48], strides = [1, 1]} : vector<2048x64xf32> to vector<2048x48xf32>
    %concatenate3A_134 = tpu.concatenate %broadcast_in_dim3A_132, %slice3A_133 in 1 : vector<2048x16xf32>, vector<2048x48xf32> -> vector<2048x64xf32>
    %add3A_135 = arith.addf %add3A_130, %concatenate3A_134 : vector<2048x64xf32>
    %broadcast_in_dim3A_136 = arith.constant 0.000000e+00 : f32
    %broadcast_in_dim3A_137 = vector.broadcast %broadcast_in_dim3A_136 : f32 to vector<2048x32xf32>
    %slice3A_138 = vector.extract_strided_slice %add3A_135 {offsets = [0, 0], sizes = [2048, 32], strides = [1, 1]} : vector<2048x64xf32> to vector<2048x32xf32>
    %concatenate3A_139 = tpu.concatenate %broadcast_in_dim3A_137, %slice3A_138 in 1 : vector<2048x32xf32>, vector<2048x32xf32> -> vector<2048x64xf32>
    %add3A_140 = arith.addf %add3A_135, %concatenate3A_139 : vector<2048x64xf32>
    %sub3A_141 = arith.subf %add3A_140, %convert_element_type3A_110 : vector<2048x64xf32>
    %eq3A_142 = arith.constant 0.000000e+00 : f32
    %eq3A_143 = vector.broadcast %eq3A_142 : f32 to vector<2048x64xf32>
    %eq3A_144 = arith.cmpf oeq, %sub3A_141, %eq3A_143 : vector<2048x64xf32>
    %convert_element_type3A_145 = arith.extui %eq3A_144 : vector<2048x64xi1> to vector<2048x64xi32>
    %convert_element_type3A_146 = arith.sitofp %convert_element_type3A_145 : vector<2048x64xi32> to vector<2048x64xf32>
    %mul3A_147 = arith.mulf %convert_element_type3A_110, %convert_element_type3A_146 : vector<2048x64xf32>
    %add3A_148 = arith.addf %add3A_97, %mul3A_147 : vector<2048x64xf32>
    %gt3A_149 = arith.constant 0.000000e+00 : f32
    %gt3A_150 = vector.broadcast %gt3A_149 : f32 to vector<2048x64xf32>
    %gt3A_151 = arith.cmpf ogt, %mul3A_147, %gt3A_150 : vector<2048x64xf32>
    %jit3A_152 = arith.constant -1.000000e+30 : f32
    %broadcast_in_dim3A_153 = vector.broadcast %jit3A_152 : f32 to vector<2048x64xf32>
    %select_n3A_154 = arith.select %gt3A_151, %broadcast_in_dim3A_153, %select_n3A_103 : vector<2048x64xi1>, vector<2048x64xf32>
    %reduce_max3A_155 = arith.constant dense<0xFF800000> : vector<2048xf32>
    %reduce_max3A_156 = vector.multi_reduction <maximumf>, %select_n3A_154, %reduce_max3A_155 [1] : vector<2048x64xf32> to vector<2048xf32>
    %broadcast_in_dim3A_157 = vector.shape_cast %reduce_max3A_156 : vector<2048xf32> to vector<2048x1xf32>
    %eq3A_158 = vector.broadcast %broadcast_in_dim3A_157 : vector<2048x1xf32> to vector<2048x64xf32>
    %eq3A_159 = arith.cmpf oeq, %select_n3A_154, %eq3A_158 : vector<2048x64xf32>
    %convert_element_type3A_160 = arith.extui %eq3A_159 : vector<2048x64xi1> to vector<2048x64xi32>
    %convert_element_type3A_161 = arith.sitofp %convert_element_type3A_160 : vector<2048x64xi32> to vector<2048x64xf32>
    %broadcast_in_dim3A_162 = arith.constant 0.000000e+00 : f32
    %broadcast_in_dim3A_163 = vector.broadcast %broadcast_in_dim3A_162 : f32 to vector<2048x1xf32>
    %slice3A_164 = vector.extract_strided_slice %convert_element_type3A_161 {offsets = [0, 0], sizes = [2048, 63], strides = [1, 1]} : vector<2048x64xf32> to vector<2048x63xf32>
    %concatenate3A_165 = tpu.concatenate %broadcast_in_dim3A_163, %slice3A_164 in 1 : vector<2048x1xf32>, vector<2048x63xf32> -> vector<2048x64xf32>
    %add3A_166 = arith.addf %convert_element_type3A_161, %concatenate3A_165 : vector<2048x64xf32>
    %broadcast_in_dim3A_167 = arith.constant 0.000000e+00 : f32
    %broadcast_in_dim3A_168 = vector.broadcast %broadcast_in_dim3A_167 : f32 to vector<2048x2xf32>
    %slice3A_169 = vector.extract_strided_slice %add3A_166 {offsets = [0, 0], sizes = [2048, 62], strides = [1, 1]} : vector<2048x64xf32> to vector<2048x62xf32>
    %concatenate3A_170 = tpu.concatenate %broadcast_in_dim3A_168, %slice3A_169 in 1 : vector<2048x2xf32>, vector<2048x62xf32> -> vector<2048x64xf32>
    %add3A_171 = arith.addf %add3A_166, %concatenate3A_170 : vector<2048x64xf32>
    %broadcast_in_dim3A_172 = arith.constant 0.000000e+00 : f32
    %broadcast_in_dim3A_173 = vector.broadcast %broadcast_in_dim3A_172 : f32 to vector<2048x4xf32>
    %slice3A_174 = vector.extract_strided_slice %add3A_171 {offsets = [0, 0], sizes = [2048, 60], strides = [1, 1]} : vector<2048x64xf32> to vector<2048x60xf32>
    %concatenate3A_175 = tpu.concatenate %broadcast_in_dim3A_173, %slice3A_174 in 1 : vector<2048x4xf32>, vector<2048x60xf32> -> vector<2048x64xf32>
    %add3A_176 = arith.addf %add3A_171, %concatenate3A_175 : vector<2048x64xf32>
    %broadcast_in_dim3A_177 = arith.constant 0.000000e+00 : f32
    %broadcast_in_dim3A_178 = vector.broadcast %broadcast_in_dim3A_177 : f32 to vector<2048x8xf32>
    %slice3A_179 = vector.extract_strided_slice %add3A_176 {offsets = [0, 0], sizes = [2048, 56], strides = [1, 1]} : vector<2048x64xf32> to vector<2048x56xf32>
    %concatenate3A_180 = tpu.concatenate %broadcast_in_dim3A_178, %slice3A_179 in 1 : vector<2048x8xf32>, vector<2048x56xf32> -> vector<2048x64xf32>
    %add3A_181 = arith.addf %add3A_176, %concatenate3A_180 : vector<2048x64xf32>
    %broadcast_in_dim3A_182 = arith.constant 0.000000e+00 : f32
    %broadcast_in_dim3A_183 = vector.broadcast %broadcast_in_dim3A_182 : f32 to vector<2048x16xf32>
    %slice3A_184 = vector.extract_strided_slice %add3A_181 {offsets = [0, 0], sizes = [2048, 48], strides = [1, 1]} : vector<2048x64xf32> to vector<2048x48xf32>
    %concatenate3A_185 = tpu.concatenate %broadcast_in_dim3A_183, %slice3A_184 in 1 : vector<2048x16xf32>, vector<2048x48xf32> -> vector<2048x64xf32>
    %add3A_186 = arith.addf %add3A_181, %concatenate3A_185 : vector<2048x64xf32>
    %broadcast_in_dim3A_187 = arith.constant 0.000000e+00 : f32
    %broadcast_in_dim3A_188 = vector.broadcast %broadcast_in_dim3A_187 : f32 to vector<2048x32xf32>
    %slice3A_189 = vector.extract_strided_slice %add3A_186 {offsets = [0, 0], sizes = [2048, 32], strides = [1, 1]} : vector<2048x64xf32> to vector<2048x32xf32>
    %concatenate3A_190 = tpu.concatenate %broadcast_in_dim3A_188, %slice3A_189 in 1 : vector<2048x32xf32>, vector<2048x32xf32> -> vector<2048x64xf32>
    %add3A_191 = arith.addf %add3A_186, %concatenate3A_190 : vector<2048x64xf32>
    %sub3A_192 = arith.subf %add3A_191, %convert_element_type3A_161 : vector<2048x64xf32>
    %eq3A_193 = arith.constant 0.000000e+00 : f32
    %eq3A_194 = vector.broadcast %eq3A_193 : f32 to vector<2048x64xf32>
    %eq3A_195 = arith.cmpf oeq, %sub3A_192, %eq3A_194 : vector<2048x64xf32>
    %convert_element_type3A_196 = arith.extui %eq3A_195 : vector<2048x64xi1> to vector<2048x64xi32>
    %convert_element_type3A_197 = arith.sitofp %convert_element_type3A_196 : vector<2048x64xi32> to vector<2048x64xf32>
    %mul3A_198 = arith.mulf %convert_element_type3A_161, %convert_element_type3A_197 : vector<2048x64xf32>
    %add3A_199 = arith.addf %add3A_148, %mul3A_198 : vector<2048x64xf32>
    %gt3A_200 = arith.constant 0.000000e+00 : f32
    %gt3A_201 = vector.broadcast %gt3A_200 : f32 to vector<2048x64xf32>
    %gt3A_202 = arith.cmpf ogt, %mul3A_198, %gt3A_201 : vector<2048x64xf32>
    %jit3A_203 = arith.constant -1.000000e+30 : f32
    %broadcast_in_dim3A_204 = vector.broadcast %jit3A_203 : f32 to vector<2048x64xf32>
    %select_n3A_205 = arith.select %gt3A_202, %broadcast_in_dim3A_204, %select_n3A_154 : vector<2048x64xi1>, vector<2048x64xf32>
    %reduce_max3A_206 = arith.constant dense<0xFF800000> : vector<2048xf32>
    %reduce_max3A_207 = vector.multi_reduction <maximumf>, %select_n3A_205, %reduce_max3A_206 [1] : vector<2048x64xf32> to vector<2048xf32>
    %broadcast_in_dim3A_208 = vector.shape_cast %reduce_max3A_207 : vector<2048xf32> to vector<2048x1xf32>
    %eq3A_209 = vector.broadcast %broadcast_in_dim3A_208 : vector<2048x1xf32> to vector<2048x64xf32>
    %eq3A_210 = arith.cmpf oeq, %select_n3A_205, %eq3A_209 : vector<2048x64xf32>
    %convert_element_type3A_211 = arith.extui %eq3A_210 : vector<2048x64xi1> to vector<2048x64xi32>
    %convert_element_type3A_212 = arith.sitofp %convert_element_type3A_211 : vector<2048x64xi32> to vector<2048x64xf32>
    %broadcast_in_dim3A_213 = arith.constant 0.000000e+00 : f32
    %broadcast_in_dim3A_214 = vector.broadcast %broadcast_in_dim3A_213 : f32 to vector<2048x1xf32>
    %slice3A_215 = vector.extract_strided_slice %convert_element_type3A_212 {offsets = [0, 0], sizes = [2048, 63], strides = [1, 1]} : vector<2048x64xf32> to vector<2048x63xf32>
    %concatenate3A_216 = tpu.concatenate %broadcast_in_dim3A_214, %slice3A_215 in 1 : vector<2048x1xf32>, vector<2048x63xf32> -> vector<2048x64xf32>
    %add3A_217 = arith.addf %convert_element_type3A_212, %concatenate3A_216 : vector<2048x64xf32>
    %broadcast_in_dim3A_218 = arith.constant 0.000000e+00 : f32
    %broadcast_in_dim3A_219 = vector.broadcast %broadcast_in_dim3A_218 : f32 to vector<2048x2xf32>
    %slice3A_220 = vector.extract_strided_slice %add3A_217 {offsets = [0, 0], sizes = [2048, 62], strides = [1, 1]} : vector<2048x64xf32> to vector<2048x62xf32>
    %concatenate3A_221 = tpu.concatenate %broadcast_in_dim3A_219, %slice3A_220 in 1 : vector<2048x2xf32>, vector<2048x62xf32> -> vector<2048x64xf32>
    %add3A_222 = arith.addf %add3A_217, %concatenate3A_221 : vector<2048x64xf32>
    %broadcast_in_dim3A_223 = arith.constant 0.000000e+00 : f32
    %broadcast_in_dim3A_224 = vector.broadcast %broadcast_in_dim3A_223 : f32 to vector<2048x4xf32>
    %slice3A_225 = vector.extract_strided_slice %add3A_222 {offsets = [0, 0], sizes = [2048, 60], strides = [1, 1]} : vector<2048x64xf32> to vector<2048x60xf32>
    %concatenate3A_226 = tpu.concatenate %broadcast_in_dim3A_224, %slice3A_225 in 1 : vector<2048x4xf32>, vector<2048x60xf32> -> vector<2048x64xf32>
    %add3A_227 = arith.addf %add3A_222, %concatenate3A_226 : vector<2048x64xf32>
    %broadcast_in_dim3A_228 = arith.constant 0.000000e+00 : f32
    %broadcast_in_dim3A_229 = vector.broadcast %broadcast_in_dim3A_228 : f32 to vector<2048x8xf32>
    %slice3A_230 = vector.extract_strided_slice %add3A_227 {offsets = [0, 0], sizes = [2048, 56], strides = [1, 1]} : vector<2048x64xf32> to vector<2048x56xf32>
    %concatenate3A_231 = tpu.concatenate %broadcast_in_dim3A_229, %slice3A_230 in 1 : vector<2048x8xf32>, vector<2048x56xf32> -> vector<2048x64xf32>
    %add3A_232 = arith.addf %add3A_227, %concatenate3A_231 : vector<2048x64xf32>
    %broadcast_in_dim3A_233 = arith.constant 0.000000e+00 : f32
    %broadcast_in_dim3A_234 = vector.broadcast %broadcast_in_dim3A_233 : f32 to vector<2048x16xf32>
    %slice3A_235 = vector.extract_strided_slice %add3A_232 {offsets = [0, 0], sizes = [2048, 48], strides = [1, 1]} : vector<2048x64xf32> to vector<2048x48xf32>
    %concatenate3A_236 = tpu.concatenate %broadcast_in_dim3A_234, %slice3A_235 in 1 : vector<2048x16xf32>, vector<2048x48xf32> -> vector<2048x64xf32>
    %add3A_237 = arith.addf %add3A_232, %concatenate3A_236 : vector<2048x64xf32>
    %broadcast_in_dim3A_238 = arith.constant 0.000000e+00 : f32
    %broadcast_in_dim3A_239 = vector.broadcast %broadcast_in_dim3A_238 : f32 to vector<2048x32xf32>
    %slice3A_240 = vector.extract_strided_slice %add3A_237 {offsets = [0, 0], sizes = [2048, 32], strides = [1, 1]} : vector<2048x64xf32> to vector<2048x32xf32>
    %concatenate3A_241 = tpu.concatenate %broadcast_in_dim3A_239, %slice3A_240 in 1 : vector<2048x32xf32>, vector<2048x32xf32> -> vector<2048x64xf32>
    %add3A_242 = arith.addf %add3A_237, %concatenate3A_241 : vector<2048x64xf32>
    %sub3A_243 = arith.subf %add3A_242, %convert_element_type3A_212 : vector<2048x64xf32>
    %eq3A_244 = arith.constant 0.000000e+00 : f32
    %eq3A_245 = vector.broadcast %eq3A_244 : f32 to vector<2048x64xf32>
    %eq3A_246 = arith.cmpf oeq, %sub3A_243, %eq3A_245 : vector<2048x64xf32>
    %convert_element_type3A_247 = arith.extui %eq3A_246 : vector<2048x64xi1> to vector<2048x64xi32>
    %convert_element_type3A_248 = arith.sitofp %convert_element_type3A_247 : vector<2048x64xi32> to vector<2048x64xf32>
    %mul3A_249 = arith.mulf %convert_element_type3A_212, %convert_element_type3A_248 : vector<2048x64xf32>
    %add3A_250 = arith.addf %add3A_199, %mul3A_249 : vector<2048x64xf32>
    %gt3A_251 = arith.constant 0.000000e+00 : f32
    %gt3A_252 = vector.broadcast %gt3A_251 : f32 to vector<2048x64xf32>
    %gt3A_253 = arith.cmpf ogt, %mul3A_249, %gt3A_252 : vector<2048x64xf32>
    %jit3A_254 = arith.constant -1.000000e+30 : f32
    %broadcast_in_dim3A_255 = vector.broadcast %jit3A_254 : f32 to vector<2048x64xf32>
    %select_n3A_256 = arith.select %gt3A_253, %broadcast_in_dim3A_255, %select_n3A_205 : vector<2048x64xi1>, vector<2048x64xf32>
    %reduce_max3A_257 = arith.constant dense<0xFF800000> : vector<2048xf32>
    %reduce_max3A_258 = vector.multi_reduction <maximumf>, %select_n3A_256, %reduce_max3A_257 [1] : vector<2048x64xf32> to vector<2048xf32>
    %broadcast_in_dim3A_259 = vector.shape_cast %reduce_max3A_258 : vector<2048xf32> to vector<2048x1xf32>
    %eq3A_260 = vector.broadcast %broadcast_in_dim3A_259 : vector<2048x1xf32> to vector<2048x64xf32>
    %eq3A_261 = arith.cmpf oeq, %select_n3A_256, %eq3A_260 : vector<2048x64xf32>
    %convert_element_type3A_262 = arith.extui %eq3A_261 : vector<2048x64xi1> to vector<2048x64xi32>
    %convert_element_type3A_263 = arith.sitofp %convert_element_type3A_262 : vector<2048x64xi32> to vector<2048x64xf32>
    %broadcast_in_dim3A_264 = arith.constant 0.000000e+00 : f32
    %broadcast_in_dim3A_265 = vector.broadcast %broadcast_in_dim3A_264 : f32 to vector<2048x1xf32>
    %slice3A_266 = vector.extract_strided_slice %convert_element_type3A_263 {offsets = [0, 0], sizes = [2048, 63], strides = [1, 1]} : vector<2048x64xf32> to vector<2048x63xf32>
    %concatenate3A_267 = tpu.concatenate %broadcast_in_dim3A_265, %slice3A_266 in 1 : vector<2048x1xf32>, vector<2048x63xf32> -> vector<2048x64xf32>
    %add3A_268 = arith.addf %convert_element_type3A_263, %concatenate3A_267 : vector<2048x64xf32>
    %broadcast_in_dim3A_269 = arith.constant 0.000000e+00 : f32
    %broadcast_in_dim3A_270 = vector.broadcast %broadcast_in_dim3A_269 : f32 to vector<2048x2xf32>
    %slice3A_271 = vector.extract_strided_slice %add3A_268 {offsets = [0, 0], sizes = [2048, 62], strides = [1, 1]} : vector<2048x64xf32> to vector<2048x62xf32>
    %concatenate3A_272 = tpu.concatenate %broadcast_in_dim3A_270, %slice3A_271 in 1 : vector<2048x2xf32>, vector<2048x62xf32> -> vector<2048x64xf32>
    %add3A_273 = arith.addf %add3A_268, %concatenate3A_272 : vector<2048x64xf32>
    %broadcast_in_dim3A_274 = arith.constant 0.000000e+00 : f32
    %broadcast_in_dim3A_275 = vector.broadcast %broadcast_in_dim3A_274 : f32 to vector<2048x4xf32>
    %slice3A_276 = vector.extract_strided_slice %add3A_273 {offsets = [0, 0], sizes = [2048, 60], strides = [1, 1]} : vector<2048x64xf32> to vector<2048x60xf32>
    %concatenate3A_277 = tpu.concatenate %broadcast_in_dim3A_275, %slice3A_276 in 1 : vector<2048x4xf32>, vector<2048x60xf32> -> vector<2048x64xf32>
    %add3A_278 = arith.addf %add3A_273, %concatenate3A_277 : vector<2048x64xf32>
    %broadcast_in_dim3A_279 = arith.constant 0.000000e+00 : f32
    %broadcast_in_dim3A_280 = vector.broadcast %broadcast_in_dim3A_279 : f32 to vector<2048x8xf32>
    %slice3A_281 = vector.extract_strided_slice %add3A_278 {offsets = [0, 0], sizes = [2048, 56], strides = [1, 1]} : vector<2048x64xf32> to vector<2048x56xf32>
    %concatenate3A_282 = tpu.concatenate %broadcast_in_dim3A_280, %slice3A_281 in 1 : vector<2048x8xf32>, vector<2048x56xf32> -> vector<2048x64xf32>
    %add3A_283 = arith.addf %add3A_278, %concatenate3A_282 : vector<2048x64xf32>
    %broadcast_in_dim3A_284 = arith.constant 0.000000e+00 : f32
    %broadcast_in_dim3A_285 = vector.broadcast %broadcast_in_dim3A_284 : f32 to vector<2048x16xf32>
    %slice3A_286 = vector.extract_strided_slice %add3A_283 {offsets = [0, 0], sizes = [2048, 48], strides = [1, 1]} : vector<2048x64xf32> to vector<2048x48xf32>
    %concatenate3A_287 = tpu.concatenate %broadcast_in_dim3A_285, %slice3A_286 in 1 : vector<2048x16xf32>, vector<2048x48xf32> -> vector<2048x64xf32>
    %add3A_288 = arith.addf %add3A_283, %concatenate3A_287 : vector<2048x64xf32>
    %broadcast_in_dim3A_289 = arith.constant 0.000000e+00 : f32
    %broadcast_in_dim3A_290 = vector.broadcast %broadcast_in_dim3A_289 : f32 to vector<2048x32xf32>
    %slice3A_291 = vector.extract_strided_slice %add3A_288 {offsets = [0, 0], sizes = [2048, 32], strides = [1, 1]} : vector<2048x64xf32> to vector<2048x32xf32>
    %concatenate3A_292 = tpu.concatenate %broadcast_in_dim3A_290, %slice3A_291 in 1 : vector<2048x32xf32>, vector<2048x32xf32> -> vector<2048x64xf32>
    %add3A_293 = arith.addf %add3A_288, %concatenate3A_292 : vector<2048x64xf32>
    %sub3A_294 = arith.subf %add3A_293, %convert_element_type3A_263 : vector<2048x64xf32>
    %eq3A_295 = arith.constant 0.000000e+00 : f32
    %eq3A_296 = vector.broadcast %eq3A_295 : f32 to vector<2048x64xf32>
    %eq3A_297 = arith.cmpf oeq, %sub3A_294, %eq3A_296 : vector<2048x64xf32>
    %convert_element_type3A_298 = arith.extui %eq3A_297 : vector<2048x64xi1> to vector<2048x64xi32>
    %convert_element_type3A_299 = arith.sitofp %convert_element_type3A_298 : vector<2048x64xi32> to vector<2048x64xf32>
    %mul3A_300 = arith.mulf %convert_element_type3A_263, %convert_element_type3A_299 : vector<2048x64xf32>
    %add3A_301 = arith.addf %add3A_250, %mul3A_300 : vector<2048x64xf32>
    %gt3A_302 = arith.constant 0.000000e+00 : f32
    %gt3A_303 = vector.broadcast %gt3A_302 : f32 to vector<2048x64xf32>
    %gt3A_304 = arith.cmpf ogt, %mul3A_300, %gt3A_303 : vector<2048x64xf32>
    %jit3A_305 = arith.constant -1.000000e+30 : f32
    %broadcast_in_dim3A_306 = vector.broadcast %jit3A_305 : f32 to vector<2048x64xf32>
    %select_n3A_307 = arith.select %gt3A_304, %broadcast_in_dim3A_306, %select_n3A_256 : vector<2048x64xi1>, vector<2048x64xf32>
    %reduce_max3A_308 = arith.constant dense<0xFF800000> : vector<2048xf32>
    %reduce_max3A_309 = vector.multi_reduction <maximumf>, %select_n3A_307, %reduce_max3A_308 [1] : vector<2048x64xf32> to vector<2048xf32>
    %broadcast_in_dim3A_310 = vector.shape_cast %reduce_max3A_309 : vector<2048xf32> to vector<2048x1xf32>
    %eq3A_311 = vector.broadcast %broadcast_in_dim3A_310 : vector<2048x1xf32> to vector<2048x64xf32>
    %eq3A_312 = arith.cmpf oeq, %select_n3A_307, %eq3A_311 : vector<2048x64xf32>
    %convert_element_type3A_313 = arith.extui %eq3A_312 : vector<2048x64xi1> to vector<2048x64xi32>
    %convert_element_type3A_314 = arith.sitofp %convert_element_type3A_313 : vector<2048x64xi32> to vector<2048x64xf32>
    %broadcast_in_dim3A_315 = arith.constant 0.000000e+00 : f32
    %broadcast_in_dim3A_316 = vector.broadcast %broadcast_in_dim3A_315 : f32 to vector<2048x1xf32>
    %slice3A_317 = vector.extract_strided_slice %convert_element_type3A_314 {offsets = [0, 0], sizes = [2048, 63], strides = [1, 1]} : vector<2048x64xf32> to vector<2048x63xf32>
    %concatenate3A_318 = tpu.concatenate %broadcast_in_dim3A_316, %slice3A_317 in 1 : vector<2048x1xf32>, vector<2048x63xf32> -> vector<2048x64xf32>
    %add3A_319 = arith.addf %convert_element_type3A_314, %concatenate3A_318 : vector<2048x64xf32>
    %broadcast_in_dim3A_320 = arith.constant 0.000000e+00 : f32
    %broadcast_in_dim3A_321 = vector.broadcast %broadcast_in_dim3A_320 : f32 to vector<2048x2xf32>
    %slice3A_322 = vector.extract_strided_slice %add3A_319 {offsets = [0, 0], sizes = [2048, 62], strides = [1, 1]} : vector<2048x64xf32> to vector<2048x62xf32>
    %concatenate3A_323 = tpu.concatenate %broadcast_in_dim3A_321, %slice3A_322 in 1 : vector<2048x2xf32>, vector<2048x62xf32> -> vector<2048x64xf32>
    %add3A_324 = arith.addf %add3A_319, %concatenate3A_323 : vector<2048x64xf32>
    %broadcast_in_dim3A_325 = arith.constant 0.000000e+00 : f32
    %broadcast_in_dim3A_326 = vector.broadcast %broadcast_in_dim3A_325 : f32 to vector<2048x4xf32>
    %slice3A_327 = vector.extract_strided_slice %add3A_324 {offsets = [0, 0], sizes = [2048, 60], strides = [1, 1]} : vector<2048x64xf32> to vector<2048x60xf32>
    %concatenate3A_328 = tpu.concatenate %broadcast_in_dim3A_326, %slice3A_327 in 1 : vector<2048x4xf32>, vector<2048x60xf32> -> vector<2048x64xf32>
    %add3A_329 = arith.addf %add3A_324, %concatenate3A_328 : vector<2048x64xf32>
    %broadcast_in_dim3A_330 = arith.constant 0.000000e+00 : f32
    %broadcast_in_dim3A_331 = vector.broadcast %broadcast_in_dim3A_330 : f32 to vector<2048x8xf32>
    %slice3A_332 = vector.extract_strided_slice %add3A_329 {offsets = [0, 0], sizes = [2048, 56], strides = [1, 1]} : vector<2048x64xf32> to vector<2048x56xf32>
    %concatenate3A_333 = tpu.concatenate %broadcast_in_dim3A_331, %slice3A_332 in 1 : vector<2048x8xf32>, vector<2048x56xf32> -> vector<2048x64xf32>
    %add3A_334 = arith.addf %add3A_329, %concatenate3A_333 : vector<2048x64xf32>
    %broadcast_in_dim3A_335 = arith.constant 0.000000e+00 : f32
    %broadcast_in_dim3A_336 = vector.broadcast %broadcast_in_dim3A_335 : f32 to vector<2048x16xf32>
    %slice3A_337 = vector.extract_strided_slice %add3A_334 {offsets = [0, 0], sizes = [2048, 48], strides = [1, 1]} : vector<2048x64xf32> to vector<2048x48xf32>
    %concatenate3A_338 = tpu.concatenate %broadcast_in_dim3A_336, %slice3A_337 in 1 : vector<2048x16xf32>, vector<2048x48xf32> -> vector<2048x64xf32>
    %add3A_339 = arith.addf %add3A_334, %concatenate3A_338 : vector<2048x64xf32>
    %broadcast_in_dim3A_340 = arith.constant 0.000000e+00 : f32
    %broadcast_in_dim3A_341 = vector.broadcast %broadcast_in_dim3A_340 : f32 to vector<2048x32xf32>
    %slice3A_342 = vector.extract_strided_slice %add3A_339 {offsets = [0, 0], sizes = [2048, 32], strides = [1, 1]} : vector<2048x64xf32> to vector<2048x32xf32>
    %concatenate3A_343 = tpu.concatenate %broadcast_in_dim3A_341, %slice3A_342 in 1 : vector<2048x32xf32>, vector<2048x32xf32> -> vector<2048x64xf32>
    %add3A_344 = arith.addf %add3A_339, %concatenate3A_343 : vector<2048x64xf32>
    %sub3A_345 = arith.subf %add3A_344, %convert_element_type3A_314 : vector<2048x64xf32>
    %eq3A_346 = arith.constant 0.000000e+00 : f32
    %eq3A_347 = vector.broadcast %eq3A_346 : f32 to vector<2048x64xf32>
    %eq3A_348 = arith.cmpf oeq, %sub3A_345, %eq3A_347 : vector<2048x64xf32>
    %convert_element_type3A_349 = arith.extui %eq3A_348 : vector<2048x64xi1> to vector<2048x64xi32>
    %convert_element_type3A_350 = arith.sitofp %convert_element_type3A_349 : vector<2048x64xi32> to vector<2048x64xf32>
    %mul3A_351 = arith.mulf %convert_element_type3A_314, %convert_element_type3A_350 : vector<2048x64xf32>
    %add3A_352 = arith.addf %add3A_301, %mul3A_351 : vector<2048x64xf32>
    %gt3A_353 = arith.constant 0.000000e+00 : f32
    %gt3A_354 = vector.broadcast %gt3A_353 : f32 to vector<2048x64xf32>
    %gt3A_355 = arith.cmpf ogt, %mul3A_351, %gt3A_354 : vector<2048x64xf32>
    %jit3A_356 = arith.constant -1.000000e+30 : f32
    %broadcast_in_dim3A_357 = vector.broadcast %jit3A_356 : f32 to vector<2048x64xf32>
    %select_n3A_358 = arith.select %gt3A_355, %broadcast_in_dim3A_357, %select_n3A_307 : vector<2048x64xi1>, vector<2048x64xf32>
    %reduce_max3A_359 = arith.constant dense<0xFF800000> : vector<2048xf32>
    %reduce_max3A_360 = vector.multi_reduction <maximumf>, %select_n3A_358, %reduce_max3A_359 [1] : vector<2048x64xf32> to vector<2048xf32>
    %broadcast_in_dim3A_361 = vector.shape_cast %reduce_max3A_360 : vector<2048xf32> to vector<2048x1xf32>
    %eq3A_362 = vector.broadcast %broadcast_in_dim3A_361 : vector<2048x1xf32> to vector<2048x64xf32>
    %eq3A_363 = arith.cmpf oeq, %select_n3A_358, %eq3A_362 : vector<2048x64xf32>
    %convert_element_type3A_364 = arith.extui %eq3A_363 : vector<2048x64xi1> to vector<2048x64xi32>
    %convert_element_type3A_365 = arith.sitofp %convert_element_type3A_364 : vector<2048x64xi32> to vector<2048x64xf32>
    %broadcast_in_dim3A_366 = arith.constant 0.000000e+00 : f32
    %broadcast_in_dim3A_367 = vector.broadcast %broadcast_in_dim3A_366 : f32 to vector<2048x1xf32>
    %slice3A_368 = vector.extract_strided_slice %convert_element_type3A_365 {offsets = [0, 0], sizes = [2048, 63], strides = [1, 1]} : vector<2048x64xf32> to vector<2048x63xf32>
    %concatenate3A_369 = tpu.concatenate %broadcast_in_dim3A_367, %slice3A_368 in 1 : vector<2048x1xf32>, vector<2048x63xf32> -> vector<2048x64xf32>
    %add3A_370 = arith.addf %convert_element_type3A_365, %concatenate3A_369 : vector<2048x64xf32>
    %broadcast_in_dim3A_371 = arith.constant 0.000000e+00 : f32
    %broadcast_in_dim3A_372 = vector.broadcast %broadcast_in_dim3A_371 : f32 to vector<2048x2xf32>
    %slice3A_373 = vector.extract_strided_slice %add3A_370 {offsets = [0, 0], sizes = [2048, 62], strides = [1, 1]} : vector<2048x64xf32> to vector<2048x62xf32>
    %concatenate3A_374 = tpu.concatenate %broadcast_in_dim3A_372, %slice3A_373 in 1 : vector<2048x2xf32>, vector<2048x62xf32> -> vector<2048x64xf32>
    %add3A_375 = arith.addf %add3A_370, %concatenate3A_374 : vector<2048x64xf32>
    %broadcast_in_dim3A_376 = arith.constant 0.000000e+00 : f32
    %broadcast_in_dim3A_377 = vector.broadcast %broadcast_in_dim3A_376 : f32 to vector<2048x4xf32>
    %slice3A_378 = vector.extract_strided_slice %add3A_375 {offsets = [0, 0], sizes = [2048, 60], strides = [1, 1]} : vector<2048x64xf32> to vector<2048x60xf32>
    %concatenate3A_379 = tpu.concatenate %broadcast_in_dim3A_377, %slice3A_378 in 1 : vector<2048x4xf32>, vector<2048x60xf32> -> vector<2048x64xf32>
    %add3A_380 = arith.addf %add3A_375, %concatenate3A_379 : vector<2048x64xf32>
    %broadcast_in_dim3A_381 = arith.constant 0.000000e+00 : f32
    %broadcast_in_dim3A_382 = vector.broadcast %broadcast_in_dim3A_381 : f32 to vector<2048x8xf32>
    %slice3A_383 = vector.extract_strided_slice %add3A_380 {offsets = [0, 0], sizes = [2048, 56], strides = [1, 1]} : vector<2048x64xf32> to vector<2048x56xf32>
    %concatenate3A_384 = tpu.concatenate %broadcast_in_dim3A_382, %slice3A_383 in 1 : vector<2048x8xf32>, vector<2048x56xf32> -> vector<2048x64xf32>
    %add3A_385 = arith.addf %add3A_380, %concatenate3A_384 : vector<2048x64xf32>
    %broadcast_in_dim3A_386 = arith.constant 0.000000e+00 : f32
    %broadcast_in_dim3A_387 = vector.broadcast %broadcast_in_dim3A_386 : f32 to vector<2048x16xf32>
    %slice3A_388 = vector.extract_strided_slice %add3A_385 {offsets = [0, 0], sizes = [2048, 48], strides = [1, 1]} : vector<2048x64xf32> to vector<2048x48xf32>
    %concatenate3A_389 = tpu.concatenate %broadcast_in_dim3A_387, %slice3A_388 in 1 : vector<2048x16xf32>, vector<2048x48xf32> -> vector<2048x64xf32>
    %add3A_390 = arith.addf %add3A_385, %concatenate3A_389 : vector<2048x64xf32>
    %broadcast_in_dim3A_391 = arith.constant 0.000000e+00 : f32
    %broadcast_in_dim3A_392 = vector.broadcast %broadcast_in_dim3A_391 : f32 to vector<2048x32xf32>
    %slice3A_393 = vector.extract_strided_slice %add3A_390 {offsets = [0, 0], sizes = [2048, 32], strides = [1, 1]} : vector<2048x64xf32> to vector<2048x32xf32>
    %concatenate3A_394 = tpu.concatenate %broadcast_in_dim3A_392, %slice3A_393 in 1 : vector<2048x32xf32>, vector<2048x32xf32> -> vector<2048x64xf32>
    %add3A_395 = arith.addf %add3A_390, %concatenate3A_394 : vector<2048x64xf32>
    %sub3A_396 = arith.subf %add3A_395, %convert_element_type3A_365 : vector<2048x64xf32>
    %eq3A_397 = arith.constant 0.000000e+00 : f32
    %eq3A_398 = vector.broadcast %eq3A_397 : f32 to vector<2048x64xf32>
    %eq3A_399 = arith.cmpf oeq, %sub3A_396, %eq3A_398 : vector<2048x64xf32>
    %convert_element_type3A_400 = arith.extui %eq3A_399 : vector<2048x64xi1> to vector<2048x64xi32>
    %convert_element_type3A_401 = arith.sitofp %convert_element_type3A_400 : vector<2048x64xi32> to vector<2048x64xf32>
    %mul3A_402 = arith.mulf %convert_element_type3A_365, %convert_element_type3A_401 : vector<2048x64xf32>
    %add3A_403 = arith.addf %add3A_352, %mul3A_402 : vector<2048x64xf32>
    %mul3A_404 = arith.mulf %logistic3A_6, %add3A_403 : vector<2048x64xf32>
    %reduce_sum3A = arith.constant dense<0.000000e+00> : vector<2048xf32>
    %reduce_sum3A_405 = vector.multi_reduction <add>, %mul3A_404, %reduce_sum3A [1] : vector<2048x64xf32> to vector<2048xf32>
    %broadcast_in_dim3A_406 = vector.shape_cast %reduce_sum3A_405 : vector<2048xf32> to vector<2048x1xf32>
    %div3A = vector.broadcast %broadcast_in_dim3A_406 : vector<2048x1xf32> to vector<2048x64xf32>
    %div3A_407 = arith.divf %mul3A_404, %div3A : vector<2048x64xf32>
    %iota3A = tpu.iota {dimensions = array<i32: 0>} : vector<256x256xi32>
    %iota3A_408 = tpu.iota {dimensions = array<i32: 1>} : vector<256x256xi32>
    %lt3A = arith.cmpi slt, %iota3A_408, %iota3A : vector<256x256xi32>
    %convert_element_type3A_409 = arith.extui %lt3A : vector<256x256xi1> to vector<256x256xi32>
    %convert_element_type3A_410 = arith.sitofp %convert_element_type3A_409 : vector<256x256xi32> to vector<256x256xf32>
    %convert_element_type3A_411 = arith.truncf %convert_element_type3A_410 : vector<256x256xf32> to vector<256x256xbf16>
    %broadcast_in_dim3A_412 = arith.constant 0.000000e+00 : f32
    %broadcast_in_dim3A_413 = vector.broadcast %broadcast_in_dim3A_412 : f32 to vector<1x64xf32>
    %slice3A_414 = vector.extract_strided_slice %add3A_403 {offsets = [0, 0], sizes = [256, 64], strides = [1, 1]} : vector<2048x64xf32> to vector<256x64xf32>
    %convert_element_type3A_415 = arith.truncf %slice3A_414 : vector<256x64xf32> to vector<256x64xbf16>
    %dot_general3A = arith.constant dense<0.000000e+00> : vector<256x64xf32>
    %dot_general3A_416 = tpu.matmul %convert_element_type3A_411, %convert_element_type3A_415, %dot_general3A {dimension_numbers = #tpu.dot_dimension_numbers<[1], [0], [0], [1], [0, 0, 1, 1], [], []>, transpose_lhs_hint = false} : vector<256x256xbf16>, vector<256x64xbf16>, vector<256x64xf32> -> vector<256x64xf32>
    %add3A_417 = vector.broadcast %broadcast_in_dim3A_413 : vector<1x64xf32> to vector<256x64xf32>
    %add3A_418 = arith.addf %dot_general3A_416, %add3A_417 : vector<256x64xf32>
    %reduce_sum3A_419 = arith.constant dense<0.000000e+00> : vector<64xf32>
    %reduce_sum3A_420 = vector.multi_reduction <add>, %slice3A_414, %reduce_sum3A_419 [0] : vector<256x64xf32> to vector<64xf32>
    %broadcast_in_dim3A_421 = vector.shape_cast %reduce_sum3A_420 : vector<64xf32> to vector<1x64xf32>
    %add3A_422 = arith.addf %broadcast_in_dim3A_413, %broadcast_in_dim3A_421 : vector<1x64xf32>
    %slice3A_423 = vector.extract_strided_slice %add3A_403 {offsets = [256, 0], sizes = [256, 64], strides = [1, 1]} : vector<2048x64xf32> to vector<256x64xf32>
    %convert_element_type3A_424 = arith.truncf %slice3A_423 : vector<256x64xf32> to vector<256x64xbf16>
    %dot_general3A_425 = arith.constant dense<0.000000e+00> : vector<256x64xf32>
    %dot_general3A_426 = tpu.matmul %convert_element_type3A_411, %convert_element_type3A_424, %dot_general3A_425 {dimension_numbers = #tpu.dot_dimension_numbers<[1], [0], [0], [1], [0, 0, 1, 1], [], []>, transpose_lhs_hint = false} : vector<256x256xbf16>, vector<256x64xbf16>, vector<256x64xf32> -> vector<256x64xf32>
    %add3A_427 = vector.broadcast %add3A_422 : vector<1x64xf32> to vector<256x64xf32>
    %add3A_428 = arith.addf %dot_general3A_426, %add3A_427 : vector<256x64xf32>
    %reduce_sum3A_429 = arith.constant dense<0.000000e+00> : vector<64xf32>
    %reduce_sum3A_430 = vector.multi_reduction <add>, %slice3A_423, %reduce_sum3A_429 [0] : vector<256x64xf32> to vector<64xf32>
    %broadcast_in_dim3A_431 = vector.shape_cast %reduce_sum3A_430 : vector<64xf32> to vector<1x64xf32>
    %add3A_432 = arith.addf %add3A_422, %broadcast_in_dim3A_431 : vector<1x64xf32>
    %slice3A_433 = vector.extract_strided_slice %add3A_403 {offsets = [512, 0], sizes = [256, 64], strides = [1, 1]} : vector<2048x64xf32> to vector<256x64xf32>
    %convert_element_type3A_434 = arith.truncf %slice3A_433 : vector<256x64xf32> to vector<256x64xbf16>
    %dot_general3A_435 = arith.constant dense<0.000000e+00> : vector<256x64xf32>
    %dot_general3A_436 = tpu.matmul %convert_element_type3A_411, %convert_element_type3A_434, %dot_general3A_435 {dimension_numbers = #tpu.dot_dimension_numbers<[1], [0], [0], [1], [0, 0, 1, 1], [], []>, transpose_lhs_hint = false} : vector<256x256xbf16>, vector<256x64xbf16>, vector<256x64xf32> -> vector<256x64xf32>
    %add3A_437 = vector.broadcast %add3A_432 : vector<1x64xf32> to vector<256x64xf32>
    %add3A_438 = arith.addf %dot_general3A_436, %add3A_437 : vector<256x64xf32>
    %reduce_sum3A_439 = arith.constant dense<0.000000e+00> : vector<64xf32>
    %reduce_sum3A_440 = vector.multi_reduction <add>, %slice3A_433, %reduce_sum3A_439 [0] : vector<256x64xf32> to vector<64xf32>
    %broadcast_in_dim3A_441 = vector.shape_cast %reduce_sum3A_440 : vector<64xf32> to vector<1x64xf32>
    %add3A_442 = arith.addf %add3A_432, %broadcast_in_dim3A_441 : vector<1x64xf32>
    %slice3A_443 = vector.extract_strided_slice %add3A_403 {offsets = [768, 0], sizes = [256, 64], strides = [1, 1]} : vector<2048x64xf32> to vector<256x64xf32>
    %convert_element_type3A_444 = arith.truncf %slice3A_443 : vector<256x64xf32> to vector<256x64xbf16>
    %dot_general3A_445 = arith.constant dense<0.000000e+00> : vector<256x64xf32>
    %dot_general3A_446 = tpu.matmul %convert_element_type3A_411, %convert_element_type3A_444, %dot_general3A_445 {dimension_numbers = #tpu.dot_dimension_numbers<[1], [0], [0], [1], [0, 0, 1, 1], [], []>, transpose_lhs_hint = false} : vector<256x256xbf16>, vector<256x64xbf16>, vector<256x64xf32> -> vector<256x64xf32>
    %add3A_447 = vector.broadcast %add3A_442 : vector<1x64xf32> to vector<256x64xf32>
    %add3A_448 = arith.addf %dot_general3A_446, %add3A_447 : vector<256x64xf32>
    %reduce_sum3A_449 = arith.constant dense<0.000000e+00> : vector<64xf32>
    %reduce_sum3A_450 = vector.multi_reduction <add>, %slice3A_443, %reduce_sum3A_449 [0] : vector<256x64xf32> to vector<64xf32>
    %broadcast_in_dim3A_451 = vector.shape_cast %reduce_sum3A_450 : vector<64xf32> to vector<1x64xf32>
    %add3A_452 = arith.addf %add3A_442, %broadcast_in_dim3A_451 : vector<1x64xf32>
    %slice3A_453 = vector.extract_strided_slice %add3A_403 {offsets = [1024, 0], sizes = [256, 64], strides = [1, 1]} : vector<2048x64xf32> to vector<256x64xf32>
    %convert_element_type3A_454 = arith.truncf %slice3A_453 : vector<256x64xf32> to vector<256x64xbf16>
    %dot_general3A_455 = arith.constant dense<0.000000e+00> : vector<256x64xf32>
    %dot_general3A_456 = tpu.matmul %convert_element_type3A_411, %convert_element_type3A_454, %dot_general3A_455 {dimension_numbers = #tpu.dot_dimension_numbers<[1], [0], [0], [1], [0, 0, 1, 1], [], []>, transpose_lhs_hint = false} : vector<256x256xbf16>, vector<256x64xbf16>, vector<256x64xf32> -> vector<256x64xf32>
    %add3A_457 = vector.broadcast %add3A_452 : vector<1x64xf32> to vector<256x64xf32>
    %add3A_458 = arith.addf %dot_general3A_456, %add3A_457 : vector<256x64xf32>
    %reduce_sum3A_459 = arith.constant dense<0.000000e+00> : vector<64xf32>
    %reduce_sum3A_460 = vector.multi_reduction <add>, %slice3A_453, %reduce_sum3A_459 [0] : vector<256x64xf32> to vector<64xf32>
    %broadcast_in_dim3A_461 = vector.shape_cast %reduce_sum3A_460 : vector<64xf32> to vector<1x64xf32>
    %add3A_462 = arith.addf %add3A_452, %broadcast_in_dim3A_461 : vector<1x64xf32>
    %slice3A_463 = vector.extract_strided_slice %add3A_403 {offsets = [1280, 0], sizes = [256, 64], strides = [1, 1]} : vector<2048x64xf32> to vector<256x64xf32>
    %convert_element_type3A_464 = arith.truncf %slice3A_463 : vector<256x64xf32> to vector<256x64xbf16>
    %dot_general3A_465 = arith.constant dense<0.000000e+00> : vector<256x64xf32>
    %dot_general3A_466 = tpu.matmul %convert_element_type3A_411, %convert_element_type3A_464, %dot_general3A_465 {dimension_numbers = #tpu.dot_dimension_numbers<[1], [0], [0], [1], [0, 0, 1, 1], [], []>, transpose_lhs_hint = false} : vector<256x256xbf16>, vector<256x64xbf16>, vector<256x64xf32> -> vector<256x64xf32>
    %add3A_467 = vector.broadcast %add3A_462 : vector<1x64xf32> to vector<256x64xf32>
    %add3A_468 = arith.addf %dot_general3A_466, %add3A_467 : vector<256x64xf32>
    %reduce_sum3A_469 = arith.constant dense<0.000000e+00> : vector<64xf32>
    %reduce_sum3A_470 = vector.multi_reduction <add>, %slice3A_463, %reduce_sum3A_469 [0] : vector<256x64xf32> to vector<64xf32>
    %broadcast_in_dim3A_471 = vector.shape_cast %reduce_sum3A_470 : vector<64xf32> to vector<1x64xf32>
    %add3A_472 = arith.addf %add3A_462, %broadcast_in_dim3A_471 : vector<1x64xf32>
    %slice3A_473 = vector.extract_strided_slice %add3A_403 {offsets = [1536, 0], sizes = [256, 64], strides = [1, 1]} : vector<2048x64xf32> to vector<256x64xf32>
    %convert_element_type3A_474 = arith.truncf %slice3A_473 : vector<256x64xf32> to vector<256x64xbf16>
    %dot_general3A_475 = arith.constant dense<0.000000e+00> : vector<256x64xf32>
    %dot_general3A_476 = tpu.matmul %convert_element_type3A_411, %convert_element_type3A_474, %dot_general3A_475 {dimension_numbers = #tpu.dot_dimension_numbers<[1], [0], [0], [1], [0, 0, 1, 1], [], []>, transpose_lhs_hint = false} : vector<256x256xbf16>, vector<256x64xbf16>, vector<256x64xf32> -> vector<256x64xf32>
    %add3A_477 = vector.broadcast %add3A_472 : vector<1x64xf32> to vector<256x64xf32>
    %add3A_478 = arith.addf %dot_general3A_476, %add3A_477 : vector<256x64xf32>
    %reduce_sum3A_479 = arith.constant dense<0.000000e+00> : vector<64xf32>
    %reduce_sum3A_480 = vector.multi_reduction <add>, %slice3A_473, %reduce_sum3A_479 [0] : vector<256x64xf32> to vector<64xf32>
    %broadcast_in_dim3A_481 = vector.shape_cast %reduce_sum3A_480 : vector<64xf32> to vector<1x64xf32>
    %add3A_482 = arith.addf %add3A_472, %broadcast_in_dim3A_481 : vector<1x64xf32>
    %slice3A_483 = vector.extract_strided_slice %add3A_403 {offsets = [1792, 0], sizes = [256, 64], strides = [1, 1]} : vector<2048x64xf32> to vector<256x64xf32>
    %convert_element_type3A_484 = arith.truncf %slice3A_483 : vector<256x64xf32> to vector<256x64xbf16>
    %dot_general3A_485 = arith.constant dense<0.000000e+00> : vector<256x64xf32>
    %dot_general3A_486 = tpu.matmul %convert_element_type3A_411, %convert_element_type3A_484, %dot_general3A_485 {dimension_numbers = #tpu.dot_dimension_numbers<[1], [0], [0], [1], [0, 0, 1, 1], [], []>, transpose_lhs_hint = false} : vector<256x256xbf16>, vector<256x64xbf16>, vector<256x64xf32> -> vector<256x64xf32>
    %add3A_487 = vector.broadcast %add3A_482 : vector<1x64xf32> to vector<256x64xf32>
    %add3A_488 = arith.addf %dot_general3A_486, %add3A_487 : vector<256x64xf32>
    %reduce_sum3A_489 = arith.constant dense<0.000000e+00> : vector<64xf32>
    %reduce_sum3A_490 = vector.multi_reduction <add>, %slice3A_483, %reduce_sum3A_489 [0] : vector<256x64xf32> to vector<64xf32>
    %broadcast_in_dim3A_491 = vector.shape_cast %reduce_sum3A_490 : vector<64xf32> to vector<1x64xf32>
    %add3A_492 = arith.addf %add3A_482, %broadcast_in_dim3A_491 : vector<1x64xf32>
    %concatenate3A_493 = tpu.concatenate %add3A_418, %add3A_428, %add3A_438, %add3A_448, %add3A_458, %add3A_468, %add3A_478, %add3A_488 in 0 : vector<256x64xf32>, vector<256x64xf32>, vector<256x64xf32>, vector<256x64xf32>, vector<256x64xf32>, vector<256x64xf32>, vector<256x64xf32>, vector<256x64xf32> -> vector<2048x64xf32>
    %add3A_494 = arith.constant 2.550000e+02 : f32
    %add3A_495 = vector.broadcast %add3A_494 : f32 to vector<1x64xf32>
    %add3A_496 = arith.addf %add3A_492, %add3A_495 : vector<1x64xf32>
    %div3A_497 = arith.constant 2.560000e+02 : f32
    %div3A_498 = vector.broadcast %div3A_497 : f32 to vector<1x64xf32>
    %div3A_499 = arith.divf %add3A_496, %div3A_498 : vector<1x64xf32>
    %floor3A = math.floor %div3A_499 : vector<1x64xf32>
    %mul3A_500 = arith.constant 2.560000e+02 : f32
    %mul3A_501 = vector.broadcast %mul3A_500 : f32 to vector<1x64xf32>
    %mul3A_502 = arith.mulf %floor3A, %mul3A_501 : vector<1x64xf32>
    %broadcast_in_dim3A_503 = arith.constant 0.000000e+00 : f32
    %broadcast_in_dim3A_504 = vector.broadcast %broadcast_in_dim3A_503 : f32 to vector<1x1xf32>
    %slice3A_505 = vector.extract_strided_slice %mul3A_502 {offsets = [0, 0], sizes = [1, 63], strides = [1, 1]} : vector<1x64xf32> to vector<1x63xf32>
    %concatenate3A_506 = tpu.concatenate %broadcast_in_dim3A_504, %slice3A_505 in 1 : vector<1x1xf32>, vector<1x63xf32> -> vector<1x64xf32>
    %add3A_507 = arith.addf %mul3A_502, %concatenate3A_506 : vector<1x64xf32>
    %broadcast_in_dim3A_508 = arith.constant 0.000000e+00 : f32
    %broadcast_in_dim3A_509 = vector.broadcast %broadcast_in_dim3A_508 : f32 to vector<1x2xf32>
    %slice3A_510 = vector.extract_strided_slice %add3A_507 {offsets = [0, 0], sizes = [1, 62], strides = [1, 1]} : vector<1x64xf32> to vector<1x62xf32>
    %concatenate3A_511 = tpu.concatenate %broadcast_in_dim3A_509, %slice3A_510 in 1 : vector<1x2xf32>, vector<1x62xf32> -> vector<1x64xf32>
    %add3A_512 = arith.addf %add3A_507, %concatenate3A_511 : vector<1x64xf32>
    %broadcast_in_dim3A_513 = arith.constant 0.000000e+00 : f32
    %broadcast_in_dim3A_514 = vector.broadcast %broadcast_in_dim3A_513 : f32 to vector<1x4xf32>
    %slice3A_515 = vector.extract_strided_slice %add3A_512 {offsets = [0, 0], sizes = [1, 60], strides = [1, 1]} : vector<1x64xf32> to vector<1x60xf32>
    %concatenate3A_516 = tpu.concatenate %broadcast_in_dim3A_514, %slice3A_515 in 1 : vector<1x4xf32>, vector<1x60xf32> -> vector<1x64xf32>
    %add3A_517 = arith.addf %add3A_512, %concatenate3A_516 : vector<1x64xf32>
    %broadcast_in_dim3A_518 = arith.constant 0.000000e+00 : f32
    %broadcast_in_dim3A_519 = vector.broadcast %broadcast_in_dim3A_518 : f32 to vector<1x8xf32>
    %slice3A_520 = vector.extract_strided_slice %add3A_517 {offsets = [0, 0], sizes = [1, 56], strides = [1, 1]} : vector<1x64xf32> to vector<1x56xf32>
    %concatenate3A_521 = tpu.concatenate %broadcast_in_dim3A_519, %slice3A_520 in 1 : vector<1x8xf32>, vector<1x56xf32> -> vector<1x64xf32>
    %add3A_522 = arith.addf %add3A_517, %concatenate3A_521 : vector<1x64xf32>
    %broadcast_in_dim3A_523 = arith.constant 0.000000e+00 : f32
    %broadcast_in_dim3A_524 = vector.broadcast %broadcast_in_dim3A_523 : f32 to vector<1x16xf32>
    %slice3A_525 = vector.extract_strided_slice %add3A_522 {offsets = [0, 0], sizes = [1, 48], strides = [1, 1]} : vector<1x64xf32> to vector<1x48xf32>
    %concatenate3A_526 = tpu.concatenate %broadcast_in_dim3A_524, %slice3A_525 in 1 : vector<1x16xf32>, vector<1x48xf32> -> vector<1x64xf32>
    %add3A_527 = arith.addf %add3A_522, %concatenate3A_526 : vector<1x64xf32>
    %broadcast_in_dim3A_528 = arith.constant 0.000000e+00 : f32
    %broadcast_in_dim3A_529 = vector.broadcast %broadcast_in_dim3A_528 : f32 to vector<1x32xf32>
    %slice3A_530 = vector.extract_strided_slice %add3A_527 {offsets = [0, 0], sizes = [1, 32], strides = [1, 1]} : vector<1x64xf32> to vector<1x32xf32>
    %concatenate3A_531 = tpu.concatenate %broadcast_in_dim3A_529, %slice3A_530 in 1 : vector<1x32xf32>, vector<1x32xf32> -> vector<1x64xf32>
    %add3A_532 = arith.addf %add3A_527, %concatenate3A_531 : vector<1x64xf32>
    %sub3A_533 = arith.subf %add3A_532, %mul3A_502 : vector<1x64xf32>
    %add3A_534 = vector.broadcast %sub3A_533 : vector<1x64xf32> to vector<2048x64xf32>
    %add3A_535 = arith.addf %add3A_534, %concatenate3A_493 : vector<2048x64xf32>
    %broadcast_in_dim3A_536 = arith.constant 0.000000e+00 : f32
    %broadcast_in_dim3A_537 = vector.broadcast %broadcast_in_dim3A_536 : f32 to vector<2048x1xf32>
    %slice3A_538 = vector.extract_strided_slice %add3A_403 {offsets = [0, 0], sizes = [2048, 63], strides = [1, 1]} : vector<2048x64xf32> to vector<2048x63xf32>
    %concatenate3A_539 = tpu.concatenate %broadcast_in_dim3A_537, %slice3A_538 in 1 : vector<2048x1xf32>, vector<2048x63xf32> -> vector<2048x64xf32>
    %add3A_540 = arith.addf %add3A_403, %concatenate3A_539 : vector<2048x64xf32>
    %broadcast_in_dim3A_541 = arith.constant 0.000000e+00 : f32
    %broadcast_in_dim3A_542 = vector.broadcast %broadcast_in_dim3A_541 : f32 to vector<2048x2xf32>
    %slice3A_543 = vector.extract_strided_slice %add3A_540 {offsets = [0, 0], sizes = [2048, 62], strides = [1, 1]} : vector<2048x64xf32> to vector<2048x62xf32>
    %concatenate3A_544 = tpu.concatenate %broadcast_in_dim3A_542, %slice3A_543 in 1 : vector<2048x2xf32>, vector<2048x62xf32> -> vector<2048x64xf32>
    %add3A_545 = arith.addf %add3A_540, %concatenate3A_544 : vector<2048x64xf32>
    %broadcast_in_dim3A_546 = arith.constant 0.000000e+00 : f32
    %broadcast_in_dim3A_547 = vector.broadcast %broadcast_in_dim3A_546 : f32 to vector<2048x4xf32>
    %slice3A_548 = vector.extract_strided_slice %add3A_545 {offsets = [0, 0], sizes = [2048, 60], strides = [1, 1]} : vector<2048x64xf32> to vector<2048x60xf32>
    %concatenate3A_549 = tpu.concatenate %broadcast_in_dim3A_547, %slice3A_548 in 1 : vector<2048x4xf32>, vector<2048x60xf32> -> vector<2048x64xf32>
    %add3A_550 = arith.addf %add3A_545, %concatenate3A_549 : vector<2048x64xf32>
    %broadcast_in_dim3A_551 = arith.constant 0.000000e+00 : f32
    %broadcast_in_dim3A_552 = vector.broadcast %broadcast_in_dim3A_551 : f32 to vector<2048x8xf32>
    %slice3A_553 = vector.extract_strided_slice %add3A_550 {offsets = [0, 0], sizes = [2048, 56], strides = [1, 1]} : vector<2048x64xf32> to vector<2048x56xf32>
    %concatenate3A_554 = tpu.concatenate %broadcast_in_dim3A_552, %slice3A_553 in 1 : vector<2048x8xf32>, vector<2048x56xf32> -> vector<2048x64xf32>
    %add3A_555 = arith.addf %add3A_550, %concatenate3A_554 : vector<2048x64xf32>
    %broadcast_in_dim3A_556 = arith.constant 0.000000e+00 : f32
    %broadcast_in_dim3A_557 = vector.broadcast %broadcast_in_dim3A_556 : f32 to vector<2048x16xf32>
    %slice3A_558 = vector.extract_strided_slice %add3A_555 {offsets = [0, 0], sizes = [2048, 48], strides = [1, 1]} : vector<2048x64xf32> to vector<2048x48xf32>
    %concatenate3A_559 = tpu.concatenate %broadcast_in_dim3A_557, %slice3A_558 in 1 : vector<2048x16xf32>, vector<2048x48xf32> -> vector<2048x64xf32>
    %add3A_560 = arith.addf %add3A_555, %concatenate3A_559 : vector<2048x64xf32>
    %broadcast_in_dim3A_561 = arith.constant 0.000000e+00 : f32
    %broadcast_in_dim3A_562 = vector.broadcast %broadcast_in_dim3A_561 : f32 to vector<2048x32xf32>
    %slice3A_563 = vector.extract_strided_slice %add3A_560 {offsets = [0, 0], sizes = [2048, 32], strides = [1, 1]} : vector<2048x64xf32> to vector<2048x32xf32>
    %concatenate3A_564 = tpu.concatenate %broadcast_in_dim3A_562, %slice3A_563 in 1 : vector<2048x32xf32>, vector<2048x32xf32> -> vector<2048x64xf32>
    %add3A_565 = arith.addf %add3A_560, %concatenate3A_564 : vector<2048x64xf32>
    %sub3A_566 = arith.constant 1.000000e+00 : f32
    %sub3A_567 = vector.broadcast %sub3A_566 : f32 to vector<2048x64xf32>
    %sub3A_568 = arith.subf %add3A_565, %sub3A_567 : vector<2048x64xf32>
    %iota3A_569 = tpu.iota {dimensions = array<i32: 1>} : vector<1x1024xi32>
    %broadcast_in_dim3A_570 = arith.constant 0.000000e+00 : f32
    %broadcast_in_dim3A_571 = vector.broadcast %broadcast_in_dim3A_570 : f32 to vector<2048x1024xf32>
    %eq3A_572 = arith.constant 0.000000e+00 : f32
    %eq3A_573 = vector.broadcast %eq3A_572 : f32 to vector<2048x64xf32>
    %eq3A_574 = arith.cmpf oeq, %sub3A_568, %eq3A_573 : vector<2048x64xf32>
    %convert_element_type3A_575 = arith.extui %eq3A_574 : vector<2048x64xi1> to vector<2048x64xi32>
    %convert_element_type3A_576 = arith.sitofp %convert_element_type3A_575 : vector<2048x64xi32> to vector<2048x64xf32>
    %mul3A_577 = arith.mulf %add3A_403, %convert_element_type3A_576 : vector<2048x64xf32>
    %mul3A_578 = arith.mulf %mul3A_577, %add3A_535 : vector<2048x64xf32>
    %reduce_sum3A_579 = arith.constant dense<0.000000e+00> : vector<2048xf32>
    %reduce_sum3A_580 = vector.multi_reduction <add>, %mul3A_578, %reduce_sum3A_579 [1] : vector<2048x64xf32> to vector<2048xf32>
    %broadcast_in_dim3A_581 = vector.shape_cast %reduce_sum3A_580 : vector<2048xf32> to vector<2048x1xf32>
    %mul3A_582 = arith.mulf %mul3A_577, %div3A_407 : vector<2048x64xf32>
    %reduce_sum3A_583 = arith.constant dense<0.000000e+00> : vector<2048xf32>
    %reduce_sum3A_584 = vector.multi_reduction <add>, %mul3A_582, %reduce_sum3A_583 [1] : vector<2048x64xf32> to vector<2048xf32>
    %broadcast_in_dim3A_585 = vector.shape_cast %reduce_sum3A_584 : vector<2048xf32> to vector<2048x1xf32>
    %eq3A_586 = arith.constant 0 : i32
    %eq3A_587 = vector.broadcast %eq3A_586 : i32 to vector<1x1024xi32>
    %eq3A_588 = arith.cmpi eq, %iota3A_569, %eq3A_587 : vector<1x1024xi32>
    %convert_element_type3A_589 = arith.extui %eq3A_588 : vector<1x1024xi1> to vector<1x1024xi32>
    %convert_element_type3A_590 = arith.sitofp %convert_element_type3A_589 : vector<1x1024xi32> to vector<1x1024xf32>
    %mul3A_591 = vector.broadcast %broadcast_in_dim3A_585 : vector<2048x1xf32> to vector<2048x1024xf32>
    %mul3A_592 = vector.broadcast %convert_element_type3A_590 : vector<1x1024xf32> to vector<2048x1024xf32>
    %mul3A_593 = arith.mulf %mul3A_591, %mul3A_592 : vector<2048x1024xf32>
    %add3A_594 = arith.addf %broadcast_in_dim3A_571, %mul3A_593 : vector<2048x1024xf32>
    %eq3A_595 = arith.constant 1.000000e+00 : f32
    %eq3A_596 = vector.broadcast %eq3A_595 : f32 to vector<2048x64xf32>
    %eq3A_597 = arith.cmpf oeq, %sub3A_568, %eq3A_596 : vector<2048x64xf32>
    %convert_element_type3A_598 = arith.extui %eq3A_597 : vector<2048x64xi1> to vector<2048x64xi32>
    %convert_element_type3A_599 = arith.sitofp %convert_element_type3A_598 : vector<2048x64xi32> to vector<2048x64xf32>
    %mul3A_600 = arith.mulf %add3A_403, %convert_element_type3A_599 : vector<2048x64xf32>
    %mul3A_601 = arith.mulf %mul3A_600, %add3A_535 : vector<2048x64xf32>
    %reduce_sum3A_602 = arith.constant dense<0.000000e+00> : vector<2048xf32>
    %reduce_sum3A_603 = vector.multi_reduction <add>, %mul3A_601, %reduce_sum3A_602 [1] : vector<2048x64xf32> to vector<2048xf32>
    %broadcast_in_dim3A_604 = vector.shape_cast %reduce_sum3A_603 : vector<2048xf32> to vector<2048x1xf32>
    %mul3A_605 = arith.mulf %mul3A_600, %div3A_407 : vector<2048x64xf32>
    %reduce_sum3A_606 = arith.constant dense<0.000000e+00> : vector<2048xf32>
    %reduce_sum3A_607 = vector.multi_reduction <add>, %mul3A_605, %reduce_sum3A_606 [1] : vector<2048x64xf32> to vector<2048xf32>
    %broadcast_in_dim3A_608 = vector.shape_cast %reduce_sum3A_607 : vector<2048xf32> to vector<2048x1xf32>
    %eq3A_609 = arith.constant 128 : i32
    %eq3A_610 = vector.broadcast %eq3A_609 : i32 to vector<1x1024xi32>
    %eq3A_611 = arith.cmpi eq, %iota3A_569, %eq3A_610 : vector<1x1024xi32>
    %convert_element_type3A_612 = arith.extui %eq3A_611 : vector<1x1024xi1> to vector<1x1024xi32>
    %convert_element_type3A_613 = arith.sitofp %convert_element_type3A_612 : vector<1x1024xi32> to vector<1x1024xf32>
    %mul3A_614 = vector.broadcast %broadcast_in_dim3A_608 : vector<2048x1xf32> to vector<2048x1024xf32>
    %mul3A_615 = vector.broadcast %convert_element_type3A_613 : vector<1x1024xf32> to vector<2048x1024xf32>
    %mul3A_616 = arith.mulf %mul3A_614, %mul3A_615 : vector<2048x1024xf32>
    %add3A_617 = arith.addf %add3A_594, %mul3A_616 : vector<2048x1024xf32>
    %eq3A_618 = arith.constant 2.000000e+00 : f32
    %eq3A_619 = vector.broadcast %eq3A_618 : f32 to vector<2048x64xf32>
    %eq3A_620 = arith.cmpf oeq, %sub3A_568, %eq3A_619 : vector<2048x64xf32>
    %convert_element_type3A_621 = arith.extui %eq3A_620 : vector<2048x64xi1> to vector<2048x64xi32>
    %convert_element_type3A_622 = arith.sitofp %convert_element_type3A_621 : vector<2048x64xi32> to vector<2048x64xf32>
    %mul3A_623 = arith.mulf %add3A_403, %convert_element_type3A_622 : vector<2048x64xf32>
    %mul3A_624 = arith.mulf %mul3A_623, %add3A_535 : vector<2048x64xf32>
    %reduce_sum3A_625 = arith.constant dense<0.000000e+00> : vector<2048xf32>
    %reduce_sum3A_626 = vector.multi_reduction <add>, %mul3A_624, %reduce_sum3A_625 [1] : vector<2048x64xf32> to vector<2048xf32>
    %broadcast_in_dim3A_627 = vector.shape_cast %reduce_sum3A_626 : vector<2048xf32> to vector<2048x1xf32>
    %mul3A_628 = arith.mulf %mul3A_623, %div3A_407 : vector<2048x64xf32>
    %reduce_sum3A_629 = arith.constant dense<0.000000e+00> : vector<2048xf32>
    %reduce_sum3A_630 = vector.multi_reduction <add>, %mul3A_628, %reduce_sum3A_629 [1] : vector<2048x64xf32> to vector<2048xf32>
    %broadcast_in_dim3A_631 = vector.shape_cast %reduce_sum3A_630 : vector<2048xf32> to vector<2048x1xf32>
    %eq3A_632 = arith.constant 256 : i32
    %eq3A_633 = vector.broadcast %eq3A_632 : i32 to vector<1x1024xi32>
    %eq3A_634 = arith.cmpi eq, %iota3A_569, %eq3A_633 : vector<1x1024xi32>
    %convert_element_type3A_635 = arith.extui %eq3A_634 : vector<1x1024xi1> to vector<1x1024xi32>
    %convert_element_type3A_636 = arith.sitofp %convert_element_type3A_635 : vector<1x1024xi32> to vector<1x1024xf32>
    %mul3A_637 = vector.broadcast %broadcast_in_dim3A_631 : vector<2048x1xf32> to vector<2048x1024xf32>
    %mul3A_638 = vector.broadcast %convert_element_type3A_636 : vector<1x1024xf32> to vector<2048x1024xf32>
    %mul3A_639 = arith.mulf %mul3A_637, %mul3A_638 : vector<2048x1024xf32>
    %add3A_640 = arith.addf %add3A_617, %mul3A_639 : vector<2048x1024xf32>
    %eq3A_641 = arith.constant 3.000000e+00 : f32
    %eq3A_642 = vector.broadcast %eq3A_641 : f32 to vector<2048x64xf32>
    %eq3A_643 = arith.cmpf oeq, %sub3A_568, %eq3A_642 : vector<2048x64xf32>
    %convert_element_type3A_644 = arith.extui %eq3A_643 : vector<2048x64xi1> to vector<2048x64xi32>
    %convert_element_type3A_645 = arith.sitofp %convert_element_type3A_644 : vector<2048x64xi32> to vector<2048x64xf32>
    %mul3A_646 = arith.mulf %add3A_403, %convert_element_type3A_645 : vector<2048x64xf32>
    %mul3A_647 = arith.mulf %mul3A_646, %add3A_535 : vector<2048x64xf32>
    %reduce_sum3A_648 = arith.constant dense<0.000000e+00> : vector<2048xf32>
    %reduce_sum3A_649 = vector.multi_reduction <add>, %mul3A_647, %reduce_sum3A_648 [1] : vector<2048x64xf32> to vector<2048xf32>
    %broadcast_in_dim3A_650 = vector.shape_cast %reduce_sum3A_649 : vector<2048xf32> to vector<2048x1xf32>
    %mul3A_651 = arith.mulf %mul3A_646, %div3A_407 : vector<2048x64xf32>
    %reduce_sum3A_652 = arith.constant dense<0.000000e+00> : vector<2048xf32>
    %reduce_sum3A_653 = vector.multi_reduction <add>, %mul3A_651, %reduce_sum3A_652 [1] : vector<2048x64xf32> to vector<2048xf32>
    %broadcast_in_dim3A_654 = vector.shape_cast %reduce_sum3A_653 : vector<2048xf32> to vector<2048x1xf32>
    %eq3A_655 = arith.constant 384 : i32
    %eq3A_656 = vector.broadcast %eq3A_655 : i32 to vector<1x1024xi32>
    %eq3A_657 = arith.cmpi eq, %iota3A_569, %eq3A_656 : vector<1x1024xi32>
    %convert_element_type3A_658 = arith.extui %eq3A_657 : vector<1x1024xi1> to vector<1x1024xi32>
    %convert_element_type3A_659 = arith.sitofp %convert_element_type3A_658 : vector<1x1024xi32> to vector<1x1024xf32>
    %mul3A_660 = vector.broadcast %broadcast_in_dim3A_654 : vector<2048x1xf32> to vector<2048x1024xf32>
    %mul3A_661 = vector.broadcast %convert_element_type3A_659 : vector<1x1024xf32> to vector<2048x1024xf32>
    %mul3A_662 = arith.mulf %mul3A_660, %mul3A_661 : vector<2048x1024xf32>
    %add3A_663 = arith.addf %add3A_640, %mul3A_662 : vector<2048x1024xf32>
    %eq3A_664 = arith.constant 4.000000e+00 : f32
    %eq3A_665 = vector.broadcast %eq3A_664 : f32 to vector<2048x64xf32>
    %eq3A_666 = arith.cmpf oeq, %sub3A_568, %eq3A_665 : vector<2048x64xf32>
    %convert_element_type3A_667 = arith.extui %eq3A_666 : vector<2048x64xi1> to vector<2048x64xi32>
    %convert_element_type3A_668 = arith.sitofp %convert_element_type3A_667 : vector<2048x64xi32> to vector<2048x64xf32>
    %mul3A_669 = arith.mulf %add3A_403, %convert_element_type3A_668 : vector<2048x64xf32>
    %mul3A_670 = arith.mulf %mul3A_669, %add3A_535 : vector<2048x64xf32>
    %reduce_sum3A_671 = arith.constant dense<0.000000e+00> : vector<2048xf32>
    %reduce_sum3A_672 = vector.multi_reduction <add>, %mul3A_670, %reduce_sum3A_671 [1] : vector<2048x64xf32> to vector<2048xf32>
    %broadcast_in_dim3A_673 = vector.shape_cast %reduce_sum3A_672 : vector<2048xf32> to vector<2048x1xf32>
    %mul3A_674 = arith.mulf %mul3A_669, %div3A_407 : vector<2048x64xf32>
    %reduce_sum3A_675 = arith.constant dense<0.000000e+00> : vector<2048xf32>
    %reduce_sum3A_676 = vector.multi_reduction <add>, %mul3A_674, %reduce_sum3A_675 [1] : vector<2048x64xf32> to vector<2048xf32>
    %broadcast_in_dim3A_677 = vector.shape_cast %reduce_sum3A_676 : vector<2048xf32> to vector<2048x1xf32>
    %eq3A_678 = arith.constant 512 : i32
    %eq3A_679 = vector.broadcast %eq3A_678 : i32 to vector<1x1024xi32>
    %eq3A_680 = arith.cmpi eq, %iota3A_569, %eq3A_679 : vector<1x1024xi32>
    %convert_element_type3A_681 = arith.extui %eq3A_680 : vector<1x1024xi1> to vector<1x1024xi32>
    %convert_element_type3A_682 = arith.sitofp %convert_element_type3A_681 : vector<1x1024xi32> to vector<1x1024xf32>
    %mul3A_683 = vector.broadcast %broadcast_in_dim3A_677 : vector<2048x1xf32> to vector<2048x1024xf32>
    %mul3A_684 = vector.broadcast %convert_element_type3A_682 : vector<1x1024xf32> to vector<2048x1024xf32>
    %mul3A_685 = arith.mulf %mul3A_683, %mul3A_684 : vector<2048x1024xf32>
    %add3A_686 = arith.addf %add3A_663, %mul3A_685 : vector<2048x1024xf32>
    %eq3A_687 = arith.constant 5.000000e+00 : f32
    %eq3A_688 = vector.broadcast %eq3A_687 : f32 to vector<2048x64xf32>
    %eq3A_689 = arith.cmpf oeq, %sub3A_568, %eq3A_688 : vector<2048x64xf32>
    %convert_element_type3A_690 = arith.extui %eq3A_689 : vector<2048x64xi1> to vector<2048x64xi32>
    %convert_element_type3A_691 = arith.sitofp %convert_element_type3A_690 : vector<2048x64xi32> to vector<2048x64xf32>
    %mul3A_692 = arith.mulf %add3A_403, %convert_element_type3A_691 : vector<2048x64xf32>
    %mul3A_693 = arith.mulf %mul3A_692, %add3A_535 : vector<2048x64xf32>
    %reduce_sum3A_694 = arith.constant dense<0.000000e+00> : vector<2048xf32>
    %reduce_sum3A_695 = vector.multi_reduction <add>, %mul3A_693, %reduce_sum3A_694 [1] : vector<2048x64xf32> to vector<2048xf32>
    %broadcast_in_dim3A_696 = vector.shape_cast %reduce_sum3A_695 : vector<2048xf32> to vector<2048x1xf32>
    %mul3A_697 = arith.mulf %mul3A_692, %div3A_407 : vector<2048x64xf32>
    %reduce_sum3A_698 = arith.constant dense<0.000000e+00> : vector<2048xf32>
    %reduce_sum3A_699 = vector.multi_reduction <add>, %mul3A_697, %reduce_sum3A_698 [1] : vector<2048x64xf32> to vector<2048xf32>
    %broadcast_in_dim3A_700 = vector.shape_cast %reduce_sum3A_699 : vector<2048xf32> to vector<2048x1xf32>
    %eq3A_701 = arith.constant 640 : i32
    %eq3A_702 = vector.broadcast %eq3A_701 : i32 to vector<1x1024xi32>
    %eq3A_703 = arith.cmpi eq, %iota3A_569, %eq3A_702 : vector<1x1024xi32>
    %convert_element_type3A_704 = arith.extui %eq3A_703 : vector<1x1024xi1> to vector<1x1024xi32>
    %convert_element_type3A_705 = arith.sitofp %convert_element_type3A_704 : vector<1x1024xi32> to vector<1x1024xf32>
    %mul3A_706 = vector.broadcast %broadcast_in_dim3A_700 : vector<2048x1xf32> to vector<2048x1024xf32>
    %mul3A_707 = vector.broadcast %convert_element_type3A_705 : vector<1x1024xf32> to vector<2048x1024xf32>
    %mul3A_708 = arith.mulf %mul3A_706, %mul3A_707 : vector<2048x1024xf32>
    %add3A_709 = arith.addf %add3A_686, %mul3A_708 : vector<2048x1024xf32>
    %eq3A_710 = arith.constant 6.000000e+00 : f32
    %eq3A_711 = vector.broadcast %eq3A_710 : f32 to vector<2048x64xf32>
    %eq3A_712 = arith.cmpf oeq, %sub3A_568, %eq3A_711 : vector<2048x64xf32>
    %convert_element_type3A_713 = arith.extui %eq3A_712 : vector<2048x64xi1> to vector<2048x64xi32>
    %convert_element_type3A_714 = arith.sitofp %convert_element_type3A_713 : vector<2048x64xi32> to vector<2048x64xf32>
    %mul3A_715 = arith.mulf %add3A_403, %convert_element_type3A_714 : vector<2048x64xf32>
    %mul3A_716 = arith.mulf %mul3A_715, %add3A_535 : vector<2048x64xf32>
    %reduce_sum3A_717 = arith.constant dense<0.000000e+00> : vector<2048xf32>
    %reduce_sum3A_718 = vector.multi_reduction <add>, %mul3A_716, %reduce_sum3A_717 [1] : vector<2048x64xf32> to vector<2048xf32>
    %broadcast_in_dim3A_719 = vector.shape_cast %reduce_sum3A_718 : vector<2048xf32> to vector<2048x1xf32>
    %mul3A_720 = arith.mulf %mul3A_715, %div3A_407 : vector<2048x64xf32>
    %reduce_sum3A_721 = arith.constant dense<0.000000e+00> : vector<2048xf32>
    %reduce_sum3A_722 = vector.multi_reduction <add>, %mul3A_720, %reduce_sum3A_721 [1] : vector<2048x64xf32> to vector<2048xf32>
    %broadcast_in_dim3A_723 = vector.shape_cast %reduce_sum3A_722 : vector<2048xf32> to vector<2048x1xf32>
    %eq3A_724 = arith.constant 768 : i32
    %eq3A_725 = vector.broadcast %eq3A_724 : i32 to vector<1x1024xi32>
    %eq3A_726 = arith.cmpi eq, %iota3A_569, %eq3A_725 : vector<1x1024xi32>
    %convert_element_type3A_727 = arith.extui %eq3A_726 : vector<1x1024xi1> to vector<1x1024xi32>
    %convert_element_type3A_728 = arith.sitofp %convert_element_type3A_727 : vector<1x1024xi32> to vector<1x1024xf32>
    %mul3A_729 = vector.broadcast %broadcast_in_dim3A_723 : vector<2048x1xf32> to vector<2048x1024xf32>
    %mul3A_730 = vector.broadcast %convert_element_type3A_728 : vector<1x1024xf32> to vector<2048x1024xf32>
    %mul3A_731 = arith.mulf %mul3A_729, %mul3A_730 : vector<2048x1024xf32>
    %add3A_732 = arith.addf %add3A_709, %mul3A_731 : vector<2048x1024xf32>
    %eq3A_733 = arith.constant 7.000000e+00 : f32
    %eq3A_734 = vector.broadcast %eq3A_733 : f32 to vector<2048x64xf32>
    %eq3A_735 = arith.cmpf oeq, %sub3A_568, %eq3A_734 : vector<2048x64xf32>
    %convert_element_type3A_736 = arith.extui %eq3A_735 : vector<2048x64xi1> to vector<2048x64xi32>
    %convert_element_type3A_737 = arith.sitofp %convert_element_type3A_736 : vector<2048x64xi32> to vector<2048x64xf32>
    %mul3A_738 = arith.mulf %add3A_403, %convert_element_type3A_737 : vector<2048x64xf32>
    %mul3A_739 = arith.mulf %mul3A_738, %add3A_535 : vector<2048x64xf32>
    %reduce_sum3A_740 = arith.constant dense<0.000000e+00> : vector<2048xf32>
    %reduce_sum3A_741 = vector.multi_reduction <add>, %mul3A_739, %reduce_sum3A_740 [1] : vector<2048x64xf32> to vector<2048xf32>
    %broadcast_in_dim3A_742 = vector.shape_cast %reduce_sum3A_741 : vector<2048xf32> to vector<2048x1xf32>
    %mul3A_743 = arith.mulf %mul3A_738, %div3A_407 : vector<2048x64xf32>
    %reduce_sum3A_744 = arith.constant dense<0.000000e+00> : vector<2048xf32>
    %reduce_sum3A_745 = vector.multi_reduction <add>, %mul3A_743, %reduce_sum3A_744 [1] : vector<2048x64xf32> to vector<2048xf32>
    %broadcast_in_dim3A_746 = vector.shape_cast %reduce_sum3A_745 : vector<2048xf32> to vector<2048x1xf32>
    %eq3A_747 = arith.constant 896 : i32
    %eq3A_748 = vector.broadcast %eq3A_747 : i32 to vector<1x1024xi32>
    %eq3A_749 = arith.cmpi eq, %iota3A_569, %eq3A_748 : vector<1x1024xi32>
    %convert_element_type3A_750 = arith.extui %eq3A_749 : vector<1x1024xi1> to vector<1x1024xi32>
    %convert_element_type3A_751 = arith.sitofp %convert_element_type3A_750 : vector<1x1024xi32> to vector<1x1024xf32>
    %mul3A_752 = vector.broadcast %broadcast_in_dim3A_746 : vector<2048x1xf32> to vector<2048x1024xf32>
    %mul3A_753 = vector.broadcast %convert_element_type3A_751 : vector<1x1024xf32> to vector<2048x1024xf32>
    %mul3A_754 = arith.mulf %mul3A_752, %mul3A_753 : vector<2048x1024xf32>
    %add3A_755 = arith.addf %add3A_732, %mul3A_754 : vector<2048x1024xf32>
    %concatenate3A_756 = tpu.concatenate %broadcast_in_dim3A_581, %broadcast_in_dim3A_604, %broadcast_in_dim3A_627, %broadcast_in_dim3A_650, %broadcast_in_dim3A_673, %broadcast_in_dim3A_696, %broadcast_in_dim3A_719, %broadcast_in_dim3A_742 in 1 : vector<2048x1xf32>, vector<2048x1xf32>, vector<2048x1xf32>, vector<2048x1xf32>, vector<2048x1xf32>, vector<2048x1xf32>, vector<2048x1xf32>, vector<2048x1xf32> -> vector<2048x8xf32>
    %convert_element_type3A_757 = arith.fptosi %concatenate3A_756 : vector<2048x8xf32> to vector<2048x8xi32>
    %swap3A = arith.constant 0 : index
    %swap3A_758 = arith.constant 0 : index
    %swap3A_759 = vector.load %arg2[%swap3A, %swap3A_758] : memref<2048x8xi32, #tpu.memory_space<vmem>>, vector<2048x8xi32>
    tpu.vector_store %arg2[%swap3A, %swap3A_758], %convert_element_type3A_757 {strides = array<i32>} : memref<2048x8xi32, #tpu.memory_space<vmem>>, vector<2048x8xi32>,
    %swap3A_760 = arith.constant 0 : index
    %swap3A_761 = arith.constant 0 : index
    %swap3A_762 = vector.load %arg3[%swap3A_760, %swap3A_761] : memref<2048x1024xf32, #tpu.memory_space<vmem>>, vector<2048x1024xf32>
    tpu.vector_store %arg3[%swap3A_760, %swap3A_761], %add3A_755 {strides = array<i32>} : memref<2048x1024xf32, #tpu.memory_space<vmem>>, vector<2048x1024xf32>,
    %iota3A_763 = tpu.iota {dimensions = array<i32: 1>} : vector<1x256xi32>
    %mul3A_764 = arith.constant 256 : i32
    %mul3A_765 = vector.broadcast %mul3A_764 : i32 to vector<1x256xi32>
    %mul3A_766 = arith.muli %iota3A_763, %mul3A_765 : vector<1x256xi32>
    %convert_element_type3A_767 = arith.sitofp %mul3A_766 : vector<1x256xi32> to vector<1x256xf32>
    %transpose3A = tpu.transpose %add3A_532, [1, 0] : vector<1x64xf32> -> vector<64x1xf32>
    %le3A = vector.broadcast %transpose3A : vector<64x1xf32> to vector<64x256xf32>
    %le3A_768 = vector.broadcast %convert_element_type3A_767 : vector<1x256xf32> to vector<64x256xf32>
    %le3A_769 = arith.cmpf ole, %le3A, %le3A_768 : vector<64x256xf32>
    %convert_element_type3A_770 = arith.extui %le3A_769 : vector<64x256xi1> to vector<64x256xi32>
    %convert_element_type3A_771 = arith.sitofp %convert_element_type3A_770 : vector<64x256xi32> to vector<64x256xf32>
    %reduce_sum3A_772 = arith.constant dense<0.000000e+00> : vector<256xf32>
    %reduce_sum3A_773 = vector.multi_reduction <add>, %convert_element_type3A_771, %reduce_sum3A_772 [0] : vector<64x256xf32> to vector<256xf32>
    %broadcast_in_dim3A_774 = vector.shape_cast %reduce_sum3A_773 : vector<256xf32> to vector<1x256xf32>
    %min3A = arith.constant 6.300000e+01 : f32
    %min3A_775 = vector.broadcast %min3A : f32 to vector<1x256xf32>
    %min3A_776 = arith.minimumf %broadcast_in_dim3A_774, %min3A_775 : vector<1x256xf32>
    %slice3A_777 = vector.extract_strided_slice %add3A_532 {offsets = [0, 63], sizes = [1, 1], strides = [1, 1]} : vector<1x64xf32> to vector<1x1xf32>
    %div3A_778 = arith.constant 2.560000e+02 : f32
    %div3A_779 = vector.broadcast %div3A_778 : f32 to vector<1x1xf32>
    %div3A_780 = arith.divf %slice3A_777, %div3A_779 : vector<1x1xf32>
    %lt3A_781 = arith.constant 128 : i32
    %lt3A_782 = vector.broadcast %lt3A_781 : i32 to vector<1x256xi32>
    %lt3A_783 = arith.cmpi slt, %iota3A_763, %lt3A_782 : vector<1x256xi32>
    %broadcast_in_dim3A_784 = vector.shape_cast %div3A_780 : vector<1x1xf32> to vector<1x1xf32>
    %broadcast_in_dim3A_785 = vector.broadcast %broadcast_in_dim3A_784 : vector<1x1xf32> to vector<1x256xf32>
    %select_n3A_786 = arith.select %lt3A_783, %min3A_776, %broadcast_in_dim3A_785 : vector<1x256xi1>, vector<1x256xf32>
    %convert_element_type3A_787 = arith.fptosi %select_n3A_786 : vector<1x256xf32> to vector<1x256xi32>
    %swap3A_788 = arith.constant 0 : index
    %swap3A_789 = arith.constant 0 : index
    %swap3A_790 = vector.load %arg4[%swap3A_788, %swap3A_789] : memref<1x256xi32, #tpu.memory_space<vmem>>, vector<1x256xi32>
    tpu.vector_store %arg4[%swap3A_788, %swap3A_789], %convert_element_type3A_787 {strides = array<i32>} : memref<1x256xi32, #tpu.memory_space<vmem>>, vector<1x256xi32>,
    return
  }
}

module attributes {stable_mosaic.version = 14 : i64} {
  func.func @_mlp_body(%arg0: i32, %arg1: memref<128xi32, #tpu.memory_space<smem>>, %arg2: memref<1xi32, #tpu.memory_space<smem>>, %arg3: memref<256x512xi32, #tpu.memory_space<vmem>>, %arg4: memref<1x512x1024xbf16, #tpu.memory_space<vmem>>, %arg5: memref<1x1024x256xbf16, #tpu.memory_space<vmem>>, %arg6: memref<256x512xi32, #tpu.memory_space<vmem>>) attributes {dimension_semantics = [#tpu.dimension_semantics<arbitrary>], iteration_bounds = array<i64: 128>, scalar_prefetch = 2 : i64, scratch_operands = 0 : i64, tpu.core_type = #tpu.core_type<tc>, window_params = [{transform_indices = @transform_0, window_bounds = array<i64: 256, 512>}, {transform_indices = @transform_1, window_bounds = array<i64: 1, 512, 1024>}, {transform_indices = @transform_2, window_bounds = array<i64: 1, 1024, 256>}, {transform_indices = @transform_3, window_bounds = array<i64: 256, 512>}]} {
    %get3A = arith.constant 0 : index
    %get3A_0 = memref.load %arg2[%get3A] : memref<1xi32, #tpu.memory_space<smem>>
    %lt3A = arith.cmpi slt, %arg0, %get3A_0 : i32
    %convert_element_type3A = arith.extui %lt3A : i1 to i32
    %cond3A = arith.constant 0 : i32
    %cond3A_1 = arith.cmpi ne, %convert_element_type3A, %cond3A : i32
    scf.if %cond3A_1 {
      %get3A_2 = arith.constant 0 : index
      %get3A_3 = arith.constant 0 : index
      %get3A_4 = vector.load %arg3[%get3A_2, %get3A_3] : memref<256x512xi32, #tpu.memory_space<vmem>>, vector<256x512xi32>
      %shift_left3A = arith.constant 16 : i32
      %shift_left3A_5 = vector.broadcast %shift_left3A : i32 to vector<256x512xi32>
      %shift_left3A_6 = arith.shli %get3A_4, %shift_left3A_5 : vector<256x512xi32>
      %bitcast_convert_type3A = tpu.bitcast %shift_left3A_6 : vector<256x512xi32> -> vector<256x512xf32>
      %and3A = arith.constant -65536 : i32
      %and3A_7 = vector.broadcast %and3A : i32 to vector<256x512xi32>
      %and3A_8 = arith.andi %get3A_4, %and3A_7 : vector<256x512xi32>
      %bitcast_convert_type3A_9 = tpu.bitcast %and3A_8 : vector<256x512xi32> -> vector<256x512xf32>
      %get3A_10 = arith.constant 0 : index
      %get3A_11 = arith.constant 0 : index
      %get3A_12 = arith.constant 0 : index
      %get3A_13 = vector.load %arg4[%get3A_10, %get3A_11, %get3A_12] : memref<1x512x1024xbf16, #tpu.memory_space<vmem>>, vector<1x512x1024xbf16>
      %get3A_14 = vector.shape_cast %get3A_13 : vector<1x512x1024xbf16> to vector<512x1024xbf16>
      %convert_element_type3A_15 = arith.truncf %bitcast_convert_type3A : vector<256x512xf32> to vector<256x512xbf16>
      %slice3A = vector.extract_strided_slice %get3A_14 {offsets = [0, 0], sizes = [512, 512], strides = [1, 1]} : vector<512x1024xbf16> to vector<512x512xbf16>
      %dot_general3A = arith.constant dense<0.000000e+00> : vector<256x512xf32>
      %dot_general3A_16 = tpu.matmul %convert_element_type3A_15, %slice3A, %dot_general3A {dimension_numbers = #tpu.dot_dimension_numbers<[1], [1], [0], [0], [0, 0, 1, 0], [], []>, transpose_lhs_hint = false} : vector<256x512xbf16>, vector<512x512xbf16>, vector<256x512xf32> -> vector<256x512xf32>
      %convert_element_type3A_17 = arith.truncf %bitcast_convert_type3A_9 : vector<256x512xf32> to vector<256x512xbf16>
      %slice3A_18 = vector.extract_strided_slice %get3A_14 {offsets = [0, 512], sizes = [512, 512], strides = [1, 1]} : vector<512x1024xbf16> to vector<512x512xbf16>
      %dot_general3A_19 = arith.constant dense<0.000000e+00> : vector<256x512xf32>
      %dot_general3A_20 = tpu.matmul %convert_element_type3A_17, %slice3A_18, %dot_general3A_19 {dimension_numbers = #tpu.dot_dimension_numbers<[1], [1], [0], [0], [0, 0, 1, 0], [], []>, transpose_lhs_hint = false} : vector<256x512xbf16>, vector<512x512xbf16>, vector<256x512xf32> -> vector<256x512xf32>
      %add3A = arith.addf %dot_general3A_16, %dot_general3A_20 : vector<256x512xf32>
      %slice3A_21 = vector.extract_strided_slice %add3A {offsets = [0, 0], sizes = [256, 256], strides = [1, 1]} : vector<256x512xf32> to vector<256x256xf32>
      %logistic3A = arith.negf %slice3A_21 : vector<256x256xf32>
      %logistic3A_22 = math.exp %logistic3A : vector<256x256xf32>
      %logistic3A_23 = arith.constant 1.000000e+00 : f32
      %logistic3A_24 = vector.broadcast %logistic3A_23 : f32 to vector<256x256xf32>
      %logistic3A_25 = arith.addf %logistic3A_24, %logistic3A_22 : vector<256x256xf32>
      %logistic3A_26 = arith.divf %logistic3A_24, %logistic3A_25 : vector<256x256xf32>
      %mul3A = arith.mulf %slice3A_21, %logistic3A_26 : vector<256x256xf32>
      %slice3A_27 = vector.extract_strided_slice %add3A {offsets = [0, 256], sizes = [256, 256], strides = [1, 1]} : vector<256x512xf32> to vector<256x256xf32>
      %mul3A_28 = arith.mulf %mul3A, %slice3A_27 : vector<256x256xf32>
      %convert_element_type3A_29 = arith.truncf %mul3A_28 : vector<256x256xf32> to vector<256x256xbf16>
      %get3A_30 = arith.constant 0 : index
      %get3A_31 = arith.constant 0 : index
      %get3A_32 = arith.constant 0 : index
      %get3A_33 = vector.load %arg5[%get3A_30, %get3A_31, %get3A_32] : memref<1x1024x256xbf16, #tpu.memory_space<vmem>>, vector<1x1024x256xbf16>
      %get3A_34 = vector.shape_cast %get3A_33 : vector<1x1024x256xbf16> to vector<1024x256xbf16>
      %slice3A_35 = vector.extract_strided_slice %get3A_34 {offsets = [0, 0], sizes = [512, 256], strides = [1, 1]} : vector<1024x256xbf16> to vector<512x256xbf16>
      %dot_general3A_36 = arith.constant dense<0.000000e+00> : vector<256x512xf32>
      %dot_general3A_37 = tpu.matmul %convert_element_type3A_29, %slice3A_35, %dot_general3A_36 {dimension_numbers = #tpu.dot_dimension_numbers<[1], [1], [0], [0], [0, 0, 1, 0], [], []>, transpose_lhs_hint = false} : vector<256x256xbf16>, vector<512x256xbf16>, vector<256x512xf32> -> vector<256x512xf32>
      %slice3A_38 = vector.extract_strided_slice %get3A_34 {offsets = [512, 0], sizes = [512, 256], strides = [1, 1]} : vector<1024x256xbf16> to vector<512x256xbf16>
      %dot_general3A_39 = arith.constant dense<0.000000e+00> : vector<256x512xf32>
      %dot_general3A_40 = tpu.matmul %convert_element_type3A_29, %slice3A_38, %dot_general3A_39 {dimension_numbers = #tpu.dot_dimension_numbers<[1], [1], [0], [0], [0, 0, 1, 0], [], []>, transpose_lhs_hint = false} : vector<256x256xbf16>, vector<512x256xbf16>, vector<256x512xf32> -> vector<256x512xf32>
      %convert_element_type3A_41 = arith.truncf %dot_general3A_37 : vector<256x512xf32> to vector<256x512xbf16>
      %convert_element_type3A_42 = arith.extf %convert_element_type3A_41 : vector<256x512xbf16> to vector<256x512xf32>
      %bitcast_convert_type3A_43 = tpu.bitcast %convert_element_type3A_42 : vector<256x512xf32> -> vector<256x512xi32>
      %shift_right_logical3A = arith.constant 16 : i32
      %shift_right_logical3A_44 = vector.broadcast %shift_right_logical3A : i32 to vector<256x512xi32>
      %shift_right_logical3A_45 = arith.shrui %bitcast_convert_type3A_43, %shift_right_logical3A_44 : vector<256x512xi32>
      %convert_element_type3A_46 = arith.truncf %dot_general3A_40 : vector<256x512xf32> to vector<256x512xbf16>
      %convert_element_type3A_47 = arith.extf %convert_element_type3A_46 : vector<256x512xbf16> to vector<256x512xf32>
      %bitcast_convert_type3A_48 = tpu.bitcast %convert_element_type3A_47 : vector<256x512xf32> -> vector<256x512xi32>
      %and3A_49 = arith.constant -65536 : i32
      %and3A_50 = vector.broadcast %and3A_49 : i32 to vector<256x512xi32>
      %and3A_51 = arith.andi %bitcast_convert_type3A_48, %and3A_50 : vector<256x512xi32>
      %or3A = arith.ori %shift_right_logical3A_45, %and3A_51 : vector<256x512xi32>
      %swap3A = arith.constant 0 : index
      %swap3A_52 = arith.constant 0 : index
      %swap3A_53 = vector.load %arg6[%swap3A, %swap3A_52] : memref<256x512xi32, #tpu.memory_space<vmem>>, vector<256x512xi32>
      tpu.vector_store %arg6[%swap3A, %swap3A_52], %or3A {strides = array<i32>} : memref<256x512xi32, #tpu.memory_space<vmem>>, vector<256x512xi32>,
    } else {
    }
    return
  }
  func.func @transform_0(%arg0: i32, %arg1: memref<128xi32, #tpu.memory_space<smem>>, %arg2: memref<1xi32, #tpu.memory_space<smem>>) -> (i32, i32) {
    %c0_i32 = arith.constant 0 : i32
    %c0_i32_0 = arith.constant 0 : i32
    return %arg0, %c0_i32 : i32, i32
  }
  func.func @transform_1(%arg0: i32, %arg1: memref<128xi32, #tpu.memory_space<smem>>, %arg2: memref<1xi32, #tpu.memory_space<smem>>) -> (i32, i32, i32) {
    %get3A = arith.index_cast %arg0 : i32 to index
    %get3A_0 = memref.load %arg1[%get3A] : memref<128xi32, #tpu.memory_space<smem>>
    %c0_i32 = arith.constant 0 : i32
    %c0_i32_1 = arith.constant 0 : i32
    %c0_i32_2 = arith.constant 0 : i32
    return %get3A_0, %c0_i32, %c0_i32_1 : i32, i32, i32
  }
  func.func @transform_2(%arg0: i32, %arg1: memref<128xi32, #tpu.memory_space<smem>>, %arg2: memref<1xi32, #tpu.memory_space<smem>>) -> (i32, i32, i32) {
    %get3A = arith.index_cast %arg0 : i32 to index
    %get3A_0 = memref.load %arg1[%get3A] : memref<128xi32, #tpu.memory_space<smem>>
    %c0_i32 = arith.constant 0 : i32
    %c0_i32_1 = arith.constant 0 : i32
    %c0_i32_2 = arith.constant 0 : i32
    return %get3A_0, %c0_i32, %c0_i32_1 : i32, i32, i32
  }
  func.func @transform_3(%arg0: i32, %arg1: memref<128xi32, #tpu.memory_space<smem>>, %arg2: memref<1xi32, #tpu.memory_space<smem>>) -> (i32, i32) {
    %c0_i32 = arith.constant 0 : i32
    %c0_i32_0 = arith.constant 0 : i32
    return %arg0, %c0_i32 : i32, i32
  }
}

module attributes {stable_mosaic.version = 14 : i64} {
  func.func @_shared_body(%arg0: memref<2048x1024xbf16, #tpu.memory_space<vmem>>, %arg1: memref<1024x1024xbf16, #tpu.memory_space<vmem>>, %arg2: memref<1024x512xbf16, #tpu.memory_space<vmem>>, %arg3: memref<2048x1024xf32, #tpu.memory_space<vmem>>) attributes {dimension_semantics = [], scalar_prefetch = 0 : i64, scratch_operands = 0 : i64, tpu.core_type = #tpu.core_type<tc>} {
    %get3A = arith.constant 0 : index
    %get3A_0 = arith.constant 0 : index
    %get3A_1 = vector.load %arg0[%get3A, %get3A_0] : memref<2048x1024xbf16, #tpu.memory_space<vmem>>, vector<2048x1024xbf16>
    %get3A_2 = arith.constant 0 : index
    %get3A_3 = arith.constant 0 : index
    %get3A_4 = vector.load %arg1[%get3A_2, %get3A_3] : memref<1024x1024xbf16, #tpu.memory_space<vmem>>, vector<1024x1024xbf16>
    %dot_general3A = arith.constant dense<0.000000e+00> : vector<2048x1024xf32>
    %dot_general3A_5 = tpu.matmul %get3A_1, %get3A_4, %dot_general3A {dimension_numbers = #tpu.dot_dimension_numbers<[1], [1], [0], [0], [0, 0, 1, 0], [], []>, transpose_lhs_hint = false} : vector<2048x1024xbf16>, vector<1024x1024xbf16>, vector<2048x1024xf32> -> vector<2048x1024xf32>
    %slice3A = vector.extract_strided_slice %dot_general3A_5 {offsets = [0, 0], sizes = [2048, 512], strides = [1, 1]} : vector<2048x1024xf32> to vector<2048x512xf32>
    %logistic3A = arith.negf %slice3A : vector<2048x512xf32>
    %logistic3A_6 = math.exp %logistic3A : vector<2048x512xf32>
    %logistic3A_7 = arith.constant 1.000000e+00 : f32
    %logistic3A_8 = vector.broadcast %logistic3A_7 : f32 to vector<2048x512xf32>
    %logistic3A_9 = arith.addf %logistic3A_8, %logistic3A_6 : vector<2048x512xf32>
    %logistic3A_10 = arith.divf %logistic3A_8, %logistic3A_9 : vector<2048x512xf32>
    %mul3A = arith.mulf %slice3A, %logistic3A_10 : vector<2048x512xf32>
    %slice3A_11 = vector.extract_strided_slice %dot_general3A_5 {offsets = [0, 512], sizes = [2048, 512], strides = [1, 1]} : vector<2048x1024xf32> to vector<2048x512xf32>
    %mul3A_12 = arith.mulf %mul3A, %slice3A_11 : vector<2048x512xf32>
    %convert_element_type3A = arith.truncf %mul3A_12 : vector<2048x512xf32> to vector<2048x512xbf16>
    %get3A_13 = arith.constant 0 : index
    %get3A_14 = arith.constant 0 : index
    %get3A_15 = vector.load %arg2[%get3A_13, %get3A_14] : memref<1024x512xbf16, #tpu.memory_space<vmem>>, vector<1024x512xbf16>
    %dot_general3A_16 = arith.constant dense<0.000000e+00> : vector<2048x1024xf32>
    %dot_general3A_17 = tpu.matmul %convert_element_type3A, %get3A_15, %dot_general3A_16 {dimension_numbers = #tpu.dot_dimension_numbers<[1], [1], [0], [0], [0, 0, 1, 0], [], []>, transpose_lhs_hint = false} : vector<2048x512xbf16>, vector<1024x512xbf16>, vector<2048x1024xf32> -> vector<2048x1024xf32>
    %swap3A = arith.constant 0 : index
    %swap3A_18 = arith.constant 0 : index
    %swap3A_19 = vector.load %arg3[%swap3A, %swap3A_18] : memref<2048x1024xf32, #tpu.memory_space<vmem>>, vector<2048x1024xf32>
    tpu.vector_store %arg3[%swap3A, %swap3A_18], %dot_general3A_17 {strides = array<i32>} : memref<2048x1024xf32, #tpu.memory_space<vmem>>, vector<2048x1024xf32>,
    return
  }
}

module attributes {stable_mosaic.version = 14 : i64} {
  func.func @_reduce_body(%arg0: i32, %arg1: memref<2048x512xi32, #tpu.memory_space<vmem>>, %arg2: memref<2048x128xf32, #tpu.memory_space<vmem>>, %arg3: memref<256x1024xf32, #tpu.memory_space<vmem>>, %arg4: memref<256x1024xf32, #tpu.memory_space<vmem>>) attributes {dimension_semantics = [#tpu.dimension_semantics<arbitrary>], iteration_bounds = array<i64: 8>, scalar_prefetch = 0 : i64, scratch_operands = 0 : i64, tpu.core_type = #tpu.core_type<tc>, window_params = [{transform_indices = @transform_0, window_bounds = array<i64: 2048, 512>}, {transform_indices = @transform_1, window_bounds = array<i64: 2048, 128>}, {transform_indices = @transform_2, window_bounds = array<i64: 256, 1024>}, {transform_indices = @transform_3, window_bounds = array<i64: 256, 1024>}]} {
    %get3A = arith.constant 0 : index
    %get3A_0 = arith.constant 0 : index
    %get3A_1 = vector.load %arg1[%get3A, %get3A_0] : memref<2048x512xi32, #tpu.memory_space<vmem>>, vector<2048x512xi32>
    %get3A_2 = arith.constant 0 : index
    %get3A_3 = arith.constant 0 : index
    %get3A_4 = vector.load %arg2[%get3A_2, %get3A_3] : memref<2048x128xf32, #tpu.memory_space<vmem>>, vector<2048x1xf32>
    %shift_left3A = arith.constant 16 : i32
    %shift_left3A_5 = vector.broadcast %shift_left3A : i32 to vector<2048x512xi32>
    %shift_left3A_6 = arith.shli %get3A_1, %shift_left3A_5 : vector<2048x512xi32>
    %bitcast_convert_type3A = tpu.bitcast %shift_left3A_6 : vector<2048x512xi32> -> vector<2048x512xf32>
    %mul3A = vector.broadcast %get3A_4 : vector<2048x1xf32> to vector<2048x512xf32>
    %mul3A_7 = arith.mulf %bitcast_convert_type3A, %mul3A : vector<2048x512xf32>
    %and3A = arith.constant -65536 : i32
    %and3A_8 = vector.broadcast %and3A : i32 to vector<2048x512xi32>
    %and3A_9 = arith.andi %get3A_1, %and3A_8 : vector<2048x512xi32>
    %bitcast_convert_type3A_10 = tpu.bitcast %and3A_9 : vector<2048x512xi32> -> vector<2048x512xf32>
    %mul3A_11 = vector.broadcast %get3A_4 : vector<2048x1xf32> to vector<2048x512xf32>
    %mul3A_12 = arith.mulf %bitcast_convert_type3A_10, %mul3A_11 : vector<2048x512xf32>
    %reshape3A = vector.shape_cast %mul3A_7 : vector<2048x512xf32> to vector<256x8x512xf32>
    %reduce_sum3A = arith.constant dense<0.000000e+00> : vector<256x512xf32>
    %reduce_sum3A_13 = vector.multi_reduction <add>, %reshape3A, %reduce_sum3A [1] : vector<256x8x512xf32> to vector<256x512xf32>
    %reshape3A_14 = vector.shape_cast %mul3A_12 : vector<2048x512xf32> to vector<256x8x512xf32>
    %reduce_sum3A_15 = arith.constant dense<0.000000e+00> : vector<256x512xf32>
    %reduce_sum3A_16 = vector.multi_reduction <add>, %reshape3A_14, %reduce_sum3A_15 [1] : vector<256x8x512xf32> to vector<256x512xf32>
    %concatenate3A = tpu.concatenate %reduce_sum3A_13, %reduce_sum3A_16 in 1 : vector<256x512xf32>, vector<256x512xf32> -> vector<256x1024xf32>
    %get3A_17 = arith.constant 0 : index
    %get3A_18 = arith.constant 0 : index
    %get3A_19 = vector.load %arg3[%get3A_17, %get3A_18] : memref<256x1024xf32, #tpu.memory_space<vmem>>, vector<256x1024xf32>
    %add3A = arith.addf %concatenate3A, %get3A_19 : vector<256x1024xf32>
    %swap3A = arith.constant 0 : index
    %swap3A_20 = arith.constant 0 : index
    %swap3A_21 = vector.load %arg4[%swap3A, %swap3A_20] : memref<256x1024xf32, #tpu.memory_space<vmem>>, vector<256x1024xf32>
    tpu.vector_store %arg4[%swap3A, %swap3A_20], %add3A {strides = array<i32>} : memref<256x1024xf32, #tpu.memory_space<vmem>>, vector<256x1024xf32>,
    return
  }
  func.func @transform_0(%arg0: i32) -> (i32, i32) {
    %c0_i32 = arith.constant 0 : i32
    %c0_i32_0 = arith.constant 0 : i32
    return %arg0, %c0_i32 : i32, i32
  }
  func.func @transform_1(%arg0: i32) -> (i32, i32) {
    %c0_i32 = arith.constant 0 : i32
    %c0_i32_0 = arith.constant 0 : i32
    return %arg0, %c0_i32 : i32, i32
  }
  func.func @transform_2(%arg0: i32) -> (i32, i32) {
    %c0_i32 = arith.constant 0 : i32
    %c0_i32_0 = arith.constant 0 : i32
    return %arg0, %c0_i32 : i32, i32
  }
  func.func @transform_3(%arg0: i32) -> (i32, i32) {
    %c0_i32 = arith.constant 0 : i32
    %c0_i32_0 = arith.constant 0 : i32
    return %arg0, %c0_i32 : i32, i32
  }
}

</mosaic_0001>

<sc_bundles>
// kernel: kernel.11.cloned.1.call-start
scs
__scs_entry_jumppad:
0x0: {  	(pc) =	sbr.rel $0x88, $3  }
0x1: {  	(tag) =	ssettag $0x0;
	lr =	simm.s32 $0x1  }
0x2: {  	[smem:$0x3F9A] =	sst lr;
	_ =	strace $0xD0000000  }
0x3: {  	_ = 	snop  }
0x4: {  	_ = 	snop  }
0x5: {  	_ = 	snop  }
0x6: {  	_ = 	snop  }
0x7: {  	_ = 	snop  }
__scs_overlays_trampoline_lowered:
0x8: {  	[smem:$0x3FA9] =	sst s0  }
0x9: {  	[smem:$0x3FAA] =	sst s1  }
0xa: {  	[smem:$0x3FAB] =	sst s2  }
0xb: {  	[smem:$0x3FAC] =	sst s3  }
0xc: {  	[smem:$0x3FAD] =	sst s4  }
0xd: {  	[smem:$0x3FAE] =	sst s5  }
0xe: {  	[smem:$0x3FAF] =	sst s6  }
0xf: {  	[smem:$0x3FB0] =	sst s7  }
0x10: {  	[smem:$0x3FB1] =	sst s8  }
0x11: {  	[smem:$0x3FB2] =	sst s9;
	s0 =	simm.s32 @!p0 $0x0  }
0x12: {  	s1 =	sld [smem:$0x3F98];
	s0 =	simm.s32 @p0 $0x1  }
0x13: {  	[smem:$0x3FB3] =	sst s0;
	s0 =	simm.s32 @!p1 $0x0  }
0x14: {  	s2 =	sld [smem:$0x3F97];
	s0 =	simm.s32 @p1 $0x1  }
0x15: {  	[smem:$0x3FB4] =	sst s0;
	s0 =	simm.s32 @!p2 $0x0  }
0x16: {  	s3 =	sld [smem:$0x3FDB];
	s0 =	simm.s32 @p2 $0x1  }
0x17: {  	s4 =	simm.s32 $0x1BF5;
	[smem:$0x3FB6] =	sst s0  }
0x18: {  	s0 =	sld [smem:$0x3F99];
	_ =	swait.ge [sflag:s4], $0x0  }
0x19: {  	s7 =	sld [smem:$0x3F9A]  }
0x1a: {  	s8 =	sadd.s32 $0xFFFFE003, lr  }
0x1b: {  	s9 =	sadd.s32 $0xFFFFFEF7, lr;
	s5 =	simm.s32 $0xFFFFFFFF;
	p2 =	slt.u32 s8, $0xFFFFF086  }
0x1c: {  	p1 =	slt.u32 s9, $0xF7A;
	s5 =	simm.s32 @!p2 $0x0  }
0x1d: {  	s5 =	simm.s32 @p1 $0x1;
	p0 =	seq.s32 s7, s2  }
0x1e: {  	s7 =	smul.u32 @!p0 $0xF7A, s2;
	p2 =	seq.s32 @!p0 s5, $0x0  }
0x1f: {  	s9 =	smul.u32 $0xF7A, s1;
	s8 =	simm.s32 @!p0 $0x1BF5;
	p2 =	por !p2, p0  }
0x20: {  	[sflag:s8] =	ssyncset.s32 @!p0 $0xFFFFF086;
	s6 =	sadd.s32 @!p0 s3, s7;
	s7 =	simm.s32 @!p0 $0x108  }
0x21: {  	s3 =	sadd.s32 s3, s9;
	s6 =	sadd.s32 @!p0 $0x88, s6;
	s7 =	simm.s32 @p2 $0x1082  }
0x22: {  	[simem:s7], [sflag:s8] =	dma.local @!p0 [hbm:s6], $0xF7A  }
0x23: {  	s9 =	sor.u32 $0xD0000000, s2;
	s6 =	simm.s32 $0x108;
	_ =	swait.ge @!p0 [sflag:s8], $0x0  }
0x24: {  	s3 =	sadd.s32 $0x88, s3;
	s6 =	simm.s32 @!p1 $0x1082;
	[sflag:s4] =	ssyncset.s32 $0xFFFFF086  }
0x25: {  	[simem:s6], [sflag:s4] =	dma.local [hbm:s3], $0xF7A  }
0x26: {  	[smem:$0x3F9A] =	sst s1;
	(tag) =	ssettag s2;
	_ =	strace s9  }
0x27: {  	s1 =	sld [smem:$0x3FAA]  }
0x28: {  	s2 =	sld [smem:$0x3FAB]  }
0x29: {  	s4 =	sld [smem:$0x3FAD]  }
0x2a: {  	p0 =	seq.s32 s5, $0x0;
	s5 =	sld [smem:$0x3FAE]  }
0x2b: {  	s6 =	sld [smem:$0x3FAF]  }
0x2c: {  	s7 =	sld [smem:$0x3FB0]  }
0x2d: {  	s3 =	simm.s32 $0x108;
	s8 =	sld [smem:$0x3FB1]  }
0x2e: {  	s3 =	simm.s32 @!p0 $0x1082;
	s9 =	sld [smem:$0x3FB2]  }
0x2f: {  	lr =	sadd.s32 s0, s3;
	s0 =	sld [smem:$0x3FA9]  }
0x30: {  	s3 =	sld [smem:$0x3FAC]  }
0x31: {  	[smem:$0x3FB5] =	sst s10  }
0x32: {  	s10 =	sld [smem:$0x3FB3];
	_ =	sdelay $0x3  }
0x33: {  	p0 =	seq.s32 s10, $0x1;
	s10 =	sld [smem:$0x3FB5];
	_ =	sdelay $0x3  }
0x34: {  	[smem:$0x3FB5] =	sst s10  }
0x35: {  	s10 =	sld [smem:$0x3FB4];
	_ =	sdelay $0x3  }
0x36: {  	p1 =	seq.s32 s10, $0x1;
	s10 =	sld [smem:$0x3FB5];
	_ =	sdelay $0x3  }
0x37: {  	[smem:$0x3FB5] =	sst s10  }
0x38: {  	s10 =	sld [smem:$0x3FB6]  }
0x39: {  	_ = 	snop;
	(pc) =	sbr.ind lr, $3  }
0x3a: {  	_ = 	snop  }
0x3b: {  	_ = 	snop  }
0x3c: {  	p2 =	seq.s32 s10, $0x1;
	s10 =	sld [smem:$0x3FB5]  }
0x3d: {  	_ =	shalt  }
0x3e: {  	_ =	shalt  }
0x3f: {  	_ =	shalt  }
0x40: {  	_ =	shalt  }
0x41: {  	_ =	shalt  }
0x42: {  	_ =	shalt  }
0x43: {  	_ =	shalt  }
0x44: {  	_ =	shalt  }
0x45: {  	_ =	shalt  }
0x46: {  	_ =	shalt  }
0x47: {  	_ =	shalt  }
0x48: {  	_ =	shalt  }
0x49: {  	_ =	shalt  }
0x4a: {  	_ =	shalt  }
0x4b: {  	_ =	shalt  }
0x4c: {  	_ =	shalt  }
0x4d: {  	_ =	shalt  }
0x4e: {  	_ =	shalt  }
0x4f: {  	_ =	shalt  }
0x50: {  	_ =	shalt  }
0x51: {  	_ =	shalt  }
0x52: {  	_ =	shalt  }
0x53: {  	_ =	shalt  }
0x54: {  	_ =	shalt  }
0x55: {  	_ =	shalt  }
0x56: {  	_ =	shalt  }
0x57: {  	_ =	shalt  }
0x58: {  	_ =	shalt  }
0x59: {  	_ =	shalt  }
0x5a: {  	_ =	shalt  }
0x5b: {  	_ =	shalt  }
0x5c: {  	_ =	shalt  }
0x5d: {  	_ =	shalt  }
0x5e: {  	_ =	shalt  }
0x5f: {  	_ =	shalt  }
0x60: {  	_ =	shalt  }
0x61: {  	_ =	shalt  }
0x62: {  	_ =	shalt  }
0x63: {  	_ =	shalt  }
0x64: {  	_ =	shalt  }
0x65: {  	_ =	shalt  }
0x66: {  	_ =	shalt  }
0x67: {  	_ =	shalt  }
0x68: {  	_ =	shalt  }
0x69: {  	_ =	shalt  }
0x6a: {  	_ =	shalt  }
0x6b: {  	_ =	shalt  }
0x6c: {  	_ =	shalt  }
0x6d: {  	_ =	shalt  }
0x6e: {  	_ =	shalt  }
0x6f: {  	_ =	shalt  }
0x70: {  	_ =	shalt  }
0x71: {  	_ =	shalt  }
0x72: {  	_ =	shalt  }
0x73: {  	_ =	shalt  }
0x74: {  	_ =	shalt  }
0x75: {  	_ =	shalt  }
0x76: {  	_ =	shalt  }
0x77: {  	_ =	shalt  }
0x78: {  	_ =	shalt  }
0x79: {  	_ =	shalt  }
0x7a: {  	_ =	shalt  }
0x7b: {  	_ =	shalt  }
0x7c: {  	_ =	shalt  }
0x7d: {  	_ =	shalt  }
0x7e: {  	_ =	shalt  }
0x7f: {  	_ =	shalt  }
0x80: {  	_ =	shalt  }
0x81: {  	_ =	shalt  }
0x82: {  	_ =	shalt  }
0x83: {  	_ =	shalt  }
0x84: {  	_ =	shalt  }
0x85: {  	_ =	shalt  }
0x86: {  	_ =	shalt  }
0x87: {  	_ =	shalt  }
.Lfunc_end0:
.L_simem_size_0:
called_computation.1_lowered:
.L_overlay_start_0:
0x88: {  	s2 =	sld [smem:$0x3FD9]  }
0x89: {  	s3 =	sld [smem:$0x3FFE];
	_ =	sdelay $0x1  }
0x8a: {  	s1 =	srdreg.scid  }
0x8b: {  	s0 =	sand.u32 $0x1, s1  }
0x8c: {  	s16 =	sshll.u32 s0, $0xA;
	s2 =	sadd.s32 s3, s2  }
0x8d: {  	s2 =	sadd.s32 s2, s16  }
0x8e: {  	[smem:$0x3FC1] =	sst s2  }
0x8f: {  	_ = 	snop  }
0x90: {  	(tm) =	ssettm $0x1  }
0x91: {  	s17 =	sld [smem:$0x3FFB];
	_ =	sdelay $0x3  }
0x92: {  	_ =	strace s17  }
0x93: {  	s2 =	sld [smem:$0x3FFC];
	_ =	sdelay $0x3  }
0x94: {  	_ =	strace s2  }
0x95: {  	s2 =	sld [smem:$0x3FFD];
	_ =	sdelay $0x3  }
0x96: {  	_ =	strace s2  }
0x97: {  	_ =	strace $0x8FFFFFFF  }
0x98: {  	s18 =	sld [smem:$0x3FDB];
	_ =	sdelay $0x1  }
0x99: {  	s19 =	simm.s32 $_scs_section_size  }
0x9a: {  	s4 =	simm.s32 $_size__tile_overlayer_lowered;
	s5 =	simm.s32 $_tile_overlayer_lowered  }
0x9b: {  	s22 =	simm.s32 $0x1BFF;
	s21 =	sshll.u32 s5, $0x1;
	s2 =	sadd.s32 s19, s18  }
0x9c: {  	s6 =	simm.s32 $0x0;
	s20 =	sshll.u32 s4, $0x1;
	s4 =	sadd.s32 s21, s2  }
0x9d: {  	[timem:s6], [sflag:s22] =	dma.local [hbm:s4], s20  }
0x9e: {  	_ =	swait.ge [sflag:s22], s20  }
0x9f: {  	s3 =	ssub.s32 $0x0, s20;
	[sflag:s22] =	ssyncset.done $0x0  }
0xa0: {  	[sflag:s22] =	ssyncadd.s32 s3;
	_ =	sdelay $0x1  }
0xa1: {  	s23 =	simm.s32 $0x1B8B  }
0xa2: {  	_ =	swait.ge [sflag:s23], $0x1  }
0xa3: {  	[sflag:s23] =	ssyncset.done $0x0  }
0xa4: {  	s25 =	simm.s32 $0x1B8E;
	s24 =	sld [smem:$0x3FFE];
	[sflag:s23] =	ssyncadd.s32 $0xFFFFFFFF  }
0xa5: {  	s26 =	simm.s32 $execute0_lowered;
	[smem:$0x3FD2] =	sst s25  }
0xa6: {  	s4 =	sshll.u32 s26, $0x1;
	_ =	strace $0x80000049;
	[dreg:$0x1] =	wrdreg $0xFFFFFFFF  }
0xa7: {  	s28 =	simm.s32 $_size_execute0_lowered;
	s2 =	sadd.s32 s2, s4;
	[dreg:$0x0] =	wrdreg $0x0  }
0xa8: {  	s4 =	sshll.u32 s28, $0x1;
	[dreg:$0x2] =	wrdreg s2  }
0xa9: {  	[dreg:$0x3] =	wrdreg s4  }
0xaa: {  	[dreg:$0x4] =	wrdreg $0xC0  }
0xab: {  	_ =	task [dreg:s6], $0x5FFFF  }
0xac: {  	[dreg:$0x1] =	wrdreg $0xFFFFFFFF  }
0xad: {  	[dreg:$0x0] =	wrdreg $0x60  }
0xae: {  	[dreg:$0x2] =	wrdreg s24  }
0xaf: {  	[dreg:$0x3] =	wrdreg $0x9  }
0xb0: {  	_ =	task.clear_ibuf [dreg:s6], $0x4FFFF;
	_ =	strace $0x90000049  }
0xb1: {  	s29 =	simm.s32 $0x9;
	_ =	strace $0x8000004B  }
0xb2: {  	_ =	swait.ge [sflag:s29], $0x1  }
0xb3: {  	[sflag:s29] =	ssyncadd.s32 $0xFFFFFFFF  }
0xb4: {  	_ =	strace $0x9000004B  }
0xb5: {  	_ =	sfence  }
0xb6: {  	s30 =	sld [smem:$0x0];
	_ =	sdelay $0x2  }
0xb7: {  	s31 =	sshll.u32 s1, $0xD;
	s1 =	sshrl.u32 s1, $0x2  }
0xb8: {  	s3 =	sand.u32 $0x4000, s31;
	s1 =	sadd.s32 s1, s30  }
0xb9: {  	s0 =	sor.u32 s3, s0;
	s1 =	sshll.u32 s1, $0x11  }
0xba: {  	s0 =	sor.u32 s1, s0  }
0xbb: {  	s0 =	sadd.s32 $0x8F2B, s0  }
0xbc: {  	[sflag:s0] =	ssyncadd.remote.s32 $0x1  }
0xbd: {  	_ =	sfence.sel $0xFFFF  }
0xbe: {  	[dreg:$0x0] =	wrdreg $0xFFFFFFFF;
	(pc) =	sbr.abs _section_cstart, $3  }
0xbf: {  	[dreg:$0x1] =	wrdreg $0xFFFFFFFF  }
0xc0: {  	_ =	task.clear_ibuf [dreg:s6], $0x2FFFF;
	_ =	strace $0x9FFFFFFF  }
0xc1: {  	(tm) =	ssettm $0x7FFFFFFF  }
tec
execute0_lowered:
.L_overlay_start_1:
0x0: {  	(tag) =	ssettag $0x1  }
0x1: {  	s0 =	rddreg [dreg:$0x0];
	s1 =	srdreg.scid  }
0x2: {  	s2 =	simm.s32 $0x0;
	s4 =	stileid.u32;
	s1 =	sand.u32 $0x1, s1  }
0x3: {  	[smem:$0x7FF] =	sst s2;
	s4 =	sshll.u32 s4, $0x9;
	s3 =	sshll.u32 s1, $0xD  }
0x4: {  	s5 =	sadd.s32 $0x22600, s0;
	s7 =	sadd.s32 $0x22E00, s0;
	s4 =	sor.u32 s4, s3  }
0x5: {  	_ =	strace $0x8000004A;
	s1 =	ssub.s32 $0x2, s1;
	s3 =	sshrl.u32 s4, $0x3  }
0x6: {  	s6 =	sor.u32 $0x40, s4;
	s31 =	sshll.u32 s4, $0x6;
	s10 =	sor.u32 $0x80, s4  }
0x7: {  	s16 =	sor.u32 $0x100, s4;
	s22 =	sor.u32 $0x180, s4;
	s3 =	sadd.s32 s5, s3  }
0x8: {  	s8 =	sshrl.u32 s6, $0x3;
	s9 =	sadd.s32 s7, s31;
	s11 =	sshrl.u32 s10, $0x3  }
0x9: {  	s6 =	sshll.u32 s6, $0x6;
	s15 =	sshll.u32 s10, $0x6;
	s17 =	sshrl.u32 s16, $0x3  }
0xa: {  	s10 =	sor.u32 $0x140, s4;
	s23 =	sshrl.u32 s22, $0x3;
	[dreg:$0x2] =	wrdreg s3  }
0xb: {  	s28 =	sshll.u32 s22, $0x6;
	s30 =	sadd.s32 s5, s8;
	[dreg:$0x4] =	wrdreg s9  }
0xc: {  	s3 =	sadd.s32 s5, s11;
	s9 =	sor.u32 $0xC0, s4;
	s12 =	sadd.s32 s7, s6  }
0xd: {  	s6 =	sadd.s32 s7, s15;
	s19 =	sshrl.u32 s10, $0x3;
	[dreg:$0x3] =	wrdreg s30  }
0xe: {  	s8 =	sshll.u32 s16, $0x6;
	s24 =	sshll.u32 s10, $0x6;
	[dreg:$0x5] =	wrdreg s3  }
0xf: {  	s4 =	sor.u32 $0x1C0, s4;
	s29 =	sadd.s32 s7, s28;
	[dreg:$0x6] =	wrdreg s12  }
0x10: {  	s15 =	simm.s32 $0x1;
	s16 =	simm.s32 $0x3;
	[dreg:$0x8] =	wrdreg s6  }
0x11: {  	s13 =	sshrl.u32 s9, $0x3;
	s6 =	sadd.s32 s5, s17;
	[dreg:$0x10] =	wrdreg s29  }
0x12: {  	s3 =	sadd.s32 $0x543000, s0;
	s20 =	sadd.s32 s5, s19;
	[dreg:$0x9] =	wrdreg s6  }
0x13: {  	s9 =	sshll.u32 s9, $0x6;
	s21 =	sadd.s32 s7, s8;
	[dreg:$0xb] =	wrdreg s20  }
0x14: {  	s25 =	sadd.s32 s7, s24;
	s26 =	sshrl.u32 s4, $0x3;
	[dreg:$0xc] =	wrdreg s21  }
0x15: {  	s4 =	sshll.u32 s4, $0x6;
	s14 =	sadd.s32 s5, s13;
	[dreg:$0xe] =	wrdreg s25  }
0x16: {  	s30 =	sshrl.u32 s1, $0x1;
	s18 =	sadd.s32 s7, s9;
	[dreg:$0x7] =	wrdreg s14  }
0x17: {  	s24 =	simm.s32 $0x8100;
	s6 =	sadd.s32 s5, s23;
	[dreg:$0xa] =	wrdreg s18  }
0x18: {  	s17 =	simm.s32 $0x2;
	s5 =	sadd.s32 s5, s26;
	[dreg:$0xd] =	wrdreg s6  }
0x19: {  	v2 =	vlaneseq.u32;
	s31 =	sadd.s32 s7, s4;
	s1 =	ssub.s32 s1, s30;
	[dreg:$0xf] =	wrdreg s5  }
0x1a: {  	vm0 =	vmmov $0xffff;
	v1 =	vshrl.u32 v2, $0x3;
	s4 =	sadd.s32 $0x543100, s0;
	s23 =	simm.s32 $0x80;
	[dreg:$0x11] =	wrdreg s31  }
0x1b: {  	v0 =	vand.u32 $0x7, v2;
	v2 =	vor.u32 $0x8, v2;
	v1 =	vmul.u32 $0x8, v1;
	s5 =	smax.u32 s1, $0x1;
	s6 =	simm.s32 $0x5;
	s18 =	simm.s32 $0x4  }
.LBB2_1:
0x1c: {  	s19 =	rddreg [dreg:$0x2]  }
0x1d: {  	[tilespmem:s2], [sflag:$0x5] =	stream.linear.gather [hbm4b:s19+s2], $0x40, $0x38;
	[tilespmem:$0x10100] =	vst v63  }
0x1e: {  	_ =	swait.ge [sflag:s6], $0x40  }
0x1f: {  	[sflag:s6] =	ssyncset.done $0x0  }
0x20: {  	[sflag:s6] =	ssyncadd.s32 $0xFFFFFFC0  }
0x21: {  	v3 =	vld [tilespmem:$0x0];
	_ =	sdelay $0x4  }
0x22: {  	v4 =	vshll.u32 v3, $0x2  }
0x23: {  	v3 =	vand.u32 $0x7, v3;
	v4 =	vand.u32 $0xFFFFFFE0, v4  }
0x24: {  	v3 =	vor.u32 v3, v4  }
0x25: {  	v4 =	vperm.xlane v3, v0;
	_ =	sdelay $0x1  }
0x26: {  	v4 =	vadd.s32 v1, v4;
	_ =	sdelay $0x1  }
0x27: {  	v3 =	vperm.xlane v3, v2;
	_ =	sdelay $0x1  }
0x28: {  	v3 =	vadd.s32 v1, v3  }
0x29: {  	[tilespmem:s23], [sflag:$0x1] =	stream.indirect_vreg.gather [hbm4b:s3+s2], $0x80, v4, vm0, $0xb8;
	[tilespmem:$0x10100] =	vst v63  }
0x2a: {  	s0 =	simm.s32 $0x880  }
0x2b: {  	[tilespmem:s0], [sflag:$0x1] =	stream.indirect_vreg.gather [hbm4b:s4+s2], $0x80, v4, vm0, $0xb8;
	[tilespmem:$0x10100] =	vst v63  }
0x2c: {  	s9 =	simm.s32 $0x1080  }
0x2d: {  	[tilespmem:s9], [sflag:$0x1] =	stream.indirect_vreg.gather [hbm4b:s3+s2], $0x80, v3, vm0, $0xb8;
	[tilespmem:$0x10100] =	vst v63  }
0x2e: {  	s10 =	simm.s32 $0x1880  }
0x2f: {  	[tilespmem:s10], [sflag:$0x1] =	stream.indirect_vreg.gather [hbm4b:s4+s2], $0x80, v3, vm0, $0xb8;
	[tilespmem:$0x10100] =	vst v63  }
0x30: {  	v3 =	vld [tilespmem:$0x10];
	_ =	sdelay $0x4  }
0x31: {  	v33 =	vshll.u32 v3, $0x2  }
0x32: {  	v3 =	vand.u32 $0x7, v3;
	v4 =	vand.u32 $0xFFFFFFE0, v33  }
0x33: {  	v3 =	vor.u32 v3, v4  }
0x34: {  	v4 =	vperm.xlane v3, v0;
	_ =	sdelay $0x1  }
0x35: {  	v4 =	vadd.s32 v1, v4;
	_ =	sdelay $0x1  }
0x36: {  	v3 =	vperm.xlane v3, v2;
	_ =	sdelay $0x1  }
0x37: {  	s11 =	simm.s32 $0x2080;
	v3 =	vadd.s32 v1, v3  }
0x38: {  	[tilespmem:s11], [sflag:$0x1] =	stream.indirect_vreg.gather [hbm4b:s3+s2], $0x80, v4, vm0, $0xb8;
	[tilespmem:$0x10100] =	vst v63  }
0x39: {  	s12 =	simm.s32 $0x2880  }
0x3a: {  	[tilespmem:s12], [sflag:$0x1] =	stream.indirect_vreg.gather [hbm4b:s4+s2], $0x80, v4, vm0, $0xb8;
	[tilespmem:$0x10100] =	vst v63  }
0x3b: {  	s13 =	simm.s32 $0x3080  }
0x3c: {  	[tilespmem:s13], [sflag:$0x1] =	stream.indirect_vreg.gather [hbm4b:s3+s2], $0x80, v3, vm0, $0xb8;
	[tilespmem:$0x10100] =	vst v63  }
0x3d: {  	s14 =	simm.s32 $0x3880  }
0x3e: {  	[tilespmem:s14], [sflag:$0x1] =	stream.indirect_vreg.gather [hbm4b:s4+s2], $0x80, v3, vm0, $0xb8;
	[tilespmem:$0x10100] =	vst v63  }
0x3f: {  	v3 =	vld [tilespmem:$0x20];
	_ =	sdelay $0x4  }
0x40: {  	v34 =	vshll.u32 v3, $0x2  }
0x41: {  	v3 =	vand.u32 $0x7, v3;
	v4 =	vand.u32 $0xFFFFFFE0, v34  }
0x42: {  	v3 =	vor.u32 v3, v4  }
0x43: {  	v4 =	vperm.xlane v3, v0;
	_ =	sdelay $0x1  }
0x44: {  	v4 =	vadd.s32 v1, v4;
	_ =	sdelay $0x1  }
0x45: {  	v3 =	vperm.xlane v3, v2;
	_ =	sdelay $0x1  }
0x46: {  	s19 =	simm.s32 $0x4080;
	v3 =	vadd.s32 v1, v3  }
0x47: {  	[tilespmem:s19], [sflag:$0x1] =	stream.indirect_vreg.gather [hbm4b:s3+s2], $0x80, v4, vm0, $0xb8;
	[tilespmem:$0x10100] =	vst v63  }
0x48: {  	s20 =	simm.s32 $0x4880  }
0x49: {  	[tilespmem:s20], [sflag:$0x1] =	stream.indirect_vreg.gather [hbm4b:s4+s2], $0x80, v4, vm0, $0xb8;
	[tilespmem:$0x10100] =	vst v63  }
0x4a: {  	s21 =	simm.s32 $0x5080  }
0x4b: {  	[tilespmem:s21], [sflag:$0x1] =	stream.indirect_vreg.gather [hbm4b:s3+s2], $0x80, v3, vm0, $0xb8;
	[tilespmem:$0x10100] =	vst v63  }
0x4c: {  	s22 =	simm.s32 $0x5880  }
0x4d: {  	[tilespmem:s22], [sflag:$0x1] =	stream.indirect_vreg.gather [hbm4b:s4+s2], $0x80, v3, vm0, $0xb8;
	[tilespmem:$0x10100] =	vst v63  }
0x4e: {  	v3 =	vld [tilespmem:$0x30];
	_ =	sdelay $0x4  }
0x4f: {  	v35 =	vshll.u32 v3, $0x2  }
0x50: {  	v3 =	vand.u32 $0x7, v3;
	v4 =	vand.u32 $0xFFFFFFE0, v35  }
0x51: {  	v3 =	vor.u32 v3, v4  }
0x52: {  	v4 =	vperm.xlane v3, v0;
	_ =	sdelay $0x1  }
0x53: {  	v4 =	vadd.s32 v1, v4;
	_ =	sdelay $0x1  }
0x54: {  	v3 =	vperm.xlane v3, v2;
	_ =	sdelay $0x1  }
0x55: {  	s25 =	simm.s32 $0x6080;
	v3 =	vadd.s32 v1, v3  }
0x56: {  	[tilespmem:s25], [sflag:$0x1] =	stream.indirect_vreg.gather [hbm4b:s3+s2], $0x80, v4, vm0, $0xb8;
	[tilespmem:$0x10100] =	vst v63  }
0x57: {  	s26 =	simm.s32 $0x6880  }
0x58: {  	[tilespmem:s26], [sflag:$0x1] =	stream.indirect_vreg.gather [hbm4b:s4+s2], $0x80, v4, vm0, $0xb8;
	[tilespmem:$0x10100] =	vst v63  }
0x59: {  	s28 =	simm.s32 $0x7080  }
0x5a: {  	[tilespmem:s28], [sflag:$0x1] =	stream.indirect_vreg.gather [hbm4b:s3+s2], $0x80, v3, vm0, $0xb8;
	[tilespmem:$0x10100] =	vst v63  }
0x5b: {  	s31 =	simm.s32 $0x7880  }
0x5c: {  	[tilespmem:s31], [sflag:$0x1] =	stream.indirect_vreg.gather [hbm4b:s4+s2], $0x80, v3, vm0, $0xb8;
	[tilespmem:$0x10100] =	vst v63  }
0x5d: {  	s1 =	simm.s32 $0x8080;
	s30 =	rddreg [dreg:$0x3]  }
0x5e: {  	[tilespmem:s1], [sflag:$0x5] =	stream.linear.gather [hbm4b:s30+s2], $0x40, $0x38;
	[tilespmem:$0x10100] =	vst v63  }
0x5f: {  	_ =	swait.ge [sflag:s6], $0x40  }
0x60: {  	[sflag:s6] =	ssyncset.done $0x0  }
0x61: {  	[sflag:s6] =	ssyncadd.s32 $0xFFFFFFC0  }
0x62: {  	v3 =	vld [tilespmem:$0x8080];
	_ =	sdelay $0x4  }
0x63: {  	v36 =	vshll.u32 v3, $0x2  }
0x64: {  	v3 =	vand.u32 $0x7, v3;
	v4 =	vand.u32 $0xFFFFFFE0, v36  }
0x65: {  	v3 =	vor.u32 v3, v4  }
0x66: {  	v4 =	vperm.xlane v3, v0;
	_ =	sdelay $0x1  }
0x67: {  	v4 =	vadd.s32 v1, v4;
	_ =	sdelay $0x1  }
0x68: {  	v3 =	vperm.xlane v3, v2;
	_ =	sdelay $0x1  }
0x69: {  	v3 =	vadd.s32 v1, v3  }
0x6a: {  	[tilespmem:s24], [sflag:$0x2] =	stream.indirect_vreg.gather [hbm4b:s3+s2], $0x80, v4, vm0, $0xb8;
	[tilespmem:$0x10100] =	vst v63  }
0x6b: {  	s7 =	simm.s32 $0x8900  }
0x6c: {  	[tilespmem:s7], [sflag:$0x2] =	stream.indirect_vreg.gather [hbm4b:s4+s2], $0x80, v4, vm0, $0xb8;
	[tilespmem:$0x10100] =	vst v63  }
0x6d: {  	s8 =	simm.s32 $0x9100  }
0x6e: {  	[tilespmem:s8], [sflag:$0x2] =	stream.indirect_vreg.gather [hbm4b:s3+s2], $0x80, v3, vm0, $0xb8;
	[tilespmem:$0x10100] =	vst v63  }
0x6f: {  	s10 =	simm.s32 $0x9900  }
0x70: {  	[tilespmem:s10], [sflag:$0x2] =	stream.indirect_vreg.gather [hbm4b:s4+s2], $0x80, v3, vm0, $0xb8;
	[tilespmem:$0x10100] =	vst v63  }
0x71: {  	v3 =	vld [tilespmem:$0x8090];
	_ =	sdelay $0x4  }
0x72: {  	v37 =	vshll.u32 v3, $0x2  }
0x73: {  	v3 =	vand.u32 $0x7, v3;
	v4 =	vand.u32 $0xFFFFFFE0, v37  }
0x74: {  	v3 =	vor.u32 v3, v4  }
0x75: {  	v4 =	vperm.xlane v3, v0;
	_ =	sdelay $0x1  }
0x76: {  	v4 =	vadd.s32 v1, v4;
	_ =	sdelay $0x1  }
0x77: {  	v3 =	vperm.xlane v3, v2;
	_ =	sdelay $0x1  }
0x78: {  	s11 =	simm.s32 $0xA100;
	v3 =	vadd.s32 v1, v3  }
0x79: {  	[tilespmem:s11], [sflag:$0x2] =	stream.indirect_vreg.gather [hbm4b:s3+s2], $0x80, v4, vm0, $0xb8;
	[tilespmem:$0x10100] =	vst v63  }
0x7a: {  	s14 =	simm.s32 $0xA900  }
0x7b: {  	[tilespmem:s14], [sflag:$0x2] =	stream.indirect_vreg.gather [hbm4b:s4+s2], $0x80, v4, vm0, $0xb8;
	[tilespmem:$0x10100] =	vst v63  }
0x7c: {  	s20 =	simm.s32 $0xB100  }
0x7d: {  	[tilespmem:s20], [sflag:$0x2] =	stream.indirect_vreg.gather [hbm4b:s3+s2], $0x80, v3, vm0, $0xb8;
	[tilespmem:$0x10100] =	vst v63  }
0x7e: {  	s21 =	simm.s32 $0xB900  }
0x7f: {  	[tilespmem:s21], [sflag:$0x2] =	stream.indirect_vreg.gather [hbm4b:s4+s2], $0x80, v3, vm0, $0xb8;
	[tilespmem:$0x10100] =	vst v63  }
0x80: {  	v3 =	vld [tilespmem:$0x80A0];
	_ =	sdelay $0x4  }
0x81: {  	v38 =	vshll.u32 v3, $0x2  }
0x82: {  	v3 =	vand.u32 $0x7, v3;
	v4 =	vand.u32 $0xFFFFFFE0, v38  }
0x83: {  	v3 =	vor.u32 v3, v4  }
0x84: {  	v4 =	vperm.xlane v3, v0;
	_ =	sdelay $0x1  }
0x85: {  	v4 =	vadd.s32 v1, v4;
	_ =	sdelay $0x1  }
0x86: {  	v3 =	vperm.xlane v3, v2;
	_ =	sdelay $0x1  }
0x87: {  	s22 =	simm.s32 $0xC100;
	v3 =	vadd.s32 v1, v3  }
0x88: {  	[tilespmem:s22], [sflag:$0x2] =	stream.indirect_vreg.gather [hbm4b:s3+s2], $0x80, v4, vm0, $0xb8;
	[tilespmem:$0x10100] =	vst v63  }
0x89: {  	s25 =	simm.s32 $0xC900  }
0x8a: {  	[tilespmem:s25], [sflag:$0x2] =	stream.indirect_vreg.gather [hbm4b:s4+s2], $0x80, v4, vm0, $0xb8;
	[tilespmem:$0x10100] =	vst v63  }
0x8b: {  	s0 =	simm.s32 $0xD100  }
0x8c: {  	[tilespmem:s0], [sflag:$0x2] =	stream.indirect_vreg.gather [hbm4b:s3+s2], $0x80, v3, vm0, $0xb8;
	[tilespmem:$0x10100] =	vst v63  }
0x8d: {  	s7 =	simm.s32 $0xD900  }
0x8e: {  	[tilespmem:s7], [sflag:$0x2] =	stream.indirect_vreg.gather [hbm4b:s4+s2], $0x80, v3, vm0, $0xb8;
	[tilespmem:$0x10100] =	vst v63  }
0x8f: {  	v3 =	vld [tilespmem:$0x80B0];
	_ =	sdelay $0x4  }
0x90: {  	v39 =	vshll.u32 v3, $0x2  }
0x91: {  	v3 =	vand.u32 $0x7, v3;
	v4 =	vand.u32 $0xFFFFFFE0, v39  }
0x92: {  	v3 =	vor.u32 v3, v4  }
0x93: {  	v4 =	vperm.xlane v3, v0;
	_ =	sdelay $0x1  }
0x94: {  	v4 =	vadd.s32 v1, v4;
	_ =	sdelay $0x1  }
0x95: {  	v3 =	vperm.xlane v3, v2;
	_ =	sdelay $0x1  }
0x96: {  	s8 =	simm.s32 $0xE100;
	v3 =	vadd.s32 v1, v3  }
0x97: {  	[tilespmem:s8], [sflag:$0x2] =	stream.indirect_vreg.gather [hbm4b:s3+s2], $0x80, v4, vm0, $0xb8;
	[tilespmem:$0x10100] =	vst v63  }
0x98: {  	s10 =	simm.s32 $0xE900  }
0x99: {  	[tilespmem:s10], [sflag:$0x2] =	stream.indirect_vreg.gather [hbm4b:s4+s2], $0x80, v4, vm0, $0xb8;
	[tilespmem:$0x10100] =	vst v63  }
0x9a: {  	s11 =	simm.s32 $0xF100  }
0x9b: {  	[tilespmem:s11], [sflag:$0x2] =	stream.indirect_vreg.gather [hbm4b:s3+s2], $0x80, v3, vm0, $0xb8;
	[tilespmem:$0x10100] =	vst v63  }
0x9c: {  	s14 =	simm.s32 $0xF900  }
0x9d: {  	[tilespmem:s14], [sflag:$0x2] =	stream.indirect_vreg.gather [hbm4b:s4+s2], $0x80, v3, vm0, $0xb8;
	[tilespmem:$0x10100] =	vst v63  }
0x9e: {  	_ =	swait.ge [sflag:s15], $0x8000  }
0x9f: {  	[sflag:s15] =	ssyncset.done $0x0  }
0xa0: {  	s20 =	rddreg [dreg:$0x4];
	[sflag:s15] =	ssyncadd.s32 $0xFFFF8000  }
0xa1: {  	[hbm4b:s20+s2] =	stream.linear.scatter [tilespmem:s23], [sflag:$0x3], $0x8000, $0x38;
	[tilespmem:$0x10100] =	vst v63  }
0xa2: {  	_ =	swait.ge [sflag:s16], $0x8000  }
0xa3: {  	[sflag:s16] =	ssyncset.done $0x0  }
0xa4: {  	s21 =	rddreg [dreg:$0x5];
	[sflag:s16] =	ssyncadd.s32 $0xFFFF8000  }
0xa5: {  	[tilespmem:s2], [sflag:$0x5] =	stream.linear.gather [hbm4b:s21+s2], $0x40, $0x38;
	[tilespmem:$0x10100] =	vst v63  }
0xa6: {  	_ =	swait.ge [sflag:s6], $0x40  }
0xa7: {  	[sflag:s6] =	ssyncset.done $0x0  }
0xa8: {  	[sflag:s6] =	ssyncadd.s32 $0xFFFFFFC0  }
0xa9: {  	v3 =	vld [tilespmem:$0x0];
	_ =	sdelay $0x4  }
0xaa: {  	v40 =	vshll.u32 v3, $0x2  }
0xab: {  	v3 =	vand.u32 $0x7, v3;
	v4 =	vand.u32 $0xFFFFFFE0, v40  }
0xac: {  	v3 =	vor.u32 v3, v4  }
0xad: {  	v4 =	vperm.xlane v3, v0;
	_ =	sdelay $0x1  }
0xae: {  	v4 =	vadd.s32 v1, v4;
	_ =	sdelay $0x1  }
0xaf: {  	v3 =	vperm.xlane v3, v2;
	_ =	sdelay $0x1  }
0xb0: {  	v3 =	vadd.s32 v1, v3  }
0xb1: {  	[tilespmem:s23], [sflag:$0x1] =	stream.indirect_vreg.gather [hbm4b:s3+s2], $0x80, v4, vm0, $0xb8;
	[tilespmem:$0x10100] =	vst v63  }
0xb2: {  	s7 =	simm.s32 $0x880  }
0xb3: {  	[tilespmem:s7], [sflag:$0x1] =	stream.indirect_vreg.gather [hbm4b:s4+s2], $0x80, v4, vm0, $0xb8;
	[tilespmem:$0x10100] =	vst v63  }
0xb4: {  	s8 =	simm.s32 $0x1080  }
0xb5: {  	[tilespmem:s8], [sflag:$0x1] =	stream.indirect_vreg.gather [hbm4b:s3+s2], $0x80, v3, vm0, $0xb8;
	[tilespmem:$0x10100] =	vst v63  }
0xb6: {  	s9 =	simm.s32 $0x1880  }
0xb7: {  	[tilespmem:s9], [sflag:$0x1] =	stream.indirect_vreg.gather [hbm4b:s4+s2], $0x80, v3, vm0, $0xb8;
	[tilespmem:$0x10100] =	vst v63  }
0xb8: {  	v3 =	vld [tilespmem:$0x10];
	_ =	sdelay $0x4  }
0xb9: {  	v41 =	vshll.u32 v3, $0x2  }
0xba: {  	v3 =	vand.u32 $0x7, v3;
	v4 =	vand.u32 $0xFFFFFFE0, v41  }
0xbb: {  	v3 =	vor.u32 v3, v4  }
0xbc: {  	v4 =	vperm.xlane v3, v0;
	_ =	sdelay $0x1  }
0xbd: {  	v4 =	vadd.s32 v1, v4;
	_ =	sdelay $0x1  }
0xbe: {  	v3 =	vperm.xlane v3, v2;
	_ =	sdelay $0x1  }
0xbf: {  	s9 =	simm.s32 $0x2080;
	v3 =	vadd.s32 v1, v3  }
0xc0: {  	[tilespmem:s9], [sflag:$0x1] =	stream.indirect_vreg.gather [hbm4b:s3+s2], $0x80, v4, vm0, $0xb8;
	[tilespmem:$0x10100] =	vst v63  }
0xc1: {  	s10 =	simm.s32 $0x2880  }
0xc2: {  	[tilespmem:s10], [sflag:$0x1] =	stream.indirect_vreg.gather [hbm4b:s4+s2], $0x80, v4, vm0, $0xb8;
	[tilespmem:$0x10100] =	vst v63  }
0xc3: {  	s11 =	simm.s32 $0x3080  }
0xc4: {  	[tilespmem:s11], [sflag:$0x1] =	stream.indirect_vreg.gather [hbm4b:s3+s2], $0x80, v3, vm0, $0xb8;
	[tilespmem:$0x10100] =	vst v63  }
0xc5: {  	s29 =	simm.s32 $0x3880  }
0xc6: {  	[tilespmem:s29], [sflag:$0x1] =	stream.indirect_vreg.gather [hbm4b:s4+s2], $0x80, v3, vm0, $0xb8;
	[tilespmem:$0x10100] =	vst v63  }
0xc7: {  	v3 =	vld [tilespmem:$0x20];
	_ =	sdelay $0x4  }
0xc8: {  	v42 =	vshll.u32 v3, $0x2  }
0xc9: {  	v3 =	vand.u32 $0x7, v3;
	v4 =	vand.u32 $0xFFFFFFE0, v42  }
0xca: {  	v3 =	vor.u32 v3, v4  }
0xcb: {  	v4 =	vperm.xlane v3, v0;
	_ =	sdelay $0x1  }
0xcc: {  	v4 =	vadd.s32 v1, v4;
	_ =	sdelay $0x1  }
0xcd: {  	v3 =	vperm.xlane v3, v2;
	_ =	sdelay $0x1  }
0xce: {  	s12 =	simm.s32 $0x4080;
	v3 =	vadd.s32 v1, v3  }
0xcf: {  	[tilespmem:s12], [sflag:$0x1] =	stream.indirect_vreg.gather [hbm4b:s3+s2], $0x80, v4, vm0, $0xb8;
	[tilespmem:$0x10100] =	vst v63  }
0xd0: {  	s13 =	simm.s32 $0x4880  }
0xd1: {  	[tilespmem:s13], [sflag:$0x1] =	stream.indirect_vreg.gather [hbm4b:s4+s2], $0x80, v4, vm0, $0xb8;
	[tilespmem:$0x10100] =	vst v63  }
0xd2: {  	s29 =	simm.s32 $0x5080  }
0xd3: {  	[tilespmem:s29], [sflag:$0x1] =	stream.indirect_vreg.gather [hbm4b:s3+s2], $0x80, v3, vm0, $0xb8;
	[tilespmem:$0x10100] =	vst v63  }
0xd4: {  	s14 =	simm.s32 $0x5880  }
0xd5: {  	[tilespmem:s14], [sflag:$0x1] =	stream.indirect_vreg.gather [hbm4b:s4+s2], $0x80, v3, vm0, $0xb8;
	[tilespmem:$0x10100] =	vst v63  }
0xd6: {  	v3 =	vld [tilespmem:$0x30];
	_ =	sdelay $0x4  }
0xd7: {  	v43 =	vshll.u32 v3, $0x2  }
0xd8: {  	v3 =	vand.u32 $0x7, v3;
	v4 =	vand.u32 $0xFFFFFFE0, v43  }
0xd9: {  	v3 =	vor.u32 v3, v4  }
0xda: {  	v4 =	vperm.xlane v3, v0;
	_ =	sdelay $0x1  }
0xdb: {  	v4 =	vadd.s32 v1, v4;
	_ =	sdelay $0x1  }
0xdc: {  	v3 =	vperm.xlane v3, v2;
	_ =	sdelay $0x1  }
0xdd: {  	s12 =	simm.s32 $0x6080;
	v3 =	vadd.s32 v1, v3  }
0xde: {  	[tilespmem:s12], [sflag:$0x1] =	stream.indirect_vreg.gather [hbm4b:s3+s2], $0x80, v4, vm0, $0xb8;
	[tilespmem:$0x10100] =	vst v63  }
0xdf: {  	s13 =	simm.s32 $0x6880  }
0xe0: {  	[tilespmem:s13], [sflag:$0x1] =	stream.indirect_vreg.gather [hbm4b:s4+s2], $0x80, v4, vm0, $0xb8;
	[tilespmem:$0x10100] =	vst v63  }
0xe1: {  	s20 =	simm.s32 $0x7080  }
0xe2: {  	[tilespmem:s20], [sflag:$0x1] =	stream.indirect_vreg.gather [hbm4b:s3+s2], $0x80, v3, vm0, $0xb8;
	[tilespmem:$0x10100] =	vst v63  }
0xe3: {  	s21 =	simm.s32 $0x7880  }
0xe4: {  	[tilespmem:s21], [sflag:$0x1] =	stream.indirect_vreg.gather [hbm4b:s4+s2], $0x80, v3, vm0, $0xb8;
	[tilespmem:$0x10100] =	vst v63  }
0xe5: {  	_ =	swait.ge [sflag:s17], $0x8000  }
0xe6: {  	[sflag:s17] =	ssyncset.done $0x0  }
0xe7: {  	s0 =	rddreg [dreg:$0x6];
	[sflag:s17] =	ssyncadd.s32 $0xFFFF8000  }
0xe8: {  	[hbm4b:s0+s2] =	stream.linear.scatter [tilespmem:s24], [sflag:$0x4], $0x8000, $0x38;
	[tilespmem:$0x10100] =	vst v63  }
0xe9: {  	_ =	swait.ge [sflag:s18], $0x8000  }
0xea: {  	[sflag:s18] =	ssyncset.done $0x0  }
0xeb: {  	s1 =	simm.s32 $0x8080;
	s0 =	rddreg [dreg:$0x7];
	[sflag:s18] =	ssyncadd.s32 $0xFFFF8000  }
0xec: {  	[tilespmem:s1], [sflag:$0x5] =	stream.linear.gather [hbm4b:s0+s2], $0x40, $0x38;
	[tilespmem:$0x10100] =	vst v63  }
0xed: {  	_ =	swait.ge [sflag:s6], $0x40  }
0xee: {  	[sflag:s6] =	ssyncset.done $0x0  }
0xef: {  	[sflag:s6] =	ssyncadd.s32 $0xFFFFFFC0  }
0xf0: {  	v3 =	vld [tilespmem:$0x8080];
	_ =	sdelay $0x4  }
0xf1: {  	v44 =	vshll.u32 v3, $0x2  }
0xf2: {  	v3 =	vand.u32 $0x7, v3;
	v4 =	vand.u32 $0xFFFFFFE0, v44  }
0xf3: {  	v3 =	vor.u32 v3, v4  }
0xf4: {  	v4 =	vperm.xlane v3, v0;
	_ =	sdelay $0x1  }
0xf5: {  	v4 =	vadd.s32 v1, v4;
	_ =	sdelay $0x1  }
0xf6: {  	v3 =	vperm.xlane v3, v2;
	_ =	sdelay $0x1  }
0xf7: {  	v3 =	vadd.s32 v1, v3  }
0xf8: {  	[tilespmem:s24], [sflag:$0x2] =	stream.indirect_vreg.gather [hbm4b:s3+s2], $0x80, v4, vm0, $0xb8;
	[tilespmem:$0x10100] =	vst v63  }
0xf9: {  	s0 =	simm.s32 $0x8900  }
0xfa: {  	[tilespmem:s0], [sflag:$0x2] =	stream.indirect_vreg.gather [hbm4b:s4+s2], $0x80, v4, vm0, $0xb8;
	[tilespmem:$0x10100] =	vst v63  }
0xfb: {  	s1 =	simm.s32 $0x9100  }
0xfc: {  	[tilespmem:s1], [sflag:$0x2] =	stream.indirect_vreg.gather [hbm4b:s3+s2], $0x80, v3, vm0, $0xb8;
	[tilespmem:$0x10100] =	vst v63  }
0xfd: {  	s26 =	simm.s32 $0x9900  }
0xfe: {  	[tilespmem:s26], [sflag:$0x2] =	stream.indirect_vreg.gather [hbm4b:s4+s2], $0x80, v3, vm0, $0xb8;
	[tilespmem:$0x10100] =	vst v63  }
0xff: {  	v3 =	vld [tilespmem:$0x8090];
	_ =	sdelay $0x4  }
0x100: {  	v45 =	vshll.u32 v3, $0x2  }
0x101: {  	v3 =	vand.u32 $0x7, v3;
	v4 =	vand.u32 $0xFFFFFFE0, v45  }
0x102: {  	v3 =	vor.u32 v3, v4  }
0x103: {  	v4 =	vperm.xlane v3, v0;
	_ =	sdelay $0x1  }
0x104: {  	v4 =	vadd.s32 v1, v4;
	_ =	sdelay $0x1  }
0x105: {  	v3 =	vperm.xlane v3, v2;
	_ =	sdelay $0x1  }
0x106: {  	s30 =	simm.s32 $0xA100;
	v3 =	vadd.s32 v1, v3  }
0x107: {  	[tilespmem:s30], [sflag:$0x2] =	stream.indirect_vreg.gather [hbm4b:s3+s2], $0x80, v4, vm0, $0xb8;
	[tilespmem:$0x10100] =	vst v63  }
0x108: {  	s31 =	simm.s32 $0xA900  }
0x109: {  	[tilespmem:s31], [sflag:$0x2] =	stream.indirect_vreg.gather [hbm4b:s4+s2], $0x80, v4, vm0, $0xb8;
	[tilespmem:$0x10100] =	vst v63  }
0x10a: {  	s31 =	simm.s32 $0xB100  }
0x10b: {  	[tilespmem:s31], [sflag:$0x2] =	stream.indirect_vreg.gather [hbm4b:s3+s2], $0x80, v3, vm0, $0xb8;
	[tilespmem:$0x10100] =	vst v63  }
0x10c: {  	s28 =	simm.s32 $0xB900  }
0x10d: {  	[tilespmem:s28], [sflag:$0x2] =	stream.indirect_vreg.gather [hbm4b:s4+s2], $0x80, v3, vm0, $0xb8;
	[tilespmem:$0x10100] =	vst v63  }
0x10e: {  	v3 =	vld [tilespmem:$0x80A0];
	_ =	sdelay $0x4  }
0x10f: {  	v46 =	vshll.u32 v3, $0x2  }
0x110: {  	v3 =	vand.u32 $0x7, v3;
	v4 =	vand.u32 $0xFFFFFFE0, v46  }
0x111: {  	v3 =	vor.u32 v3, v4  }
0x112: {  	v4 =	vperm.xlane v3, v0;
	_ =	sdelay $0x1  }
0x113: {  	v4 =	vadd.s32 v1, v4;
	_ =	sdelay $0x1  }
0x114: {  	v3 =	vperm.xlane v3, v2;
	_ =	sdelay $0x1  }
0x115: {  	s28 =	simm.s32 $0xC100;
	v3 =	vadd.s32 v1, v3  }
0x116: {  	[tilespmem:s28], [sflag:$0x2] =	stream.indirect_vreg.gather [hbm4b:s3+s2], $0x80, v4, vm0, $0xb8;
	[tilespmem:$0x10100] =	vst v63  }
0x117: {  	s19 =	simm.s32 $0xC900  }
0x118: {  	[tilespmem:s19], [sflag:$0x2] =	stream.indirect_vreg.gather [hbm4b:s4+s2], $0x80, v4, vm0, $0xb8;
	[tilespmem:$0x10100] =	vst v63  }
0x119: {  	s19 =	simm.s32 $0xD100  }
0x11a: {  	[tilespmem:s19], [sflag:$0x2] =	stream.indirect_vreg.gather [hbm4b:s3+s2], $0x80, v3, vm0, $0xb8;
	[tilespmem:$0x10100] =	vst v63  }
0x11b: {  	s22 =	simm.s32 $0xD900  }
0x11c: {  	[tilespmem:s22], [sflag:$0x2] =	stream.indirect_vreg.gather [hbm4b:s4+s2], $0x80, v3, vm0, $0xb8;
	[tilespmem:$0x10100] =	vst v63  }
0x11d: {  	v3 =	vld [tilespmem:$0x80B0];
	_ =	sdelay $0x4  }
0x11e: {  	v47 =	vshll.u32 v3, $0x2  }
0x11f: {  	v3 =	vand.u32 $0x7, v3;
	v4 =	vand.u32 $0xFFFFFFE0, v47  }
0x120: {  	v3 =	vor.u32 v3, v4  }
0x121: {  	v4 =	vperm.xlane v3, v0;
	_ =	sdelay $0x1  }
0x122: {  	v4 =	vadd.s32 v1, v4;
	_ =	sdelay $0x1  }
0x123: {  	v3 =	vperm.xlane v3, v2;
	_ =	sdelay $0x1  }
0x124: {  	s22 =	simm.s32 $0xE100;
	v3 =	vadd.s32 v1, v3  }
0x125: {  	[tilespmem:s22], [sflag:$0x2] =	stream.indirect_vreg.gather [hbm4b:s3+s2], $0x80, v4, vm0, $0xb8;
	[tilespmem:$0x10100] =	vst v63  }
0x126: {  	s22 =	simm.s32 $0xE900  }
0x127: {  	[tilespmem:s22], [sflag:$0x2] =	stream.indirect_vreg.gather [hbm4b:s4+s2], $0x80, v4, vm0, $0xb8;
	[tilespmem:$0x10100] =	vst v63  }
0x128: {  	s22 =	simm.s32 $0xF100  }
0x129: {  	[tilespmem:s22], [sflag:$0x2] =	stream.indirect_vreg.gather [hbm4b:s3+s2], $0x80, v3, vm0, $0xb8;
	[tilespmem:$0x10100] =	vst v63  }
0x12a: {  	s25 =	simm.s32 $0xF900  }
0x12b: {  	[tilespmem:s25], [sflag:$0x2] =	stream.indirect_vreg.gather [hbm4b:s4+s2], $0x80, v3, vm0, $0xb8;
	[tilespmem:$0x10100] =	vst v63  }
0x12c: {  	_ =	swait.ge [sflag:s15], $0x8000  }
0x12d: {  	[sflag:s15] =	ssyncset.done $0x0  }
0x12e: {  	s25 =	rddreg [dreg:$0x8];
	[sflag:s15] =	ssyncadd.s32 $0xFFFF8000  }
0x12f: {  	[hbm4b:s25+s2] =	stream.linear.scatter [tilespmem:s23], [sflag:$0x3], $0x8000, $0x38;
	[tilespmem:$0x10100] =	vst v63  }
0x130: {  	_ =	swait.ge [sflag:s16], $0x8000  }
0x131: {  	[sflag:s16] =	ssyncset.done $0x0  }
0x132: {  	s22 =	rddreg [dreg:$0x9];
	[sflag:s16] =	ssyncadd.s32 $0xFFFF8000  }
0x133: {  	[tilespmem:s2], [sflag:$0x5] =	stream.linear.gather [hbm4b:s22+s2], $0x40, $0x38;
	[tilespmem:$0x10100] =	vst v63  }
0x134: {  	_ =	swait.ge [sflag:s6], $0x40  }
0x135: {  	[sflag:s6] =	ssyncset.done $0x0  }
0x136: {  	[sflag:s6] =	ssyncadd.s32 $0xFFFFFFC0  }
0x137: {  	v3 =	vld [tilespmem:$0x0];
	_ =	sdelay $0x4  }
0x138: {  	v48 =	vshll.u32 v3, $0x2  }
0x139: {  	v3 =	vand.u32 $0x7, v3;
	v4 =	vand.u32 $0xFFFFFFE0, v48  }
0x13a: {  	v3 =	vor.u32 v3, v4  }
0x13b: {  	v4 =	vperm.xlane v3, v0;
	_ =	sdelay $0x1  }
0x13c: {  	v4 =	vadd.s32 v1, v4;
	_ =	sdelay $0x1  }
0x13d: {  	v3 =	vperm.xlane v3, v2;
	_ =	sdelay $0x1  }
0x13e: {  	v3 =	vadd.s32 v1, v3  }
0x13f: {  	[tilespmem:s23], [sflag:$0x1] =	stream.indirect_vreg.gather [hbm4b:s3+s2], $0x80, v4, vm0, $0xb8;
	[tilespmem:$0x10100] =	vst v63  }
0x140: {  	_ = 	snop  }
0x141: {  	[tilespmem:s7], [sflag:$0x1] =	stream.indirect_vreg.gather [hbm4b:s4+s2], $0x80, v4, vm0, $0xb8;
	[tilespmem:$0x10100] =	vst v63  }
0x142: {  	_ = 	snop  }
0x143: {  	[tilespmem:s8], [sflag:$0x1] =	stream.indirect_vreg.gather [hbm4b:s3+s2], $0x80, v3, vm0, $0xb8;
	[tilespmem:$0x10100] =	vst v63  }
0x144: {  	s25 =	simm.s32 $0x1880  }
0x145: {  	[tilespmem:s25], [sflag:$0x1] =	stream.indirect_vreg.gather [hbm4b:s4+s2], $0x80, v3, vm0, $0xb8;
	[tilespmem:$0x10100] =	vst v63  }
0x146: {  	v3 =	vld [tilespmem:$0x10];
	_ =	sdelay $0x4  }
0x147: {  	v49 =	vshll.u32 v3, $0x2  }
0x148: {  	v3 =	vand.u32 $0x7, v3;
	v4 =	vand.u32 $0xFFFFFFE0, v49  }
0x149: {  	v3 =	vor.u32 v3, v4  }
0x14a: {  	v4 =	vperm.xlane v3, v0;
	_ =	sdelay $0x1  }
0x14b: {  	v4 =	vadd.s32 v1, v4;
	_ =	sdelay $0x1  }
0x14c: {  	v3 =	vperm.xlane v3, v2;
	_ =	sdelay $0x1  }
0x14d: {  	v3 =	vadd.s32 v1, v3  }
0x14e: {  	[tilespmem:s9], [sflag:$0x1] =	stream.indirect_vreg.gather [hbm4b:s3+s2], $0x80, v4, vm0, $0xb8;
	[tilespmem:$0x10100] =	vst v63  }
0x14f: {  	_ = 	snop  }
0x150: {  	[tilespmem:s10], [sflag:$0x1] =	stream.indirect_vreg.gather [hbm4b:s4+s2], $0x80, v4, vm0, $0xb8;
	[tilespmem:$0x10100] =	vst v63  }
0x151: {  	_ = 	snop  }
0x152: {  	[tilespmem:s11], [sflag:$0x1] =	stream.indirect_vreg.gather [hbm4b:s3+s2], $0x80, v3, vm0, $0xb8;
	[tilespmem:$0x10100] =	vst v63  }
0x153: {  	s22 =	simm.s32 $0x3880  }
0x154: {  	[tilespmem:s22], [sflag:$0x1] =	stream.indirect_vreg.gather [hbm4b:s4+s2], $0x80, v3, vm0, $0xb8;
	[tilespmem:$0x10100] =	vst v63  }
0x155: {  	v3 =	vld [tilespmem:$0x20];
	_ =	sdelay $0x4  }
0x156: {  	v50 =	vshll.u32 v3, $0x2  }
0x157: {  	v3 =	vand.u32 $0x7, v3;
	v4 =	vand.u32 $0xFFFFFFE0, v50  }
0x158: {  	v3 =	vor.u32 v3, v4  }
0x159: {  	v4 =	vperm.xlane v3, v0;
	_ =	sdelay $0x1  }
0x15a: {  	v4 =	vadd.s32 v1, v4;
	_ =	sdelay $0x1  }
0x15b: {  	v3 =	vperm.xlane v3, v2;
	_ =	sdelay $0x1  }
0x15c: {  	s25 =	simm.s32 $0x4080;
	v3 =	vadd.s32 v1, v3  }
0x15d: {  	[tilespmem:s25], [sflag:$0x1] =	stream.indirect_vreg.gather [hbm4b:s3+s2], $0x80, v4, vm0, $0xb8;
	[tilespmem:$0x10100] =	vst v63  }
0x15e: {  	s22 =	simm.s32 $0x4880  }
0x15f: {  	[tilespmem:s22], [sflag:$0x1] =	stream.indirect_vreg.gather [hbm4b:s4+s2], $0x80, v4, vm0, $0xb8;
	[tilespmem:$0x10100] =	vst v63  }
0x160: {  	_ = 	snop  }
0x161: {  	[tilespmem:s29], [sflag:$0x1] =	stream.indirect_vreg.gather [hbm4b:s3+s2], $0x80, v3, vm0, $0xb8;
	[tilespmem:$0x10100] =	vst v63  }
0x162: {  	_ = 	snop  }
0x163: {  	[tilespmem:s14], [sflag:$0x1] =	stream.indirect_vreg.gather [hbm4b:s4+s2], $0x80, v3, vm0, $0xb8;
	[tilespmem:$0x10100] =	vst v63  }
0x164: {  	v3 =	vld [tilespmem:$0x30];
	_ =	sdelay $0x4  }
0x165: {  	v51 =	vshll.u32 v3, $0x2  }
0x166: {  	v3 =	vand.u32 $0x7, v3;
	v4 =	vand.u32 $0xFFFFFFE0, v51  }
0x167: {  	v3 =	vor.u32 v3, v4  }
0x168: {  	v4 =	vperm.xlane v3, v0;
	_ =	sdelay $0x1  }
0x169: {  	v4 =	vadd.s32 v1, v4;
	_ =	sdelay $0x1  }
0x16a: {  	v3 =	vperm.xlane v3, v2;
	_ =	sdelay $0x1  }
0x16b: {  	v3 =	vadd.s32 v1, v3  }
0x16c: {  	[tilespmem:s12], [sflag:$0x1] =	stream.indirect_vreg.gather [hbm4b:s3+s2], $0x80, v4, vm0, $0xb8;
	[tilespmem:$0x10100] =	vst v63  }
0x16d: {  	_ = 	snop  }
0x16e: {  	[tilespmem:s13], [sflag:$0x1] =	stream.indirect_vreg.gather [hbm4b:s4+s2], $0x80, v4, vm0, $0xb8;
	[tilespmem:$0x10100] =	vst v63  }
0x16f: {  	_ = 	snop  }
0x170: {  	[tilespmem:s20], [sflag:$0x1] =	stream.indirect_vreg.gather [hbm4b:s3+s2], $0x80, v3, vm0, $0xb8;
	[tilespmem:$0x10100] =	vst v63  }
0x171: {  	_ = 	snop  }
0x172: {  	[tilespmem:s21], [sflag:$0x1] =	stream.indirect_vreg.gather [hbm4b:s4+s2], $0x80, v3, vm0, $0xb8;
	[tilespmem:$0x10100] =	vst v63  }
0x173: {  	_ =	swait.ge [sflag:s17], $0x8000  }
0x174: {  	[sflag:s17] =	ssyncset.done $0x0  }
0x175: {  	s25 =	rddreg [dreg:$0xa];
	[sflag:s17] =	ssyncadd.s32 $0xFFFF8000  }
0x176: {  	[hbm4b:s25+s2] =	stream.linear.scatter [tilespmem:s24], [sflag:$0x4], $0x8000, $0x38;
	[tilespmem:$0x10100] =	vst v63  }
0x177: {  	_ =	swait.ge [sflag:s18], $0x8000  }
0x178: {  	[sflag:s18] =	ssyncset.done $0x0  }
0x179: {  	s25 =	simm.s32 $0x8080;
	s22 =	rddreg [dreg:$0xb];
	[sflag:s18] =	ssyncadd.s32 $0xFFFF8000  }
0x17a: {  	[tilespmem:s25], [sflag:$0x5] =	stream.linear.gather [hbm4b:s22+s2], $0x40, $0x38;
	[tilespmem:$0x10100] =	vst v63  }
0x17b: {  	_ =	swait.ge [sflag:s6], $0x40  }
0x17c: {  	[sflag:s6] =	ssyncset.done $0x0  }
0x17d: {  	[sflag:s6] =	ssyncadd.s32 $0xFFFFFFC0  }
0x17e: {  	v3 =	vld [tilespmem:$0x8080];
	_ =	sdelay $0x4  }
0x17f: {  	v52 =	vshll.u32 v3, $0x2  }
0x180: {  	v3 =	vand.u32 $0x7, v3;
	v4 =	vand.u32 $0xFFFFFFE0, v52  }
0x181: {  	v3 =	vor.u32 v3, v4  }
0x182: {  	v4 =	vperm.xlane v3, v0;
	_ =	sdelay $0x1  }
0x183: {  	v4 =	vadd.s32 v1, v4;
	_ =	sdelay $0x1  }
0x184: {  	v3 =	vperm.xlane v3, v2;
	_ =	sdelay $0x1  }
0x185: {  	v3 =	vadd.s32 v1, v3  }
0x186: {  	[tilespmem:s24], [sflag:$0x2] =	stream.indirect_vreg.gather [hbm4b:s3+s2], $0x80, v4, vm0, $0xb8;
	[tilespmem:$0x10100] =	vst v63  }
0x187: {  	_ = 	snop  }
0x188: {  	[tilespmem:s0], [sflag:$0x2] =	stream.indirect_vreg.gather [hbm4b:s4+s2], $0x80, v4, vm0, $0xb8;
	[tilespmem:$0x10100] =	vst v63  }
0x189: {  	_ = 	snop  }
0x18a: {  	[tilespmem:s1], [sflag:$0x2] =	stream.indirect_vreg.gather [hbm4b:s3+s2], $0x80, v3, vm0, $0xb8;
	[tilespmem:$0x10100] =	vst v63  }
0x18b: {  	s25 =	simm.s32 $0x9900  }
0x18c: {  	[tilespmem:s25], [sflag:$0x2] =	stream.indirect_vreg.gather [hbm4b:s4+s2], $0x80, v3, vm0, $0xb8;
	[tilespmem:$0x10100] =	vst v63  }
0x18d: {  	v3 =	vld [tilespmem:$0x8090];
	_ =	sdelay $0x4  }
0x18e: {  	v53 =	vshll.u32 v3, $0x2  }
0x18f: {  	v3 =	vand.u32 $0x7, v3;
	v4 =	vand.u32 $0xFFFFFFE0, v53  }
0x190: {  	v3 =	vor.u32 v3, v4  }
0x191: {  	v4 =	vperm.xlane v3, v0;
	_ =	sdelay $0x1  }
0x192: {  	v4 =	vadd.s32 v1, v4;
	_ =	sdelay $0x1  }
0x193: {  	v3 =	vperm.xlane v3, v2;
	_ =	sdelay $0x1  }
0x194: {  	s26 =	simm.s32 $0xA100;
	v3 =	vadd.s32 v1, v3  }
0x195: {  	[tilespmem:s26], [sflag:$0x2] =	stream.indirect_vreg.gather [hbm4b:s3+s2], $0x80, v4, vm0, $0xb8;
	[tilespmem:$0x10100] =	vst v63  }
0x196: {  	s30 =	simm.s32 $0xA900  }
0x197: {  	[tilespmem:s30], [sflag:$0x2] =	stream.indirect_vreg.gather [hbm4b:s4+s2], $0x80, v4, vm0, $0xb8;
	[tilespmem:$0x10100] =	vst v63  }
0x198: {  	s31 =	simm.s32 $0xB100  }
0x199: {  	[tilespmem:s31], [sflag:$0x2] =	stream.indirect_vreg.gather [hbm4b:s3+s2], $0x80, v3, vm0, $0xb8;
	[tilespmem:$0x10100] =	vst v63  }
0x19a: {  	s22 =	simm.s32 $0xB900  }
0x19b: {  	[tilespmem:s22], [sflag:$0x2] =	stream.indirect_vreg.gather [hbm4b:s4+s2], $0x80, v3, vm0, $0xb8;
	[tilespmem:$0x10100] =	vst v63  }
0x19c: {  	v3 =	vld [tilespmem:$0x80A0];
	_ =	sdelay $0x4  }
0x19d: {  	v54 =	vshll.u32 v3, $0x2  }
0x19e: {  	v3 =	vand.u32 $0x7, v3;
	v4 =	vand.u32 $0xFFFFFFE0, v54  }
0x19f: {  	v3 =	vor.u32 v3, v4  }
0x1a0: {  	v4 =	vperm.xlane v3, v0;
	_ =	sdelay $0x1  }
0x1a1: {  	v4 =	vadd.s32 v1, v4;
	_ =	sdelay $0x1  }
0x1a2: {  	v3 =	vperm.xlane v3, v2;
	_ =	sdelay $0x1  }
0x1a3: {  	s28 =	simm.s32 $0xC100;
	v3 =	vadd.s32 v1, v3  }
0x1a4: {  	[tilespmem:s28], [sflag:$0x2] =	stream.indirect_vreg.gather [hbm4b:s3+s2], $0x80, v4, vm0, $0xb8;
	[tilespmem:$0x10100] =	vst v63  }
0x1a5: {  	s28 =	simm.s32 $0xC900  }
0x1a6: {  	[tilespmem:s28], [sflag:$0x2] =	stream.indirect_vreg.gather [hbm4b:s4+s2], $0x80, v4, vm0, $0xb8;
	[tilespmem:$0x10100] =	vst v63  }
0x1a7: {  	s22 =	simm.s32 $0xD100  }
0x1a8: {  	[tilespmem:s22], [sflag:$0x2] =	stream.indirect_vreg.gather [hbm4b:s3+s2], $0x80, v3, vm0, $0xb8;
	[tilespmem:$0x10100] =	vst v63  }
0x1a9: {  	s19 =	simm.s32 $0xD900  }
0x1aa: {  	[tilespmem:s19], [sflag:$0x2] =	stream.indirect_vreg.gather [hbm4b:s4+s2], $0x80, v3, vm0, $0xb8;
	[tilespmem:$0x10100] =	vst v63  }
0x1ab: {  	v3 =	vld [tilespmem:$0x80B0];
	_ =	sdelay $0x4  }
0x1ac: {  	v55 =	vshll.u32 v3, $0x2  }
0x1ad: {  	v3 =	vand.u32 $0x7, v3;
	v4 =	vand.u32 $0xFFFFFFE0, v55  }
0x1ae: {  	v3 =	vor.u32 v3, v4  }
0x1af: {  	v4 =	vperm.xlane v3, v0;
	_ =	sdelay $0x1  }
0x1b0: {  	v4 =	vadd.s32 v1, v4;
	_ =	sdelay $0x1  }
0x1b1: {  	v3 =	vperm.xlane v3, v2;
	_ =	sdelay $0x1  }
0x1b2: {  	s19 =	simm.s32 $0xE100;
	v3 =	vadd.s32 v1, v3  }
0x1b3: {  	[tilespmem:s19], [sflag:$0x2] =	stream.indirect_vreg.gather [hbm4b:s3+s2], $0x80, v4, vm0, $0xb8;
	[tilespmem:$0x10100] =	vst v63  }
0x1b4: {  	s19 =	simm.s32 $0xE900  }
0x1b5: {  	[tilespmem:s19], [sflag:$0x2] =	stream.indirect_vreg.gather [hbm4b:s4+s2], $0x80, v4, vm0, $0xb8;
	[tilespmem:$0x10100] =	vst v63  }
0x1b6: {  	s19 =	simm.s32 $0xF100  }
0x1b7: {  	[tilespmem:s19], [sflag:$0x2] =	stream.indirect_vreg.gather [hbm4b:s3+s2], $0x80, v3, vm0, $0xb8;
	[tilespmem:$0x10100] =	vst v63  }
0x1b8: {  	s19 =	simm.s32 $0xF900  }
0x1b9: {  	[tilespmem:s19], [sflag:$0x2] =	stream.indirect_vreg.gather [hbm4b:s4+s2], $0x80, v3, vm0, $0xb8;
	[tilespmem:$0x10100] =	vst v63  }
0x1ba: {  	_ =	swait.ge [sflag:s15], $0x8000  }
0x1bb: {  	[sflag:s15] =	ssyncset.done $0x0  }
0x1bc: {  	s19 =	rddreg [dreg:$0xc];
	[sflag:s15] =	ssyncadd.s32 $0xFFFF8000  }
0x1bd: {  	[hbm4b:s19+s2] =	stream.linear.scatter [tilespmem:s23], [sflag:$0x3], $0x8000, $0x38;
	[tilespmem:$0x10100] =	vst v63  }
0x1be: {  	_ =	swait.ge [sflag:s16], $0x8000  }
0x1bf: {  	[sflag:s16] =	ssyncset.done $0x0  }
0x1c0: {  	s19 =	rddreg [dreg:$0xd];
	[sflag:s16] =	ssyncadd.s32 $0xFFFF8000  }
0x1c1: {  	[tilespmem:s2], [sflag:$0x5] =	stream.linear.gather [hbm4b:s19+s2], $0x40, $0x38;
	[tilespmem:$0x10100] =	vst v63  }
0x1c2: {  	_ =	swait.ge [sflag:s6], $0x40  }
0x1c3: {  	[sflag:s6] =	ssyncset.done $0x0  }
0x1c4: {  	[sflag:s6] =	ssyncadd.s32 $0xFFFFFFC0  }
0x1c5: {  	v3 =	vld [tilespmem:$0x0];
	_ =	sdelay $0x4  }
0x1c6: {  	v56 =	vshll.u32 v3, $0x2  }
0x1c7: {  	v3 =	vand.u32 $0x7, v3;
	v4 =	vand.u32 $0xFFFFFFE0, v56  }
0x1c8: {  	v3 =	vor.u32 v3, v4  }
0x1c9: {  	v4 =	vperm.xlane v3, v0;
	_ =	sdelay $0x1  }
0x1ca: {  	v4 =	vadd.s32 v1, v4;
	_ =	sdelay $0x1  }
0x1cb: {  	v3 =	vperm.xlane v3, v2;
	_ =	sdelay $0x1  }
0x1cc: {  	v3 =	vadd.s32 v1, v3  }
0x1cd: {  	[tilespmem:s23], [sflag:$0x1] =	stream.indirect_vreg.gather [hbm4b:s3+s2], $0x80, v4, vm0, $0xb8;
	[tilespmem:$0x10100] =	vst v63  }
0x1ce: {  	s7 =	simm.s32 $0x880  }
0x1cf: {  	[tilespmem:s7], [sflag:$0x1] =	stream.indirect_vreg.gather [hbm4b:s4+s2], $0x80, v4, vm0, $0xb8;
	[tilespmem:$0x10100] =	vst v63  }
0x1d0: {  	s8 =	simm.s32 $0x1080  }
0x1d1: {  	[tilespmem:s8], [sflag:$0x1] =	stream.indirect_vreg.gather [hbm4b:s3+s2], $0x80, v3, vm0, $0xb8;
	[tilespmem:$0x10100] =	vst v63  }
0x1d2: {  	s8 =	simm.s32 $0x1880  }
0x1d3: {  	[tilespmem:s8], [sflag:$0x1] =	stream.indirect_vreg.gather [hbm4b:s4+s2], $0x80, v3, vm0, $0xb8;
	[tilespmem:$0x10100] =	vst v63  }
0x1d4: {  	v3 =	vld [tilespmem:$0x10];
	_ =	sdelay $0x4  }
0x1d5: {  	v57 =	vshll.u32 v3, $0x2  }
0x1d6: {  	v3 =	vand.u32 $0x7, v3;
	v4 =	vand.u32 $0xFFFFFFE0, v57  }
0x1d7: {  	v3 =	vor.u32 v3, v4  }
0x1d8: {  	v4 =	vperm.xlane v3, v0;
	_ =	sdelay $0x1  }
0x1d9: {  	v4 =	vadd.s32 v1, v4;
	_ =	sdelay $0x1  }
0x1da: {  	v3 =	vperm.xlane v3, v2;
	_ =	sdelay $0x1  }
0x1db: {  	s9 =	simm.s32 $0x2080;
	v3 =	vadd.s32 v1, v3  }
0x1dc: {  	[tilespmem:s9], [sflag:$0x1] =	stream.indirect_vreg.gather [hbm4b:s3+s2], $0x80, v4, vm0, $0xb8;
	[tilespmem:$0x10100] =	vst v63  }
0x1dd: {  	s10 =	simm.s32 $0x2880  }
0x1de: {  	[tilespmem:s10], [sflag:$0x1] =	stream.indirect_vreg.gather [hbm4b:s4+s2], $0x80, v4, vm0, $0xb8;
	[tilespmem:$0x10100] =	vst v63  }
0x1df: {  	s11 =	simm.s32 $0x3080  }
0x1e0: {  	[tilespmem:s11], [sflag:$0x1] =	stream.indirect_vreg.gather [hbm4b:s3+s2], $0x80, v3, vm0, $0xb8;
	[tilespmem:$0x10100] =	vst v63  }
0x1e1: {  	s9 =	simm.s32 $0x3880  }
0x1e2: {  	[tilespmem:s9], [sflag:$0x1] =	stream.indirect_vreg.gather [hbm4b:s4+s2], $0x80, v3, vm0, $0xb8;
	[tilespmem:$0x10100] =	vst v63  }
0x1e3: {  	v3 =	vld [tilespmem:$0x20];
	_ =	sdelay $0x4  }
0x1e4: {  	v58 =	vshll.u32 v3, $0x2  }
0x1e5: {  	v3 =	vand.u32 $0x7, v3;
	v4 =	vand.u32 $0xFFFFFFE0, v58  }
0x1e6: {  	v3 =	vor.u32 v3, v4  }
0x1e7: {  	v4 =	vperm.xlane v3, v0;
	_ =	sdelay $0x1  }
0x1e8: {  	v4 =	vadd.s32 v1, v4;
	_ =	sdelay $0x1  }
0x1e9: {  	v3 =	vperm.xlane v3, v2;
	_ =	sdelay $0x1  }
0x1ea: {  	s10 =	simm.s32 $0x4080;
	v3 =	vadd.s32 v1, v3  }
0x1eb: {  	[tilespmem:s10], [sflag:$0x1] =	stream.indirect_vreg.gather [hbm4b:s3+s2], $0x80, v4, vm0, $0xb8;
	[tilespmem:$0x10100] =	vst v63  }
0x1ec: {  	s11 =	simm.s32 $0x4880  }
0x1ed: {  	[tilespmem:s11], [sflag:$0x1] =	stream.indirect_vreg.gather [hbm4b:s4+s2], $0x80, v4, vm0, $0xb8;
	[tilespmem:$0x10100] =	vst v63  }
0x1ee: {  	s29 =	simm.s32 $0x5080  }
0x1ef: {  	[tilespmem:s29], [sflag:$0x1] =	stream.indirect_vreg.gather [hbm4b:s3+s2], $0x80, v3, vm0, $0xb8;
	[tilespmem:$0x10100] =	vst v63  }
0x1f0: {  	s14 =	simm.s32 $0x5880  }
0x1f1: {  	[tilespmem:s14], [sflag:$0x1] =	stream.indirect_vreg.gather [hbm4b:s4+s2], $0x80, v3, vm0, $0xb8;
	[tilespmem:$0x10100] =	vst v63  }
0x1f2: {  	v3 =	vld [tilespmem:$0x30];
	_ =	sdelay $0x4  }
0x1f3: {  	v59 =	vshll.u32 v3, $0x2  }
0x1f4: {  	v3 =	vand.u32 $0x7, v3;
	v4 =	vand.u32 $0xFFFFFFE0, v59  }
0x1f5: {  	v3 =	vor.u32 v3, v4  }
0x1f6: {  	v4 =	vperm.xlane v3, v0;
	_ =	sdelay $0x1  }
0x1f7: {  	v4 =	vadd.s32 v1, v4;
	_ =	sdelay $0x1  }
0x1f8: {  	v3 =	vperm.xlane v3, v2;
	_ =	sdelay $0x1  }
0x1f9: {  	s12 =	simm.s32 $0x6080;
	v3 =	vadd.s32 v1, v3  }
0x1fa: {  	[tilespmem:s12], [sflag:$0x1] =	stream.indirect_vreg.gather [hbm4b:s3+s2], $0x80, v4, vm0, $0xb8;
	[tilespmem:$0x10100] =	vst v63  }
0x1fb: {  	s13 =	simm.s32 $0x6880  }
0x1fc: {  	[tilespmem:s13], [sflag:$0x1] =	stream.indirect_vreg.gather [hbm4b:s4+s2], $0x80, v4, vm0, $0xb8;
	[tilespmem:$0x10100] =	vst v63  }
0x1fd: {  	s20 =	simm.s32 $0x7080  }
0x1fe: {  	[tilespmem:s20], [sflag:$0x1] =	stream.indirect_vreg.gather [hbm4b:s3+s2], $0x80, v3, vm0, $0xb8;
	[tilespmem:$0x10100] =	vst v63  }
0x1ff: {  	s21 =	simm.s32 $0x7880  }
0x200: {  	[tilespmem:s21], [sflag:$0x1] =	stream.indirect_vreg.gather [hbm4b:s4+s2], $0x80, v3, vm0, $0xb8;
	[tilespmem:$0x10100] =	vst v63  }
0x201: {  	_ =	swait.ge [sflag:s17], $0x8000  }
0x202: {  	[sflag:s17] =	ssyncset.done $0x0  }
0x203: {  	s12 =	rddreg [dreg:$0xe];
	[sflag:s17] =	ssyncadd.s32 $0xFFFF8000  }
0x204: {  	[hbm4b:s12+s2] =	stream.linear.scatter [tilespmem:s24], [sflag:$0x4], $0x8000, $0x38;
	[tilespmem:$0x10100] =	vst v63  }
0x205: {  	_ =	swait.ge [sflag:s18], $0x8000  }
0x206: {  	[sflag:s18] =	ssyncset.done $0x0  }
0x207: {  	s14 =	simm.s32 $0x8080;
	s13 =	rddreg [dreg:$0xf];
	[sflag:s18] =	ssyncadd.s32 $0xFFFF8000  }
0x208: {  	[tilespmem:s14], [sflag:$0x5] =	stream.linear.gather [hbm4b:s13+s2], $0x40, $0x38;
	[tilespmem:$0x10100] =	vst v63  }
0x209: {  	_ =	swait.ge [sflag:s6], $0x40  }
0x20a: {  	[sflag:s6] =	ssyncset.done $0x0  }
0x20b: {  	[sflag:s6] =	ssyncadd.s32 $0xFFFFFFC0  }
0x20c: {  	v3 =	vld [tilespmem:$0x8080];
	_ =	sdelay $0x4  }
0x20d: {  	v60 =	vshll.u32 v3, $0x2  }
0x20e: {  	v3 =	vand.u32 $0x7, v3;
	v4 =	vand.u32 $0xFFFFFFE0, v60  }
0x20f: {  	v3 =	vor.u32 v3, v4  }
0x210: {  	v4 =	vperm.xlane v3, v0;
	_ =	sdelay $0x1  }
0x211: {  	v4 =	vadd.s32 v1, v4;
	_ =	sdelay $0x1  }
0x212: {  	v3 =	vperm.xlane v3, v2;
	_ =	sdelay $0x1  }
0x213: {  	v3 =	vadd.s32 v1, v3  }
0x214: {  	[tilespmem:s24], [sflag:$0x2] =	stream.indirect_vreg.gather [hbm4b:s3+s2], $0x80, v4, vm0, $0xb8;
	[tilespmem:$0x10100] =	vst v63  }
0x215: {  	s0 =	simm.s32 $0x8900  }
0x216: {  	[tilespmem:s0], [sflag:$0x2] =	stream.indirect_vreg.gather [hbm4b:s4+s2], $0x80, v4, vm0, $0xb8;
	[tilespmem:$0x10100] =	vst v63  }
0x217: {  	s1 =	simm.s32 $0x9100  }
0x218: {  	[tilespmem:s1], [sflag:$0x2] =	stream.indirect_vreg.gather [hbm4b:s3+s2], $0x80, v3, vm0, $0xb8;
	[tilespmem:$0x10100] =	vst v63  }
0x219: {  	s20 =	simm.s32 $0x9900  }
0x21a: {  	[tilespmem:s20], [sflag:$0x2] =	stream.indirect_vreg.gather [hbm4b:s4+s2], $0x80, v3, vm0, $0xb8;
	[tilespmem:$0x10100] =	vst v63  }
0x21b: {  	v3 =	vld [tilespmem:$0x8090];
	_ =	sdelay $0x4  }
0x21c: {  	v61 =	vshll.u32 v3, $0x2  }
0x21d: {  	v3 =	vand.u32 $0x7, v3;
	v4 =	vand.u32 $0xFFFFFFE0, v61  }
0x21e: {  	v3 =	vor.u32 v3, v4  }
0x21f: {  	v4 =	vperm.xlane v3, v0;
	_ =	sdelay $0x1  }
0x220: {  	v4 =	vadd.s32 v1, v4;
	_ =	sdelay $0x1  }
0x221: {  	v3 =	vperm.xlane v3, v2;
	_ =	sdelay $0x1  }
0x222: {  	s25 =	simm.s32 $0xA100;
	v3 =	vadd.s32 v1, v3  }
0x223: {  	[tilespmem:s25], [sflag:$0x2] =	stream.indirect_vreg.gather [hbm4b:s3+s2], $0x80, v4, vm0, $0xb8;
	[tilespmem:$0x10100] =	vst v63  }
0x224: {  	s26 =	simm.s32 $0xA900  }
0x225: {  	[tilespmem:s26], [sflag:$0x2] =	stream.indirect_vreg.gather [hbm4b:s4+s2], $0x80, v4, vm0, $0xb8;
	[tilespmem:$0x10100] =	vst v63  }
0x226: {  	s30 =	simm.s32 $0xB100  }
0x227: {  	[tilespmem:s30], [sflag:$0x2] =	stream.indirect_vreg.gather [hbm4b:s3+s2], $0x80, v3, vm0, $0xb8;
	[tilespmem:$0x10100] =	vst v63  }
0x228: {  	s21 =	simm.s32 $0xB900  }
0x229: {  	[tilespmem:s21], [sflag:$0x2] =	stream.indirect_vreg.gather [hbm4b:s4+s2], $0x80, v3, vm0, $0xb8;
	[tilespmem:$0x10100] =	vst v63  }
0x22a: {  	v3 =	vld [tilespmem:$0x80A0];
	_ =	sdelay $0x4  }
0x22b: {  	v62 =	vshll.u32 v3, $0x2  }
0x22c: {  	v3 =	vand.u32 $0x7, v3;
	v4 =	vand.u32 $0xFFFFFFE0, v62  }
0x22d: {  	v3 =	vor.u32 v3, v4  }
0x22e: {  	v4 =	vperm.xlane v3, v0;
	_ =	sdelay $0x1  }
0x22f: {  	v4 =	vadd.s32 v1, v4;
	_ =	sdelay $0x1  }
0x230: {  	v3 =	vperm.xlane v3, v2;
	_ =	sdelay $0x1  }
0x231: {  	s31 =	simm.s32 $0xC100;
	v3 =	vadd.s32 v1, v3  }
0x232: {  	[tilespmem:s31], [sflag:$0x2] =	stream.indirect_vreg.gather [hbm4b:s3+s2], $0x80, v4, vm0, $0xb8;
	[tilespmem:$0x10100] =	vst v63  }
0x233: {  	s28 =	simm.s32 $0xC900  }
0x234: {  	[tilespmem:s28], [sflag:$0x2] =	stream.indirect_vreg.gather [hbm4b:s4+s2], $0x80, v4, vm0, $0xb8;
	[tilespmem:$0x10100] =	vst v63  }
0x235: {  	s22 =	simm.s32 $0xD100  }
0x236: {  	[tilespmem:s22], [sflag:$0x2] =	stream.indirect_vreg.gather [hbm4b:s3+s2], $0x80, v3, vm0, $0xb8;
	[tilespmem:$0x10100] =	vst v63  }
0x237: {  	s22 =	simm.s32 $0xD900  }
0x238: {  	[tilespmem:s22], [sflag:$0x2] =	stream.indirect_vreg.gather [hbm4b:s4+s2], $0x80, v3, vm0, $0xb8;
	[tilespmem:$0x10100] =	vst v63  }
0x239: {  	v3 =	vld [tilespmem:$0x80B0];
	_ =	sdelay $0x4  }
0x23a: {  	v63 =	vshll.u32 v3, $0x2  }
0x23b: {  	v3 =	vand.u32 $0x7, v3;
	v4 =	vand.u32 $0xFFFFFFE0, v63  }
0x23c: {  	v3 =	vor.u32 v3, v4  }
0x23d: {  	v4 =	vperm.xlane v3, v0;
	_ =	sdelay $0x1  }
0x23e: {  	v4 =	vadd.s32 v1, v4;
	_ =	sdelay $0x1  }
0x23f: {  	v3 =	vperm.xlane v3, v2;
	_ =	sdelay $0x1  }
0x240: {  	s25 =	simm.s32 $0xE100;
	v3 =	vadd.s32 v1, v3  }
0x241: {  	[tilespmem:s25], [sflag:$0x2] =	stream.indirect_vreg.gather [hbm4b:s3+s2], $0x80, v4, vm0, $0xb8;
	[tilespmem:$0x10100] =	vst v63  }
0x242: {  	s26 =	simm.s32 $0xE900  }
0x243: {  	[tilespmem:s26], [sflag:$0x2] =	stream.indirect_vreg.gather [hbm4b:s4+s2], $0x80, v4, vm0, $0xb8;
	[tilespmem:$0x10100] =	vst v63  }
0x244: {  	s28 =	simm.s32 $0xF100  }
0x245: {  	[tilespmem:s28], [sflag:$0x2] =	stream.indirect_vreg.gather [hbm4b:s3+s2], $0x80, v3, vm0, $0xb8;
	[tilespmem:$0x10100] =	vst v63  }
0x246: {  	s29 =	simm.s32 $0xF900  }
0x247: {  	[tilespmem:s29], [sflag:$0x2] =	stream.indirect_vreg.gather [hbm4b:s4+s2], $0x80, v3, vm0, $0xb8;
	[tilespmem:$0x10100] =	vst v63  }
0x248: {  	_ =	swait.ge [sflag:s15], $0x8000  }
0x249: {  	[sflag:s15] =	ssyncset.done $0x0  }
0x24a: {  	s30 =	rddreg [dreg:$0x10];
	[sflag:s15] =	ssyncadd.s32 $0xFFFF8000  }
0x24b: {  	[hbm4b:s30+s2] =	stream.linear.scatter [tilespmem:s23], [sflag:$0x3], $0x8000, $0x38;
	[tilespmem:$0x10100] =	vst v63  }
0x24c: {  	_ =	swait.ge [sflag:s17], $0x8000  }
0x24d: {  	[sflag:s17] =	ssyncset.done $0x0  }
0x24e: {  	s31 =	rddreg [dreg:$0x11];
	[sflag:s17] =	ssyncadd.s32 $0xFFFF8000  }
0x24f: {  	[hbm4b:s31+s2] =	stream.linear.scatter [tilespmem:s24], [sflag:$0x4], $0x8000, $0x38;
	[tilespmem:$0x10100] =	vst v63  }
0x250: {  	p0 =	sne.s32 s5, $0x1;
	_ =	swait.ge [sflag:s16], $0x8000  }
.Ltmp0:
0x251: {  	[sflag:s16] =	ssyncset.done $0x0;
	(pc) =	sbr.rel @p0 .LBB2_1-.Ltmp0, $4  }
0x252: {  	[sflag:s16] =	ssyncadd.s32 $0xFFFF8000  }
0x253: {  	_ =	swait.ge [sflag:s18], $0x8000  }
0x254: {  	[sflag:s18] =	ssyncset.done $0x0  }
0x255: {  	s5 =	sadd.s32 $0xFFFFFFFF, s5;
	[sflag:s18] =	ssyncadd.s32 $0xFFFF8000  }
0x256: {  	_ =	sfence.sel $0x180000  }
0x257: {  	[bflag:$0x0] =	sbarrier.arrive $0xFFFF  }
0x258: {  	_ =	strace $0x9000004A  }
0x259: {  	s0 =	stileid.u32;
	[bflag:$0x2] =	sbarrier.arrive $0xFFFF  }
0x25a: {  	p0 =	sne.s32 s0, $0x0;
	s0 =	rddreg [dreg:$0x1]  }
0x25b: {  	s0 =	sadd.s32 @!p0 $0x100000, s0  }
0x25c: {  	[sflag:s0] =	ssyncadd.tile.s32 @!p0 $0x1;
	_ =	shalt  }
.Lfunc_end2:
_tile_overlayer_lowered:
.L_overlay_start_2:
0x25d: {  	(tag) =	ssettag $0x2  }
0x25e: {  	s0 =	rddreg [dreg:$0x0];
	s2 =	stileid.u32  }
0x25f: {  	s1 =	rddreg [dreg:$0x1];
	p0 =	sne.s32 s2, $0x0  }
0x260: {  	s3 =	rddreg [dreg:$0x2];
	[bflag:$0x3] =	sbarrier.arrive $0xFFFF;
	s2 =	simm.s32 @!p0 $0x1C05  }
0x261: {  	[timem:s3], [sflag:s2] =	dma.local @!p0 [hbm:s0], s1  }
0x262: {  	s0 =	simm.s32 @!p0 $0x5  }
0x263: {  	_ =	swait.ge @!p0 [sflag:s0], s1  }
0x264: {  	s1 =	ssub.s32 @!p0 $0x0, s1;
	[sflag:s0] =	ssyncset.done @!p0 $0x0  }
0x265: {  	[sflag:s0] =	ssyncadd.s32 @!p0 s1  }
0x266: {  	[bflag:$0x3] =	sbarrier.arrive $0xFFFF  }
0x267: {  	_ =	shalt  }

// kernel: kernel.8.cloned.1.call-start
scs
__scs_entry_jumppad:
0x0: {  	(pc) =	sbr.rel $0x88, $3  }
0x1: {  	(tag) =	ssettag $0x0;
	lr =	simm.s32 $0x1  }
0x2: {  	[smem:$0x3F9A] =	sst lr;
	_ =	strace $0xD0000000  }
0x3: {  	_ = 	snop  }
0x4: {  	_ = 	snop  }
0x5: {  	_ = 	snop  }
0x6: {  	_ = 	snop  }
0x7: {  	_ = 	snop  }
__scs_overlays_trampoline_lowered:
0x8: {  	[smem:$0x3FA9] =	sst s0  }
0x9: {  	[smem:$0x3FAA] =	sst s1  }
0xa: {  	[smem:$0x3FAB] =	sst s2  }
0xb: {  	[smem:$0x3FAC] =	sst s3  }
0xc: {  	[smem:$0x3FAD] =	sst s4  }
0xd: {  	[smem:$0x3FAE] =	sst s5  }
0xe: {  	[smem:$0x3FAF] =	sst s6  }
0xf: {  	[smem:$0x3FB0] =	sst s7  }
0x10: {  	[smem:$0x3FB1] =	sst s8  }
0x11: {  	[smem:$0x3FB2] =	sst s9;
	s0 =	simm.s32 @!p0 $0x0  }
0x12: {  	s1 =	sld [smem:$0x3F98];
	s0 =	simm.s32 @p0 $0x1  }
0x13: {  	[smem:$0x3FB3] =	sst s0;
	s0 =	simm.s32 @!p1 $0x0  }
0x14: {  	s2 =	sld [smem:$0x3F97];
	s0 =	simm.s32 @p1 $0x1  }
0x15: {  	[smem:$0x3FB4] =	sst s0;
	s0 =	simm.s32 @!p2 $0x0  }
0x16: {  	s3 =	sld [smem:$0x3FDB];
	s0 =	simm.s32 @p2 $0x1  }
0x17: {  	s4 =	simm.s32 $0x1BF5;
	[smem:$0x3FB6] =	sst s0  }
0x18: {  	s0 =	sld [smem:$0x3F99];
	_ =	swait.ge [sflag:s4], $0x0  }
0x19: {  	s7 =	sld [smem:$0x3F9A]  }
0x1a: {  	s8 =	sadd.s32 $0xFFFFE003, lr  }
0x1b: {  	s9 =	sadd.s32 $0xFFFFFEF7, lr;
	s5 =	simm.s32 $0xFFFFFFFF;
	p2 =	slt.u32 s8, $0xFFFFF086  }
0x1c: {  	p1 =	slt.u32 s9, $0xF7A;
	s5 =	simm.s32 @!p2 $0x0  }
0x1d: {  	s5 =	simm.s32 @p1 $0x1;
	p0 =	seq.s32 s7, s2  }
0x1e: {  	s7 =	smul.u32 @!p0 $0xF7A, s2;
	p2 =	seq.s32 @!p0 s5, $0x0  }
0x1f: {  	s9 =	smul.u32 $0xF7A, s1;
	s8 =	simm.s32 @!p0 $0x1BF5;
	p2 =	por !p2, p0  }
0x20: {  	[sflag:s8] =	ssyncset.s32 @!p0 $0xFFFFF086;
	s6 =	sadd.s32 @!p0 s3, s7;
	s7 =	simm.s32 @!p0 $0x108  }
0x21: {  	s3 =	sadd.s32 s3, s9;
	s6 =	sadd.s32 @!p0 $0x88, s6;
	s7 =	simm.s32 @p2 $0x1082  }
0x22: {  	[simem:s7], [sflag:s8] =	dma.local @!p0 [hbm:s6], $0xF7A  }
0x23: {  	s9 =	sor.u32 $0xD0000000, s2;
	s6 =	simm.s32 $0x108;
	_ =	swait.ge @!p0 [sflag:s8], $0x0  }
0x24: {  	s3 =	sadd.s32 $0x88, s3;
	s6 =	simm.s32 @!p1 $0x1082;
	[sflag:s4] =	ssyncset.s32 $0xFFFFF086  }
0x25: {  	[simem:s6], [sflag:s4] =	dma.local [hbm:s3], $0xF7A  }
0x26: {  	[smem:$0x3F9A] =	sst s1;
	(tag) =	ssettag s2;
	_ =	strace s9  }
0x27: {  	s1 =	sld [smem:$0x3FAA]  }
0x28: {  	s2 =	sld [smem:$0x3FAB]  }
0x29: {  	s4 =	sld [smem:$0x3FAD]  }
0x2a: {  	p0 =	seq.s32 s5, $0x0;
	s5 =	sld [smem:$0x3FAE]  }
0x2b: {  	s6 =	sld [smem:$0x3FAF]  }
0x2c: {  	s7 =	sld [smem:$0x3FB0]  }
0x2d: {  	s3 =	simm.s32 $0x108;
	s8 =	sld [smem:$0x3FB1]  }
0x2e: {  	s3 =	simm.s32 @!p0 $0x1082;
	s9 =	sld [smem:$0x3FB2]  }
0x2f: {  	lr =	sadd.s32 s0, s3;
	s0 =	sld [smem:$0x3FA9]  }
0x30: {  	s3 =	sld [smem:$0x3FAC]  }
0x31: {  	[smem:$0x3FB5] =	sst s10  }
0x32: {  	s10 =	sld [smem:$0x3FB3];
	_ =	sdelay $0x3  }
0x33: {  	p0 =	seq.s32 s10, $0x1;
	s10 =	sld [smem:$0x3FB5];
	_ =	sdelay $0x3  }
0x34: {  	[smem:$0x3FB5] =	sst s10  }
0x35: {  	s10 =	sld [smem:$0x3FB4];
	_ =	sdelay $0x3  }
0x36: {  	p1 =	seq.s32 s10, $0x1;
	s10 =	sld [smem:$0x3FB5];
	_ =	sdelay $0x3  }
0x37: {  	[smem:$0x3FB5] =	sst s10  }
0x38: {  	s10 =	sld [smem:$0x3FB6]  }
0x39: {  	_ = 	snop;
	(pc) =	sbr.ind lr, $3  }
0x3a: {  	_ = 	snop  }
0x3b: {  	_ = 	snop  }
0x3c: {  	p2 =	seq.s32 s10, $0x1;
	s10 =	sld [smem:$0x3FB5]  }
0x3d: {  	_ =	shalt  }
0x3e: {  	_ =	shalt  }
0x3f: {  	_ =	shalt  }
0x40: {  	_ =	shalt  }
0x41: {  	_ =	shalt  }
0x42: {  	_ =	shalt  }
0x43: {  	_ =	shalt  }
0x44: {  	_ =	shalt  }
0x45: {  	_ =	shalt  }
0x46: {  	_ =	shalt  }
0x47: {  	_ =	shalt  }
0x48: {  	_ =	shalt  }
0x49: {  	_ =	shalt  }
0x4a: {  	_ =	shalt  }
0x4b: {  	_ =	shalt  }
0x4c: {  	_ =	shalt  }
0x4d: {  	_ =	shalt  }
0x4e: {  	_ =	shalt  }
0x4f: {  	_ =	shalt  }
0x50: {  	_ =	shalt  }
0x51: {  	_ =	shalt  }
0x52: {  	_ =	shalt  }
0x53: {  	_ =	shalt  }
0x54: {  	_ =	shalt  }
0x55: {  	_ =	shalt  }
0x56: {  	_ =	shalt  }
0x57: {  	_ =	shalt  }
0x58: {  	_ =	shalt  }
0x59: {  	_ =	shalt  }
0x5a: {  	_ =	shalt  }
0x5b: {  	_ =	shalt  }
0x5c: {  	_ =	shalt  }
0x5d: {  	_ =	shalt  }
0x5e: {  	_ =	shalt  }
0x5f: {  	_ =	shalt  }
0x60: {  	_ =	shalt  }
0x61: {  	_ =	shalt  }
0x62: {  	_ =	shalt  }
0x63: {  	_ =	shalt  }
0x64: {  	_ =	shalt  }
0x65: {  	_ =	shalt  }
0x66: {  	_ =	shalt  }
0x67: {  	_ =	shalt  }
0x68: {  	_ =	shalt  }
0x69: {  	_ =	shalt  }
0x6a: {  	_ =	shalt  }
0x6b: {  	_ =	shalt  }
0x6c: {  	_ =	shalt  }
0x6d: {  	_ =	shalt  }
0x6e: {  	_ =	shalt  }
0x6f: {  	_ =	shalt  }
0x70: {  	_ =	shalt  }
0x71: {  	_ =	shalt  }
0x72: {  	_ =	shalt  }
0x73: {  	_ =	shalt  }
0x74: {  	_ =	shalt  }
0x75: {  	_ =	shalt  }
0x76: {  	_ =	shalt  }
0x77: {  	_ =	shalt  }
0x78: {  	_ =	shalt  }
0x79: {  	_ =	shalt  }
0x7a: {  	_ =	shalt  }
0x7b: {  	_ =	shalt  }
0x7c: {  	_ =	shalt  }
0x7d: {  	_ =	shalt  }
0x7e: {  	_ =	shalt  }
0x7f: {  	_ =	shalt  }
0x80: {  	_ =	shalt  }
0x81: {  	_ =	shalt  }
0x82: {  	_ =	shalt  }
0x83: {  	_ =	shalt  }
0x84: {  	_ =	shalt  }
0x85: {  	_ =	shalt  }
0x86: {  	_ =	shalt  }
0x87: {  	_ =	shalt  }
.Lfunc_end0:
.L_simem_size_0:
called_computation_lowered:
.L_overlay_start_0:
0x88: {  	s2 =	sld [smem:$0x3FD9]  }
0x89: {  	s3 =	sld [smem:$0x3FFE];
	_ =	sdelay $0x1  }
0x8a: {  	s1 =	srdreg.scid  }
0x8b: {  	s0 =	sand.u32 $0x1, s1  }
0x8c: {  	s16 =	sshll.u32 s0, $0xA;
	s2 =	sadd.s32 s3, s2  }
0x8d: {  	s2 =	sadd.s32 s2, s16  }
0x8e: {  	[smem:$0x3FC1] =	sst s2  }
0x8f: {  	_ = 	snop  }
0x90: {  	(tm) =	ssettm $0x1  }
0x91: {  	s17 =	sld [smem:$0x3FFB];
	_ =	sdelay $0x3  }
0x92: {  	_ =	strace s17  }
0x93: {  	s2 =	sld [smem:$0x3FFC];
	_ =	sdelay $0x3  }
0x94: {  	_ =	strace s2  }
0x95: {  	s2 =	sld [smem:$0x3FFD];
	_ =	sdelay $0x3  }
0x96: {  	_ =	strace s2  }
0x97: {  	_ =	strace $0x8FFFFFFF  }
0x98: {  	s18 =	sld [smem:$0x3FDB];
	_ =	sdelay $0x1  }
0x99: {  	s19 =	simm.s32 $_scs_section_size  }
0x9a: {  	s4 =	simm.s32 $_size__tile_overlayer_lowered;
	s5 =	simm.s32 $_tile_overlayer_lowered  }
0x9b: {  	s22 =	simm.s32 $0x1BFF;
	s21 =	sshll.u32 s5, $0x1;
	s2 =	sadd.s32 s19, s18  }
0x9c: {  	s6 =	simm.s32 $0x0;
	s20 =	sshll.u32 s4, $0x1;
	s4 =	sadd.s32 s21, s2  }
0x9d: {  	[timem:s6], [sflag:s22] =	dma.local [hbm:s4], s20  }
0x9e: {  	_ =	swait.ge [sflag:s22], s20  }
0x9f: {  	s3 =	ssub.s32 $0x0, s20;
	[sflag:s22] =	ssyncset.done $0x0  }
0xa0: {  	[sflag:s22] =	ssyncadd.s32 s3;
	_ =	sdelay $0x1  }
0xa1: {  	s23 =	simm.s32 $0x1B8B  }
0xa2: {  	_ =	swait.ge [sflag:s23], $0x1  }
0xa3: {  	[sflag:s23] =	ssyncset.done $0x0  }
0xa4: {  	s25 =	simm.s32 $0x1B8E;
	s24 =	sld [smem:$0x3FFE];
	[sflag:s23] =	ssyncadd.s32 $0xFFFFFFFF  }
0xa5: {  	s26 =	simm.s32 $execute0_lowered;
	[smem:$0x3FD2] =	sst s25  }
0xa6: {  	s4 =	sshll.u32 s26, $0x1;
	_ =	strace $0x80000046;
	[dreg:$0x1] =	wrdreg $0xFFFFFFFF  }
0xa7: {  	s28 =	simm.s32 $_size_execute0_lowered;
	s2 =	sadd.s32 s2, s4;
	[dreg:$0x0] =	wrdreg $0x0  }
0xa8: {  	s4 =	sshll.u32 s28, $0x1;
	[dreg:$0x2] =	wrdreg s2  }
0xa9: {  	[dreg:$0x3] =	wrdreg s4  }
0xaa: {  	[dreg:$0x4] =	wrdreg $0xC0  }
0xab: {  	_ =	task [dreg:s6], $0x5FFFF  }
0xac: {  	[dreg:$0x1] =	wrdreg $0xFFFFFFFF  }
0xad: {  	[dreg:$0x0] =	wrdreg $0x60  }
0xae: {  	[dreg:$0x2] =	wrdreg s24  }
0xaf: {  	[dreg:$0x3] =	wrdreg $0x9  }
0xb0: {  	_ =	task.clear_ibuf [dreg:s6], $0x4FFFF;
	_ =	strace $0x90000046  }
0xb1: {  	s29 =	simm.s32 $0x9;
	_ =	strace $0x80000048  }
0xb2: {  	_ =	swait.ge [sflag:s29], $0x1  }
0xb3: {  	[sflag:s29] =	ssyncadd.s32 $0xFFFFFFFF  }
0xb4: {  	_ =	strace $0x90000048  }
0xb5: {  	_ =	sfence  }
0xb6: {  	s30 =	sld [smem:$0x0];
	_ =	sdelay $0x2  }
0xb7: {  	s31 =	sshll.u32 s1, $0xD;
	s1 =	sshrl.u32 s1, $0x2  }
0xb8: {  	s3 =	sand.u32 $0x4000, s31;
	s1 =	sadd.s32 s1, s30  }
0xb9: {  	s0 =	sor.u32 s3, s0;
	s1 =	sshll.u32 s1, $0x11  }
0xba: {  	s0 =	sor.u32 s1, s0  }
0xbb: {  	s0 =	sadd.s32 $0x8F2B, s0  }
0xbc: {  	[sflag:s0] =	ssyncadd.remote.s32 $0x1  }
0xbd: {  	_ =	sfence.sel $0xFFFF  }
0xbe: {  	[dreg:$0x0] =	wrdreg $0xFFFFFFFF;
	(pc) =	sbr.abs _section_cstart, $3  }
0xbf: {  	[dreg:$0x1] =	wrdreg $0xFFFFFFFF  }
0xc0: {  	_ =	task.clear_ibuf [dreg:s6], $0x2FFFF;
	_ =	strace $0x9FFFFFFF  }
0xc1: {  	(tm) =	ssettm $0x7FFFFFFF  }
tec
execute0_lowered:
.L_overlay_start_1:
0x0: {  	(tag) =	ssettag $0x1  }
0x1: {  	s1 =	srdreg.scid  }
0x2: {  	s0 =	rddreg [dreg:$0x0];
	s4 =	stileid.u32;
	s1 =	sand.u32 $0x1, s1  }
0x3: {  	s2 =	simm.s32 $0x0;
	s4 =	sshll.u32 s4, $0x6;
	s3 =	sshll.u32 s1, $0xA  }
0x4: {  	[smem:$0x7FF] =	sst s2;
	s6 =	sadd.s32 $0x1E00, s0;
	s5 =	sor.u32 s4, s3  }
0x5: {  	s7 =	sadd.s32 $0x22600, s0;
	_ =	strace $0x80000047;
	s3 =	sadd.s32 s6, s5  }
0x6: {  	s14 =	sadd.s32 s7, s5;
	s4 =	sor.u32 $0x8, s5;
	[dreg:$0x2] =	wrdreg s3  }
0x7: {  	[dreg:$0x3] =	wrdreg s14;
	s15 =	sadd.s32 s6, s4  }
0x8: {  	s8 =	sor.u32 $0x10, s5;
	s4 =	sadd.s32 s7, s4;
	[dreg:$0x4] =	wrdreg s15  }
0x9: {  	s1 =	ssub.s32 $0x2, s1;
	s16 =	sadd.s32 s6, s8;
	[dreg:$0x5] =	wrdreg s4  }
0xa: {  	s9 =	sor.u32 $0x18, s5;
	s8 =	sadd.s32 s7, s8;
	[dreg:$0x6] =	wrdreg s16  }
0xb: {  	s10 =	sshrl.u32 s1, $0x1;
	s17 =	sadd.s32 s6, s9;
	[dreg:$0x7] =	wrdreg s8  }
0xc: {  	s19 =	sor.u32 $0x20, s5;
	s18 =	sadd.s32 s7, s9;
	[dreg:$0x8] =	wrdreg s17  }
0xd: {  	s22 =	sor.u32 $0x28, s5;
	s20 =	sadd.s32 s6, s19;
	[dreg:$0x9] =	wrdreg s18  }
0xe: {  	s25 =	sor.u32 $0x30, s5;
	s21 =	sadd.s32 s7, s19;
	[dreg:$0xa] =	wrdreg s20  }
0xf: {  	s1 =	ssub.s32 s1, s10;
	s23 =	sadd.s32 s6, s22;
	[dreg:$0xb] =	wrdreg s21  }
0x10: {  	s29 =	sor.u32 $0x38, s5;
	s24 =	sadd.s32 s7, s22;
	[dreg:$0xc] =	wrdreg s23  }
0x11: {  	s5 =	sadd.s32 $0x22F00, s0;
	s26 =	sadd.s32 s6, s25;
	[dreg:$0xd] =	wrdreg s24  }
0x12: {  	s3 =	sadd.s32 $0x22E00, s0;
	s28 =	sadd.s32 s7, s25;
	[dreg:$0xe] =	wrdreg s26  }
0x13: {  	v2 =	vlaneseq.u32;
	s30 =	sadd.s32 s6, s29;
	s6 =	sadd.s32 $0x42F00, s0;
	[dreg:$0xf] =	wrdreg s28  }
0x14: {  	vm0 =	vmmov $0xffff;
	v1 =	vshrl.u32 v2, $0x3;
	s31 =	sadd.s32 s7, s29;
	s4 =	sadd.s32 $0x42E00, s0;
	[dreg:$0x10] =	wrdreg s30  }
0x15: {  	v0 =	vand.u32 $0x7, v2;
	v2 =	vor.u32 $0x8, v2;
	v1 =	vmul.u32 $0x8, v1;
	[dreg:$0x11] =	wrdreg s31;
	s0 =	smax.u32 s1, $0x1;
	s8 =	simm.s32 $0x5  }
.LBB2_1:
0x16: {  	[dreg:$0x12] =	wrdreg s0  }
0x17: {  	s22 =	rddreg [dreg:$0x2]  }
0x18: {  	[tilespmem:s2], [sflag:$0x5] =	stream.linear.gather [hbm4b:s22+s2], $0x40, $0x38;
	[tilespmem:$0x10200] =	vst v63  }
0x19: {  	_ =	swait.ge [sflag:s8], $0x40  }
0x1a: {  	[sflag:s8] =	ssyncset.done $0x0  }
0x1b: {  	s12 =	simm.s32 $0x80;
	s11 =	rddreg [dreg:$0x3];
	[sflag:s8] =	ssyncadd.s32 $0xFFFFFFC0  }
0x1c: {  	[tilespmem:s12], [sflag:$0x5] =	stream.linear.gather [hbm4b:s11+s2], $0x40, $0x38;
	[tilespmem:$0x10200] =	vst v63  }
0x1d: {  	_ =	swait.ge [sflag:s8], $0x40  }
0x1e: {  	[sflag:s8] =	ssyncset.done $0x0  }
0x1f: {  	[sflag:s8] =	ssyncadd.s32 $0xFFFFFFC0  }
0x20: {  	v3 =	vld [tilespmem:$0x0];
	_ =	sdelay $0x4  }
0x21: {  	v4 =	vshll.u32 v3, $0x2  }
0x22: {  	v3 =	vand.u32 $0x7, v3;
	v4 =	vand.u32 $0xFFFFFFE0, v4  }
0x23: {  	v3 =	vor.u32 v3, v4  }
0x24: {  	v4 =	vperm.xlane v3, v0;
	_ =	sdelay $0x1  }
0x25: {  	v4 =	vadd.s32 v1, v4;
	_ =	sdelay $0x1  }
0x26: {  	v3 =	vperm.xlane v3, v2;
	_ =	sdelay $0x1  }
0x27: {  	s13 =	simm.s32 $0x100;
	v3 =	vadd.s32 v1, v3  }
0x28: {  	[tilespmem:s13], [sflag:$0x1] =	stream.indirect_vreg.gather [hbm4b:s3+s2], $0x80, v4, vm0, $0xb8;
	[tilespmem:$0x10200] =	vst v63  }
0x29: {  	s14 =	simm.s32 $0x900  }
0x2a: {  	[tilespmem:s14], [sflag:$0x1] =	stream.indirect_vreg.gather [hbm4b:s5+s2], $0x80, v4, vm0, $0xb8;
	[tilespmem:$0x10200] =	vst v63  }
0x2b: {  	s15 =	simm.s32 $0x1100  }
0x2c: {  	[tilespmem:s15], [sflag:$0x1] =	stream.indirect_vreg.gather [hbm4b:s3+s2], $0x80, v3, vm0, $0xb8;
	[tilespmem:$0x10200] =	vst v63  }
0x2d: {  	s16 =	simm.s32 $0x1900  }
0x2e: {  	[tilespmem:s16], [sflag:$0x1] =	stream.indirect_vreg.gather [hbm4b:s5+s2], $0x80, v3, vm0, $0xb8;
	[tilespmem:$0x10200] =	vst v63  }
0x2f: {  	v3 =	vld [tilespmem:$0x10];
	_ =	sdelay $0x4  }
0x30: {  	v57 =	vshll.u32 v3, $0x2  }
0x31: {  	v3 =	vand.u32 $0x7, v3;
	v4 =	vand.u32 $0xFFFFFFE0, v57  }
0x32: {  	v3 =	vor.u32 v3, v4  }
0x33: {  	v4 =	vperm.xlane v3, v0;
	_ =	sdelay $0x1  }
0x34: {  	v4 =	vadd.s32 v1, v4;
	_ =	sdelay $0x1  }
0x35: {  	v3 =	vperm.xlane v3, v2;
	_ =	sdelay $0x1  }
0x36: {  	s17 =	simm.s32 $0x2100;
	v3 =	vadd.s32 v1, v3  }
0x37: {  	[tilespmem:s17], [sflag:$0x1] =	stream.indirect_vreg.gather [hbm4b:s3+s2], $0x80, v4, vm0, $0xb8;
	[tilespmem:$0x10200] =	vst v63  }
0x38: {  	s18 =	simm.s32 $0x2900  }
0x39: {  	[tilespmem:s18], [sflag:$0x1] =	stream.indirect_vreg.gather [hbm4b:s5+s2], $0x80, v4, vm0, $0xb8;
	[tilespmem:$0x10200] =	vst v63  }
0x3a: {  	s19 =	simm.s32 $0x3100  }
0x3b: {  	[tilespmem:s19], [sflag:$0x1] =	stream.indirect_vreg.gather [hbm4b:s3+s2], $0x80, v3, vm0, $0xb8;
	[tilespmem:$0x10200] =	vst v63  }
0x3c: {  	s20 =	simm.s32 $0x3900  }
0x3d: {  	[tilespmem:s20], [sflag:$0x1] =	stream.indirect_vreg.gather [hbm4b:s5+s2], $0x80, v3, vm0, $0xb8;
	[tilespmem:$0x10200] =	vst v63  }
0x3e: {  	v3 =	vld [tilespmem:$0x20];
	_ =	sdelay $0x4  }
0x3f: {  	v58 =	vshll.u32 v3, $0x2  }
0x40: {  	v3 =	vand.u32 $0x7, v3;
	v4 =	vand.u32 $0xFFFFFFE0, v58  }
0x41: {  	v3 =	vor.u32 v3, v4  }
0x42: {  	v4 =	vperm.xlane v3, v0;
	_ =	sdelay $0x1  }
0x43: {  	v4 =	vadd.s32 v1, v4;
	_ =	sdelay $0x1  }
0x44: {  	v3 =	vperm.xlane v3, v2;
	_ =	sdelay $0x1  }
0x45: {  	s21 =	simm.s32 $0x4100;
	v3 =	vadd.s32 v1, v3  }
0x46: {  	[tilespmem:s21], [sflag:$0x1] =	stream.indirect_vreg.gather [hbm4b:s3+s2], $0x80, v4, vm0, $0xb8;
	[tilespmem:$0x10200] =	vst v63  }
0x47: {  	s22 =	simm.s32 $0x4900  }
0x48: {  	[tilespmem:s22], [sflag:$0x1] =	stream.indirect_vreg.gather [hbm4b:s5+s2], $0x80, v4, vm0, $0xb8;
	[tilespmem:$0x10200] =	vst v63  }
0x49: {  	s23 =	simm.s32 $0x5100  }
0x4a: {  	[tilespmem:s23], [sflag:$0x1] =	stream.indirect_vreg.gather [hbm4b:s3+s2], $0x80, v3, vm0, $0xb8;
	[tilespmem:$0x10200] =	vst v63  }
0x4b: {  	s24 =	simm.s32 $0x5900  }
0x4c: {  	[tilespmem:s24], [sflag:$0x1] =	stream.indirect_vreg.gather [hbm4b:s5+s2], $0x80, v3, vm0, $0xb8;
	[tilespmem:$0x10200] =	vst v63  }
0x4d: {  	v3 =	vld [tilespmem:$0x30];
	_ =	sdelay $0x4  }
0x4e: {  	v59 =	vshll.u32 v3, $0x2  }
0x4f: {  	v3 =	vand.u32 $0x7, v3;
	v4 =	vand.u32 $0xFFFFFFE0, v59  }
0x50: {  	v3 =	vor.u32 v3, v4  }
0x51: {  	v4 =	vperm.xlane v3, v0;
	_ =	sdelay $0x1  }
0x52: {  	v4 =	vadd.s32 v1, v4;
	_ =	sdelay $0x1  }
0x53: {  	v3 =	vperm.xlane v3, v2;
	_ =	sdelay $0x1  }
0x54: {  	s26 =	simm.s32 $0x6100;
	v3 =	vadd.s32 v1, v3  }
0x55: {  	[tilespmem:s26], [sflag:$0x1] =	stream.indirect_vreg.gather [hbm4b:s3+s2], $0x80, v4, vm0, $0xb8;
	[tilespmem:$0x10200] =	vst v63  }
0x56: {  	s28 =	simm.s32 $0x6900  }
0x57: {  	[tilespmem:s28], [sflag:$0x1] =	stream.indirect_vreg.gather [hbm4b:s5+s2], $0x80, v4, vm0, $0xb8;
	[tilespmem:$0x10200] =	vst v63  }
0x58: {  	s29 =	simm.s32 $0x7100  }
0x59: {  	[tilespmem:s29], [sflag:$0x1] =	stream.indirect_vreg.gather [hbm4b:s3+s2], $0x80, v3, vm0, $0xb8;
	[tilespmem:$0x10200] =	vst v63  }
0x5a: {  	s31 =	simm.s32 $0x7900  }
0x5b: {  	[tilespmem:s31], [sflag:$0x1] =	stream.indirect_vreg.gather [hbm4b:s5+s2], $0x80, v3, vm0, $0xb8;
	[tilespmem:$0x10200] =	vst v63  }
0x5c: {  	s1 =	simm.s32 $0x8100;
	s30 =	rddreg [dreg:$0x4]  }
0x5d: {  	[tilespmem:s1], [sflag:$0x5] =	stream.linear.gather [hbm4b:s30+s2], $0x40, $0x38;
	[tilespmem:$0x10200] =	vst v63  }
0x5e: {  	_ =	swait.ge [sflag:s8], $0x40  }
0x5f: {  	[sflag:s8] =	ssyncset.done $0x0  }
0x60: {  	s9 =	simm.s32 $0x8180;
	s7 =	rddreg [dreg:$0x5];
	[sflag:s8] =	ssyncadd.s32 $0xFFFFFFC0  }
0x61: {  	[tilespmem:s9], [sflag:$0x5] =	stream.linear.gather [hbm4b:s7+s2], $0x40, $0x38;
	[tilespmem:$0x10200] =	vst v63  }
0x62: {  	_ =	swait.ge [sflag:s8], $0x40  }
0x63: {  	[sflag:s8] =	ssyncset.done $0x0  }
0x64: {  	[sflag:s8] =	ssyncadd.s32 $0xFFFFFFC0  }
0x65: {  	v3 =	vld [tilespmem:$0x8100];
	_ =	sdelay $0x4  }
0x66: {  	v60 =	vshll.u32 v3, $0x2  }
0x67: {  	v3 =	vand.u32 $0x7, v3;
	v4 =	vand.u32 $0xFFFFFFE0, v60  }
0x68: {  	v3 =	vor.u32 v3, v4  }
0x69: {  	v4 =	vperm.xlane v3, v0;
	_ =	sdelay $0x1  }
0x6a: {  	v4 =	vadd.s32 v1, v4;
	_ =	sdelay $0x1  }
0x6b: {  	v3 =	vperm.xlane v3, v2;
	_ =	sdelay $0x1  }
0x6c: {  	s10 =	simm.s32 $0x8200;
	v3 =	vadd.s32 v1, v3  }
0x6d: {  	[tilespmem:s10], [sflag:$0x2] =	stream.indirect_vreg.gather [hbm4b:s3+s2], $0x80, v4, vm0, $0xb8;
	[tilespmem:$0x10200] =	vst v63  }
0x6e: {  	s11 =	simm.s32 $0x8A00  }
0x6f: {  	[tilespmem:s11], [sflag:$0x2] =	stream.indirect_vreg.gather [hbm4b:s5+s2], $0x80, v4, vm0, $0xb8;
	[tilespmem:$0x10200] =	vst v63  }
0x70: {  	s12 =	simm.s32 $0x9200  }
0x71: {  	[tilespmem:s12], [sflag:$0x2] =	stream.indirect_vreg.gather [hbm4b:s3+s2], $0x80, v3, vm0, $0xb8;
	[tilespmem:$0x10200] =	vst v63  }
0x72: {  	s13 =	simm.s32 $0x9A00  }
0x73: {  	[tilespmem:s13], [sflag:$0x2] =	stream.indirect_vreg.gather [hbm4b:s5+s2], $0x80, v3, vm0, $0xb8;
	[tilespmem:$0x10200] =	vst v63  }
0x74: {  	v3 =	vld [tilespmem:$0x8110];
	_ =	sdelay $0x4  }
0x75: {  	v61 =	vshll.u32 v3, $0x2  }
0x76: {  	v3 =	vand.u32 $0x7, v3;
	v4 =	vand.u32 $0xFFFFFFE0, v61  }
0x77: {  	v3 =	vor.u32 v3, v4  }
0x78: {  	v4 =	vperm.xlane v3, v0;
	_ =	sdelay $0x1  }
0x79: {  	v4 =	vadd.s32 v1, v4;
	_ =	sdelay $0x1  }
0x7a: {  	v3 =	vperm.xlane v3, v2;
	_ =	sdelay $0x1  }
0x7b: {  	s14 =	simm.s32 $0xA200;
	v3 =	vadd.s32 v1, v3  }
0x7c: {  	[tilespmem:s14], [sflag:$0x2] =	stream.indirect_vreg.gather [hbm4b:s3+s2], $0x80, v4, vm0, $0xb8;
	[tilespmem:$0x10200] =	vst v63  }
0x7d: {  	s15 =	simm.s32 $0xAA00  }
0x7e: {  	[tilespmem:s15], [sflag:$0x2] =	stream.indirect_vreg.gather [hbm4b:s5+s2], $0x80, v4, vm0, $0xb8;
	[tilespmem:$0x10200] =	vst v63  }
0x7f: {  	s16 =	simm.s32 $0xB200  }
0x80: {  	[tilespmem:s16], [sflag:$0x2] =	stream.indirect_vreg.gather [hbm4b:s3+s2], $0x80, v3, vm0, $0xb8;
	[tilespmem:$0x10200] =	vst v63  }
0x81: {  	s17 =	simm.s32 $0xBA00  }
0x82: {  	[tilespmem:s17], [sflag:$0x2] =	stream.indirect_vreg.gather [hbm4b:s5+s2], $0x80, v3, vm0, $0xb8;
	[tilespmem:$0x10200] =	vst v63  }
0x83: {  	v3 =	vld [tilespmem:$0x8120];
	_ =	sdelay $0x4  }
0x84: {  	v62 =	vshll.u32 v3, $0x2  }
0x85: {  	v3 =	vand.u32 $0x7, v3;
	v4 =	vand.u32 $0xFFFFFFE0, v62  }
0x86: {  	v3 =	vor.u32 v3, v4  }
0x87: {  	v4 =	vperm.xlane v3, v0;
	_ =	sdelay $0x1  }
0x88: {  	v4 =	vadd.s32 v1, v4;
	_ =	sdelay $0x1  }
0x89: {  	v3 =	vperm.xlane v3, v2;
	_ =	sdelay $0x1  }
0x8a: {  	s18 =	simm.s32 $0xC200;
	v3 =	vadd.s32 v1, v3  }
0x8b: {  	[tilespmem:s18], [sflag:$0x2] =	stream.indirect_vreg.gather [hbm4b:s3+s2], $0x80, v4, vm0, $0xb8;
	[tilespmem:$0x10200] =	vst v63  }
0x8c: {  	s20 =	simm.s32 $0xCA00  }
0x8d: {  	[tilespmem:s20], [sflag:$0x2] =	stream.indirect_vreg.gather [hbm4b:s5+s2], $0x80, v4, vm0, $0xb8;
	[tilespmem:$0x10200] =	vst v63  }
0x8e: {  	s21 =	simm.s32 $0xD200  }
0x8f: {  	[tilespmem:s21], [sflag:$0x2] =	stream.indirect_vreg.gather [hbm4b:s3+s2], $0x80, v3, vm0, $0xb8;
	[tilespmem:$0x10200] =	vst v63  }
0x90: {  	s22 =	simm.s32 $0xDA00  }
0x91: {  	[tilespmem:s22], [sflag:$0x2] =	stream.indirect_vreg.gather [hbm4b:s5+s2], $0x80, v3, vm0, $0xb8;
	[tilespmem:$0x10200] =	vst v63  }
0x92: {  	v3 =	vld [tilespmem:$0x8130];
	_ =	sdelay $0x4  }
0x93: {  	v63 =	vshll.u32 v3, $0x2  }
0x94: {  	v3 =	vand.u32 $0x7, v3;
	v4 =	vand.u32 $0xFFFFFFE0, v63  }
0x95: {  	v3 =	vor.u32 v3, v4  }
0x96: {  	v4 =	vperm.xlane v3, v0;
	_ =	sdelay $0x1  }
0x97: {  	v4 =	vadd.s32 v1, v4;
	_ =	sdelay $0x1  }
0x98: {  	v3 =	vperm.xlane v3, v2;
	_ =	sdelay $0x1  }
0x99: {  	s23 =	simm.s32 $0xE200;
	v3 =	vadd.s32 v1, v3  }
0x9a: {  	[tilespmem:s23], [sflag:$0x2] =	stream.indirect_vreg.gather [hbm4b:s3+s2], $0x80, v4, vm0, $0xb8;
	[tilespmem:$0x10200] =	vst v63  }
0x9b: {  	s24 =	simm.s32 $0xEA00  }
0x9c: {  	[tilespmem:s24], [sflag:$0x2] =	stream.indirect_vreg.gather [hbm4b:s5+s2], $0x80, v4, vm0, $0xb8;
	[tilespmem:$0x10200] =	vst v63  }
0x9d: {  	s26 =	simm.s32 $0xF200  }
0x9e: {  	[tilespmem:s26], [sflag:$0x2] =	stream.indirect_vreg.gather [hbm4b:s3+s2], $0x80, v3, vm0, $0xb8;
	[tilespmem:$0x10200] =	vst v63  }
0x9f: {  	s28 =	simm.s32 $0xFA00;
	s29 =	simm.s32 $0x1  }
0xa0: {  	[tilespmem:s28], [sflag:$0x2] =	stream.indirect_vreg.gather [hbm4b:s5+s2], $0x80, v3, vm0, $0xb8;
	[tilespmem:$0x10200] =	vst v63  }
0xa1: {  	_ =	swait.ge [sflag:s29], $0x8000  }
0xa2: {  	[sflag:s29] =	ssyncset.done $0x0  }
0xa3: {  	[sflag:s29] =	ssyncadd.s32 $0xFFFF8000  }
0xa4: {  	v3 =	vld [tilespmem:$0x80];
	_ =	sdelay $0x4  }
0xa5: {  	v8 =	vshll.u32 v3, $0x2  }
0xa6: {  	v3 =	vand.u32 $0x7, v3;
	v4 =	vand.u32 $0xFFFFFFE0, v8  }
0xa7: {  	v3 =	vor.u32 v3, v4  }
0xa8: {  	v4 =	vperm.xlane v3, v0;
	_ =	sdelay $0x1  }
0xa9: {  	v4 =	vadd.s32 v1, v4;
	_ =	sdelay $0x1  }
0xaa: {  	v3 =	vperm.xlane v3, v2;
	_ =	sdelay $0x1  }
0xab: {  	s30 =	simm.s32 $0x100;
	v3 =	vadd.s32 v1, v3  }
0xac: {  	[hbm4b:s4+s2] =	stream.indirect_vreg.scatter [tilespmem:s30], [sflag:$0x3], $0x80, v4, vm0, $0xb8;
	[tilespmem:$0x10200] =	vst v63  }
0xad: {  	s1 =	simm.s32 $0x900  }
0xae: {  	[hbm4b:s6+s2] =	stream.indirect_vreg.scatter [tilespmem:s1], [sflag:$0x3], $0x80, v4, vm0, $0xb8;
	[tilespmem:$0x10200] =	vst v63  }
0xaf: {  	s18 =	simm.s32 $0x1100  }
0xb0: {  	[hbm4b:s4+s2] =	stream.indirect_vreg.scatter [tilespmem:s18], [sflag:$0x3], $0x80, v3, vm0, $0xb8;
	[tilespmem:$0x10200] =	vst v63  }
0xb1: {  	s16 =	simm.s32 $0x1900  }
0xb2: {  	[hbm4b:s6+s2] =	stream.indirect_vreg.scatter [tilespmem:s16], [sflag:$0x3], $0x80, v3, vm0, $0xb8;
	[tilespmem:$0x10200] =	vst v63  }
0xb3: {  	v3 =	vld [tilespmem:$0x90];
	_ =	sdelay $0x4  }
0xb4: {  	v9 =	vshll.u32 v3, $0x2  }
0xb5: {  	v3 =	vand.u32 $0x7, v3;
	v4 =	vand.u32 $0xFFFFFFE0, v9  }
0xb6: {  	v3 =	vor.u32 v3, v4  }
0xb7: {  	v4 =	vperm.xlane v3, v0;
	_ =	sdelay $0x1  }
0xb8: {  	v4 =	vadd.s32 v1, v4;
	_ =	sdelay $0x1  }
0xb9: {  	v3 =	vperm.xlane v3, v2;
	_ =	sdelay $0x1  }
0xba: {  	s14 =	simm.s32 $0x2100;
	v3 =	vadd.s32 v1, v3  }
0xbb: {  	[hbm4b:s4+s2] =	stream.indirect_vreg.scatter [tilespmem:s14], [sflag:$0x3], $0x80, v4, vm0, $0xb8;
	[tilespmem:$0x10200] =	vst v63  }
0xbc: {  	s15 =	simm.s32 $0x2900  }
0xbd: {  	[hbm4b:s6+s2] =	stream.indirect_vreg.scatter [tilespmem:s15], [sflag:$0x3], $0x80, v4, vm0, $0xb8;
	[tilespmem:$0x10200] =	vst v63  }
0xbe: {  	s31 =	simm.s32 $0x3100  }
0xbf: {  	[hbm4b:s4+s2] =	stream.indirect_vreg.scatter [tilespmem:s31], [sflag:$0x3], $0x80, v3, vm0, $0xb8;
	[tilespmem:$0x10200] =	vst v63  }
0xc0: {  	s17 =	simm.s32 $0x3900  }
0xc1: {  	[hbm4b:s6+s2] =	stream.indirect_vreg.scatter [tilespmem:s17], [sflag:$0x3], $0x80, v3, vm0, $0xb8;
	[tilespmem:$0x10200] =	vst v63  }
0xc2: {  	v3 =	vld [tilespmem:$0xA0];
	_ =	sdelay $0x4  }
0xc3: {  	v10 =	vshll.u32 v3, $0x2  }
0xc4: {  	v3 =	vand.u32 $0x7, v3;
	v4 =	vand.u32 $0xFFFFFFE0, v10  }
0xc5: {  	v3 =	vor.u32 v3, v4  }
0xc6: {  	v4 =	vperm.xlane v3, v0;
	_ =	sdelay $0x1  }
0xc7: {  	v4 =	vadd.s32 v1, v4;
	_ =	sdelay $0x1  }
0xc8: {  	v3 =	vperm.xlane v3, v2;
	_ =	sdelay $0x1  }
0xc9: {  	s9 =	simm.s32 $0x4100;
	v3 =	vadd.s32 v1, v3  }
0xca: {  	[hbm4b:s4+s2] =	stream.indirect_vreg.scatter [tilespmem:s9], [sflag:$0x3], $0x80, v4, vm0, $0xb8;
	[tilespmem:$0x10200] =	vst v63  }
0xcb: {  	s10 =	simm.s32 $0x4900  }
0xcc: {  	[hbm4b:s6+s2] =	stream.indirect_vreg.scatter [tilespmem:s10], [sflag:$0x3], $0x80, v4, vm0, $0xb8;
	[tilespmem:$0x10200] =	vst v63  }
0xcd: {  	s11 =	simm.s32 $0x5100  }
0xce: {  	[hbm4b:s4+s2] =	stream.indirect_vreg.scatter [tilespmem:s11], [sflag:$0x3], $0x80, v3, vm0, $0xb8;
	[tilespmem:$0x10200] =	vst v63  }
0xcf: {  	s23 =	simm.s32 $0x5900  }
0xd0: {  	[hbm4b:s6+s2] =	stream.indirect_vreg.scatter [tilespmem:s23], [sflag:$0x3], $0x80, v3, vm0, $0xb8;
	[tilespmem:$0x10200] =	vst v63  }
0xd1: {  	v3 =	vld [tilespmem:$0xB0];
	_ =	sdelay $0x4  }
0xd2: {  	v11 =	vshll.u32 v3, $0x2  }
0xd3: {  	v3 =	vand.u32 $0x7, v3;
	v4 =	vand.u32 $0xFFFFFFE0, v11  }
0xd4: {  	v3 =	vor.u32 v3, v4  }
0xd5: {  	v4 =	vperm.xlane v3, v0;
	_ =	sdelay $0x1  }
0xd6: {  	v4 =	vadd.s32 v1, v4;
	_ =	sdelay $0x1  }
0xd7: {  	v3 =	vperm.xlane v3, v2;
	_ =	sdelay $0x1  }
0xd8: {  	s12 =	simm.s32 $0x6100;
	v3 =	vadd.s32 v1, v3  }
0xd9: {  	[hbm4b:s4+s2] =	stream.indirect_vreg.scatter [tilespmem:s12], [sflag:$0x3], $0x80, v4, vm0, $0xb8;
	[tilespmem:$0x10200] =	vst v63  }
0xda: {  	s13 =	simm.s32 $0x6900  }
0xdb: {  	[hbm4b:s6+s2] =	stream.indirect_vreg.scatter [tilespmem:s13], [sflag:$0x3], $0x80, v4, vm0, $0xb8;
	[tilespmem:$0x10200] =	vst v63  }
0xdc: {  	s24 =	simm.s32 $0x7100  }
0xdd: {  	[hbm4b:s4+s2] =	stream.indirect_vreg.scatter [tilespmem:s24], [sflag:$0x3], $0x80, v3, vm0, $0xb8;
	[tilespmem:$0x10200] =	vst v63  }
0xde: {  	s19 =	simm.s32 $0x7900;
	s7 =	simm.s32 $0x3  }
0xdf: {  	[hbm4b:s6+s2] =	stream.indirect_vreg.scatter [tilespmem:s19], [sflag:$0x3], $0x80, v3, vm0, $0xb8;
	[tilespmem:$0x10200] =	vst v63  }
0xe0: {  	_ =	swait.ge [sflag:s7], $0x8000  }
0xe1: {  	[sflag:s7] =	ssyncset.done $0x0  }
0xe2: {  	s20 =	rddreg [dreg:$0x6];
	[sflag:s7] =	ssyncadd.s32 $0xFFFF8000  }
0xe3: {  	[tilespmem:s2], [sflag:$0x5] =	stream.linear.gather [hbm4b:s20+s2], $0x40, $0x38;
	[tilespmem:$0x10200] =	vst v63  }
0xe4: {  	_ =	swait.ge [sflag:s8], $0x40  }
0xe5: {  	[sflag:s8] =	ssyncset.done $0x0  }
0xe6: {  	s25 =	simm.s32 $0x80;
	s21 =	rddreg [dreg:$0x7];
	[sflag:s8] =	ssyncadd.s32 $0xFFFFFFC0  }
0xe7: {  	[tilespmem:s25], [sflag:$0x5] =	stream.linear.gather [hbm4b:s21+s2], $0x40, $0x38;
	[tilespmem:$0x10200] =	vst v63  }
0xe8: {  	_ =	swait.ge [sflag:s8], $0x40  }
0xe9: {  	[sflag:s8] =	ssyncset.done $0x0  }
0xea: {  	[sflag:s8] =	ssyncadd.s32 $0xFFFFFFC0  }
0xeb: {  	v3 =	vld [tilespmem:$0x0];
	_ =	sdelay $0x4  }
0xec: {  	v12 =	vshll.u32 v3, $0x2  }
0xed: {  	v3 =	vand.u32 $0x7, v3;
	v4 =	vand.u32 $0xFFFFFFE0, v12  }
0xee: {  	v3 =	vor.u32 v3, v4  }
0xef: {  	v4 =	vperm.xlane v3, v0;
	_ =	sdelay $0x1  }
0xf0: {  	v4 =	vadd.s32 v1, v4;
	_ =	sdelay $0x1  }
0xf1: {  	v3 =	vperm.xlane v3, v2;
	_ =	sdelay $0x1  }
0xf2: {  	v3 =	vadd.s32 v1, v3  }
0xf3: {  	[tilespmem:s30], [sflag:$0x1] =	stream.indirect_vreg.gather [hbm4b:s3+s2], $0x80, v4, vm0, $0xb8;
	[tilespmem:$0x10200] =	vst v63  }
0xf4: {  	_ = 	snop  }
0xf5: {  	[tilespmem:s1], [sflag:$0x1] =	stream.indirect_vreg.gather [hbm4b:s5+s2], $0x80, v4, vm0, $0xb8;
	[tilespmem:$0x10200] =	vst v63  }
0xf6: {  	_ = 	snop  }
0xf7: {  	[tilespmem:s18], [sflag:$0x1] =	stream.indirect_vreg.gather [hbm4b:s3+s2], $0x80, v3, vm0, $0xb8;
	[tilespmem:$0x10200] =	vst v63  }
0xf8: {  	_ = 	snop  }
0xf9: {  	[tilespmem:s16], [sflag:$0x1] =	stream.indirect_vreg.gather [hbm4b:s5+s2], $0x80, v3, vm0, $0xb8;
	[tilespmem:$0x10200] =	vst v63  }
0xfa: {  	v3 =	vld [tilespmem:$0x10];
	_ =	sdelay $0x4  }
0xfb: {  	v13 =	vshll.u32 v3, $0x2  }
0xfc: {  	v3 =	vand.u32 $0x7, v3;
	v4 =	vand.u32 $0xFFFFFFE0, v13  }
0xfd: {  	v3 =	vor.u32 v3, v4  }
0xfe: {  	v4 =	vperm.xlane v3, v0;
	_ =	sdelay $0x1  }
0xff: {  	v4 =	vadd.s32 v1, v4;
	_ =	sdelay $0x1  }
0x100: {  	v3 =	vperm.xlane v3, v2;
	_ =	sdelay $0x1  }
0x101: {  	v3 =	vadd.s32 v1, v3  }
0x102: {  	[tilespmem:s14], [sflag:$0x1] =	stream.indirect_vreg.gather [hbm4b:s3+s2], $0x80, v4, vm0, $0xb8;
	[tilespmem:$0x10200] =	vst v63  }
0x103: {  	_ = 	snop  }
0x104: {  	[tilespmem:s15], [sflag:$0x1] =	stream.indirect_vreg.gather [hbm4b:s5+s2], $0x80, v4, vm0, $0xb8;
	[tilespmem:$0x10200] =	vst v63  }
0x105: {  	_ = 	snop  }
0x106: {  	[tilespmem:s31], [sflag:$0x1] =	stream.indirect_vreg.gather [hbm4b:s3+s2], $0x80, v3, vm0, $0xb8;
	[tilespmem:$0x10200] =	vst v63  }
0x107: {  	_ = 	snop  }
0x108: {  	[tilespmem:s17], [sflag:$0x1] =	stream.indirect_vreg.gather [hbm4b:s5+s2], $0x80, v3, vm0, $0xb8;
	[tilespmem:$0x10200] =	vst v63  }
0x109: {  	v3 =	vld [tilespmem:$0x20];
	_ =	sdelay $0x4  }
0x10a: {  	v14 =	vshll.u32 v3, $0x2  }
0x10b: {  	v3 =	vand.u32 $0x7, v3;
	v4 =	vand.u32 $0xFFFFFFE0, v14  }
0x10c: {  	v3 =	vor.u32 v3, v4  }
0x10d: {  	v4 =	vperm.xlane v3, v0;
	_ =	sdelay $0x1  }
0x10e: {  	v4 =	vadd.s32 v1, v4;
	_ =	sdelay $0x1  }
0x10f: {  	v3 =	vperm.xlane v3, v2;
	_ =	sdelay $0x1  }
0x110: {  	v3 =	vadd.s32 v1, v3  }
0x111: {  	[tilespmem:s9], [sflag:$0x1] =	stream.indirect_vreg.gather [hbm4b:s3+s2], $0x80, v4, vm0, $0xb8;
	[tilespmem:$0x10200] =	vst v63  }
0x112: {  	_ = 	snop  }
0x113: {  	[tilespmem:s10], [sflag:$0x1] =	stream.indirect_vreg.gather [hbm4b:s5+s2], $0x80, v4, vm0, $0xb8;
	[tilespmem:$0x10200] =	vst v63  }
0x114: {  	_ = 	snop  }
0x115: {  	[tilespmem:s11], [sflag:$0x1] =	stream.indirect_vreg.gather [hbm4b:s3+s2], $0x80, v3, vm0, $0xb8;
	[tilespmem:$0x10200] =	vst v63  }
0x116: {  	_ = 	snop  }
0x117: {  	[tilespmem:s23], [sflag:$0x1] =	stream.indirect_vreg.gather [hbm4b:s5+s2], $0x80, v3, vm0, $0xb8;
	[tilespmem:$0x10200] =	vst v63  }
0x118: {  	v3 =	vld [tilespmem:$0x30];
	_ =	sdelay $0x4  }
0x119: {  	v15 =	vshll.u32 v3, $0x2  }
0x11a: {  	v3 =	vand.u32 $0x7, v3;
	v4 =	vand.u32 $0xFFFFFFE0, v15  }
0x11b: {  	v3 =	vor.u32 v3, v4  }
0x11c: {  	v4 =	vperm.xlane v3, v0;
	_ =	sdelay $0x1  }
0x11d: {  	v4 =	vadd.s32 v1, v4;
	_ =	sdelay $0x1  }
0x11e: {  	v3 =	vperm.xlane v3, v2;
	_ =	sdelay $0x1  }
0x11f: {  	v3 =	vadd.s32 v1, v3  }
0x120: {  	[tilespmem:s12], [sflag:$0x1] =	stream.indirect_vreg.gather [hbm4b:s3+s2], $0x80, v4, vm0, $0xb8;
	[tilespmem:$0x10200] =	vst v63  }
0x121: {  	_ = 	snop  }
0x122: {  	[tilespmem:s13], [sflag:$0x1] =	stream.indirect_vreg.gather [hbm4b:s5+s2], $0x80, v4, vm0, $0xb8;
	[tilespmem:$0x10200] =	vst v63  }
0x123: {  	_ = 	snop  }
0x124: {  	[tilespmem:s24], [sflag:$0x1] =	stream.indirect_vreg.gather [hbm4b:s3+s2], $0x80, v3, vm0, $0xb8;
	[tilespmem:$0x10200] =	vst v63  }
0x125: {  	s23 =	simm.s32 $0x2  }
0x126: {  	[tilespmem:s19], [sflag:$0x1] =	stream.indirect_vreg.gather [hbm4b:s5+s2], $0x80, v3, vm0, $0xb8;
	[tilespmem:$0x10200] =	vst v63  }
0x127: {  	_ =	swait.ge [sflag:s23], $0x8000  }
0x128: {  	[sflag:s23] =	ssyncset.done $0x0  }
0x129: {  	[sflag:s23] =	ssyncadd.s32 $0xFFFF8000  }
0x12a: {  	v3 =	vld [tilespmem:$0x8180];
	_ =	sdelay $0x4  }
0x12b: {  	v16 =	vshll.u32 v3, $0x2  }
0x12c: {  	v3 =	vand.u32 $0x7, v3;
	v4 =	vand.u32 $0xFFFFFFE0, v16  }
0x12d: {  	v3 =	vor.u32 v3, v4  }
0x12e: {  	v4 =	vperm.xlane v3, v0;
	_ =	sdelay $0x1  }
0x12f: {  	v4 =	vadd.s32 v1, v4;
	_ =	sdelay $0x1  }
0x130: {  	v3 =	vperm.xlane v3, v2;
	_ =	sdelay $0x1  }
0x131: {  	s24 =	simm.s32 $0x8200;
	v3 =	vadd.s32 v1, v3  }
0x132: {  	[hbm4b:s4+s2] =	stream.indirect_vreg.scatter [tilespmem:s24], [sflag:$0x4], $0x80, v4, vm0, $0xb8;
	[tilespmem:$0x10200] =	vst v63  }
0x133: {  	s0 =	simm.s32 $0x8A00  }
0x134: {  	[hbm4b:s6+s2] =	stream.indirect_vreg.scatter [tilespmem:s0], [sflag:$0x4], $0x80, v4, vm0, $0xb8;
	[tilespmem:$0x10200] =	vst v63  }
0x135: {  	s1 =	simm.s32 $0x9200  }
0x136: {  	[hbm4b:s4+s2] =	stream.indirect_vreg.scatter [tilespmem:s1], [sflag:$0x4], $0x80, v3, vm0, $0xb8;
	[tilespmem:$0x10200] =	vst v63  }
0x137: {  	s29 =	simm.s32 $0x9A00  }
0x138: {  	[hbm4b:s6+s2] =	stream.indirect_vreg.scatter [tilespmem:s29], [sflag:$0x4], $0x80, v3, vm0, $0xb8;
	[tilespmem:$0x10200] =	vst v63  }
0x139: {  	v3 =	vld [tilespmem:$0x8190];
	_ =	sdelay $0x4  }
0x13a: {  	v17 =	vshll.u32 v3, $0x2  }
0x13b: {  	v3 =	vand.u32 $0x7, v3;
	v4 =	vand.u32 $0xFFFFFFE0, v17  }
0x13c: {  	v3 =	vor.u32 v3, v4  }
0x13d: {  	v4 =	vperm.xlane v3, v0;
	_ =	sdelay $0x1  }
0x13e: {  	v4 =	vadd.s32 v1, v4;
	_ =	sdelay $0x1  }
0x13f: {  	v3 =	vperm.xlane v3, v2;
	_ =	sdelay $0x1  }
0x140: {  	s30 =	simm.s32 $0xA200;
	v3 =	vadd.s32 v1, v3  }
0x141: {  	[hbm4b:s4+s2] =	stream.indirect_vreg.scatter [tilespmem:s30], [sflag:$0x4], $0x80, v4, vm0, $0xb8;
	[tilespmem:$0x10200] =	vst v63  }
0x142: {  	s9 =	simm.s32 $0xAA00  }
0x143: {  	[hbm4b:s6+s2] =	stream.indirect_vreg.scatter [tilespmem:s9], [sflag:$0x4], $0x80, v4, vm0, $0xb8;
	[tilespmem:$0x10200] =	vst v63  }
0x144: {  	s10 =	simm.s32 $0xB200  }
0x145: {  	[hbm4b:s4+s2] =	stream.indirect_vreg.scatter [tilespmem:s10], [sflag:$0x4], $0x80, v3, vm0, $0xb8;
	[tilespmem:$0x10200] =	vst v63  }
0x146: {  	s11 =	simm.s32 $0xBA00  }
0x147: {  	[hbm4b:s6+s2] =	stream.indirect_vreg.scatter [tilespmem:s11], [sflag:$0x4], $0x80, v3, vm0, $0xb8;
	[tilespmem:$0x10200] =	vst v63  }
0x148: {  	v3 =	vld [tilespmem:$0x81A0];
	_ =	sdelay $0x4  }
0x149: {  	v18 =	vshll.u32 v3, $0x2  }
0x14a: {  	v3 =	vand.u32 $0x7, v3;
	v4 =	vand.u32 $0xFFFFFFE0, v18  }
0x14b: {  	v3 =	vor.u32 v3, v4  }
0x14c: {  	v4 =	vperm.xlane v3, v0;
	_ =	sdelay $0x1  }
0x14d: {  	v4 =	vadd.s32 v1, v4;
	_ =	sdelay $0x1  }
0x14e: {  	v3 =	vperm.xlane v3, v2;
	_ =	sdelay $0x1  }
0x14f: {  	s12 =	simm.s32 $0xC200;
	v3 =	vadd.s32 v1, v3  }
0x150: {  	[hbm4b:s4+s2] =	stream.indirect_vreg.scatter [tilespmem:s12], [sflag:$0x4], $0x80, v4, vm0, $0xb8;
	[tilespmem:$0x10200] =	vst v63  }
0x151: {  	s18 =	simm.s32 $0xCA00  }
0x152: {  	[hbm4b:s6+s2] =	stream.indirect_vreg.scatter [tilespmem:s18], [sflag:$0x4], $0x80, v4, vm0, $0xb8;
	[tilespmem:$0x10200] =	vst v63  }
0x153: {  	s25 =	simm.s32 $0xD200  }
0x154: {  	[hbm4b:s4+s2] =	stream.indirect_vreg.scatter [tilespmem:s25], [sflag:$0x4], $0x80, v3, vm0, $0xb8;
	[tilespmem:$0x10200] =	vst v63  }
0x155: {  	s13 =	simm.s32 $0xDA00  }
0x156: {  	[hbm4b:s6+s2] =	stream.indirect_vreg.scatter [tilespmem:s13], [sflag:$0x4], $0x80, v3, vm0, $0xb8;
	[tilespmem:$0x10200] =	vst v63  }
0x157: {  	v3 =	vld [tilespmem:$0x81B0];
	_ =	sdelay $0x4  }
0x158: {  	v19 =	vshll.u32 v3, $0x2  }
0x159: {  	v3 =	vand.u32 $0x7, v3;
	v4 =	vand.u32 $0xFFFFFFE0, v19  }
0x15a: {  	v3 =	vor.u32 v3, v4  }
0x15b: {  	v4 =	vperm.xlane v3, v0;
	_ =	sdelay $0x1  }
0x15c: {  	v4 =	vadd.s32 v1, v4;
	_ =	sdelay $0x1  }
0x15d: {  	v3 =	vperm.xlane v3, v2;
	_ =	sdelay $0x1  }
0x15e: {  	s14 =	simm.s32 $0xE200;
	v3 =	vadd.s32 v1, v3  }
0x15f: {  	[hbm4b:s4+s2] =	stream.indirect_vreg.scatter [tilespmem:s14], [sflag:$0x4], $0x80, v4, vm0, $0xb8;
	[tilespmem:$0x10200] =	vst v63  }
0x160: {  	s15 =	simm.s32 $0xEA00  }
0x161: {  	[hbm4b:s6+s2] =	stream.indirect_vreg.scatter [tilespmem:s15], [sflag:$0x4], $0x80, v4, vm0, $0xb8;
	[tilespmem:$0x10200] =	vst v63  }
0x162: {  	s20 =	simm.s32 $0xF200  }
0x163: {  	[hbm4b:s4+s2] =	stream.indirect_vreg.scatter [tilespmem:s20], [sflag:$0x4], $0x80, v3, vm0, $0xb8;
	[tilespmem:$0x10200] =	vst v63  }
0x164: {  	s21 =	simm.s32 $0xFA00;
	s31 =	simm.s32 $0x4  }
0x165: {  	[hbm4b:s6+s2] =	stream.indirect_vreg.scatter [tilespmem:s21], [sflag:$0x4], $0x80, v3, vm0, $0xb8;
	[tilespmem:$0x10200] =	vst v63  }
0x166: {  	_ =	swait.ge [sflag:s31], $0x8000  }
0x167: {  	[sflag:s31] =	ssyncset.done $0x0  }
0x168: {  	s28 =	simm.s32 $0x8100;
	s26 =	rddreg [dreg:$0x8];
	[sflag:s31] =	ssyncadd.s32 $0xFFFF8000  }
0x169: {  	[tilespmem:s28], [sflag:$0x5] =	stream.linear.gather [hbm4b:s26+s2], $0x40, $0x38;
	[tilespmem:$0x10200] =	vst v63  }
0x16a: {  	_ =	swait.ge [sflag:s8], $0x40  }
0x16b: {  	[sflag:s8] =	ssyncset.done $0x0  }
0x16c: {  	s19 =	simm.s32 $0x8180;
	s7 =	rddreg [dreg:$0x9];
	[sflag:s8] =	ssyncadd.s32 $0xFFFFFFC0  }
0x16d: {  	[tilespmem:s19], [sflag:$0x5] =	stream.linear.gather [hbm4b:s7+s2], $0x40, $0x38;
	[tilespmem:$0x10200] =	vst v63  }
0x16e: {  	_ =	swait.ge [sflag:s8], $0x40  }
0x16f: {  	[sflag:s8] =	ssyncset.done $0x0  }
0x170: {  	[sflag:s8] =	ssyncadd.s32 $0xFFFFFFC0  }
0x171: {  	v3 =	vld [tilespmem:$0x8100];
	_ =	sdelay $0x4  }
0x172: {  	v20 =	vshll.u32 v3, $0x2  }
0x173: {  	v3 =	vand.u32 $0x7, v3;
	v4 =	vand.u32 $0xFFFFFFE0, v20  }
0x174: {  	v3 =	vor.u32 v3, v4  }
0x175: {  	v4 =	vperm.xlane v3, v0;
	_ =	sdelay $0x1  }
0x176: {  	v4 =	vadd.s32 v1, v4;
	_ =	sdelay $0x1  }
0x177: {  	v3 =	vperm.xlane v3, v2;
	_ =	sdelay $0x1  }
0x178: {  	v3 =	vadd.s32 v1, v3  }
0x179: {  	[tilespmem:s24], [sflag:$0x2] =	stream.indirect_vreg.gather [hbm4b:s3+s2], $0x80, v4, vm0, $0xb8;
	[tilespmem:$0x10200] =	vst v63  }
0x17a: {  	_ = 	snop  }
0x17b: {  	[tilespmem:s0], [sflag:$0x2] =	stream.indirect_vreg.gather [hbm4b:s5+s2], $0x80, v4, vm0, $0xb8;
	[tilespmem:$0x10200] =	vst v63  }
0x17c: {  	_ = 	snop  }
0x17d: {  	[tilespmem:s1], [sflag:$0x2] =	stream.indirect_vreg.gather [hbm4b:s3+s2], $0x80, v3, vm0, $0xb8;
	[tilespmem:$0x10200] =	vst v63  }
0x17e: {  	_ = 	snop  }
0x17f: {  	[tilespmem:s29], [sflag:$0x2] =	stream.indirect_vreg.gather [hbm4b:s5+s2], $0x80, v3, vm0, $0xb8;
	[tilespmem:$0x10200] =	vst v63  }
0x180: {  	v3 =	vld [tilespmem:$0x8110];
	_ =	sdelay $0x4  }
0x181: {  	v21 =	vshll.u32 v3, $0x2  }
0x182: {  	v3 =	vand.u32 $0x7, v3;
	v4 =	vand.u32 $0xFFFFFFE0, v21  }
0x183: {  	v3 =	vor.u32 v3, v4  }
0x184: {  	v4 =	vperm.xlane v3, v0;
	_ =	sdelay $0x1  }
0x185: {  	v4 =	vadd.s32 v1, v4;
	_ =	sdelay $0x1  }
0x186: {  	v3 =	vperm.xlane v3, v2;
	_ =	sdelay $0x1  }
0x187: {  	v3 =	vadd.s32 v1, v3  }
0x188: {  	[tilespmem:s30], [sflag:$0x2] =	stream.indirect_vreg.gather [hbm4b:s3+s2], $0x80, v4, vm0, $0xb8;
	[tilespmem:$0x10200] =	vst v63  }
0x189: {  	_ = 	snop  }
0x18a: {  	[tilespmem:s9], [sflag:$0x2] =	stream.indirect_vreg.gather [hbm4b:s5+s2], $0x80, v4, vm0, $0xb8;
	[tilespmem:$0x10200] =	vst v63  }
0x18b: {  	_ = 	snop  }
0x18c: {  	[tilespmem:s10], [sflag:$0x2] =	stream.indirect_vreg.gather [hbm4b:s3+s2], $0x80, v3, vm0, $0xb8;
	[tilespmem:$0x10200] =	vst v63  }
0x18d: {  	_ = 	snop  }
0x18e: {  	[tilespmem:s11], [sflag:$0x2] =	stream.indirect_vreg.gather [hbm4b:s5+s2], $0x80, v3, vm0, $0xb8;
	[tilespmem:$0x10200] =	vst v63  }
0x18f: {  	v3 =	vld [tilespmem:$0x8120];
	_ =	sdelay $0x4  }
0x190: {  	v22 =	vshll.u32 v3, $0x2  }
0x191: {  	v3 =	vand.u32 $0x7, v3;
	v4 =	vand.u32 $0xFFFFFFE0, v22  }
0x192: {  	v3 =	vor.u32 v3, v4  }
0x193: {  	v4 =	vperm.xlane v3, v0;
	_ =	sdelay $0x1  }
0x194: {  	v4 =	vadd.s32 v1, v4;
	_ =	sdelay $0x1  }
0x195: {  	v3 =	vperm.xlane v3, v2;
	_ =	sdelay $0x1  }
0x196: {  	v3 =	vadd.s32 v1, v3  }
0x197: {  	[tilespmem:s12], [sflag:$0x2] =	stream.indirect_vreg.gather [hbm4b:s3+s2], $0x80, v4, vm0, $0xb8;
	[tilespmem:$0x10200] =	vst v63  }
0x198: {  	_ = 	snop  }
0x199: {  	[tilespmem:s18], [sflag:$0x2] =	stream.indirect_vreg.gather [hbm4b:s5+s2], $0x80, v4, vm0, $0xb8;
	[tilespmem:$0x10200] =	vst v63  }
0x19a: {  	_ = 	snop  }
0x19b: {  	[tilespmem:s25], [sflag:$0x2] =	stream.indirect_vreg.gather [hbm4b:s3+s2], $0x80, v3, vm0, $0xb8;
	[tilespmem:$0x10200] =	vst v63  }
0x19c: {  	_ = 	snop  }
0x19d: {  	[tilespmem:s13], [sflag:$0x2] =	stream.indirect_vreg.gather [hbm4b:s5+s2], $0x80, v3, vm0, $0xb8;
	[tilespmem:$0x10200] =	vst v63  }
0x19e: {  	v3 =	vld [tilespmem:$0x8130];
	_ =	sdelay $0x4  }
0x19f: {  	v23 =	vshll.u32 v3, $0x2  }
0x1a0: {  	v3 =	vand.u32 $0x7, v3;
	v4 =	vand.u32 $0xFFFFFFE0, v23  }
0x1a1: {  	v3 =	vor.u32 v3, v4  }
0x1a2: {  	v4 =	vperm.xlane v3, v0;
	_ =	sdelay $0x1  }
0x1a3: {  	v4 =	vadd.s32 v1, v4;
	_ =	sdelay $0x1  }
0x1a4: {  	v3 =	vperm.xlane v3, v2;
	_ =	sdelay $0x1  }
0x1a5: {  	v3 =	vadd.s32 v1, v3  }
0x1a6: {  	[tilespmem:s14], [sflag:$0x2] =	stream.indirect_vreg.gather [hbm4b:s3+s2], $0x80, v4, vm0, $0xb8;
	[tilespmem:$0x10200] =	vst v63  }
0x1a7: {  	_ = 	snop  }
0x1a8: {  	[tilespmem:s15], [sflag:$0x2] =	stream.indirect_vreg.gather [hbm4b:s5+s2], $0x80, v4, vm0, $0xb8;
	[tilespmem:$0x10200] =	vst v63  }
0x1a9: {  	_ = 	snop  }
0x1aa: {  	[tilespmem:s20], [sflag:$0x2] =	stream.indirect_vreg.gather [hbm4b:s3+s2], $0x80, v3, vm0, $0xb8;
	[tilespmem:$0x10200] =	vst v63  }
0x1ab: {  	s18 =	simm.s32 $0x1  }
0x1ac: {  	[tilespmem:s21], [sflag:$0x2] =	stream.indirect_vreg.gather [hbm4b:s5+s2], $0x80, v3, vm0, $0xb8;
	[tilespmem:$0x10200] =	vst v63  }
0x1ad: {  	_ =	swait.ge [sflag:s18], $0x8000  }
0x1ae: {  	[sflag:s18] =	ssyncset.done $0x0  }
0x1af: {  	[sflag:s18] =	ssyncadd.s32 $0xFFFF8000  }
0x1b0: {  	v3 =	vld [tilespmem:$0x80];
	_ =	sdelay $0x4  }
0x1b1: {  	v24 =	vshll.u32 v3, $0x2  }
0x1b2: {  	v3 =	vand.u32 $0x7, v3;
	v4 =	vand.u32 $0xFFFFFFE0, v24  }
0x1b3: {  	v3 =	vor.u32 v3, v4  }
0x1b4: {  	v4 =	vperm.xlane v3, v0;
	_ =	sdelay $0x1  }
0x1b5: {  	v4 =	vadd.s32 v1, v4;
	_ =	sdelay $0x1  }
0x1b6: {  	v3 =	vperm.xlane v3, v2;
	_ =	sdelay $0x1  }
0x1b7: {  	s17 =	simm.s32 $0x100;
	v3 =	vadd.s32 v1, v3  }
0x1b8: {  	[hbm4b:s4+s2] =	stream.indirect_vreg.scatter [tilespmem:s17], [sflag:$0x3], $0x80, v4, vm0, $0xb8;
	[tilespmem:$0x10200] =	vst v63  }
0x1b9: {  	s30 =	simm.s32 $0x900  }
0x1ba: {  	[hbm4b:s6+s2] =	stream.indirect_vreg.scatter [tilespmem:s30], [sflag:$0x3], $0x80, v4, vm0, $0xb8;
	[tilespmem:$0x10200] =	vst v63  }
0x1bb: {  	s0 =	simm.s32 $0x1100  }
0x1bc: {  	[hbm4b:s4+s2] =	stream.indirect_vreg.scatter [tilespmem:s0], [sflag:$0x3], $0x80, v3, vm0, $0xb8;
	[tilespmem:$0x10200] =	vst v63  }
0x1bd: {  	s14 =	simm.s32 $0x1900  }
0x1be: {  	[hbm4b:s6+s2] =	stream.indirect_vreg.scatter [tilespmem:s14], [sflag:$0x3], $0x80, v3, vm0, $0xb8;
	[tilespmem:$0x10200] =	vst v63  }
0x1bf: {  	v3 =	vld [tilespmem:$0x90];
	_ =	sdelay $0x4  }
0x1c0: {  	v25 =	vshll.u32 v3, $0x2  }
0x1c1: {  	v3 =	vand.u32 $0x7, v3;
	v4 =	vand.u32 $0xFFFFFFE0, v25  }
0x1c2: {  	v3 =	vor.u32 v3, v4  }
0x1c3: {  	v4 =	vperm.xlane v3, v0;
	_ =	sdelay $0x1  }
0x1c4: {  	v4 =	vadd.s32 v1, v4;
	_ =	sdelay $0x1  }
0x1c5: {  	v3 =	vperm.xlane v3, v2;
	_ =	sdelay $0x1  }
0x1c6: {  	s12 =	simm.s32 $0x2100;
	v3 =	vadd.s32 v1, v3  }
0x1c7: {  	[hbm4b:s4+s2] =	stream.indirect_vreg.scatter [tilespmem:s12], [sflag:$0x3], $0x80, v4, vm0, $0xb8;
	[tilespmem:$0x10200] =	vst v63  }
0x1c8: {  	s13 =	simm.s32 $0x2900  }
0x1c9: {  	[hbm4b:s6+s2] =	stream.indirect_vreg.scatter [tilespmem:s13], [sflag:$0x3], $0x80, v4, vm0, $0xb8;
	[tilespmem:$0x10200] =	vst v63  }
0x1ca: {  	s1 =	simm.s32 $0x3100  }
0x1cb: {  	[hbm4b:s4+s2] =	stream.indirect_vreg.scatter [tilespmem:s1], [sflag:$0x3], $0x80, v3, vm0, $0xb8;
	[tilespmem:$0x10200] =	vst v63  }
0x1cc: {  	s15 =	simm.s32 $0x3900  }
0x1cd: {  	[hbm4b:s6+s2] =	stream.indirect_vreg.scatter [tilespmem:s15], [sflag:$0x3], $0x80, v3, vm0, $0xb8;
	[tilespmem:$0x10200] =	vst v63  }
0x1ce: {  	v3 =	vld [tilespmem:$0xA0];
	_ =	sdelay $0x4  }
0x1cf: {  	v26 =	vshll.u32 v3, $0x2  }
0x1d0: {  	v3 =	vand.u32 $0x7, v3;
	v4 =	vand.u32 $0xFFFFFFE0, v26  }
0x1d1: {  	v3 =	vor.u32 v3, v4  }
0x1d2: {  	v4 =	vperm.xlane v3, v0;
	_ =	sdelay $0x1  }
0x1d3: {  	v4 =	vadd.s32 v1, v4;
	_ =	sdelay $0x1  }
0x1d4: {  	v3 =	vperm.xlane v3, v2;
	_ =	sdelay $0x1  }
0x1d5: {  	s28 =	simm.s32 $0x4100;
	v3 =	vadd.s32 v1, v3  }
0x1d6: {  	[hbm4b:s4+s2] =	stream.indirect_vreg.scatter [tilespmem:s28], [sflag:$0x3], $0x80, v4, vm0, $0xb8;
	[tilespmem:$0x10200] =	vst v63  }
0x1d7: {  	s26 =	simm.s32 $0x4900  }
0x1d8: {  	[hbm4b:s6+s2] =	stream.indirect_vreg.scatter [tilespmem:s26], [sflag:$0x3], $0x80, v4, vm0, $0xb8;
	[tilespmem:$0x10200] =	vst v63  }
0x1d9: {  	s7 =	simm.s32 $0x5100  }
0x1da: {  	[hbm4b:s4+s2] =	stream.indirect_vreg.scatter [tilespmem:s7], [sflag:$0x3], $0x80, v3, vm0, $0xb8;
	[tilespmem:$0x10200] =	vst v63  }
0x1db: {  	s16 =	simm.s32 $0x5900  }
0x1dc: {  	[hbm4b:s6+s2] =	stream.indirect_vreg.scatter [tilespmem:s16], [sflag:$0x3], $0x80, v3, vm0, $0xb8;
	[tilespmem:$0x10200] =	vst v63  }
0x1dd: {  	v3 =	vld [tilespmem:$0xB0];
	_ =	sdelay $0x4  }
0x1de: {  	v27 =	vshll.u32 v3, $0x2  }
0x1df: {  	v3 =	vand.u32 $0x7, v3;
	v4 =	vand.u32 $0xFFFFFFE0, v27  }
0x1e0: {  	v3 =	vor.u32 v3, v4  }
0x1e1: {  	v4 =	vperm.xlane v3, v0;
	_ =	sdelay $0x1  }
0x1e2: {  	v4 =	vadd.s32 v1, v4;
	_ =	sdelay $0x1  }
0x1e3: {  	v3 =	vperm.xlane v3, v2;
	_ =	sdelay $0x1  }
0x1e4: {  	s10 =	simm.s32 $0x6100;
	v3 =	vadd.s32 v1, v3  }
0x1e5: {  	[hbm4b:s4+s2] =	stream.indirect_vreg.scatter [tilespmem:s10], [sflag:$0x3], $0x80, v4, vm0, $0xb8;
	[tilespmem:$0x10200] =	vst v63  }
0x1e6: {  	s11 =	simm.s32 $0x6900  }
0x1e7: {  	[hbm4b:s6+s2] =	stream.indirect_vreg.scatter [tilespmem:s11], [sflag:$0x3], $0x80, v4, vm0, $0xb8;
	[tilespmem:$0x10200] =	vst v63  }
0x1e8: {  	s18 =	simm.s32 $0x7100  }
0x1e9: {  	[hbm4b:s4+s2] =	stream.indirect_vreg.scatter [tilespmem:s18], [sflag:$0x3], $0x80, v3, vm0, $0xb8;
	[tilespmem:$0x10200] =	vst v63  }
0x1ea: {  	s24 =	simm.s32 $0x7900;
	s20 =	simm.s32 $0x3  }
0x1eb: {  	[hbm4b:s6+s2] =	stream.indirect_vreg.scatter [tilespmem:s24], [sflag:$0x3], $0x80, v3, vm0, $0xb8;
	[tilespmem:$0x10200] =	vst v63  }
0x1ec: {  	_ =	swait.ge [sflag:s20], $0x8000  }
0x1ed: {  	[sflag:s20] =	ssyncset.done $0x0  }
0x1ee: {  	s21 =	rddreg [dreg:$0xa];
	[sflag:s20] =	ssyncadd.s32 $0xFFFF8000  }
0x1ef: {  	[tilespmem:s2], [sflag:$0x5] =	stream.linear.gather [hbm4b:s21+s2], $0x40, $0x38;
	[tilespmem:$0x10200] =	vst v63  }
0x1f0: {  	_ =	swait.ge [sflag:s8], $0x40  }
0x1f1: {  	[sflag:s8] =	ssyncset.done $0x0  }
0x1f2: {  	s21 =	simm.s32 $0x80;
	s20 =	rddreg [dreg:$0xb];
	[sflag:s8] =	ssyncadd.s32 $0xFFFFFFC0  }
0x1f3: {  	[tilespmem:s21], [sflag:$0x5] =	stream.linear.gather [hbm4b:s20+s2], $0x40, $0x38;
	[tilespmem:$0x10200] =	vst v63  }
0x1f4: {  	_ =	swait.ge [sflag:s8], $0x40  }
0x1f5: {  	[sflag:s8] =	ssyncset.done $0x0  }
0x1f6: {  	[sflag:s8] =	ssyncadd.s32 $0xFFFFFFC0  }
0x1f7: {  	v3 =	vld [tilespmem:$0x0];
	_ =	sdelay $0x4  }
0x1f8: {  	v28 =	vshll.u32 v3, $0x2  }
0x1f9: {  	v3 =	vand.u32 $0x7, v3;
	v4 =	vand.u32 $0xFFFFFFE0, v28  }
0x1fa: {  	v3 =	vor.u32 v3, v4  }
0x1fb: {  	v4 =	vperm.xlane v3, v0;
	_ =	sdelay $0x1  }
0x1fc: {  	v4 =	vadd.s32 v1, v4;
	_ =	sdelay $0x1  }
0x1fd: {  	v3 =	vperm.xlane v3, v2;
	_ =	sdelay $0x1  }
0x1fe: {  	v3 =	vadd.s32 v1, v3  }
0x1ff: {  	[tilespmem:s17], [sflag:$0x1] =	stream.indirect_vreg.gather [hbm4b:s3+s2], $0x80, v4, vm0, $0xb8;
	[tilespmem:$0x10200] =	vst v63  }
0x200: {  	_ = 	snop  }
0x201: {  	[tilespmem:s30], [sflag:$0x1] =	stream.indirect_vreg.gather [hbm4b:s5+s2], $0x80, v4, vm0, $0xb8;
	[tilespmem:$0x10200] =	vst v63  }
0x202: {  	_ = 	snop  }
0x203: {  	[tilespmem:s0], [sflag:$0x1] =	stream.indirect_vreg.gather [hbm4b:s3+s2], $0x80, v3, vm0, $0xb8;
	[tilespmem:$0x10200] =	vst v63  }
0x204: {  	_ = 	snop  }
0x205: {  	[tilespmem:s14], [sflag:$0x1] =	stream.indirect_vreg.gather [hbm4b:s5+s2], $0x80, v3, vm0, $0xb8;
	[tilespmem:$0x10200] =	vst v63  }
0x206: {  	v3 =	vld [tilespmem:$0x10];
	_ =	sdelay $0x4  }
0x207: {  	v29 =	vshll.u32 v3, $0x2  }
0x208: {  	v3 =	vand.u32 $0x7, v3;
	v4 =	vand.u32 $0xFFFFFFE0, v29  }
0x209: {  	v3 =	vor.u32 v3, v4  }
0x20a: {  	v4 =	vperm.xlane v3, v0;
	_ =	sdelay $0x1  }
0x20b: {  	v4 =	vadd.s32 v1, v4;
	_ =	sdelay $0x1  }
0x20c: {  	v3 =	vperm.xlane v3, v2;
	_ =	sdelay $0x1  }
0x20d: {  	v3 =	vadd.s32 v1, v3  }
0x20e: {  	[tilespmem:s12], [sflag:$0x1] =	stream.indirect_vreg.gather [hbm4b:s3+s2], $0x80, v4, vm0, $0xb8;
	[tilespmem:$0x10200] =	vst v63  }
0x20f: {  	_ = 	snop  }
0x210: {  	[tilespmem:s13], [sflag:$0x1] =	stream.indirect_vreg.gather [hbm4b:s5+s2], $0x80, v4, vm0, $0xb8;
	[tilespmem:$0x10200] =	vst v63  }
0x211: {  	_ = 	snop  }
0x212: {  	[tilespmem:s1], [sflag:$0x1] =	stream.indirect_vreg.gather [hbm4b:s3+s2], $0x80, v3, vm0, $0xb8;
	[tilespmem:$0x10200] =	vst v63  }
0x213: {  	_ = 	snop  }
0x214: {  	[tilespmem:s15], [sflag:$0x1] =	stream.indirect_vreg.gather [hbm4b:s5+s2], $0x80, v3, vm0, $0xb8;
	[tilespmem:$0x10200] =	vst v63  }
0x215: {  	v3 =	vld [tilespmem:$0x20];
	_ =	sdelay $0x4  }
0x216: {  	v30 =	vshll.u32 v3, $0x2  }
0x217: {  	v3 =	vand.u32 $0x7, v3;
	v4 =	vand.u32 $0xFFFFFFE0, v30  }
0x218: {  	v3 =	vor.u32 v3, v4  }
0x219: {  	v4 =	vperm.xlane v3, v0;
	_ =	sdelay $0x1  }
0x21a: {  	v4 =	vadd.s32 v1, v4;
	_ =	sdelay $0x1  }
0x21b: {  	v3 =	vperm.xlane v3, v2;
	_ =	sdelay $0x1  }
0x21c: {  	v3 =	vadd.s32 v1, v3  }
0x21d: {  	[tilespmem:s28], [sflag:$0x1] =	stream.indirect_vreg.gather [hbm4b:s3+s2], $0x80, v4, vm0, $0xb8;
	[tilespmem:$0x10200] =	vst v63  }
0x21e: {  	_ = 	snop  }
0x21f: {  	[tilespmem:s26], [sflag:$0x1] =	stream.indirect_vreg.gather [hbm4b:s5+s2], $0x80, v4, vm0, $0xb8;
	[tilespmem:$0x10200] =	vst v63  }
0x220: {  	_ = 	snop  }
0x221: {  	[tilespmem:s7], [sflag:$0x1] =	stream.indirect_vreg.gather [hbm4b:s3+s2], $0x80, v3, vm0, $0xb8;
	[tilespmem:$0x10200] =	vst v63  }
0x222: {  	_ = 	snop  }
0x223: {  	[tilespmem:s16], [sflag:$0x1] =	stream.indirect_vreg.gather [hbm4b:s5+s2], $0x80, v3, vm0, $0xb8;
	[tilespmem:$0x10200] =	vst v63  }
0x224: {  	v3 =	vld [tilespmem:$0x30];
	_ =	sdelay $0x4  }
0x225: {  	v31 =	vshll.u32 v3, $0x2  }
0x226: {  	v3 =	vand.u32 $0x7, v3;
	v4 =	vand.u32 $0xFFFFFFE0, v31  }
0x227: {  	v3 =	vor.u32 v3, v4  }
0x228: {  	v4 =	vperm.xlane v3, v0;
	_ =	sdelay $0x1  }
0x229: {  	v4 =	vadd.s32 v1, v4;
	_ =	sdelay $0x1  }
0x22a: {  	v3 =	vperm.xlane v3, v2;
	_ =	sdelay $0x1  }
0x22b: {  	v3 =	vadd.s32 v1, v3  }
0x22c: {  	[tilespmem:s10], [sflag:$0x1] =	stream.indirect_vreg.gather [hbm4b:s3+s2], $0x80, v4, vm0, $0xb8;
	[tilespmem:$0x10200] =	vst v63  }
0x22d: {  	_ = 	snop  }
0x22e: {  	[tilespmem:s11], [sflag:$0x1] =	stream.indirect_vreg.gather [hbm4b:s5+s2], $0x80, v4, vm0, $0xb8;
	[tilespmem:$0x10200] =	vst v63  }
0x22f: {  	_ = 	snop  }
0x230: {  	[tilespmem:s18], [sflag:$0x1] =	stream.indirect_vreg.gather [hbm4b:s3+s2], $0x80, v3, vm0, $0xb8;
	[tilespmem:$0x10200] =	vst v63  }
0x231: {  	_ = 	snop  }
0x232: {  	[tilespmem:s24], [sflag:$0x1] =	stream.indirect_vreg.gather [hbm4b:s5+s2], $0x80, v3, vm0, $0xb8;
	[tilespmem:$0x10200] =	vst v63  }
0x233: {  	_ =	swait.ge [sflag:s23], $0x8000  }
0x234: {  	[sflag:s23] =	ssyncset.done $0x0  }
0x235: {  	[sflag:s23] =	ssyncadd.s32 $0xFFFF8000  }
0x236: {  	v3 =	vld [tilespmem:$0x8180];
	_ =	sdelay $0x4  }
0x237: {  	v32 =	vshll.u32 v3, $0x2  }
0x238: {  	v3 =	vand.u32 $0x7, v3;
	v4 =	vand.u32 $0xFFFFFFE0, v32  }
0x239: {  	v3 =	vor.u32 v3, v4  }
0x23a: {  	v4 =	vperm.xlane v3, v0;
	_ =	sdelay $0x1  }
0x23b: {  	v4 =	vadd.s32 v1, v4;
	_ =	sdelay $0x1  }
0x23c: {  	v3 =	vperm.xlane v3, v2;
	_ =	sdelay $0x1  }
0x23d: {  	s15 =	simm.s32 $0x8200;
	v3 =	vadd.s32 v1, v3  }
0x23e: {  	[hbm4b:s4+s2] =	stream.indirect_vreg.scatter [tilespmem:s15], [sflag:$0x4], $0x80, v4, vm0, $0xb8;
	[tilespmem:$0x10200] =	vst v63  }
0x23f: {  	s18 =	simm.s32 $0x8A00  }
0x240: {  	[hbm4b:s6+s2] =	stream.indirect_vreg.scatter [tilespmem:s18], [sflag:$0x4], $0x80, v4, vm0, $0xb8;
	[tilespmem:$0x10200] =	vst v63  }
0x241: {  	s16 =	simm.s32 $0x9200  }
0x242: {  	[hbm4b:s4+s2] =	stream.indirect_vreg.scatter [tilespmem:s16], [sflag:$0x4], $0x80, v3, vm0, $0xb8;
	[tilespmem:$0x10200] =	vst v63  }
0x243: {  	s28 =	simm.s32 $0x9A00  }
0x244: {  	[hbm4b:s6+s2] =	stream.indirect_vreg.scatter [tilespmem:s28], [sflag:$0x4], $0x80, v3, vm0, $0xb8;
	[tilespmem:$0x10200] =	vst v63  }
0x245: {  	v3 =	vld [tilespmem:$0x8190];
	_ =	sdelay $0x4  }
0x246: {  	v33 =	vshll.u32 v3, $0x2  }
0x247: {  	v3 =	vand.u32 $0x7, v3;
	v4 =	vand.u32 $0xFFFFFFE0, v33  }
0x248: {  	v3 =	vor.u32 v3, v4  }
0x249: {  	v4 =	vperm.xlane v3, v0;
	_ =	sdelay $0x1  }
0x24a: {  	v4 =	vadd.s32 v1, v4;
	_ =	sdelay $0x1  }
0x24b: {  	v3 =	vperm.xlane v3, v2;
	_ =	sdelay $0x1  }
0x24c: {  	s30 =	simm.s32 $0xA200;
	v3 =	vadd.s32 v1, v3  }
0x24d: {  	[hbm4b:s4+s2] =	stream.indirect_vreg.scatter [tilespmem:s30], [sflag:$0x4], $0x80, v4, vm0, $0xb8;
	[tilespmem:$0x10200] =	vst v63  }
0x24e: {  	s17 =	simm.s32 $0xAA00  }
0x24f: {  	[hbm4b:s6+s2] =	stream.indirect_vreg.scatter [tilespmem:s17], [sflag:$0x4], $0x80, v4, vm0, $0xb8;
	[tilespmem:$0x10200] =	vst v63  }
0x250: {  	s1 =	simm.s32 $0xB200  }
0x251: {  	[hbm4b:s4+s2] =	stream.indirect_vreg.scatter [tilespmem:s1], [sflag:$0x4], $0x80, v3, vm0, $0xb8;
	[tilespmem:$0x10200] =	vst v63  }
0x252: {  	s0 =	simm.s32 $0xBA00  }
0x253: {  	[hbm4b:s6+s2] =	stream.indirect_vreg.scatter [tilespmem:s0], [sflag:$0x4], $0x80, v3, vm0, $0xb8;
	[tilespmem:$0x10200] =	vst v63  }
0x254: {  	v3 =	vld [tilespmem:$0x81A0];
	_ =	sdelay $0x4  }
0x255: {  	v34 =	vshll.u32 v3, $0x2  }
0x256: {  	v3 =	vand.u32 $0x7, v3;
	v4 =	vand.u32 $0xFFFFFFE0, v34  }
0x257: {  	v3 =	vor.u32 v3, v4  }
0x258: {  	v4 =	vperm.xlane v3, v0;
	_ =	sdelay $0x1  }
0x259: {  	v4 =	vadd.s32 v1, v4;
	_ =	sdelay $0x1  }
0x25a: {  	v3 =	vperm.xlane v3, v2;
	_ =	sdelay $0x1  }
0x25b: {  	s7 =	simm.s32 $0xC200;
	v3 =	vadd.s32 v1, v3  }
0x25c: {  	[hbm4b:s4+s2] =	stream.indirect_vreg.scatter [tilespmem:s7], [sflag:$0x4], $0x80, v4, vm0, $0xb8;
	[tilespmem:$0x10200] =	vst v63  }
0x25d: {  	s10 =	simm.s32 $0xCA00  }
0x25e: {  	[hbm4b:s6+s2] =	stream.indirect_vreg.scatter [tilespmem:s10], [sflag:$0x4], $0x80, v4, vm0, $0xb8;
	[tilespmem:$0x10200] =	vst v63  }
0x25f: {  	s11 =	simm.s32 $0xD200  }
0x260: {  	[hbm4b:s4+s2] =	stream.indirect_vreg.scatter [tilespmem:s11], [sflag:$0x4], $0x80, v3, vm0, $0xb8;
	[tilespmem:$0x10200] =	vst v63  }
0x261: {  	s24 =	simm.s32 $0xDA00  }
0x262: {  	[hbm4b:s6+s2] =	stream.indirect_vreg.scatter [tilespmem:s24], [sflag:$0x4], $0x80, v3, vm0, $0xb8;
	[tilespmem:$0x10200] =	vst v63  }
0x263: {  	v3 =	vld [tilespmem:$0x81B0];
	_ =	sdelay $0x4  }
0x264: {  	v35 =	vshll.u32 v3, $0x2  }
0x265: {  	v3 =	vand.u32 $0x7, v3;
	v4 =	vand.u32 $0xFFFFFFE0, v35  }
0x266: {  	v3 =	vor.u32 v3, v4  }
0x267: {  	v4 =	vperm.xlane v3, v0;
	_ =	sdelay $0x1  }
0x268: {  	v4 =	vadd.s32 v1, v4;
	_ =	sdelay $0x1  }
0x269: {  	v3 =	vperm.xlane v3, v2;
	_ =	sdelay $0x1  }
0x26a: {  	s12 =	simm.s32 $0xE200;
	v3 =	vadd.s32 v1, v3  }
0x26b: {  	[hbm4b:s4+s2] =	stream.indirect_vreg.scatter [tilespmem:s12], [sflag:$0x4], $0x80, v4, vm0, $0xb8;
	[tilespmem:$0x10200] =	vst v63  }
0x26c: {  	s13 =	simm.s32 $0xEA00  }
0x26d: {  	[hbm4b:s6+s2] =	stream.indirect_vreg.scatter [tilespmem:s13], [sflag:$0x4], $0x80, v4, vm0, $0xb8;
	[tilespmem:$0x10200] =	vst v63  }
0x26e: {  	s14 =	simm.s32 $0xF200  }
0x26f: {  	[hbm4b:s4+s2] =	stream.indirect_vreg.scatter [tilespmem:s14], [sflag:$0x4], $0x80, v3, vm0, $0xb8;
	[tilespmem:$0x10200] =	vst v63  }
0x270: {  	s26 =	simm.s32 $0xFA00  }
0x271: {  	[hbm4b:s6+s2] =	stream.indirect_vreg.scatter [tilespmem:s26], [sflag:$0x4], $0x80, v3, vm0, $0xb8;
	[tilespmem:$0x10200] =	vst v63  }
0x272: {  	_ =	swait.ge [sflag:s31], $0x8000  }
0x273: {  	[sflag:s31] =	ssyncset.done $0x0  }
0x274: {  	s20 =	simm.s32 $0x8100;
	s9 =	rddreg [dreg:$0xc];
	[sflag:s31] =	ssyncadd.s32 $0xFFFF8000  }
0x275: {  	[tilespmem:s20], [sflag:$0x5] =	stream.linear.gather [hbm4b:s9+s2], $0x40, $0x38;
	[tilespmem:$0x10200] =	vst v63  }
0x276: {  	_ =	swait.ge [sflag:s8], $0x40  }
0x277: {  	[sflag:s8] =	ssyncset.done $0x0  }
0x278: {  	s21 =	rddreg [dreg:$0xd];
	[sflag:s8] =	ssyncadd.s32 $0xFFFFFFC0  }
0x279: {  	[tilespmem:s19], [sflag:$0x5] =	stream.linear.gather [hbm4b:s21+s2], $0x40, $0x38;
	[tilespmem:$0x10200] =	vst v63  }
0x27a: {  	_ =	swait.ge [sflag:s8], $0x40  }
0x27b: {  	[sflag:s8] =	ssyncset.done $0x0  }
0x27c: {  	[sflag:s8] =	ssyncadd.s32 $0xFFFFFFC0  }
0x27d: {  	v3 =	vld [tilespmem:$0x8100];
	_ =	sdelay $0x4  }
0x27e: {  	v36 =	vshll.u32 v3, $0x2  }
0x27f: {  	v3 =	vand.u32 $0x7, v3;
	v4 =	vand.u32 $0xFFFFFFE0, v36  }
0x280: {  	v3 =	vor.u32 v3, v4  }
0x281: {  	v4 =	vperm.xlane v3, v0;
	_ =	sdelay $0x1  }
0x282: {  	v4 =	vadd.s32 v1, v4;
	_ =	sdelay $0x1  }
0x283: {  	v3 =	vperm.xlane v3, v2;
	_ =	sdelay $0x1  }
0x284: {  	v3 =	vadd.s32 v1, v3  }
0x285: {  	[tilespmem:s15], [sflag:$0x2] =	stream.indirect_vreg.gather [hbm4b:s3+s2], $0x80, v4, vm0, $0xb8;
	[tilespmem:$0x10200] =	vst v63  }
0x286: {  	_ = 	snop  }
0x287: {  	[tilespmem:s18], [sflag:$0x2] =	stream.indirect_vreg.gather [hbm4b:s5+s2], $0x80, v4, vm0, $0xb8;
	[tilespmem:$0x10200] =	vst v63  }
0x288: {  	_ = 	snop  }
0x289: {  	[tilespmem:s16], [sflag:$0x2] =	stream.indirect_vreg.gather [hbm4b:s3+s2], $0x80, v3, vm0, $0xb8;
	[tilespmem:$0x10200] =	vst v63  }
0x28a: {  	_ = 	snop  }
0x28b: {  	[tilespmem:s28], [sflag:$0x2] =	stream.indirect_vreg.gather [hbm4b:s5+s2], $0x80, v3, vm0, $0xb8;
	[tilespmem:$0x10200] =	vst v63  }
0x28c: {  	v3 =	vld [tilespmem:$0x8110];
	_ =	sdelay $0x4  }
0x28d: {  	v37 =	vshll.u32 v3, $0x2  }
0x28e: {  	v3 =	vand.u32 $0x7, v3;
	v4 =	vand.u32 $0xFFFFFFE0, v37  }
0x28f: {  	v3 =	vor.u32 v3, v4  }
0x290: {  	v4 =	vperm.xlane v3, v0;
	_ =	sdelay $0x1  }
0x291: {  	v4 =	vadd.s32 v1, v4;
	_ =	sdelay $0x1  }
0x292: {  	v3 =	vperm.xlane v3, v2;
	_ =	sdelay $0x1  }
0x293: {  	v3 =	vadd.s32 v1, v3  }
0x294: {  	[tilespmem:s30], [sflag:$0x2] =	stream.indirect_vreg.gather [hbm4b:s3+s2], $0x80, v4, vm0, $0xb8;
	[tilespmem:$0x10200] =	vst v63  }
0x295: {  	_ = 	snop  }
0x296: {  	[tilespmem:s17], [sflag:$0x2] =	stream.indirect_vreg.gather [hbm4b:s5+s2], $0x80, v4, vm0, $0xb8;
	[tilespmem:$0x10200] =	vst v63  }
0x297: {  	_ = 	snop  }
0x298: {  	[tilespmem:s1], [sflag:$0x2] =	stream.indirect_vreg.gather [hbm4b:s3+s2], $0x80, v3, vm0, $0xb8;
	[tilespmem:$0x10200] =	vst v63  }
0x299: {  	_ = 	snop  }
0x29a: {  	[tilespmem:s0], [sflag:$0x2] =	stream.indirect_vreg.gather [hbm4b:s5+s2], $0x80, v3, vm0, $0xb8;
	[tilespmem:$0x10200] =	vst v63  }
0x29b: {  	v3 =	vld [tilespmem:$0x8120];
	_ =	sdelay $0x4  }
0x29c: {  	v38 =	vshll.u32 v3, $0x2  }
0x29d: {  	v3 =	vand.u32 $0x7, v3;
	v4 =	vand.u32 $0xFFFFFFE0, v38  }
0x29e: {  	v3 =	vor.u32 v3, v4  }
0x29f: {  	v4 =	vperm.xlane v3, v0;
	_ =	sdelay $0x1  }
0x2a0: {  	v4 =	vadd.s32 v1, v4;
	_ =	sdelay $0x1  }
0x2a1: {  	v3 =	vperm.xlane v3, v2;
	_ =	sdelay $0x1  }
0x2a2: {  	v3 =	vadd.s32 v1, v3  }
0x2a3: {  	[tilespmem:s7], [sflag:$0x2] =	stream.indirect_vreg.gather [hbm4b:s3+s2], $0x80, v4, vm0, $0xb8;
	[tilespmem:$0x10200] =	vst v63  }
0x2a4: {  	_ = 	snop  }
0x2a5: {  	[tilespmem:s10], [sflag:$0x2] =	stream.indirect_vreg.gather [hbm4b:s5+s2], $0x80, v4, vm0, $0xb8;
	[tilespmem:$0x10200] =	vst v63  }
0x2a6: {  	_ = 	snop  }
0x2a7: {  	[tilespmem:s11], [sflag:$0x2] =	stream.indirect_vreg.gather [hbm4b:s3+s2], $0x80, v3, vm0, $0xb8;
	[tilespmem:$0x10200] =	vst v63  }
0x2a8: {  	_ = 	snop  }
0x2a9: {  	[tilespmem:s24], [sflag:$0x2] =	stream.indirect_vreg.gather [hbm4b:s5+s2], $0x80, v3, vm0, $0xb8;
	[tilespmem:$0x10200] =	vst v63  }
0x2aa: {  	v3 =	vld [tilespmem:$0x8130];
	_ =	sdelay $0x4  }
0x2ab: {  	v39 =	vshll.u32 v3, $0x2  }
0x2ac: {  	v3 =	vand.u32 $0x7, v3;
	v4 =	vand.u32 $0xFFFFFFE0, v39  }
0x2ad: {  	v3 =	vor.u32 v3, v4  }
0x2ae: {  	v4 =	vperm.xlane v3, v0;
	_ =	sdelay $0x1  }
0x2af: {  	v4 =	vadd.s32 v1, v4;
	_ =	sdelay $0x1  }
0x2b0: {  	v3 =	vperm.xlane v3, v2;
	_ =	sdelay $0x1  }
0x2b1: {  	v3 =	vadd.s32 v1, v3  }
0x2b2: {  	[tilespmem:s12], [sflag:$0x2] =	stream.indirect_vreg.gather [hbm4b:s3+s2], $0x80, v4, vm0, $0xb8;
	[tilespmem:$0x10200] =	vst v63  }
0x2b3: {  	_ = 	snop  }
0x2b4: {  	[tilespmem:s13], [sflag:$0x2] =	stream.indirect_vreg.gather [hbm4b:s5+s2], $0x80, v4, vm0, $0xb8;
	[tilespmem:$0x10200] =	vst v63  }
0x2b5: {  	_ = 	snop  }
0x2b6: {  	[tilespmem:s14], [sflag:$0x2] =	stream.indirect_vreg.gather [hbm4b:s3+s2], $0x80, v3, vm0, $0xb8;
	[tilespmem:$0x10200] =	vst v63  }
0x2b7: {  	s25 =	simm.s32 $0x1  }
0x2b8: {  	[tilespmem:s26], [sflag:$0x2] =	stream.indirect_vreg.gather [hbm4b:s5+s2], $0x80, v3, vm0, $0xb8;
	[tilespmem:$0x10200] =	vst v63  }
0x2b9: {  	_ =	swait.ge [sflag:s25], $0x8000  }
0x2ba: {  	[sflag:s25] =	ssyncset.done $0x0  }
0x2bb: {  	[sflag:s25] =	ssyncadd.s32 $0xFFFF8000  }
0x2bc: {  	v3 =	vld [tilespmem:$0x80];
	_ =	sdelay $0x4  }
0x2bd: {  	v40 =	vshll.u32 v3, $0x2  }
0x2be: {  	v3 =	vand.u32 $0x7, v3;
	v4 =	vand.u32 $0xFFFFFFE0, v40  }
0x2bf: {  	v3 =	vor.u32 v3, v4  }
0x2c0: {  	v4 =	vperm.xlane v3, v0;
	_ =	sdelay $0x1  }
0x2c1: {  	v4 =	vadd.s32 v1, v4;
	_ =	sdelay $0x1  }
0x2c2: {  	v3 =	vperm.xlane v3, v2;
	_ =	sdelay $0x1  }
0x2c3: {  	s0 =	simm.s32 $0x100;
	v3 =	vadd.s32 v1, v3  }
0x2c4: {  	[hbm4b:s4+s2] =	stream.indirect_vreg.scatter [tilespmem:s0], [sflag:$0x3], $0x80, v4, vm0, $0xb8;
	[tilespmem:$0x10200] =	vst v63  }
0x2c5: {  	s1 =	simm.s32 $0x900  }
0x2c6: {  	[hbm4b:s6+s2] =	stream.indirect_vreg.scatter [tilespmem:s1], [sflag:$0x3], $0x80, v4, vm0, $0xb8;
	[tilespmem:$0x10200] =	vst v63  }
0x2c7: {  	s7 =	simm.s32 $0x1100  }
0x2c8: {  	[hbm4b:s4+s2] =	stream.indirect_vreg.scatter [tilespmem:s7], [sflag:$0x3], $0x80, v3, vm0, $0xb8;
	[tilespmem:$0x10200] =	vst v63  }
0x2c9: {  	s18 =	simm.s32 $0x1900  }
0x2ca: {  	[hbm4b:s6+s2] =	stream.indirect_vreg.scatter [tilespmem:s18], [sflag:$0x3], $0x80, v3, vm0, $0xb8;
	[tilespmem:$0x10200] =	vst v63  }
0x2cb: {  	v3 =	vld [tilespmem:$0x90];
	_ =	sdelay $0x4  }
0x2cc: {  	v41 =	vshll.u32 v3, $0x2  }
0x2cd: {  	v3 =	vand.u32 $0x7, v3;
	v4 =	vand.u32 $0xFFFFFFE0, v41  }
0x2ce: {  	v3 =	vor.u32 v3, v4  }
0x2cf: {  	v4 =	vperm.xlane v3, v0;
	_ =	sdelay $0x1  }
0x2d0: {  	v4 =	vadd.s32 v1, v4;
	_ =	sdelay $0x1  }
0x2d1: {  	v3 =	vperm.xlane v3, v2;
	_ =	sdelay $0x1  }
0x2d2: {  	s15 =	simm.s32 $0x2100;
	v3 =	vadd.s32 v1, v3  }
0x2d3: {  	[hbm4b:s4+s2] =	stream.indirect_vreg.scatter [tilespmem:s15], [sflag:$0x3], $0x80, v4, vm0, $0xb8;
	[tilespmem:$0x10200] =	vst v63  }
0x2d4: {  	s16 =	simm.s32 $0x2900  }
0x2d5: {  	[hbm4b:s6+s2] =	stream.indirect_vreg.scatter [tilespmem:s16], [sflag:$0x3], $0x80, v4, vm0, $0xb8;
	[tilespmem:$0x10200] =	vst v63  }
0x2d6: {  	s9 =	simm.s32 $0x3100  }
0x2d7: {  	[hbm4b:s4+s2] =	stream.indirect_vreg.scatter [tilespmem:s9], [sflag:$0x3], $0x80, v3, vm0, $0xb8;
	[tilespmem:$0x10200] =	vst v63  }
0x2d8: {  	s19 =	simm.s32 $0x3900  }
0x2d9: {  	[hbm4b:s6+s2] =	stream.indirect_vreg.scatter [tilespmem:s19], [sflag:$0x3], $0x80, v3, vm0, $0xb8;
	[tilespmem:$0x10200] =	vst v63  }
0x2da: {  	v3 =	vld [tilespmem:$0xA0];
	_ =	sdelay $0x4  }
0x2db: {  	v42 =	vshll.u32 v3, $0x2  }
0x2dc: {  	v3 =	vand.u32 $0x7, v3;
	v4 =	vand.u32 $0xFFFFFFE0, v42  }
0x2dd: {  	v3 =	vor.u32 v3, v4  }
0x2de: {  	v4 =	vperm.xlane v3, v0;
	_ =	sdelay $0x1  }
0x2df: {  	v4 =	vadd.s32 v1, v4;
	_ =	sdelay $0x1  }
0x2e0: {  	v3 =	vperm.xlane v3, v2;
	_ =	sdelay $0x1  }
0x2e1: {  	s10 =	simm.s32 $0x4100;
	v3 =	vadd.s32 v1, v3  }
0x2e2: {  	[hbm4b:s4+s2] =	stream.indirect_vreg.scatter [tilespmem:s10], [sflag:$0x3], $0x80, v4, vm0, $0xb8;
	[tilespmem:$0x10200] =	vst v63  }
0x2e3: {  	s11 =	simm.s32 $0x4900  }
0x2e4: {  	[hbm4b:s6+s2] =	stream.indirect_vreg.scatter [tilespmem:s11], [sflag:$0x3], $0x80, v4, vm0, $0xb8;
	[tilespmem:$0x10200] =	vst v63  }
0x2e5: {  	s12 =	simm.s32 $0x5100  }
0x2e6: {  	[hbm4b:s4+s2] =	stream.indirect_vreg.scatter [tilespmem:s12], [sflag:$0x3], $0x80, v3, vm0, $0xb8;
	[tilespmem:$0x10200] =	vst v63  }
0x2e7: {  	s20 =	simm.s32 $0x5900  }
0x2e8: {  	[hbm4b:s6+s2] =	stream.indirect_vreg.scatter [tilespmem:s20], [sflag:$0x3], $0x80, v3, vm0, $0xb8;
	[tilespmem:$0x10200] =	vst v63  }
0x2e9: {  	v3 =	vld [tilespmem:$0xB0];
	_ =	sdelay $0x4  }
0x2ea: {  	v43 =	vshll.u32 v3, $0x2  }
0x2eb: {  	v3 =	vand.u32 $0x7, v3;
	v4 =	vand.u32 $0xFFFFFFE0, v43  }
0x2ec: {  	v3 =	vor.u32 v3, v4  }
0x2ed: {  	v4 =	vperm.xlane v3, v0;
	_ =	sdelay $0x1  }
0x2ee: {  	v4 =	vadd.s32 v1, v4;
	_ =	sdelay $0x1  }
0x2ef: {  	v3 =	vperm.xlane v3, v2;
	_ =	sdelay $0x1  }
0x2f0: {  	s13 =	simm.s32 $0x6100;
	v3 =	vadd.s32 v1, v3  }
0x2f1: {  	[hbm4b:s4+s2] =	stream.indirect_vreg.scatter [tilespmem:s13], [sflag:$0x3], $0x80, v4, vm0, $0xb8;
	[tilespmem:$0x10200] =	vst v63  }
0x2f2: {  	s14 =	simm.s32 $0x6900  }
0x2f3: {  	[hbm4b:s6+s2] =	stream.indirect_vreg.scatter [tilespmem:s14], [sflag:$0x3], $0x80, v4, vm0, $0xb8;
	[tilespmem:$0x10200] =	vst v63  }
0x2f4: {  	s21 =	simm.s32 $0x7100  }
0x2f5: {  	[hbm4b:s4+s2] =	stream.indirect_vreg.scatter [tilespmem:s21], [sflag:$0x3], $0x80, v3, vm0, $0xb8;
	[tilespmem:$0x10200] =	vst v63  }
0x2f6: {  	s29 =	simm.s32 $0x3;
	s17 =	simm.s32 $0x7900  }
0x2f7: {  	[hbm4b:s6+s2] =	stream.indirect_vreg.scatter [tilespmem:s17], [sflag:$0x3], $0x80, v3, vm0, $0xb8;
	[tilespmem:$0x10200] =	vst v63  }
0x2f8: {  	_ =	swait.ge [sflag:s29], $0x8000  }
0x2f9: {  	[sflag:s29] =	ssyncset.done $0x0  }
0x2fa: {  	s24 =	rddreg [dreg:$0xe];
	[sflag:s29] =	ssyncadd.s32 $0xFFFF8000  }
0x2fb: {  	[tilespmem:s2], [sflag:$0x5] =	stream.linear.gather [hbm4b:s24+s2], $0x40, $0x38;
	[tilespmem:$0x10200] =	vst v63  }
0x2fc: {  	_ =	swait.ge [sflag:s8], $0x40  }
0x2fd: {  	[sflag:s8] =	ssyncset.done $0x0  }
0x2fe: {  	s24 =	simm.s32 $0x80;
	s22 =	rddreg [dreg:$0xf];
	[sflag:s8] =	ssyncadd.s32 $0xFFFFFFC0  }
0x2ff: {  	[tilespmem:s24], [sflag:$0x5] =	stream.linear.gather [hbm4b:s22+s2], $0x40, $0x38;
	[tilespmem:$0x10200] =	vst v63  }
0x300: {  	_ =	swait.ge [sflag:s8], $0x40  }
0x301: {  	[sflag:s8] =	ssyncset.done $0x0  }
0x302: {  	[sflag:s8] =	ssyncadd.s32 $0xFFFFFFC0  }
0x303: {  	v3 =	vld [tilespmem:$0x0];
	_ =	sdelay $0x4  }
0x304: {  	v44 =	vshll.u32 v3, $0x2  }
0x305: {  	v3 =	vand.u32 $0x7, v3;
	v4 =	vand.u32 $0xFFFFFFE0, v44  }
0x306: {  	v3 =	vor.u32 v3, v4  }
0x307: {  	v4 =	vperm.xlane v3, v0;
	_ =	sdelay $0x1  }
0x308: {  	v4 =	vadd.s32 v1, v4;
	_ =	sdelay $0x1  }
0x309: {  	v3 =	vperm.xlane v3, v2;
	_ =	sdelay $0x1  }
0x30a: {  	v3 =	vadd.s32 v1, v3  }
0x30b: {  	[tilespmem:s0], [sflag:$0x1] =	stream.indirect_vreg.gather [hbm4b:s3+s2], $0x80, v4, vm0, $0xb8;
	[tilespmem:$0x10200] =	vst v63  }
0x30c: {  	_ = 	snop  }
0x30d: {  	[tilespmem:s1], [sflag:$0x1] =	stream.indirect_vreg.gather [hbm4b:s5+s2], $0x80, v4, vm0, $0xb8;
	[tilespmem:$0x10200] =	vst v63  }
0x30e: {  	_ = 	snop  }
0x30f: {  	[tilespmem:s7], [sflag:$0x1] =	stream.indirect_vreg.gather [hbm4b:s3+s2], $0x80, v3, vm0, $0xb8;
	[tilespmem:$0x10200] =	vst v63  }
0x310: {  	_ = 	snop  }
0x311: {  	[tilespmem:s18], [sflag:$0x1] =	stream.indirect_vreg.gather [hbm4b:s5+s2], $0x80, v3, vm0, $0xb8;
	[tilespmem:$0x10200] =	vst v63  }
0x312: {  	v3 =	vld [tilespmem:$0x10];
	_ =	sdelay $0x4  }
0x313: {  	v45 =	vshll.u32 v3, $0x2  }
0x314: {  	v3 =	vand.u32 $0x7, v3;
	v4 =	vand.u32 $0xFFFFFFE0, v45  }
0x315: {  	v3 =	vor.u32 v3, v4  }
0x316: {  	v4 =	vperm.xlane v3, v0;
	_ =	sdelay $0x1  }
0x317: {  	v4 =	vadd.s32 v1, v4;
	_ =	sdelay $0x1  }
0x318: {  	v3 =	vperm.xlane v3, v2;
	_ =	sdelay $0x1  }
0x319: {  	v3 =	vadd.s32 v1, v3  }
0x31a: {  	[tilespmem:s15], [sflag:$0x1] =	stream.indirect_vreg.gather [hbm4b:s3+s2], $0x80, v4, vm0, $0xb8;
	[tilespmem:$0x10200] =	vst v63  }
0x31b: {  	_ = 	snop  }
0x31c: {  	[tilespmem:s16], [sflag:$0x1] =	stream.indirect_vreg.gather [hbm4b:s5+s2], $0x80, v4, vm0, $0xb8;
	[tilespmem:$0x10200] =	vst v63  }
0x31d: {  	_ = 	snop  }
0x31e: {  	[tilespmem:s9], [sflag:$0x1] =	stream.indirect_vreg.gather [hbm4b:s3+s2], $0x80, v3, vm0, $0xb8;
	[tilespmem:$0x10200] =	vst v63  }
0x31f: {  	_ = 	snop  }
0x320: {  	[tilespmem:s19], [sflag:$0x1] =	stream.indirect_vreg.gather [hbm4b:s5+s2], $0x80, v3, vm0, $0xb8;
	[tilespmem:$0x10200] =	vst v63  }
0x321: {  	v3 =	vld [tilespmem:$0x20];
	_ =	sdelay $0x4  }
0x322: {  	v46 =	vshll.u32 v3, $0x2  }
0x323: {  	v3 =	vand.u32 $0x7, v3;
	v4 =	vand.u32 $0xFFFFFFE0, v46  }
0x324: {  	v3 =	vor.u32 v3, v4  }
0x325: {  	v4 =	vperm.xlane v3, v0;
	_ =	sdelay $0x1  }
0x326: {  	v4 =	vadd.s32 v1, v4;
	_ =	sdelay $0x1  }
0x327: {  	v3 =	vperm.xlane v3, v2;
	_ =	sdelay $0x1  }
0x328: {  	v3 =	vadd.s32 v1, v3  }
0x329: {  	[tilespmem:s10], [sflag:$0x1] =	stream.indirect_vreg.gather [hbm4b:s3+s2], $0x80, v4, vm0, $0xb8;
	[tilespmem:$0x10200] =	vst v63  }
0x32a: {  	_ = 	snop  }
0x32b: {  	[tilespmem:s11], [sflag:$0x1] =	stream.indirect_vreg.gather [hbm4b:s5+s2], $0x80, v4, vm0, $0xb8;
	[tilespmem:$0x10200] =	vst v63  }
0x32c: {  	_ = 	snop  }
0x32d: {  	[tilespmem:s12], [sflag:$0x1] =	stream.indirect_vreg.gather [hbm4b:s3+s2], $0x80, v3, vm0, $0xb8;
	[tilespmem:$0x10200] =	vst v63  }
0x32e: {  	_ = 	snop  }
0x32f: {  	[tilespmem:s20], [sflag:$0x1] =	stream.indirect_vreg.gather [hbm4b:s5+s2], $0x80, v3, vm0, $0xb8;
	[tilespmem:$0x10200] =	vst v63  }
0x330: {  	v3 =	vld [tilespmem:$0x30];
	_ =	sdelay $0x4  }
0x331: {  	v47 =	vshll.u32 v3, $0x2  }
0x332: {  	v3 =	vand.u32 $0x7, v3;
	v4 =	vand.u32 $0xFFFFFFE0, v47  }
0x333: {  	v3 =	vor.u32 v3, v4  }
0x334: {  	v4 =	vperm.xlane v3, v0;
	_ =	sdelay $0x1  }
0x335: {  	v4 =	vadd.s32 v1, v4;
	_ =	sdelay $0x1  }
0x336: {  	v3 =	vperm.xlane v3, v2;
	_ =	sdelay $0x1  }
0x337: {  	v3 =	vadd.s32 v1, v3  }
0x338: {  	[tilespmem:s13], [sflag:$0x1] =	stream.indirect_vreg.gather [hbm4b:s3+s2], $0x80, v4, vm0, $0xb8;
	[tilespmem:$0x10200] =	vst v63  }
0x339: {  	_ = 	snop  }
0x33a: {  	[tilespmem:s14], [sflag:$0x1] =	stream.indirect_vreg.gather [hbm4b:s5+s2], $0x80, v4, vm0, $0xb8;
	[tilespmem:$0x10200] =	vst v63  }
0x33b: {  	_ = 	snop  }
0x33c: {  	[tilespmem:s21], [sflag:$0x1] =	stream.indirect_vreg.gather [hbm4b:s3+s2], $0x80, v3, vm0, $0xb8;
	[tilespmem:$0x10200] =	vst v63  }
0x33d: {  	_ = 	snop  }
0x33e: {  	[tilespmem:s17], [sflag:$0x1] =	stream.indirect_vreg.gather [hbm4b:s5+s2], $0x80, v3, vm0, $0xb8;
	[tilespmem:$0x10200] =	vst v63  }
0x33f: {  	_ =	swait.ge [sflag:s23], $0x8000  }
0x340: {  	[sflag:s23] =	ssyncset.done $0x0  }
0x341: {  	[sflag:s23] =	ssyncadd.s32 $0xFFFF8000  }
0x342: {  	v3 =	vld [tilespmem:$0x8180];
	_ =	sdelay $0x4  }
0x343: {  	v48 =	vshll.u32 v3, $0x2  }
0x344: {  	v3 =	vand.u32 $0x7, v3;
	v4 =	vand.u32 $0xFFFFFFE0, v48  }
0x345: {  	v3 =	vor.u32 v3, v4  }
0x346: {  	v4 =	vperm.xlane v3, v0;
	_ =	sdelay $0x1  }
0x347: {  	v4 =	vadd.s32 v1, v4;
	_ =	sdelay $0x1  }
0x348: {  	v3 =	vperm.xlane v3, v2;
	_ =	sdelay $0x1  }
0x349: {  	s19 =	simm.s32 $0x8200;
	v3 =	vadd.s32 v1, v3  }
0x34a: {  	[hbm4b:s4+s2] =	stream.indirect_vreg.scatter [tilespmem:s19], [sflag:$0x4], $0x80, v4, vm0, $0xb8;
	[tilespmem:$0x10200] =	vst v63  }
0x34b: {  	s14 =	simm.s32 $0x8A00  }
0x34c: {  	[hbm4b:s6+s2] =	stream.indirect_vreg.scatter [tilespmem:s14], [sflag:$0x4], $0x80, v4, vm0, $0xb8;
	[tilespmem:$0x10200] =	vst v63  }
0x34d: {  	s20 =	simm.s32 $0x9200  }
0x34e: {  	[hbm4b:s4+s2] =	stream.indirect_vreg.scatter [tilespmem:s20], [sflag:$0x4], $0x80, v3, vm0, $0xb8;
	[tilespmem:$0x10200] =	vst v63  }
0x34f: {  	s28 =	simm.s32 $0x9A00  }
0x350: {  	[hbm4b:s6+s2] =	stream.indirect_vreg.scatter [tilespmem:s28], [sflag:$0x4], $0x80, v3, vm0, $0xb8;
	[tilespmem:$0x10200] =	vst v63  }
0x351: {  	v3 =	vld [tilespmem:$0x8190];
	_ =	sdelay $0x4  }
0x352: {  	v49 =	vshll.u32 v3, $0x2  }
0x353: {  	v3 =	vand.u32 $0x7, v3;
	v4 =	vand.u32 $0xFFFFFFE0, v49  }
0x354: {  	v3 =	vor.u32 v3, v4  }
0x355: {  	v4 =	vperm.xlane v3, v0;
	_ =	sdelay $0x1  }
0x356: {  	v4 =	vadd.s32 v1, v4;
	_ =	sdelay $0x1  }
0x357: {  	v3 =	vperm.xlane v3, v2;
	_ =	sdelay $0x1  }
0x358: {  	s30 =	simm.s32 $0xA200;
	v3 =	vadd.s32 v1, v3  }
0x359: {  	[hbm4b:s4+s2] =	stream.indirect_vreg.scatter [tilespmem:s30], [sflag:$0x4], $0x80, v4, vm0, $0xb8;
	[tilespmem:$0x10200] =	vst v63  }
0x35a: {  	s21 =	simm.s32 $0xAA00  }
0x35b: {  	[hbm4b:s6+s2] =	stream.indirect_vreg.scatter [tilespmem:s21], [sflag:$0x4], $0x80, v4, vm0, $0xb8;
	[tilespmem:$0x10200] =	vst v63  }
0x35c: {  	s24 =	simm.s32 $0xB200  }
0x35d: {  	[hbm4b:s4+s2] =	stream.indirect_vreg.scatter [tilespmem:s24], [sflag:$0x4], $0x80, v3, vm0, $0xb8;
	[tilespmem:$0x10200] =	vst v63  }
0x35e: {  	s12 =	simm.s32 $0xBA00  }
0x35f: {  	[hbm4b:s6+s2] =	stream.indirect_vreg.scatter [tilespmem:s12], [sflag:$0x4], $0x80, v3, vm0, $0xb8;
	[tilespmem:$0x10200] =	vst v63  }
0x360: {  	v3 =	vld [tilespmem:$0x81A0];
	_ =	sdelay $0x4  }
0x361: {  	v50 =	vshll.u32 v3, $0x2  }
0x362: {  	v3 =	vand.u32 $0x7, v3;
	v4 =	vand.u32 $0xFFFFFFE0, v50  }
0x363: {  	v3 =	vor.u32 v3, v4  }
0x364: {  	v4 =	vperm.xlane v3, v0;
	_ =	sdelay $0x1  }
0x365: {  	v4 =	vadd.s32 v1, v4;
	_ =	sdelay $0x1  }
0x366: {  	v3 =	vperm.xlane v3, v2;
	_ =	sdelay $0x1  }
0x367: {  	s0 =	simm.s32 $0xC200;
	v3 =	vadd.s32 v1, v3  }
0x368: {  	[hbm4b:s4+s2] =	stream.indirect_vreg.scatter [tilespmem:s0], [sflag:$0x4], $0x80, v4, vm0, $0xb8;
	[tilespmem:$0x10200] =	vst v63  }
0x369: {  	s1 =	simm.s32 $0xCA00  }
0x36a: {  	[hbm4b:s6+s2] =	stream.indirect_vreg.scatter [tilespmem:s1], [sflag:$0x4], $0x80, v4, vm0, $0xb8;
	[tilespmem:$0x10200] =	vst v63  }
0x36b: {  	s7 =	simm.s32 $0xD200  }
0x36c: {  	[hbm4b:s4+s2] =	stream.indirect_vreg.scatter [tilespmem:s7], [sflag:$0x4], $0x80, v3, vm0, $0xb8;
	[tilespmem:$0x10200] =	vst v63  }
0x36d: {  	s13 =	simm.s32 $0xDA00  }
0x36e: {  	[hbm4b:s6+s2] =	stream.indirect_vreg.scatter [tilespmem:s13], [sflag:$0x4], $0x80, v3, vm0, $0xb8;
	[tilespmem:$0x10200] =	vst v63  }
0x36f: {  	v3 =	vld [tilespmem:$0x81B0];
	_ =	sdelay $0x4  }
0x370: {  	v51 =	vshll.u32 v3, $0x2  }
0x371: {  	v3 =	vand.u32 $0x7, v3;
	v4 =	vand.u32 $0xFFFFFFE0, v51  }
0x372: {  	v3 =	vor.u32 v3, v4  }
0x373: {  	v4 =	vperm.xlane v3, v0;
	_ =	sdelay $0x1  }
0x374: {  	v4 =	vadd.s32 v1, v4;
	_ =	sdelay $0x1  }
0x375: {  	v3 =	vperm.xlane v3, v2;
	_ =	sdelay $0x1  }
0x376: {  	s9 =	simm.s32 $0xE200;
	v3 =	vadd.s32 v1, v3  }
0x377: {  	[hbm4b:s4+s2] =	stream.indirect_vreg.scatter [tilespmem:s9], [sflag:$0x4], $0x80, v4, vm0, $0xb8;
	[tilespmem:$0x10200] =	vst v63  }
0x378: {  	s10 =	simm.s32 $0xEA00  }
0x379: {  	[hbm4b:s6+s2] =	stream.indirect_vreg.scatter [tilespmem:s10], [sflag:$0x4], $0x80, v4, vm0, $0xb8;
	[tilespmem:$0x10200] =	vst v63  }
0x37a: {  	s11 =	simm.s32 $0xF200  }
0x37b: {  	[hbm4b:s4+s2] =	stream.indirect_vreg.scatter [tilespmem:s11], [sflag:$0x4], $0x80, v3, vm0, $0xb8;
	[tilespmem:$0x10200] =	vst v63  }
0x37c: {  	s26 =	simm.s32 $0xFA00  }
0x37d: {  	[hbm4b:s6+s2] =	stream.indirect_vreg.scatter [tilespmem:s26], [sflag:$0x4], $0x80, v3, vm0, $0xb8;
	[tilespmem:$0x10200] =	vst v63  }
0x37e: {  	_ =	swait.ge [sflag:s31], $0x8000  }
0x37f: {  	[sflag:s31] =	ssyncset.done $0x0  }
0x380: {  	s15 =	simm.s32 $0x8100;
	s22 =	rddreg [dreg:$0x10];
	[sflag:s31] =	ssyncadd.s32 $0xFFFF8000  }
0x381: {  	[tilespmem:s15], [sflag:$0x5] =	stream.linear.gather [hbm4b:s22+s2], $0x40, $0x38;
	[tilespmem:$0x10200] =	vst v63  }
0x382: {  	_ =	swait.ge [sflag:s8], $0x40  }
0x383: {  	[sflag:s8] =	ssyncset.done $0x0  }
0x384: {  	s15 =	simm.s32 $0x8180;
	s22 =	rddreg [dreg:$0x11];
	[sflag:s8] =	ssyncadd.s32 $0xFFFFFFC0  }
0x385: {  	[tilespmem:s15], [sflag:$0x5] =	stream.linear.gather [hbm4b:s22+s2], $0x40, $0x38;
	[tilespmem:$0x10200] =	vst v63  }
0x386: {  	_ =	swait.ge [sflag:s8], $0x40  }
0x387: {  	[sflag:s8] =	ssyncset.done $0x0  }
0x388: {  	[sflag:s8] =	ssyncadd.s32 $0xFFFFFFC0  }
0x389: {  	v3 =	vld [tilespmem:$0x8100];
	_ =	sdelay $0x4  }
0x38a: {  	v52 =	vshll.u32 v3, $0x2  }
0x38b: {  	v3 =	vand.u32 $0x7, v3;
	v4 =	vand.u32 $0xFFFFFFE0, v52  }
0x38c: {  	v3 =	vor.u32 v3, v4  }
0x38d: {  	v4 =	vperm.xlane v3, v0;
	_ =	sdelay $0x1  }
0x38e: {  	v4 =	vadd.s32 v1, v4;
	_ =	sdelay $0x1  }
0x38f: {  	v3 =	vperm.xlane v3, v2;
	_ =	sdelay $0x1  }
0x390: {  	v3 =	vadd.s32 v1, v3  }
0x391: {  	[tilespmem:s19], [sflag:$0x2] =	stream.indirect_vreg.gather [hbm4b:s3+s2], $0x80, v4, vm0, $0xb8;
	[tilespmem:$0x10200] =	vst v63  }
0x392: {  	_ = 	snop  }
0x393: {  	[tilespmem:s14], [sflag:$0x2] =	stream.indirect_vreg.gather [hbm4b:s5+s2], $0x80, v4, vm0, $0xb8;
	[tilespmem:$0x10200] =	vst v63  }
0x394: {  	_ = 	snop  }
0x395: {  	[tilespmem:s20], [sflag:$0x2] =	stream.indirect_vreg.gather [hbm4b:s3+s2], $0x80, v3, vm0, $0xb8;
	[tilespmem:$0x10200] =	vst v63  }
0x396: {  	_ = 	snop  }
0x397: {  	[tilespmem:s28], [sflag:$0x2] =	stream.indirect_vreg.gather [hbm4b:s5+s2], $0x80, v3, vm0, $0xb8;
	[tilespmem:$0x10200] =	vst v63  }
0x398: {  	v3 =	vld [tilespmem:$0x8110];
	_ =	sdelay $0x4  }
0x399: {  	v53 =	vshll.u32 v3, $0x2  }
0x39a: {  	v3 =	vand.u32 $0x7, v3;
	v4 =	vand.u32 $0xFFFFFFE0, v53  }
0x39b: {  	v3 =	vor.u32 v3, v4  }
0x39c: {  	v4 =	vperm.xlane v3, v0;
	_ =	sdelay $0x1  }
0x39d: {  	v4 =	vadd.s32 v1, v4;
	_ =	sdelay $0x1  }
0x39e: {  	v3 =	vperm.xlane v3, v2;
	_ =	sdelay $0x1  }
0x39f: {  	v3 =	vadd.s32 v1, v3  }
0x3a0: {  	[tilespmem:s30], [sflag:$0x2] =	stream.indirect_vreg.gather [hbm4b:s3+s2], $0x80, v4, vm0, $0xb8;
	[tilespmem:$0x10200] =	vst v63  }
0x3a1: {  	_ = 	snop  }
0x3a2: {  	[tilespmem:s21], [sflag:$0x2] =	stream.indirect_vreg.gather [hbm4b:s5+s2], $0x80, v4, vm0, $0xb8;
	[tilespmem:$0x10200] =	vst v63  }
0x3a3: {  	_ = 	snop  }
0x3a4: {  	[tilespmem:s24], [sflag:$0x2] =	stream.indirect_vreg.gather [hbm4b:s3+s2], $0x80, v3, vm0, $0xb8;
	[tilespmem:$0x10200] =	vst v63  }
0x3a5: {  	_ = 	snop  }
0x3a6: {  	[tilespmem:s12], [sflag:$0x2] =	stream.indirect_vreg.gather [hbm4b:s5+s2], $0x80, v3, vm0, $0xb8;
	[tilespmem:$0x10200] =	vst v63  }
0x3a7: {  	v3 =	vld [tilespmem:$0x8120];
	_ =	sdelay $0x4  }
0x3a8: {  	v54 =	vshll.u32 v3, $0x2  }
0x3a9: {  	v3 =	vand.u32 $0x7, v3;
	v4 =	vand.u32 $0xFFFFFFE0, v54  }
0x3aa: {  	v3 =	vor.u32 v3, v4  }
0x3ab: {  	v4 =	vperm.xlane v3, v0;
	_ =	sdelay $0x1  }
0x3ac: {  	v4 =	vadd.s32 v1, v4;
	_ =	sdelay $0x1  }
0x3ad: {  	v3 =	vperm.xlane v3, v2;
	_ =	sdelay $0x1  }
0x3ae: {  	v3 =	vadd.s32 v1, v3  }
0x3af: {  	[tilespmem:s0], [sflag:$0x2] =	stream.indirect_vreg.gather [hbm4b:s3+s2], $0x80, v4, vm0, $0xb8;
	[tilespmem:$0x10200] =	vst v63  }
0x3b0: {  	_ = 	snop  }
0x3b1: {  	[tilespmem:s1], [sflag:$0x2] =	stream.indirect_vreg.gather [hbm4b:s5+s2], $0x80, v4, vm0, $0xb8;
	[tilespmem:$0x10200] =	vst v63  }
0x3b2: {  	_ = 	snop  }
0x3b3: {  	[tilespmem:s7], [sflag:$0x2] =	stream.indirect_vreg.gather [hbm4b:s3+s2], $0x80, v3, vm0, $0xb8;
	[tilespmem:$0x10200] =	vst v63  }
0x3b4: {  	_ = 	snop  }
0x3b5: {  	[tilespmem:s13], [sflag:$0x2] =	stream.indirect_vreg.gather [hbm4b:s5+s2], $0x80, v3, vm0, $0xb8;
	[tilespmem:$0x10200] =	vst v63  }
0x3b6: {  	v3 =	vld [tilespmem:$0x8130];
	_ =	sdelay $0x4  }
0x3b7: {  	v55 =	vshll.u32 v3, $0x2  }
0x3b8: {  	v3 =	vand.u32 $0x7, v3;
	v4 =	vand.u32 $0xFFFFFFE0, v55  }
0x3b9: {  	v3 =	vor.u32 v3, v4  }
0x3ba: {  	v4 =	vperm.xlane v3, v0;
	_ =	sdelay $0x1  }
0x3bb: {  	v4 =	vadd.s32 v1, v4;
	_ =	sdelay $0x1  }
0x3bc: {  	v3 =	vperm.xlane v3, v2;
	_ =	sdelay $0x1  }
0x3bd: {  	v3 =	vadd.s32 v1, v3  }
0x3be: {  	[tilespmem:s9], [sflag:$0x2] =	stream.indirect_vreg.gather [hbm4b:s3+s2], $0x80, v4, vm0, $0xb8;
	[tilespmem:$0x10200] =	vst v63  }
0x3bf: {  	_ = 	snop  }
0x3c0: {  	[tilespmem:s10], [sflag:$0x2] =	stream.indirect_vreg.gather [hbm4b:s5+s2], $0x80, v4, vm0, $0xb8;
	[tilespmem:$0x10200] =	vst v63  }
0x3c1: {  	_ = 	snop  }
0x3c2: {  	[tilespmem:s11], [sflag:$0x2] =	stream.indirect_vreg.gather [hbm4b:s3+s2], $0x80, v3, vm0, $0xb8;
	[tilespmem:$0x10200] =	vst v63  }
0x3c3: {  	_ = 	snop  }
0x3c4: {  	[tilespmem:s26], [sflag:$0x2] =	stream.indirect_vreg.gather [hbm4b:s5+s2], $0x80, v3, vm0, $0xb8;
	[tilespmem:$0x10200] =	vst v63  }
0x3c5: {  	_ =	swait.ge [sflag:s25], $0x8000  }
0x3c6: {  	[sflag:s25] =	ssyncset.done $0x0  }
0x3c7: {  	[sflag:s25] =	ssyncadd.s32 $0xFFFF8000  }
0x3c8: {  	v3 =	vld [tilespmem:$0x80];
	_ =	sdelay $0x4  }
0x3c9: {  	v56 =	vshll.u32 v3, $0x2  }
0x3ca: {  	v3 =	vand.u32 $0x7, v3;
	v4 =	vand.u32 $0xFFFFFFE0, v56  }
0x3cb: {  	v3 =	vor.u32 v3, v4  }
0x3cc: {  	v4 =	vperm.xlane v3, v0;
	_ =	sdelay $0x1  }
0x3cd: {  	v4 =	vadd.s32 v1, v4;
	_ =	sdelay $0x1  }
0x3ce: {  	v3 =	vperm.xlane v3, v2;
	_ =	sdelay $0x1  }
0x3cf: {  	s15 =	simm.s32 $0x100;
	v3 =	vadd.s32 v1, v3  }
0x3d0: {  	[hbm4b:s4+s2] =	stream.indirect_vreg.scatter [tilespmem:s15], [sflag:$0x3], $0x80, v4, vm0, $0xb8;
	[tilespmem:$0x10200] =	vst v63  }
0x3d1: {  	s25 =	simm.s32 $0x900  }
0x3d2: {  	[hbm4b:s6+s2] =	stream.indirect_vreg.scatter [tilespmem:s25], [sflag:$0x3], $0x80, v4, vm0, $0xb8;
	[tilespmem:$0x10200] =	vst v63  }
0x3d3: {  	s15 =	simm.s32 $0x1100  }
0x3d4: {  	[hbm4b:s4+s2] =	stream.indirect_vreg.scatter [tilespmem:s15], [sflag:$0x3], $0x80, v3, vm0, $0xb8;
	[tilespmem:$0x10200] =	vst v63  }
0x3d5: {  	s25 =	simm.s32 $0x1900  }
0x3d6: {  	[hbm4b:s6+s2] =	stream.indirect_vreg.scatter [tilespmem:s25], [sflag:$0x3], $0x80, v3, vm0, $0xb8;
	[tilespmem:$0x10200] =	vst v63  }
0x3d7: {  	v3 =	vld [tilespmem:$0x90];
	_ =	sdelay $0x4  }
0x3d8: {  	v57 =	vshll.u32 v3, $0x2  }
0x3d9: {  	v3 =	vand.u32 $0x7, v3;
	v4 =	vand.u32 $0xFFFFFFE0, v57  }
0x3da: {  	v3 =	vor.u32 v3, v4  }
0x3db: {  	v4 =	vperm.xlane v3, v0;
	_ =	sdelay $0x1  }
0x3dc: {  	v4 =	vadd.s32 v1, v4;
	_ =	sdelay $0x1  }
0x3dd: {  	v3 =	vperm.xlane v3, v2;
	_ =	sdelay $0x1  }
0x3de: {  	s15 =	simm.s32 $0x2100;
	v3 =	vadd.s32 v1, v3  }
0x3df: {  	[hbm4b:s4+s2] =	stream.indirect_vreg.scatter [tilespmem:s15], [sflag:$0x3], $0x80, v4, vm0, $0xb8;
	[tilespmem:$0x10200] =	vst v63  }
0x3e0: {  	s25 =	simm.s32 $0x2900  }
0x3e1: {  	[hbm4b:s6+s2] =	stream.indirect_vreg.scatter [tilespmem:s25], [sflag:$0x3], $0x80, v4, vm0, $0xb8;
	[tilespmem:$0x10200] =	vst v63  }
0x3e2: {  	s15 =	simm.s32 $0x3100  }
0x3e3: {  	[hbm4b:s4+s2] =	stream.indirect_vreg.scatter [tilespmem:s15], [sflag:$0x3], $0x80, v3, vm0, $0xb8;
	[tilespmem:$0x10200] =	vst v63  }
0x3e4: {  	s16 =	simm.s32 $0x3900  }
0x3e5: {  	[hbm4b:s6+s2] =	stream.indirect_vreg.scatter [tilespmem:s16], [sflag:$0x3], $0x80, v3, vm0, $0xb8;
	[tilespmem:$0x10200] =	vst v63  }
0x3e6: {  	v3 =	vld [tilespmem:$0xA0];
	_ =	sdelay $0x4  }
0x3e7: {  	v58 =	vshll.u32 v3, $0x2  }
0x3e8: {  	v3 =	vand.u32 $0x7, v3;
	v4 =	vand.u32 $0xFFFFFFE0, v58  }
0x3e9: {  	v3 =	vor.u32 v3, v4  }
0x3ea: {  	v4 =	vperm.xlane v3, v0;
	_ =	sdelay $0x1  }
0x3eb: {  	v4 =	vadd.s32 v1, v4;
	_ =	sdelay $0x1  }
0x3ec: {  	v3 =	vperm.xlane v3, v2;
	_ =	sdelay $0x1  }
0x3ed: {  	s25 =	simm.s32 $0x4100;
	v3 =	vadd.s32 v1, v3  }
0x3ee: {  	[hbm4b:s4+s2] =	stream.indirect_vreg.scatter [tilespmem:s25], [sflag:$0x3], $0x80, v4, vm0, $0xb8;
	[tilespmem:$0x10200] =	vst v63  }
0x3ef: {  	s16 =	simm.s32 $0x4900  }
0x3f0: {  	[hbm4b:s6+s2] =	stream.indirect_vreg.scatter [tilespmem:s16], [sflag:$0x3], $0x80, v4, vm0, $0xb8;
	[tilespmem:$0x10200] =	vst v63  }
0x3f1: {  	s25 =	simm.s32 $0x5100  }
0x3f2: {  	[hbm4b:s4+s2] =	stream.indirect_vreg.scatter [tilespmem:s25], [sflag:$0x3], $0x80, v3, vm0, $0xb8;
	[tilespmem:$0x10200] =	vst v63  }
0x3f3: {  	s18 =	simm.s32 $0x5900  }
0x3f4: {  	[hbm4b:s6+s2] =	stream.indirect_vreg.scatter [tilespmem:s18], [sflag:$0x3], $0x80, v3, vm0, $0xb8;
	[tilespmem:$0x10200] =	vst v63  }
0x3f5: {  	v3 =	vld [tilespmem:$0xB0];
	_ =	sdelay $0x4  }
0x3f6: {  	v59 =	vshll.u32 v3, $0x2  }
0x3f7: {  	v3 =	vand.u32 $0x7, v3;
	v4 =	vand.u32 $0xFFFFFFE0, v59  }
0x3f8: {  	v3 =	vor.u32 v3, v4  }
0x3f9: {  	v4 =	vperm.xlane v3, v0;
	_ =	sdelay $0x1  }
0x3fa: {  	v4 =	vadd.s32 v1, v4;
	_ =	sdelay $0x1  }
0x3fb: {  	v3 =	vperm.xlane v3, v2;
	_ =	sdelay $0x1  }
0x3fc: {  	s16 =	simm.s32 $0x6100;
	v3 =	vadd.s32 v1, v3  }
0x3fd: {  	[hbm4b:s4+s2] =	stream.indirect_vreg.scatter [tilespmem:s16], [sflag:$0x3], $0x80, v4, vm0, $0xb8;
	[tilespmem:$0x10200] =	vst v63  }
0x3fe: {  	s18 =	simm.s32 $0x6900  }
0x3ff: {  	[hbm4b:s6+s2] =	stream.indirect_vreg.scatter [tilespmem:s18], [sflag:$0x3], $0x80, v4, vm0, $0xb8;
	[tilespmem:$0x10200] =	vst v63  }
0x400: {  	s25 =	simm.s32 $0x7100  }
0x401: {  	[hbm4b:s4+s2] =	stream.indirect_vreg.scatter [tilespmem:s25], [sflag:$0x3], $0x80, v3, vm0, $0xb8;
	[tilespmem:$0x10200] =	vst v63  }
0x402: {  	s17 =	simm.s32 $0x7900  }
0x403: {  	[hbm4b:s6+s2] =	stream.indirect_vreg.scatter [tilespmem:s17], [sflag:$0x3], $0x80, v3, vm0, $0xb8;
	[tilespmem:$0x10200] =	vst v63  }
0x404: {  	s0 =	rddreg [dreg:$0x12];
	_ =	swait.ge [sflag:s23], $0x8000  }
0x405: {  	[sflag:s23] =	ssyncset.done $0x0  }
0x406: {  	[sflag:s23] =	ssyncadd.s32 $0xFFFF8000  }
0x407: {  	v3 =	vld [tilespmem:$0x8180];
	_ =	sdelay $0x4  }
0x408: {  	v60 =	vshll.u32 v3, $0x2  }
0x409: {  	v3 =	vand.u32 $0x7, v3;
	v4 =	vand.u32 $0xFFFFFFE0, v60  }
0x40a: {  	v3 =	vor.u32 v3, v4  }
0x40b: {  	v4 =	vperm.xlane v3, v0;
	_ =	sdelay $0x1  }
0x40c: {  	v4 =	vadd.s32 v1, v4;
	_ =	sdelay $0x1  }
0x40d: {  	v3 =	vperm.xlane v3, v2;
	_ =	sdelay $0x1  }
0x40e: {  	s19 =	simm.s32 $0x8200;
	v3 =	vadd.s32 v1, v3  }
0x40f: {  	[hbm4b:s4+s2] =	stream.indirect_vreg.scatter [tilespmem:s19], [sflag:$0x4], $0x80, v4, vm0, $0xb8;
	[tilespmem:$0x10200] =	vst v63  }
0x410: {  	s14 =	simm.s32 $0x8A00  }
0x411: {  	[hbm4b:s6+s2] =	stream.indirect_vreg.scatter [tilespmem:s14], [sflag:$0x4], $0x80, v4, vm0, $0xb8;
	[tilespmem:$0x10200] =	vst v63  }
0x412: {  	s20 =	simm.s32 $0x9200  }
0x413: {  	[hbm4b:s4+s2] =	stream.indirect_vreg.scatter [tilespmem:s20], [sflag:$0x4], $0x80, v3, vm0, $0xb8;
	[tilespmem:$0x10200] =	vst v63  }
0x414: {  	_ = 	snop  }
0x415: {  	[hbm4b:s6+s2] =	stream.indirect_vreg.scatter [tilespmem:s28], [sflag:$0x4], $0x80, v3, vm0, $0xb8;
	[tilespmem:$0x10200] =	vst v63  }
0x416: {  	v3 =	vld [tilespmem:$0x8190];
	_ =	sdelay $0x4  }
0x417: {  	v61 =	vshll.u32 v3, $0x2  }
0x418: {  	v3 =	vand.u32 $0x7, v3;
	v4 =	vand.u32 $0xFFFFFFE0, v61  }
0x419: {  	v3 =	vor.u32 v3, v4  }
0x41a: {  	v4 =	vperm.xlane v3, v0;
	_ =	sdelay $0x1  }
0x41b: {  	v4 =	vadd.s32 v1, v4;
	_ =	sdelay $0x1  }
0x41c: {  	v3 =	vperm.xlane v3, v2;
	_ =	sdelay $0x1  }
0x41d: {  	v3 =	vadd.s32 v1, v3  }
0x41e: {  	[hbm4b:s4+s2] =	stream.indirect_vreg.scatter [tilespmem:s30], [sflag:$0x4], $0x80, v4, vm0, $0xb8;
	[tilespmem:$0x10200] =	vst v63  }
0x41f: {  	s21 =	simm.s32 $0xAA00  }
0x420: {  	[hbm4b:s6+s2] =	stream.indirect_vreg.scatter [tilespmem:s21], [sflag:$0x4], $0x80, v4, vm0, $0xb8;
	[tilespmem:$0x10200] =	vst v63  }
0x421: {  	s22 =	simm.s32 $0xB200  }
0x422: {  	[hbm4b:s4+s2] =	stream.indirect_vreg.scatter [tilespmem:s22], [sflag:$0x4], $0x80, v3, vm0, $0xb8;
	[tilespmem:$0x10200] =	vst v63  }
0x423: {  	s12 =	simm.s32 $0xBA00  }
0x424: {  	[hbm4b:s6+s2] =	stream.indirect_vreg.scatter [tilespmem:s12], [sflag:$0x4], $0x80, v3, vm0, $0xb8;
	[tilespmem:$0x10200] =	vst v63  }
0x425: {  	v3 =	vld [tilespmem:$0x81A0];
	_ =	sdelay $0x4  }
0x426: {  	v62 =	vshll.u32 v3, $0x2  }
0x427: {  	v3 =	vand.u32 $0x7, v3;
	v4 =	vand.u32 $0xFFFFFFE0, v62  }
0x428: {  	v3 =	vor.u32 v3, v4  }
0x429: {  	v4 =	vperm.xlane v3, v0;
	_ =	sdelay $0x1  }
0x42a: {  	v4 =	vadd.s32 v1, v4;
	_ =	sdelay $0x1  }
0x42b: {  	v3 =	vperm.xlane v3, v2;
	_ =	sdelay $0x1  }
0x42c: {  	s24 =	simm.s32 $0xC200;
	v3 =	vadd.s32 v1, v3  }
0x42d: {  	[hbm4b:s4+s2] =	stream.indirect_vreg.scatter [tilespmem:s24], [sflag:$0x4], $0x80, v4, vm0, $0xb8;
	[tilespmem:$0x10200] =	vst v63  }
0x42e: {  	s1 =	simm.s32 $0xCA00  }
0x42f: {  	[hbm4b:s6+s2] =	stream.indirect_vreg.scatter [tilespmem:s1], [sflag:$0x4], $0x80, v4, vm0, $0xb8;
	[tilespmem:$0x10200] =	vst v63  }
0x430: {  	s7 =	simm.s32 $0xD200  }
0x431: {  	[hbm4b:s4+s2] =	stream.indirect_vreg.scatter [tilespmem:s7], [sflag:$0x4], $0x80, v3, vm0, $0xb8;
	[tilespmem:$0x10200] =	vst v63  }
0x432: {  	s13 =	simm.s32 $0xDA00  }
0x433: {  	[hbm4b:s6+s2] =	stream.indirect_vreg.scatter [tilespmem:s13], [sflag:$0x4], $0x80, v3, vm0, $0xb8;
	[tilespmem:$0x10200] =	vst v63  }
0x434: {  	v3 =	vld [tilespmem:$0x81B0];
	_ =	sdelay $0x4  }
0x435: {  	v63 =	vshll.u32 v3, $0x2  }
0x436: {  	v3 =	vand.u32 $0x7, v3;
	v4 =	vand.u32 $0xFFFFFFE0, v63  }
0x437: {  	v3 =	vor.u32 v3, v4  }
0x438: {  	v4 =	vperm.xlane v3, v0;
	_ =	sdelay $0x1  }
0x439: {  	v4 =	vadd.s32 v1, v4;
	_ =	sdelay $0x1  }
0x43a: {  	v3 =	vperm.xlane v3, v2;
	_ =	sdelay $0x1  }
0x43b: {  	s9 =	simm.s32 $0xE200;
	v3 =	vadd.s32 v1, v3  }
0x43c: {  	[hbm4b:s4+s2] =	stream.indirect_vreg.scatter [tilespmem:s9], [sflag:$0x4], $0x80, v4, vm0, $0xb8;
	[tilespmem:$0x10200] =	vst v63  }
0x43d: {  	s10 =	simm.s32 $0xEA00  }
0x43e: {  	[hbm4b:s6+s2] =	stream.indirect_vreg.scatter [tilespmem:s10], [sflag:$0x4], $0x80, v4, vm0, $0xb8;
	[tilespmem:$0x10200] =	vst v63  }
0x43f: {  	s11 =	simm.s32 $0xF200  }
0x440: {  	[hbm4b:s4+s2] =	stream.indirect_vreg.scatter [tilespmem:s11], [sflag:$0x4], $0x80, v3, vm0, $0xb8;
	[tilespmem:$0x10200] =	vst v63  }
0x441: {  	_ = 	snop  }
0x442: {  	[hbm4b:s6+s2] =	stream.indirect_vreg.scatter [tilespmem:s26], [sflag:$0x4], $0x80, v3, vm0, $0xb8;
	[tilespmem:$0x10200] =	vst v63  }
0x443: {  	p0 =	sne.s32 s0, $0x1;
	_ =	swait.ge [sflag:s29], $0x8000  }
.Ltmp0:
0x444: {  	[sflag:s29] =	ssyncset.done $0x0;
	(pc) =	sbr.rel @p0 .LBB2_1-.Ltmp0, $4  }
0x445: {  	[sflag:s29] =	ssyncadd.s32 $0xFFFF8000  }
0x446: {  	_ =	swait.ge [sflag:s31], $0x8000  }
0x447: {  	[sflag:s31] =	ssyncset.done $0x0  }
0x448: {  	s0 =	sadd.s32 $0xFFFFFFFF, s0;
	[sflag:s31] =	ssyncadd.s32 $0xFFFF8000  }
0x449: {  	_ =	sfence.sel $0x180000  }
0x44a: {  	[bflag:$0x0] =	sbarrier.arrive $0xFFFF  }
0x44b: {  	_ =	strace $0x90000047  }
0x44c: {  	s0 =	stileid.u32;
	[bflag:$0x2] =	sbarrier.arrive $0xFFFF  }
0x44d: {  	p0 =	sne.s32 s0, $0x0;
	s0 =	rddreg [dreg:$0x1]  }
0x44e: {  	s0 =	sadd.s32 @!p0 $0x100000, s0  }
0x44f: {  	[sflag:s0] =	ssyncadd.tile.s32 @!p0 $0x1;
	_ =	shalt  }
.Lfunc_end2:
_tile_overlayer_lowered:
.L_overlay_start_2:
0x450: {  	(tag) =	ssettag $0x2  }
0x451: {  	s0 =	rddreg [dreg:$0x0];
	s2 =	stileid.u32  }
0x452: {  	s1 =	rddreg [dreg:$0x1];
	p0 =	sne.s32 s2, $0x0  }
0x453: {  	s3 =	rddreg [dreg:$0x2];
	[bflag:$0x3] =	sbarrier.arrive $0xFFFF;
	s2 =	simm.s32 @!p0 $0x1C05  }
0x454: {  	[timem:s3], [sflag:s2] =	dma.local @!p0 [hbm:s0], s1  }
0x455: {  	s0 =	simm.s32 @!p0 $0x5  }
0x456: {  	_ =	swait.ge @!p0 [sflag:s0], s1  }
0x457: {  	s1 =	ssub.s32 @!p0 $0x0, s1;
	[sflag:s0] =	ssyncset.done @!p0 $0x0  }
0x458: {  	[sflag:s0] =	ssyncadd.s32 @!p0 s1  }
0x459: {  	[bflag:$0x3] =	sbarrier.arrive $0xFFFF  }
0x45a: {  	_ =	shalt  }

</sc_bundles>
